<compile_context>
chip_gen: v7x
topology: tpu7x:2x2x1
jax: 0.10.2.dev20260603
libtpu: 0.0.44.dev20260713+nightly
codegen_flags: <defaults>
</compile_context>

<pallas_src>
import functools

import jax
import jax.numpy as jnp
from jax import lax
from jax.experimental import pallas as pl
from jax.experimental.pallas import tpu as pltpu
from jax.experimental.pallas import tpu_sc as plsc

VOCAB = 65
EMBED = 128
BATCH = 16384
CTX = 10
JPAD = 80
RPAD = 128
KOFF = 33
NPAIR = 33
TROWS = 40

JB = 9

NC = 2
NS = 16
NW = NC * NS
ROWS_PER = BATCH // NW
GROUPS = ROWS_PER // 16


def _fuse_table_body(emb_ref, w_ref, bcol_ref, out_ref):
    mm = lax.dot_general(
        w_ref[...], emb_ref[...],
        (((1,), (1,)), ((), ())),
        preferred_element_type=jnp.float32,
    )
    bcol = bcol_ref[...].reshape(VOCAB, 1)
    tt = jnp.pad((mm + bcol) * (1.0 / CTX),
                 ((0, JPAD - VOCAB), (0, RPAD - VOCAB)))
    lo = lax.convert_element_type(tt[:TROWS], jnp.bfloat16)
    hi = lax.convert_element_type(tt[KOFF:KOFF + TROWS], jnp.bfloat16)
    lo32 = lax.convert_element_type(
        lax.bitcast_convert_type(lo, jnp.uint16), jnp.uint32)
    hi32 = lax.convert_element_type(
        lax.bitcast_convert_type(hi, jnp.uint16), jnp.uint32)
    packed = lo32 | (hi32 << 16)
    out_ref[...] = lax.bitcast_convert_type(packed, jnp.int32)


def _build_table_packed(embedding, W, b):
    return pl.pallas_call(
        _fuse_table_body,
        out_shape=jax.ShapeDtypeStruct((TROWS, RPAD), jnp.int32),
    )(embedding, W, b)


_sc_mesh = plsc.VectorSubcoreMesh(core_axis_name="c", subcore_axis_name="s")

_HIMASK = -65536


@functools.partial(
    pl.kernel,
    mesh=_sc_mesh,
    compiler_params=pltpu.CompilerParams(needs_layout_passes=False),
    out_type=jax.ShapeDtypeStruct((JB * BATCH * 8,), jnp.float32),
    scratch_types=[
        pltpu.VMEM((CTX * ROWS_PER,), jnp.int32),
        pltpu.VMEM((TROWS * RPAD,), jnp.int32),
        pltpu.VMEM((JB * 4 * 8 * 128,), jnp.float32),
        pltpu.SemaphoreType.DMA,
        pltpu.SemaphoreType.DMA,
    ],
)
def _sc_pool(ctx_hbm, tab_hbm, out_hbm, ctx_v, tab_v, out_v, in_sem, out_sem):
    wid = lax.axis_index("s") * NC + lax.axis_index("c")
    base = wid * ROWS_PER

    in_copies = [
        pltpu.make_async_copy(
            ctx_hbm.at[pl.ds(c * BATCH + base, ROWS_PER)],
            ctx_v.at[pl.ds(c * ROWS_PER, ROWS_PER)],
            in_sem,
        )
        for c in range(CTX)
    ]
    in_copies.append(pltpu.make_async_copy(tab_hbm, tab_v, in_sem))
    for cp in in_copies:
        cp.start()
    for cp in in_copies:
        cp.wait()

    def unpack_pair_sum(word):
        lo = plsc.bitcast(word << 16, jnp.float32)
        hi = plsc.bitcast(word & _HIMASK, jnp.float32)
        return lo, hi

    @plsc.parallel_loop(0, GROUPS, unroll=1)
    def per_group(g):
        rb = g * 16
        srow = (g // 8) * 1024 + (g % 8) * 16
        idxs = [ctx_v[pl.ds(c * ROWS_PER + rb, 16)] for c in range(CTX)]

        def gathers(jp):
            row = tab_v.at[pl.ds(jp * RPAD, RPAD)]
            return [plsc.load_gather(row, [idxs[c]]) for c in range(CTX)]

        pipe = [gathers(0), gathers(1)]
        for jp in range(NPAIR):
            gs = pipe[0]
            pipe = [pipe[1], gathers(jp + 2) if jp + 2 < NPAIR else None]
            sums = []
            for k in range(CTX // 2):
                a = plsc.bitcast(gs[2 * k], jnp.bfloat16)
                b16 = plsc.bitcast(gs[2 * k + 1], jnp.bfloat16)
                sums.append(plsc.bitcast(a + b16, jnp.int32))
            los, his = zip(*(unpack_pair_sum(s) for s in sums))
            acc_lo = (los[0] + los[1]) + (los[2] + los[3]) + los[4]
            acc_hi = (his[0] + his[1]) + (his[2] + his[3]) + his[4]
            jlo, jhi = jp, jp + KOFF
            out_v[pl.ds((jlo // 8) * 4096 + (jlo % 8) * 128 + srow, 16)] = acc_lo
            if jhi < VOCAB:
                out_v[pl.ds((jhi // 8) * 4096 + (jhi % 8) * 128 + srow, 16)] = acc_hi

    out_copies = [
        pltpu.make_async_copy(
            out_v.at[pl.ds(jb * 4096, 4096)],
            out_hbm.at[pl.ds(jb * BATCH * 8 + base * 8, 4096)],
            out_sem,
        )
        for jb in range(JB)
    ]
    for cp in out_copies:
        cp.start()
    for cp in out_copies:
        cp.wait()


def kernel(context, embedding, W, b):
    tab_packed = _build_table_packed(embedding, W, b)
    ctx_t_flat = context.T.reshape(CTX * BATCH)
    out_flat = _sc_pool(ctx_t_flat, tab_packed.reshape(TROWS * RPAD))
    out4 = out_flat.reshape(JB, BATCH // 128, 8, 128)
    return out4.transpose(1, 3, 0, 2).reshape(BATCH, JB * 8)[:, :VOCAB]

# --- scband reference (transcript-rebuilt; emitter-appended) ---
"""Pipeline reference for scband-dna2-vec-1279900254639 (READ-ONLY COPY).

The authoritative reference and input builder live on the scoring server;
editing this copy changes nothing except your own understanding.
"""

import jax, jax.numpy as jnp
import numpy as np

VOCAB_SIZE = 65
EMBED_DIM = 128
BATCH = 16384
CTX = 10


def setup_inputs(seed: int = 0) -> dict:
    key = jax.random.key(seed)
    k1, k2, k3, k4 = jax.random.split(key, 4)
    # context: int indices into vocab (CBOW window), values in [0, VOCAB_SIZE)
    context = jax.random.randint(k1, (BATCH, CTX), 0, VOCAB_SIZE, dtype=jnp.int32)
    # embedding table (torch.nn.Embedding init: N(0,1)), padding_idx=vocabulary['pad']=0 -> zero row
    embedding = jax.random.normal(k2, (VOCAB_SIZE, EMBED_DIM), dtype=jnp.float32)
    embedding = embedding.at[0].set(0.0)
    # linear layer (torch.nn.Linear init: U(-1/sqrt(fan_in), 1/sqrt(fan_in)))
    bound = 1.0 / np.sqrt(EMBED_DIM)
    W = jax.random.uniform(k3, (VOCAB_SIZE, EMBED_DIM), minval=-bound, maxval=bound, dtype=jnp.float32)
    b = jax.random.uniform(k4, (VOCAB_SIZE,), minval=-bound, maxval=bound, dtype=jnp.float32)
    return {"context": context, "embedding": embedding, "W": W, "b": b}


def reference(context, embedding, W, b):
    # embeds = self.embedding(context).mean(dim=1)
    embeds = jnp.take(embedding, context, axis=0).mean(axis=1)
    # output = self.linear(embeds)
    output = embeds @ W.T + b
    return output

if __name__ == "__main__":
    import jax
    _d = setup_inputs()
    print(jax.jit(kernel)(*tuple(_d.values())))

</pallas_src>

<mosaic_0001>
#map = affine_map<(d0, d1) -> (0)>
module attributes {stable_mosaic.version = 14 : i64} {
  func.func @_sc_pool(%arg0: i32, %arg1: i32, %arg2: memref<163840xi32, #tpu.memory_space<hbm>>, %arg3: memref<5120xi32, #tpu.memory_space<hbm>>, %arg4: memref<1179648xf32, #tpu.memory_space<hbm>>, %arg5: memref<5120xi32, #tpu.memory_space<vmem>>, %arg6: memref<5120xi32, #tpu.memory_space<vmem>>, %arg7: memref<36864xf32, #tpu.memory_space<vmem>>, %arg8: memref<!tpu.dma_semaphore, #tpu.memory_space<semaphore_mem>>, %arg9: memref<!tpu.dma_semaphore, #tpu.memory_space<semaphore_mem>>) attributes {dimension_semantics = [#tpu.dimension_semantics<core_parallel>, #tpu.dimension_semantics<subcore_parallel>], iteration_bounds = array<i64: 2, 16>, scalar_prefetch = 0 : i64, scratch_operands = 5 : i64, tpu.core_type = #tpu.core_type<sc_vector_subcore>, window_params = [{transform_indices = #map}, {transform_indices = #map}, {transform_indices = #map}]} {
    %mul3A = arith.constant 2 : i32
    %mul3A_0 = arith.muli %arg1, %mul3A : i32
    %add3A = arith.addi %mul3A_0, %arg0 : i32
    %mul3A_1 = arith.constant 512 : i32
    %mul3A_2 = arith.muli %add3A, %mul3A_1 : i32
    %add3A_3 = arith.constant 0 : i32
    %add3A_4 = arith.addi %add3A_3, %mul3A_2 : i32
    %add3A_5 = arith.constant 16384 : i32
    %add3A_6 = arith.addi %add3A_5, %mul3A_2 : i32
    %add3A_7 = arith.constant 32768 : i32
    %add3A_8 = arith.addi %add3A_7, %mul3A_2 : i32
    %add3A_9 = arith.constant 49152 : i32
    %add3A_10 = arith.addi %add3A_9, %mul3A_2 : i32
    %add3A_11 = arith.constant 65536 : i32
    %add3A_12 = arith.addi %add3A_11, %mul3A_2 : i32
    %add3A_13 = arith.constant 81920 : i32
    %add3A_14 = arith.addi %add3A_13, %mul3A_2 : i32
    %add3A_15 = arith.constant 98304 : i32
    %add3A_16 = arith.addi %add3A_15, %mul3A_2 : i32
    %add3A_17 = arith.constant 114688 : i32
    %add3A_18 = arith.addi %add3A_17, %mul3A_2 : i32
    %add3A_19 = arith.constant 131072 : i32
    %add3A_20 = arith.addi %add3A_19, %mul3A_2 : i32
    %add3A_21 = arith.constant 147456 : i32
    %add3A_22 = arith.addi %add3A_21, %mul3A_2 : i32
    %dma_start3A = arith.constant 0 : i32
    %dma_start3A_23 = tpu.memref_slice %arg5[%dma_start3A] : memref<5120xi32, #tpu.memory_space<vmem>> -> memref<512xi32, #tpu.memory_space<vmem>>
    %dma_start3A_24 = tpu.memref_slice %arg2[%add3A_4] : memref<163840xi32, #tpu.memory_space<hbm>> -> memref<512xi32, #tpu.memory_space<hbm>>
    %dma_start3A_25 = arith.constant 0 : i32
    %dma_start3A_26 = tpu.memref_slice %arg5[%dma_start3A_25] : memref<5120xi32, #tpu.memory_space<vmem>> -> memref<512xi32, #tpu.memory_space<vmem>>
    %dma_start3A_27 = tpu.memref_slice %arg2[%add3A_4] : memref<163840xi32, #tpu.memory_space<hbm>> -> memref<512xi32, #tpu.memory_space<hbm>>
    tpu.enqueue_dma source(%dma_start3A_27 : memref<512xi32, #tpu.memory_space<hbm>>) target(%dma_start3A_26 : memref<512xi32, #tpu.memory_space<vmem>>) target_semaphore(%arg8 : memref<!tpu.dma_semaphore, #tpu.memory_space<semaphore_mem>>)
    %dma_start3A_28 = arith.constant 512 : i32
    %dma_start3A_29 = tpu.memref_slice %arg5[%dma_start3A_28] : memref<5120xi32, #tpu.memory_space<vmem>> -> memref<512xi32, #tpu.memory_space<vmem>>
    %dma_start3A_30 = tpu.memref_slice %arg2[%add3A_6] : memref<163840xi32, #tpu.memory_space<hbm>> -> memref<512xi32, #tpu.memory_space<hbm>>
    %dma_start3A_31 = arith.constant 512 : i32
    %dma_start3A_32 = tpu.memref_slice %arg5[%dma_start3A_31] : memref<5120xi32, #tpu.memory_space<vmem>> -> memref<512xi32, #tpu.memory_space<vmem>>
    %dma_start3A_33 = tpu.memref_slice %arg2[%add3A_6] : memref<163840xi32, #tpu.memory_space<hbm>> -> memref<512xi32, #tpu.memory_space<hbm>>
    tpu.enqueue_dma source(%dma_start3A_33 : memref<512xi32, #tpu.memory_space<hbm>>) target(%dma_start3A_32 : memref<512xi32, #tpu.memory_space<vmem>>) target_semaphore(%arg8 : memref<!tpu.dma_semaphore, #tpu.memory_space<semaphore_mem>>)
    %dma_start3A_34 = arith.constant 1024 : i32
    %dma_start3A_35 = tpu.memref_slice %arg5[%dma_start3A_34] : memref<5120xi32, #tpu.memory_space<vmem>> -> memref<512xi32, #tpu.memory_space<vmem>>
    %dma_start3A_36 = tpu.memref_slice %arg2[%add3A_8] : memref<163840xi32, #tpu.memory_space<hbm>> -> memref<512xi32, #tpu.memory_space<hbm>>
    %dma_start3A_37 = arith.constant 1024 : i32
    %dma_start3A_38 = tpu.memref_slice %arg5[%dma_start3A_37] : memref<5120xi32, #tpu.memory_space<vmem>> -> memref<512xi32, #tpu.memory_space<vmem>>
    %dma_start3A_39 = tpu.memref_slice %arg2[%add3A_8] : memref<163840xi32, #tpu.memory_space<hbm>> -> memref<512xi32, #tpu.memory_space<hbm>>
    tpu.enqueue_dma source(%dma_start3A_39 : memref<512xi32, #tpu.memory_space<hbm>>) target(%dma_start3A_38 : memref<512xi32, #tpu.memory_space<vmem>>) target_semaphore(%arg8 : memref<!tpu.dma_semaphore, #tpu.memory_space<semaphore_mem>>)
    %dma_start3A_40 = arith.constant 1536 : i32
    %dma_start3A_41 = tpu.memref_slice %arg5[%dma_start3A_40] : memref<5120xi32, #tpu.memory_space<vmem>> -> memref<512xi32, #tpu.memory_space<vmem>>
    %dma_start3A_42 = tpu.memref_slice %arg2[%add3A_10] : memref<163840xi32, #tpu.memory_space<hbm>> -> memref<512xi32, #tpu.memory_space<hbm>>
    %dma_start3A_43 = arith.constant 1536 : i32
    %dma_start3A_44 = tpu.memref_slice %arg5[%dma_start3A_43] : memref<5120xi32, #tpu.memory_space<vmem>> -> memref<512xi32, #tpu.memory_space<vmem>>
    %dma_start3A_45 = tpu.memref_slice %arg2[%add3A_10] : memref<163840xi32, #tpu.memory_space<hbm>> -> memref<512xi32, #tpu.memory_space<hbm>>
    tpu.enqueue_dma source(%dma_start3A_45 : memref<512xi32, #tpu.memory_space<hbm>>) target(%dma_start3A_44 : memref<512xi32, #tpu.memory_space<vmem>>) target_semaphore(%arg8 : memref<!tpu.dma_semaphore, #tpu.memory_space<semaphore_mem>>)
    %dma_start3A_46 = arith.constant 2048 : i32
    %dma_start3A_47 = tpu.memref_slice %arg5[%dma_start3A_46] : memref<5120xi32, #tpu.memory_space<vmem>> -> memref<512xi32, #tpu.memory_space<vmem>>
    %dma_start3A_48 = tpu.memref_slice %arg2[%add3A_12] : memref<163840xi32, #tpu.memory_space<hbm>> -> memref<512xi32, #tpu.memory_space<hbm>>
    %dma_start3A_49 = arith.constant 2048 : i32
    %dma_start3A_50 = tpu.memref_slice %arg5[%dma_start3A_49] : memref<5120xi32, #tpu.memory_space<vmem>> -> memref<512xi32, #tpu.memory_space<vmem>>
    %dma_start3A_51 = tpu.memref_slice %arg2[%add3A_12] : memref<163840xi32, #tpu.memory_space<hbm>> -> memref<512xi32, #tpu.memory_space<hbm>>
    tpu.enqueue_dma source(%dma_start3A_51 : memref<512xi32, #tpu.memory_space<hbm>>) target(%dma_start3A_50 : memref<512xi32, #tpu.memory_space<vmem>>) target_semaphore(%arg8 : memref<!tpu.dma_semaphore, #tpu.memory_space<semaphore_mem>>)
    %dma_start3A_52 = arith.constant 2560 : i32
    %dma_start3A_53 = tpu.memref_slice %arg5[%dma_start3A_52] : memref<5120xi32, #tpu.memory_space<vmem>> -> memref<512xi32, #tpu.memory_space<vmem>>
    %dma_start3A_54 = tpu.memref_slice %arg2[%add3A_14] : memref<163840xi32, #tpu.memory_space<hbm>> -> memref<512xi32, #tpu.memory_space<hbm>>
    %dma_start3A_55 = arith.constant 2560 : i32
    %dma_start3A_56 = tpu.memref_slice %arg5[%dma_start3A_55] : memref<5120xi32, #tpu.memory_space<vmem>> -> memref<512xi32, #tpu.memory_space<vmem>>
    %dma_start3A_57 = tpu.memref_slice %arg2[%add3A_14] : memref<163840xi32, #tpu.memory_space<hbm>> -> memref<512xi32, #tpu.memory_space<hbm>>
    tpu.enqueue_dma source(%dma_start3A_57 : memref<512xi32, #tpu.memory_space<hbm>>) target(%dma_start3A_56 : memref<512xi32, #tpu.memory_space<vmem>>) target_semaphore(%arg8 : memref<!tpu.dma_semaphore, #tpu.memory_space<semaphore_mem>>)
    %dma_start3A_58 = arith.constant 3072 : i32
    %dma_start3A_59 = tpu.memref_slice %arg5[%dma_start3A_58] : memref<5120xi32, #tpu.memory_space<vmem>> -> memref<512xi32, #tpu.memory_space<vmem>>
    %dma_start3A_60 = tpu.memref_slice %arg2[%add3A_16] : memref<163840xi32, #tpu.memory_space<hbm>> -> memref<512xi32, #tpu.memory_space<hbm>>
    %dma_start3A_61 = arith.constant 3072 : i32
    %dma_start3A_62 = tpu.memref_slice %arg5[%dma_start3A_61] : memref<5120xi32, #tpu.memory_space<vmem>> -> memref<512xi32, #tpu.memory_space<vmem>>
    %dma_start3A_63 = tpu.memref_slice %arg2[%add3A_16] : memref<163840xi32, #tpu.memory_space<hbm>> -> memref<512xi32, #tpu.memory_space<hbm>>
    tpu.enqueue_dma source(%dma_start3A_63 : memref<512xi32, #tpu.memory_space<hbm>>) target(%dma_start3A_62 : memref<512xi32, #tpu.memory_space<vmem>>) target_semaphore(%arg8 : memref<!tpu.dma_semaphore, #tpu.memory_space<semaphore_mem>>)
    %dma_start3A_64 = arith.constant 3584 : i32
    %dma_start3A_65 = tpu.memref_slice %arg5[%dma_start3A_64] : memref<5120xi32, #tpu.memory_space<vmem>> -> memref<512xi32, #tpu.memory_space<vmem>>
    %dma_start3A_66 = tpu.memref_slice %arg2[%add3A_18] : memref<163840xi32, #tpu.memory_space<hbm>> -> memref<512xi32, #tpu.memory_space<hbm>>
    %dma_start3A_67 = arith.constant 3584 : i32
    %dma_start3A_68 = tpu.memref_slice %arg5[%dma_start3A_67] : memref<5120xi32, #tpu.memory_space<vmem>> -> memref<512xi32, #tpu.memory_space<vmem>>
    %dma_start3A_69 = tpu.memref_slice %arg2[%add3A_18] : memref<163840xi32, #tpu.memory_space<hbm>> -> memref<512xi32, #tpu.memory_space<hbm>>
    tpu.enqueue_dma source(%dma_start3A_69 : memref<512xi32, #tpu.memory_space<hbm>>) target(%dma_start3A_68 : memref<512xi32, #tpu.memory_space<vmem>>) target_semaphore(%arg8 : memref<!tpu.dma_semaphore, #tpu.memory_space<semaphore_mem>>)
    %dma_start3A_70 = arith.constant 4096 : i32
    %dma_start3A_71 = tpu.memref_slice %arg5[%dma_start3A_70] : memref<5120xi32, #tpu.memory_space<vmem>> -> memref<512xi32, #tpu.memory_space<vmem>>
    %dma_start3A_72 = tpu.memref_slice %arg2[%add3A_20] : memref<163840xi32, #tpu.memory_space<hbm>> -> memref<512xi32, #tpu.memory_space<hbm>>
    %dma_start3A_73 = arith.constant 4096 : i32
    %dma_start3A_74 = tpu.memref_slice %arg5[%dma_start3A_73] : memref<5120xi32, #tpu.memory_space<vmem>> -> memref<512xi32, #tpu.memory_space<vmem>>
    %dma_start3A_75 = tpu.memref_slice %arg2[%add3A_20] : memref<163840xi32, #tpu.memory_space<hbm>> -> memref<512xi32, #tpu.memory_space<hbm>>
    tpu.enqueue_dma source(%dma_start3A_75 : memref<512xi32, #tpu.memory_space<hbm>>) target(%dma_start3A_74 : memref<512xi32, #tpu.memory_space<vmem>>) target_semaphore(%arg8 : memref<!tpu.dma_semaphore, #tpu.memory_space<semaphore_mem>>)
    %dma_start3A_76 = arith.constant 4608 : i32
    %dma_start3A_77 = tpu.memref_slice %arg5[%dma_start3A_76] : memref<5120xi32, #tpu.memory_space<vmem>> -> memref<512xi32, #tpu.memory_space<vmem>>
    %dma_start3A_78 = tpu.memref_slice %arg2[%add3A_22] : memref<163840xi32, #tpu.memory_space<hbm>> -> memref<512xi32, #tpu.memory_space<hbm>>
    %dma_start3A_79 = arith.constant 4608 : i32
    %dma_start3A_80 = tpu.memref_slice %arg5[%dma_start3A_79] : memref<5120xi32, #tpu.memory_space<vmem>> -> memref<512xi32, #tpu.memory_space<vmem>>
    %dma_start3A_81 = tpu.memref_slice %arg2[%add3A_22] : memref<163840xi32, #tpu.memory_space<hbm>> -> memref<512xi32, #tpu.memory_space<hbm>>
    tpu.enqueue_dma source(%dma_start3A_81 : memref<512xi32, #tpu.memory_space<hbm>>) target(%dma_start3A_80 : memref<512xi32, #tpu.memory_space<vmem>>) target_semaphore(%arg8 : memref<!tpu.dma_semaphore, #tpu.memory_space<semaphore_mem>>)
    tpu.enqueue_dma source(%arg3 : memref<5120xi32, #tpu.memory_space<hbm>>) target(%arg6 : memref<5120xi32, #tpu.memory_space<vmem>>) target_semaphore(%arg8 : memref<!tpu.dma_semaphore, #tpu.memory_space<semaphore_mem>>)
    %dma_wait3A = arith.constant 0 : i32
    %dma_wait3A_82 = tpu.memref_slice %arg5[%dma_wait3A] : memref<5120xi32, #tpu.memory_space<vmem>> -> memref<512xi32, #tpu.memory_space<vmem>>
    %dma_wait3A_83 = tpu.memref_slice %arg2[%add3A_4] : memref<163840xi32, #tpu.memory_space<hbm>> -> memref<512xi32, #tpu.memory_space<hbm>>
    %dma_wait3A_84 = arith.constant 0 : i32
    %dma_wait3A_85 = tpu.memref_slice %arg5[%dma_wait3A_84] : memref<5120xi32, #tpu.memory_space<vmem>> -> memref<512xi32, #tpu.memory_space<vmem>>
    %dma_wait3A_86 = tpu.memref_slice %arg2[%add3A_4] : memref<163840xi32, #tpu.memory_space<hbm>> -> memref<512xi32, #tpu.memory_space<hbm>>
    tpu.wait_dma2 semaphore(%arg8 : memref<!tpu.dma_semaphore, #tpu.memory_space<semaphore_mem>>) src(%dma_wait3A_86 : memref<512xi32, #tpu.memory_space<hbm>>) dst(%dma_wait3A_85 : memref<512xi32, #tpu.memory_space<vmem>>)
    %dma_wait3A_87 = arith.constant 512 : i32
    %dma_wait3A_88 = tpu.memref_slice %arg5[%dma_wait3A_87] : memref<5120xi32, #tpu.memory_space<vmem>> -> memref<512xi32, #tpu.memory_space<vmem>>
    %dma_wait3A_89 = tpu.memref_slice %arg2[%add3A_6] : memref<163840xi32, #tpu.memory_space<hbm>> -> memref<512xi32, #tpu.memory_space<hbm>>
    %dma_wait3A_90 = arith.constant 512 : i32
    %dma_wait3A_91 = tpu.memref_slice %arg5[%dma_wait3A_90] : memref<5120xi32, #tpu.memory_space<vmem>> -> memref<512xi32, #tpu.memory_space<vmem>>
    %dma_wait3A_92 = tpu.memref_slice %arg2[%add3A_6] : memref<163840xi32, #tpu.memory_space<hbm>> -> memref<512xi32, #tpu.memory_space<hbm>>
    tpu.wait_dma2 semaphore(%arg8 : memref<!tpu.dma_semaphore, #tpu.memory_space<semaphore_mem>>) src(%dma_wait3A_92 : memref<512xi32, #tpu.memory_space<hbm>>) dst(%dma_wait3A_91 : memref<512xi32, #tpu.memory_space<vmem>>)
    %dma_wait3A_93 = arith.constant 1024 : i32
    %dma_wait3A_94 = tpu.memref_slice %arg5[%dma_wait3A_93] : memref<5120xi32, #tpu.memory_space<vmem>> -> memref<512xi32, #tpu.memory_space<vmem>>
    %dma_wait3A_95 = tpu.memref_slice %arg2[%add3A_8] : memref<163840xi32, #tpu.memory_space<hbm>> -> memref<512xi32, #tpu.memory_space<hbm>>
    %dma_wait3A_96 = arith.constant 1024 : i32
    %dma_wait3A_97 = tpu.memref_slice %arg5[%dma_wait3A_96] : memref<5120xi32, #tpu.memory_space<vmem>> -> memref<512xi32, #tpu.memory_space<vmem>>
    %dma_wait3A_98 = tpu.memref_slice %arg2[%add3A_8] : memref<163840xi32, #tpu.memory_space<hbm>> -> memref<512xi32, #tpu.memory_space<hbm>>
    tpu.wait_dma2 semaphore(%arg8 : memref<!tpu.dma_semaphore, #tpu.memory_space<semaphore_mem>>) src(%dma_wait3A_98 : memref<512xi32, #tpu.memory_space<hbm>>) dst(%dma_wait3A_97 : memref<512xi32, #tpu.memory_space<vmem>>)
    %dma_wait3A_99 = arith.constant 1536 : i32
    %dma_wait3A_100 = tpu.memref_slice %arg5[%dma_wait3A_99] : memref<5120xi32, #tpu.memory_space<vmem>> -> memref<512xi32, #tpu.memory_space<vmem>>
    %dma_wait3A_101 = tpu.memref_slice %arg2[%add3A_10] : memref<163840xi32, #tpu.memory_space<hbm>> -> memref<512xi32, #tpu.memory_space<hbm>>
    %dma_wait3A_102 = arith.constant 1536 : i32
    %dma_wait3A_103 = tpu.memref_slice %arg5[%dma_wait3A_102] : memref<5120xi32, #tpu.memory_space<vmem>> -> memref<512xi32, #tpu.memory_space<vmem>>
    %dma_wait3A_104 = tpu.memref_slice %arg2[%add3A_10] : memref<163840xi32, #tpu.memory_space<hbm>> -> memref<512xi32, #tpu.memory_space<hbm>>
    tpu.wait_dma2 semaphore(%arg8 : memref<!tpu.dma_semaphore, #tpu.memory_space<semaphore_mem>>) src(%dma_wait3A_104 : memref<512xi32, #tpu.memory_space<hbm>>) dst(%dma_wait3A_103 : memref<512xi32, #tpu.memory_space<vmem>>)
    %dma_wait3A_105 = arith.constant 2048 : i32
    %dma_wait3A_106 = tpu.memref_slice %arg5[%dma_wait3A_105] : memref<5120xi32, #tpu.memory_space<vmem>> -> memref<512xi32, #tpu.memory_space<vmem>>
    %dma_wait3A_107 = tpu.memref_slice %arg2[%add3A_12] : memref<163840xi32, #tpu.memory_space<hbm>> -> memref<512xi32, #tpu.memory_space<hbm>>
    %dma_wait3A_108 = arith.constant 2048 : i32
    %dma_wait3A_109 = tpu.memref_slice %arg5[%dma_wait3A_108] : memref<5120xi32, #tpu.memory_space<vmem>> -> memref<512xi32, #tpu.memory_space<vmem>>
    %dma_wait3A_110 = tpu.memref_slice %arg2[%add3A_12] : memref<163840xi32, #tpu.memory_space<hbm>> -> memref<512xi32, #tpu.memory_space<hbm>>
    tpu.wait_dma2 semaphore(%arg8 : memref<!tpu.dma_semaphore, #tpu.memory_space<semaphore_mem>>) src(%dma_wait3A_110 : memref<512xi32, #tpu.memory_space<hbm>>) dst(%dma_wait3A_109 : memref<512xi32, #tpu.memory_space<vmem>>)
    %dma_wait3A_111 = arith.constant 2560 : i32
    %dma_wait3A_112 = tpu.memref_slice %arg5[%dma_wait3A_111] : memref<5120xi32, #tpu.memory_space<vmem>> -> memref<512xi32, #tpu.memory_space<vmem>>
    %dma_wait3A_113 = tpu.memref_slice %arg2[%add3A_14] : memref<163840xi32, #tpu.memory_space<hbm>> -> memref<512xi32, #tpu.memory_space<hbm>>
    %dma_wait3A_114 = arith.constant 2560 : i32
    %dma_wait3A_115 = tpu.memref_slice %arg5[%dma_wait3A_114] : memref<5120xi32, #tpu.memory_space<vmem>> -> memref<512xi32, #tpu.memory_space<vmem>>
    %dma_wait3A_116 = tpu.memref_slice %arg2[%add3A_14] : memref<163840xi32, #tpu.memory_space<hbm>> -> memref<512xi32, #tpu.memory_space<hbm>>
    tpu.wait_dma2 semaphore(%arg8 : memref<!tpu.dma_semaphore, #tpu.memory_space<semaphore_mem>>) src(%dma_wait3A_116 : memref<512xi32, #tpu.memory_space<hbm>>) dst(%dma_wait3A_115 : memref<512xi32, #tpu.memory_space<vmem>>)
    %dma_wait3A_117 = arith.constant 3072 : i32
    %dma_wait3A_118 = tpu.memref_slice %arg5[%dma_wait3A_117] : memref<5120xi32, #tpu.memory_space<vmem>> -> memref<512xi32, #tpu.memory_space<vmem>>
    %dma_wait3A_119 = tpu.memref_slice %arg2[%add3A_16] : memref<163840xi32, #tpu.memory_space<hbm>> -> memref<512xi32, #tpu.memory_space<hbm>>
    %dma_wait3A_120 = arith.constant 3072 : i32
    %dma_wait3A_121 = tpu.memref_slice %arg5[%dma_wait3A_120] : memref<5120xi32, #tpu.memory_space<vmem>> -> memref<512xi32, #tpu.memory_space<vmem>>
    %dma_wait3A_122 = tpu.memref_slice %arg2[%add3A_16] : memref<163840xi32, #tpu.memory_space<hbm>> -> memref<512xi32, #tpu.memory_space<hbm>>
    tpu.wait_dma2 semaphore(%arg8 : memref<!tpu.dma_semaphore, #tpu.memory_space<semaphore_mem>>) src(%dma_wait3A_122 : memref<512xi32, #tpu.memory_space<hbm>>) dst(%dma_wait3A_121 : memref<512xi32, #tpu.memory_space<vmem>>)
    %dma_wait3A_123 = arith.constant 3584 : i32
    %dma_wait3A_124 = tpu.memref_slice %arg5[%dma_wait3A_123] : memref<5120xi32, #tpu.memory_space<vmem>> -> memref<512xi32, #tpu.memory_space<vmem>>
    %dma_wait3A_125 = tpu.memref_slice %arg2[%add3A_18] : memref<163840xi32, #tpu.memory_space<hbm>> -> memref<512xi32, #tpu.memory_space<hbm>>
    %dma_wait3A_126 = arith.constant 3584 : i32
    %dma_wait3A_127 = tpu.memref_slice %arg5[%dma_wait3A_126] : memref<5120xi32, #tpu.memory_space<vmem>> -> memref<512xi32, #tpu.memory_space<vmem>>
    %dma_wait3A_128 = tpu.memref_slice %arg2[%add3A_18] : memref<163840xi32, #tpu.memory_space<hbm>> -> memref<512xi32, #tpu.memory_space<hbm>>
    tpu.wait_dma2 semaphore(%arg8 : memref<!tpu.dma_semaphore, #tpu.memory_space<semaphore_mem>>) src(%dma_wait3A_128 : memref<512xi32, #tpu.memory_space<hbm>>) dst(%dma_wait3A_127 : memref<512xi32, #tpu.memory_space<vmem>>)
    %dma_wait3A_129 = arith.constant 4096 : i32
    %dma_wait3A_130 = tpu.memref_slice %arg5[%dma_wait3A_129] : memref<5120xi32, #tpu.memory_space<vmem>> -> memref<512xi32, #tpu.memory_space<vmem>>
    %dma_wait3A_131 = tpu.memref_slice %arg2[%add3A_20] : memref<163840xi32, #tpu.memory_space<hbm>> -> memref<512xi32, #tpu.memory_space<hbm>>
    %dma_wait3A_132 = arith.constant 4096 : i32
    %dma_wait3A_133 = tpu.memref_slice %arg5[%dma_wait3A_132] : memref<5120xi32, #tpu.memory_space<vmem>> -> memref<512xi32, #tpu.memory_space<vmem>>
    %dma_wait3A_134 = tpu.memref_slice %arg2[%add3A_20] : memref<163840xi32, #tpu.memory_space<hbm>> -> memref<512xi32, #tpu.memory_space<hbm>>
    tpu.wait_dma2 semaphore(%arg8 : memref<!tpu.dma_semaphore, #tpu.memory_space<semaphore_mem>>) src(%dma_wait3A_134 : memref<512xi32, #tpu.memory_space<hbm>>) dst(%dma_wait3A_133 : memref<512xi32, #tpu.memory_space<vmem>>)
    %dma_wait3A_135 = arith.constant 4608 : i32
    %dma_wait3A_136 = tpu.memref_slice %arg5[%dma_wait3A_135] : memref<5120xi32, #tpu.memory_space<vmem>> -> memref<512xi32, #tpu.memory_space<vmem>>
    %dma_wait3A_137 = tpu.memref_slice %arg2[%add3A_22] : memref<163840xi32, #tpu.memory_space<hbm>> -> memref<512xi32, #tpu.memory_space<hbm>>
    %dma_wait3A_138 = arith.constant 4608 : i32
    %dma_wait3A_139 = tpu.memref_slice %arg5[%dma_wait3A_138] : memref<5120xi32, #tpu.memory_space<vmem>> -> memref<512xi32, #tpu.memory_space<vmem>>
    %dma_wait3A_140 = tpu.memref_slice %arg2[%add3A_22] : memref<163840xi32, #tpu.memory_space<hbm>> -> memref<512xi32, #tpu.memory_space<hbm>>
    tpu.wait_dma2 semaphore(%arg8 : memref<!tpu.dma_semaphore, #tpu.memory_space<semaphore_mem>>) src(%dma_wait3A_140 : memref<512xi32, #tpu.memory_space<hbm>>) dst(%dma_wait3A_139 : memref<512xi32, #tpu.memory_space<vmem>>)
    tpu.wait_dma2 semaphore(%arg8 : memref<!tpu.dma_semaphore, #tpu.memory_space<semaphore_mem>>) src(%arg3 : memref<5120xi32, #tpu.memory_space<hbm>>) dst(%arg6 : memref<5120xi32, #tpu.memory_space<vmem>>)
    %parallel_loop3A = arith.constant 0 : i32
    %parallel_loop3A_141 = arith.constant 32 : i32
    %parallel_loop3A_142 = arith.constant 1 : i32
    scf.for %parallel_loop3A_287 = %parallel_loop3A to %parallel_loop3A_141 step %parallel_loop3A_142  : i32 {
      %parallel_loop3A_288 = arith.constant 16 : i32
      %parallel_loop3A_289 = arith.muli %parallel_loop3A_287, %parallel_loop3A_288 : i32
      %parallel_loop3A_290 = arith.constant 8 : i32
      %parallel_loop3A_291 = arith.divsi %parallel_loop3A_287, %parallel_loop3A_290 : i32
      %parallel_loop3A_292 = arith.constant 0 : i32
      %parallel_loop3A_293 = arith.cmpi sgt, %parallel_loop3A_287, %parallel_loop3A_292 : i32
      %parallel_loop3A_294 = arith.extui %parallel_loop3A_293 : i1 to i32
      %parallel_loop3A_295 = arith.constant 0 : i32
      %parallel_loop3A_296 = arith.cmpi slt, %parallel_loop3A_287, %parallel_loop3A_295 : i32
      %parallel_loop3A_297 = arith.extui %parallel_loop3A_296 : i1 to i32
      %parallel_loop3A_298 = arith.subi %parallel_loop3A_294, %parallel_loop3A_297 : i32
      %parallel_loop3A_299 = arith.constant 0 : i32
      %parallel_loop3A_300 = arith.cmpi sgt, %parallel_loop3A_290, %parallel_loop3A_299 : i32
      %parallel_loop3A_301 = arith.extui %parallel_loop3A_300 : i1 to i32
      %parallel_loop3A_302 = arith.constant 0 : i32
      %parallel_loop3A_303 = arith.cmpi slt, %parallel_loop3A_290, %parallel_loop3A_302 : i32
      %parallel_loop3A_304 = arith.extui %parallel_loop3A_303 : i1 to i32
      %parallel_loop3A_305 = arith.subi %parallel_loop3A_301, %parallel_loop3A_304 : i32
      %parallel_loop3A_306 = arith.cmpi ne, %parallel_loop3A_298, %parallel_loop3A_305 : i32
      %parallel_loop3A_307 = arith.remsi %parallel_loop3A_287, %parallel_loop3A_290 : i32
      %parallel_loop3A_308 = arith.constant 0 : i32
      %parallel_loop3A_309 = arith.cmpi ne, %parallel_loop3A_307, %parallel_loop3A_308 : i32
      %parallel_loop3A_310 = arith.andi %parallel_loop3A_306, %parallel_loop3A_309 : i1
      %parallel_loop3A_311 = arith.constant 1 : i32
      %parallel_loop3A_312 = arith.subi %parallel_loop3A_291, %parallel_loop3A_311 : i32
      %parallel_loop3A_313 = arith.select %parallel_loop3A_310, %parallel_loop3A_312, %parallel_loop3A_291 : i32
      %parallel_loop3A_314 = arith.constant 1024 : i32
      %parallel_loop3A_315 = arith.muli %parallel_loop3A_313, %parallel_loop3A_314 : i32
      %parallel_loop3A_316 = arith.constant 8 : i32
      %parallel_loop3A_317 = arith.constant 0 : i32
      %parallel_loop3A_318 = arith.cmpi eq, %parallel_loop3A_316, %parallel_loop3A_317 : i32
      %parallel_loop3A_319 = arith.constant 1 : i32
      %parallel_loop3A_320 = arith.select %parallel_loop3A_318, %parallel_loop3A_319, %parallel_loop3A_316 : i32
      %parallel_loop3A_321 = arith.remsi %parallel_loop3A_287, %parallel_loop3A_320 : i32
      %parallel_loop3A_322 = arith.constant 0 : i32
      %parallel_loop3A_323 = arith.cmpi ne, %parallel_loop3A_321, %parallel_loop3A_322 : i32
      %parallel_loop3A_324 = arith.constant 0 : i32
      %parallel_loop3A_325 = arith.cmpi slt, %parallel_loop3A_321, %parallel_loop3A_324 : i32
      %parallel_loop3A_326 = arith.constant 0 : i32
      %parallel_loop3A_327 = arith.cmpi slt, %parallel_loop3A_320, %parallel_loop3A_326 : i32
      %parallel_loop3A_328 = arith.xori %parallel_loop3A_325, %parallel_loop3A_327 : i1
      %parallel_loop3A_329 = arith.andi %parallel_loop3A_328, %parallel_loop3A_323 : i1
      %parallel_loop3A_330 = arith.addi %parallel_loop3A_321, %parallel_loop3A_320 : i32
      %parallel_loop3A_331 = arith.select %parallel_loop3A_329, %parallel_loop3A_330, %parallel_loop3A_321 : i32
      %parallel_loop3A_332 = arith.constant 16 : i32
      %parallel_loop3A_333 = arith.muli %parallel_loop3A_331, %parallel_loop3A_332 : i32
      %parallel_loop3A_334 = arith.addi %parallel_loop3A_315, %parallel_loop3A_333 : i32
      %parallel_loop3A_335 = arith.constant 0 : i32
      %parallel_loop3A_336 = arith.addi %parallel_loop3A_335, %parallel_loop3A_289 : i32
      %parallel_loop3A_337 = arith.index_cast %parallel_loop3A_336 : i32 to index
      %parallel_loop3A_338 = tpu.vector_load %arg5[%parallel_loop3A_337] {strides = array<i32>} : memref<5120xi32, #tpu.memory_space<vmem>>, vector<16xi32>,
      %parallel_loop3A_339 = arith.constant 512 : i32
      %parallel_loop3A_340 = arith.addi %parallel_loop3A_339, %parallel_loop3A_289 : i32
      %parallel_loop3A_341 = arith.index_cast %parallel_loop3A_340 : i32 to index
      %parallel_loop3A_342 = tpu.vector_load %arg5[%parallel_loop3A_341] {strides = array<i32>} : memref<5120xi32, #tpu.memory_space<vmem>>, vector<16xi32>,
      %parallel_loop3A_343 = arith.constant 1024 : i32
      %parallel_loop3A_344 = arith.addi %parallel_loop3A_343, %parallel_loop3A_289 : i32
      %parallel_loop3A_345 = arith.index_cast %parallel_loop3A_344 : i32 to index
      %parallel_loop3A_346 = tpu.vector_load %arg5[%parallel_loop3A_345] {strides = array<i32>} : memref<5120xi32, #tpu.memory_space<vmem>>, vector<16xi32>,
      %parallel_loop3A_347 = arith.constant 1536 : i32
      %parallel_loop3A_348 = arith.addi %parallel_loop3A_347, %parallel_loop3A_289 : i32
      %parallel_loop3A_349 = arith.index_cast %parallel_loop3A_348 : i32 to index
      %parallel_loop3A_350 = tpu.vector_load %arg5[%parallel_loop3A_349] {strides = array<i32>} : memref<5120xi32, #tpu.memory_space<vmem>>, vector<16xi32>,
      %parallel_loop3A_351 = arith.constant 2048 : i32
      %parallel_loop3A_352 = arith.addi %parallel_loop3A_351, %parallel_loop3A_289 : i32
      %parallel_loop3A_353 = arith.index_cast %parallel_loop3A_352 : i32 to index
      %parallel_loop3A_354 = tpu.vector_load %arg5[%parallel_loop3A_353] {strides = array<i32>} : memref<5120xi32, #tpu.memory_space<vmem>>, vector<16xi32>,
      %parallel_loop3A_355 = arith.constant 2560 : i32
      %parallel_loop3A_356 = arith.addi %parallel_loop3A_355, %parallel_loop3A_289 : i32
      %parallel_loop3A_357 = arith.index_cast %parallel_loop3A_356 : i32 to index
      %parallel_loop3A_358 = tpu.vector_load %arg5[%parallel_loop3A_357] {strides = array<i32>} : memref<5120xi32, #tpu.memory_space<vmem>>, vector<16xi32>,
      %parallel_loop3A_359 = arith.constant 3072 : i32
      %parallel_loop3A_360 = arith.addi %parallel_loop3A_359, %parallel_loop3A_289 : i32
      %parallel_loop3A_361 = arith.index_cast %parallel_loop3A_360 : i32 to index
      %parallel_loop3A_362 = tpu.vector_load %arg5[%parallel_loop3A_361] {strides = array<i32>} : memref<5120xi32, #tpu.memory_space<vmem>>, vector<16xi32>,
      %parallel_loop3A_363 = arith.constant 3584 : i32
      %parallel_loop3A_364 = arith.addi %parallel_loop3A_363, %parallel_loop3A_289 : i32
      %parallel_loop3A_365 = arith.index_cast %parallel_loop3A_364 : i32 to index
      %parallel_loop3A_366 = tpu.vector_load %arg5[%parallel_loop3A_365] {strides = array<i32>} : memref<5120xi32, #tpu.memory_space<vmem>>, vector<16xi32>,
      %parallel_loop3A_367 = arith.constant 4096 : i32
      %parallel_loop3A_368 = arith.addi %parallel_loop3A_367, %parallel_loop3A_289 : i32
      %parallel_loop3A_369 = arith.index_cast %parallel_loop3A_368 : i32 to index
      %parallel_loop3A_370 = tpu.vector_load %arg5[%parallel_loop3A_369] {strides = array<i32>} : memref<5120xi32, #tpu.memory_space<vmem>>, vector<16xi32>,
      %parallel_loop3A_371 = arith.constant 4608 : i32
      %parallel_loop3A_372 = arith.addi %parallel_loop3A_371, %parallel_loop3A_289 : i32
      %parallel_loop3A_373 = arith.index_cast %parallel_loop3A_372 : i32 to index
      %parallel_loop3A_374 = tpu.vector_load %arg5[%parallel_loop3A_373] {strides = array<i32>} : memref<5120xi32, #tpu.memory_space<vmem>>, vector<16xi32>,
      %parallel_loop3A_375 = arith.constant 0 : i32
      %parallel_loop3A_376 = tpu.memref_slice %arg6[%parallel_loop3A_375] : memref<5120xi32, #tpu.memory_space<vmem>> -> memref<128xi32, #tpu.memory_space<vmem>>
      %parallel_loop3A_377 = tpu.vector_load_idx %parallel_loop3A_376[%parallel_loop3A_338] : memref<128xi32, #tpu.memory_space<vmem>>[vector<16xi32>], vector<16xi32>,
      %parallel_loop3A_378 = arith.constant 0 : i32
      %parallel_loop3A_379 = tpu.memref_slice %arg6[%parallel_loop3A_378] : memref<5120xi32, #tpu.memory_space<vmem>> -> memref<128xi32, #tpu.memory_space<vmem>>
      %parallel_loop3A_380 = tpu.vector_load_idx %parallel_loop3A_379[%parallel_loop3A_342] : memref<128xi32, #tpu.memory_space<vmem>>[vector<16xi32>], vector<16xi32>,
      %parallel_loop3A_381 = arith.constant 0 : i32
      %parallel_loop3A_382 = tpu.memref_slice %arg6[%parallel_loop3A_381] : memref<5120xi32, #tpu.memory_space<vmem>> -> memref<128xi32, #tpu.memory_space<vmem>>
      %parallel_loop3A_383 = tpu.vector_load_idx %parallel_loop3A_382[%parallel_loop3A_346] : memref<128xi32, #tpu.memory_space<vmem>>[vector<16xi32>], vector<16xi32>,
      %parallel_loop3A_384 = arith.constant 0 : i32
      %parallel_loop3A_385 = tpu.memref_slice %arg6[%parallel_loop3A_384] : memref<5120xi32, #tpu.memory_space<vmem>> -> memref<128xi32, #tpu.memory_space<vmem>>
      %parallel_loop3A_386 = tpu.vector_load_idx %parallel_loop3A_385[%parallel_loop3A_350] : memref<128xi32, #tpu.memory_space<vmem>>[vector<16xi32>], vector<16xi32>,
      %parallel_loop3A_387 = arith.constant 0 : i32
      %parallel_loop3A_388 = tpu.memref_slice %arg6[%parallel_loop3A_387] : memref<5120xi32, #tpu.memory_space<vmem>> -> memref<128xi32, #tpu.memory_space<vmem>>
      %parallel_loop3A_389 = tpu.vector_load_idx %parallel_loop3A_388[%parallel_loop3A_354] : memref<128xi32, #tpu.memory_space<vmem>>[vector<16xi32>], vector<16xi32>,
      %parallel_loop3A_390 = arith.constant 0 : i32
      %parallel_loop3A_391 = tpu.memref_slice %arg6[%parallel_loop3A_390] : memref<5120xi32, #tpu.memory_space<vmem>> -> memref<128xi32, #tpu.memory_space<vmem>>
      %parallel_loop3A_392 = tpu.vector_load_idx %parallel_loop3A_391[%parallel_loop3A_358] : memref<128xi32, #tpu.memory_space<vmem>>[vector<16xi32>], vector<16xi32>,
      %parallel_loop3A_393 = arith.constant 0 : i32
      %parallel_loop3A_394 = tpu.memref_slice %arg6[%parallel_loop3A_393] : memref<5120xi32, #tpu.memory_space<vmem>> -> memref<128xi32, #tpu.memory_space<vmem>>
      %parallel_loop3A_395 = tpu.vector_load_idx %parallel_loop3A_394[%parallel_loop3A_362] : memref<128xi32, #tpu.memory_space<vmem>>[vector<16xi32>], vector<16xi32>,
      %parallel_loop3A_396 = arith.constant 0 : i32
      %parallel_loop3A_397 = tpu.memref_slice %arg6[%parallel_loop3A_396] : memref<5120xi32, #tpu.memory_space<vmem>> -> memref<128xi32, #tpu.memory_space<vmem>>
      %parallel_loop3A_398 = tpu.vector_load_idx %parallel_loop3A_397[%parallel_loop3A_366] : memref<128xi32, #tpu.memory_space<vmem>>[vector<16xi32>], vector<16xi32>,
      %parallel_loop3A_399 = arith.constant 0 : i32
      %parallel_loop3A_400 = tpu.memref_slice %arg6[%parallel_loop3A_399] : memref<5120xi32, #tpu.memory_space<vmem>> -> memref<128xi32, #tpu.memory_space<vmem>>
      %parallel_loop3A_401 = tpu.vector_load_idx %parallel_loop3A_400[%parallel_loop3A_370] : memref<128xi32, #tpu.memory_space<vmem>>[vector<16xi32>], vector<16xi32>,
      %parallel_loop3A_402 = arith.constant 0 : i32
      %parallel_loop3A_403 = tpu.memref_slice %arg6[%parallel_loop3A_402] : memref<5120xi32, #tpu.memory_space<vmem>> -> memref<128xi32, #tpu.memory_space<vmem>>
      %parallel_loop3A_404 = tpu.vector_load_idx %parallel_loop3A_403[%parallel_loop3A_374] : memref<128xi32, #tpu.memory_space<vmem>>[vector<16xi32>], vector<16xi32>,
      %parallel_loop3A_405 = arith.constant 128 : i32
      %parallel_loop3A_406 = tpu.memref_slice %arg6[%parallel_loop3A_405] : memref<5120xi32, #tpu.memory_space<vmem>> -> memref<128xi32, #tpu.memory_space<vmem>>
      %parallel_loop3A_407 = tpu.vector_load_idx %parallel_loop3A_406[%parallel_loop3A_338] : memref<128xi32, #tpu.memory_space<vmem>>[vector<16xi32>], vector<16xi32>,
      %parallel_loop3A_408 = arith.constant 128 : i32
      %parallel_loop3A_409 = tpu.memref_slice %arg6[%parallel_loop3A_408] : memref<5120xi32, #tpu.memory_space<vmem>> -> memref<128xi32, #tpu.memory_space<vmem>>
      %parallel_loop3A_410 = tpu.vector_load_idx %parallel_loop3A_409[%parallel_loop3A_342] : memref<128xi32, #tpu.memory_space<vmem>>[vector<16xi32>], vector<16xi32>,
      %parallel_loop3A_411 = arith.constant 128 : i32
      %parallel_loop3A_412 = tpu.memref_slice %arg6[%parallel_loop3A_411] : memref<5120xi32, #tpu.memory_space<vmem>> -> memref<128xi32, #tpu.memory_space<vmem>>
      %parallel_loop3A_413 = tpu.vector_load_idx %parallel_loop3A_412[%parallel_loop3A_346] : memref<128xi32, #tpu.memory_space<vmem>>[vector<16xi32>], vector<16xi32>,
      %parallel_loop3A_414 = arith.constant 128 : i32
      %parallel_loop3A_415 = tpu.memref_slice %arg6[%parallel_loop3A_414] : memref<5120xi32, #tpu.memory_space<vmem>> -> memref<128xi32, #tpu.memory_space<vmem>>
      %parallel_loop3A_416 = tpu.vector_load_idx %parallel_loop3A_415[%parallel_loop3A_350] : memref<128xi32, #tpu.memory_space<vmem>>[vector<16xi32>], vector<16xi32>,
      %parallel_loop3A_417 = arith.constant 128 : i32
      %parallel_loop3A_418 = tpu.memref_slice %arg6[%parallel_loop3A_417] : memref<5120xi32, #tpu.memory_space<vmem>> -> memref<128xi32, #tpu.memory_space<vmem>>
      %parallel_loop3A_419 = tpu.vector_load_idx %parallel_loop3A_418[%parallel_loop3A_354] : memref<128xi32, #tpu.memory_space<vmem>>[vector<16xi32>], vector<16xi32>,
      %parallel_loop3A_420 = arith.constant 128 : i32
      %parallel_loop3A_421 = tpu.memref_slice %arg6[%parallel_loop3A_420] : memref<5120xi32, #tpu.memory_space<vmem>> -> memref<128xi32, #tpu.memory_space<vmem>>
      %parallel_loop3A_422 = tpu.vector_load_idx %parallel_loop3A_421[%parallel_loop3A_358] : memref<128xi32, #tpu.memory_space<vmem>>[vector<16xi32>], vector<16xi32>,
      %parallel_loop3A_423 = arith.constant 128 : i32
      %parallel_loop3A_424 = tpu.memref_slice %arg6[%parallel_loop3A_423] : memref<5120xi32, #tpu.memory_space<vmem>> -> memref<128xi32, #tpu.memory_space<vmem>>
      %parallel_loop3A_425 = tpu.vector_load_idx %parallel_loop3A_424[%parallel_loop3A_362] : memref<128xi32, #tpu.memory_space<vmem>>[vector<16xi32>], vector<16xi32>,
      %parallel_loop3A_426 = arith.constant 128 : i32
      %parallel_loop3A_427 = tpu.memref_slice %arg6[%parallel_loop3A_426] : memref<5120xi32, #tpu.memory_space<vmem>> -> memref<128xi32, #tpu.memory_space<vmem>>
      %parallel_loop3A_428 = tpu.vector_load_idx %parallel_loop3A_427[%parallel_loop3A_366] : memref<128xi32, #tpu.memory_space<vmem>>[vector<16xi32>], vector<16xi32>,
      %parallel_loop3A_429 = arith.constant 128 : i32
      %parallel_loop3A_430 = tpu.memref_slice %arg6[%parallel_loop3A_429] : memref<5120xi32, #tpu.memory_space<vmem>> -> memref<128xi32, #tpu.memory_space<vmem>>
      %parallel_loop3A_431 = tpu.vector_load_idx %parallel_loop3A_430[%parallel_loop3A_370] : memref<128xi32, #tpu.memory_space<vmem>>[vector<16xi32>], vector<16xi32>,
      %parallel_loop3A_432 = arith.constant 128 : i32
      %parallel_loop3A_433 = tpu.memref_slice %arg6[%parallel_loop3A_432] : memref<5120xi32, #tpu.memory_space<vmem>> -> memref<128xi32, #tpu.memory_space<vmem>>
      %parallel_loop3A_434 = tpu.vector_load_idx %parallel_loop3A_433[%parallel_loop3A_374] : memref<128xi32, #tpu.memory_space<vmem>>[vector<16xi32>], vector<16xi32>,
      %parallel_loop3A_435 = arith.constant 256 : i32
      %parallel_loop3A_436 = tpu.memref_slice %arg6[%parallel_loop3A_435] : memref<5120xi32, #tpu.memory_space<vmem>> -> memref<128xi32, #tpu.memory_space<vmem>>
      %parallel_loop3A_437 = tpu.vector_load_idx %parallel_loop3A_436[%parallel_loop3A_338] : memref<128xi32, #tpu.memory_space<vmem>>[vector<16xi32>], vector<16xi32>,
      %parallel_loop3A_438 = arith.constant 256 : i32
      %parallel_loop3A_439 = tpu.memref_slice %arg6[%parallel_loop3A_438] : memref<5120xi32, #tpu.memory_space<vmem>> -> memref<128xi32, #tpu.memory_space<vmem>>
      %parallel_loop3A_440 = tpu.vector_load_idx %parallel_loop3A_439[%parallel_loop3A_342] : memref<128xi32, #tpu.memory_space<vmem>>[vector<16xi32>], vector<16xi32>,
      %parallel_loop3A_441 = arith.constant 256 : i32
      %parallel_loop3A_442 = tpu.memref_slice %arg6[%parallel_loop3A_441] : memref<5120xi32, #tpu.memory_space<vmem>> -> memref<128xi32, #tpu.memory_space<vmem>>
      %parallel_loop3A_443 = tpu.vector_load_idx %parallel_loop3A_442[%parallel_loop3A_346] : memref<128xi32, #tpu.memory_space<vmem>>[vector<16xi32>], vector<16xi32>,
      %parallel_loop3A_444 = arith.constant 256 : i32
      %parallel_loop3A_445 = tpu.memref_slice %arg6[%parallel_loop3A_444] : memref<5120xi32, #tpu.memory_space<vmem>> -> memref<128xi32, #tpu.memory_space<vmem>>
      %parallel_loop3A_446 = tpu.vector_load_idx %parallel_loop3A_445[%parallel_loop3A_350] : memref<128xi32, #tpu.memory_space<vmem>>[vector<16xi32>], vector<16xi32>,
      %parallel_loop3A_447 = arith.constant 256 : i32
      %parallel_loop3A_448 = tpu.memref_slice %arg6[%parallel_loop3A_447] : memref<5120xi32, #tpu.memory_space<vmem>> -> memref<128xi32, #tpu.memory_space<vmem>>
      %parallel_loop3A_449 = tpu.vector_load_idx %parallel_loop3A_448[%parallel_loop3A_354] : memref<128xi32, #tpu.memory_space<vmem>>[vector<16xi32>], vector<16xi32>,
      %parallel_loop3A_450 = arith.constant 256 : i32
      %parallel_loop3A_451 = tpu.memref_slice %arg6[%parallel_loop3A_450] : memref<5120xi32, #tpu.memory_space<vmem>> -> memref<128xi32, #tpu.memory_space<vmem>>
      %parallel_loop3A_452 = tpu.vector_load_idx %parallel_loop3A_451[%parallel_loop3A_358] : memref<128xi32, #tpu.memory_space<vmem>>[vector<16xi32>], vector<16xi32>,
      %parallel_loop3A_453 = arith.constant 256 : i32
      %parallel_loop3A_454 = tpu.memref_slice %arg6[%parallel_loop3A_453] : memref<5120xi32, #tpu.memory_space<vmem>> -> memref<128xi32, #tpu.memory_space<vmem>>
      %parallel_loop3A_455 = tpu.vector_load_idx %parallel_loop3A_454[%parallel_loop3A_362] : memref<128xi32, #tpu.memory_space<vmem>>[vector<16xi32>], vector<16xi32>,
      %parallel_loop3A_456 = arith.constant 256 : i32
      %parallel_loop3A_457 = tpu.memref_slice %arg6[%parallel_loop3A_456] : memref<5120xi32, #tpu.memory_space<vmem>> -> memref<128xi32, #tpu.memory_space<vmem>>
      %parallel_loop3A_458 = tpu.vector_load_idx %parallel_loop3A_457[%parallel_loop3A_366] : memref<128xi32, #tpu.memory_space<vmem>>[vector<16xi32>], vector<16xi32>,
      %parallel_loop3A_459 = arith.constant 256 : i32
      %parallel_loop3A_460 = tpu.memref_slice %arg6[%parallel_loop3A_459] : memref<5120xi32, #tpu.memory_space<vmem>> -> memref<128xi32, #tpu.memory_space<vmem>>
      %parallel_loop3A_461 = tpu.vector_load_idx %parallel_loop3A_460[%parallel_loop3A_370] : memref<128xi32, #tpu.memory_space<vmem>>[vector<16xi32>], vector<16xi32>,
      %parallel_loop3A_462 = arith.constant 256 : i32
      %parallel_loop3A_463 = tpu.memref_slice %arg6[%parallel_loop3A_462] : memref<5120xi32, #tpu.memory_space<vmem>> -> memref<128xi32, #tpu.memory_space<vmem>>
      %parallel_loop3A_464 = tpu.vector_load_idx %parallel_loop3A_463[%parallel_loop3A_374] : memref<128xi32, #tpu.memory_space<vmem>>[vector<16xi32>], vector<16xi32>,
      %parallel_loop3A_465 = vector.bitcast %parallel_loop3A_377 : vector<16xi32> to vector<32xbf16>
      %parallel_loop3A_466 = vector.bitcast %parallel_loop3A_380 : vector<16xi32> to vector<32xbf16>
      %parallel_loop3A_467 = arith.addf %parallel_loop3A_465, %parallel_loop3A_466 : vector<32xbf16>
      %parallel_loop3A_468 = vector.bitcast %parallel_loop3A_467 : vector<32xbf16> to vector<16xi32>
      %parallel_loop3A_469 = vector.bitcast %parallel_loop3A_383 : vector<16xi32> to vector<32xbf16>
      %parallel_loop3A_470 = vector.bitcast %parallel_loop3A_386 : vector<16xi32> to vector<32xbf16>
      %parallel_loop3A_471 = arith.addf %parallel_loop3A_469, %parallel_loop3A_470 : vector<32xbf16>
      %parallel_loop3A_472 = vector.bitcast %parallel_loop3A_471 : vector<32xbf16> to vector<16xi32>
      %parallel_loop3A_473 = vector.bitcast %parallel_loop3A_389 : vector<16xi32> to vector<32xbf16>
      %parallel_loop3A_474 = vector.bitcast %parallel_loop3A_392 : vector<16xi32> to vector<32xbf16>
      %parallel_loop3A_475 = arith.addf %parallel_loop3A_473, %parallel_loop3A_474 : vector<32xbf16>
      %parallel_loop3A_476 = vector.bitcast %parallel_loop3A_475 : vector<32xbf16> to vector<16xi32>
      %parallel_loop3A_477 = vector.bitcast %parallel_loop3A_395 : vector<16xi32> to vector<32xbf16>
      %parallel_loop3A_478 = vector.bitcast %parallel_loop3A_398 : vector<16xi32> to vector<32xbf16>
      %parallel_loop3A_479 = arith.addf %parallel_loop3A_477, %parallel_loop3A_478 : vector<32xbf16>
      %parallel_loop3A_480 = vector.bitcast %parallel_loop3A_479 : vector<32xbf16> to vector<16xi32>
      %parallel_loop3A_481 = vector.bitcast %parallel_loop3A_401 : vector<16xi32> to vector<32xbf16>
      %parallel_loop3A_482 = vector.bitcast %parallel_loop3A_404 : vector<16xi32> to vector<32xbf16>
      %parallel_loop3A_483 = arith.addf %parallel_loop3A_481, %parallel_loop3A_482 : vector<32xbf16>
      %parallel_loop3A_484 = vector.bitcast %parallel_loop3A_483 : vector<32xbf16> to vector<16xi32>
      %parallel_loop3A_485 = arith.constant 16 : i32
      %parallel_loop3A_486 = vector.broadcast %parallel_loop3A_485 : i32 to vector<16xi32>
      %parallel_loop3A_487 = arith.shli %parallel_loop3A_468, %parallel_loop3A_486 : vector<16xi32>
      %parallel_loop3A_488 = vector.bitcast %parallel_loop3A_487 : vector<16xi32> to vector<16xf32>
      %parallel_loop3A_489 = arith.constant -65536 : i32
      %parallel_loop3A_490 = vector.broadcast %parallel_loop3A_489 : i32 to vector<16xi32>
      %parallel_loop3A_491 = arith.andi %parallel_loop3A_468, %parallel_loop3A_490 : vector<16xi32>
      %parallel_loop3A_492 = vector.bitcast %parallel_loop3A_491 : vector<16xi32> to vector<16xf32>
      %parallel_loop3A_493 = arith.constant 16 : i32
      %parallel_loop3A_494 = vector.broadcast %parallel_loop3A_493 : i32 to vector<16xi32>
      %parallel_loop3A_495 = arith.shli %parallel_loop3A_472, %parallel_loop3A_494 : vector<16xi32>
      %parallel_loop3A_496 = vector.bitcast %parallel_loop3A_495 : vector<16xi32> to vector<16xf32>
      %parallel_loop3A_497 = arith.constant -65536 : i32
      %parallel_loop3A_498 = vector.broadcast %parallel_loop3A_497 : i32 to vector<16xi32>
      %parallel_loop3A_499 = arith.andi %parallel_loop3A_472, %parallel_loop3A_498 : vector<16xi32>
      %parallel_loop3A_500 = vector.bitcast %parallel_loop3A_499 : vector<16xi32> to vector<16xf32>
      %parallel_loop3A_501 = arith.constant 16 : i32
      %parallel_loop3A_502 = vector.broadcast %parallel_loop3A_501 : i32 to vector<16xi32>
      %parallel_loop3A_503 = arith.shli %parallel_loop3A_476, %parallel_loop3A_502 : vector<16xi32>
      %parallel_loop3A_504 = vector.bitcast %parallel_loop3A_503 : vector<16xi32> to vector<16xf32>
      %parallel_loop3A_505 = arith.constant -65536 : i32
      %parallel_loop3A_506 = vector.broadcast %parallel_loop3A_505 : i32 to vector<16xi32>
      %parallel_loop3A_507 = arith.andi %parallel_loop3A_476, %parallel_loop3A_506 : vector<16xi32>
      %parallel_loop3A_508 = vector.bitcast %parallel_loop3A_507 : vector<16xi32> to vector<16xf32>
      %parallel_loop3A_509 = arith.constant 16 : i32
      %parallel_loop3A_510 = vector.broadcast %parallel_loop3A_509 : i32 to vector<16xi32>
      %parallel_loop3A_511 = arith.shli %parallel_loop3A_480, %parallel_loop3A_510 : vector<16xi32>
      %parallel_loop3A_512 = vector.bitcast %parallel_loop3A_511 : vector<16xi32> to vector<16xf32>
      %parallel_loop3A_513 = arith.constant -65536 : i32
      %parallel_loop3A_514 = vector.broadcast %parallel_loop3A_513 : i32 to vector<16xi32>
      %parallel_loop3A_515 = arith.andi %parallel_loop3A_480, %parallel_loop3A_514 : vector<16xi32>
      %parallel_loop3A_516 = vector.bitcast %parallel_loop3A_515 : vector<16xi32> to vector<16xf32>
      %parallel_loop3A_517 = arith.constant 16 : i32
      %parallel_loop3A_518 = vector.broadcast %parallel_loop3A_517 : i32 to vector<16xi32>
      %parallel_loop3A_519 = arith.shli %parallel_loop3A_484, %parallel_loop3A_518 : vector<16xi32>
      %parallel_loop3A_520 = vector.bitcast %parallel_loop3A_519 : vector<16xi32> to vector<16xf32>
      %parallel_loop3A_521 = arith.constant -65536 : i32
      %parallel_loop3A_522 = vector.broadcast %parallel_loop3A_521 : i32 to vector<16xi32>
      %parallel_loop3A_523 = arith.andi %parallel_loop3A_484, %parallel_loop3A_522 : vector<16xi32>
      %parallel_loop3A_524 = vector.bitcast %parallel_loop3A_523 : vector<16xi32> to vector<16xf32>
      %parallel_loop3A_525 = arith.addf %parallel_loop3A_488, %parallel_loop3A_496 : vector<16xf32>
      %parallel_loop3A_526 = arith.addf %parallel_loop3A_504, %parallel_loop3A_512 : vector<16xf32>
      %parallel_loop3A_527 = arith.addf %parallel_loop3A_525, %parallel_loop3A_526 : vector<16xf32>
      %parallel_loop3A_528 = arith.addf %parallel_loop3A_527, %parallel_loop3A_520 : vector<16xf32>
      %parallel_loop3A_529 = arith.addf %parallel_loop3A_492, %parallel_loop3A_500 : vector<16xf32>
      %parallel_loop3A_530 = arith.addf %parallel_loop3A_508, %parallel_loop3A_516 : vector<16xf32>
      %parallel_loop3A_531 = arith.addf %parallel_loop3A_529, %parallel_loop3A_530 : vector<16xf32>
      %parallel_loop3A_532 = arith.addf %parallel_loop3A_531, %parallel_loop3A_524 : vector<16xf32>
      %parallel_loop3A_533 = arith.constant 0 : i32
      %parallel_loop3A_534 = arith.addi %parallel_loop3A_533, %parallel_loop3A_334 : i32
      %parallel_loop3A_535 = arith.index_cast %parallel_loop3A_534 : i32 to index
      %parallel_loop3A_536 = tpu.vector_load %arg7[%parallel_loop3A_535] {strides = array<i32>} : memref<36864xf32, #tpu.memory_space<vmem>>, vector<16xf32>,
      tpu.vector_store %arg7[%parallel_loop3A_535], %parallel_loop3A_528 {strides = array<i32>} : memref<36864xf32, #tpu.memory_space<vmem>>, vector<16xf32>,
      %parallel_loop3A_537 = arith.constant 16512 : i32
      %parallel_loop3A_538 = arith.addi %parallel_loop3A_537, %parallel_loop3A_334 : i32
      %parallel_loop3A_539 = arith.index_cast %parallel_loop3A_538 : i32 to index
      %parallel_loop3A_540 = tpu.vector_load %arg7[%parallel_loop3A_539] {strides = array<i32>} : memref<36864xf32, #tpu.memory_space<vmem>>, vector<16xf32>,
      tpu.vector_store %arg7[%parallel_loop3A_539], %parallel_loop3A_532 {strides = array<i32>} : memref<36864xf32, #tpu.memory_space<vmem>>, vector<16xf32>,
      %parallel_loop3A_541 = arith.constant 384 : i32
      %parallel_loop3A_542 = tpu.memref_slice %arg6[%parallel_loop3A_541] : memref<5120xi32, #tpu.memory_space<vmem>> -> memref<128xi32, #tpu.memory_space<vmem>>
      %parallel_loop3A_543 = tpu.vector_load_idx %parallel_loop3A_542[%parallel_loop3A_338] : memref<128xi32, #tpu.memory_space<vmem>>[vector<16xi32>], vector<16xi32>,
      %parallel_loop3A_544 = arith.constant 384 : i32
      %parallel_loop3A_545 = tpu.memref_slice %arg6[%parallel_loop3A_544] : memref<5120xi32, #tpu.memory_space<vmem>> -> memref<128xi32, #tpu.memory_space<vmem>>
      %parallel_loop3A_546 = tpu.vector_load_idx %parallel_loop3A_545[%parallel_loop3A_342] : memref<128xi32, #tpu.memory_space<vmem>>[vector<16xi32>], vector<16xi32>,
      %parallel_loop3A_547 = arith.constant 384 : i32
      %parallel_loop3A_548 = tpu.memref_slice %arg6[%parallel_loop3A_547] : memref<5120xi32, #tpu.memory_space<vmem>> -> memref<128xi32, #tpu.memory_space<vmem>>
      %parallel_loop3A_549 = tpu.vector_load_idx %parallel_loop3A_548[%parallel_loop3A_346] : memref<128xi32, #tpu.memory_space<vmem>>[vector<16xi32>], vector<16xi32>,
      %parallel_loop3A_550 = arith.constant 384 : i32
      %parallel_loop3A_551 = tpu.memref_slice %arg6[%parallel_loop3A_550] : memref<5120xi32, #tpu.memory_space<vmem>> -> memref<128xi32, #tpu.memory_space<vmem>>
      %parallel_loop3A_552 = tpu.vector_load_idx %parallel_loop3A_551[%parallel_loop3A_350] : memref<128xi32, #tpu.memory_space<vmem>>[vector<16xi32>], vector<16xi32>,
      %parallel_loop3A_553 = arith.constant 384 : i32
      %parallel_loop3A_554 = tpu.memref_slice %arg6[%parallel_loop3A_553] : memref<5120xi32, #tpu.memory_space<vmem>> -> memref<128xi32, #tpu.memory_space<vmem>>
      %parallel_loop3A_555 = tpu.vector_load_idx %parallel_loop3A_554[%parallel_loop3A_354] : memref<128xi32, #tpu.memory_space<vmem>>[vector<16xi32>], vector<16xi32>,
      %parallel_loop3A_556 = arith.constant 384 : i32
      %parallel_loop3A_557 = tpu.memref_slice %arg6[%parallel_loop3A_556] : memref<5120xi32, #tpu.memory_space<vmem>> -> memref<128xi32, #tpu.memory_space<vmem>>
      %parallel_loop3A_558 = tpu.vector_load_idx %parallel_loop3A_557[%parallel_loop3A_358] : memref<128xi32, #tpu.memory_space<vmem>>[vector<16xi32>], vector<16xi32>,
      %parallel_loop3A_559 = arith.constant 384 : i32
      %parallel_loop3A_560 = tpu.memref_slice %arg6[%parallel_loop3A_559] : memref<5120xi32, #tpu.memory_space<vmem>> -> memref<128xi32, #tpu.memory_space<vmem>>
      %parallel_loop3A_561 = tpu.vector_load_idx %parallel_loop3A_560[%parallel_loop3A_362] : memref<128xi32, #tpu.memory_space<vmem>>[vector<16xi32>], vector<16xi32>,
      %parallel_loop3A_562 = arith.constant 384 : i32
      %parallel_loop3A_563 = tpu.memref_slice %arg6[%parallel_loop3A_562] : memref<5120xi32, #tpu.memory_space<vmem>> -> memref<128xi32, #tpu.memory_space<vmem>>
      %parallel_loop3A_564 = tpu.vector_load_idx %parallel_loop3A_563[%parallel_loop3A_366] : memref<128xi32, #tpu.memory_space<vmem>>[vector<16xi32>], vector<16xi32>,
      %parallel_loop3A_565 = arith.constant 384 : i32
      %parallel_loop3A_566 = tpu.memref_slice %arg6[%parallel_loop3A_565] : memref<5120xi32, #tpu.memory_space<vmem>> -> memref<128xi32, #tpu.memory_space<vmem>>
      %parallel_loop3A_567 = tpu.vector_load_idx %parallel_loop3A_566[%parallel_loop3A_370] : memref<128xi32, #tpu.memory_space<vmem>>[vector<16xi32>], vector<16xi32>,
      %parallel_loop3A_568 = arith.constant 384 : i32
      %parallel_loop3A_569 = tpu.memref_slice %arg6[%parallel_loop3A_568] : memref<5120xi32, #tpu.memory_space<vmem>> -> memref<128xi32, #tpu.memory_space<vmem>>
      %parallel_loop3A_570 = tpu.vector_load_idx %parallel_loop3A_569[%parallel_loop3A_374] : memref<128xi32, #tpu.memory_space<vmem>>[vector<16xi32>], vector<16xi32>,
      %parallel_loop3A_571 = vector.bitcast %parallel_loop3A_407 : vector<16xi32> to vector<32xbf16>
      %parallel_loop3A_572 = vector.bitcast %parallel_loop3A_410 : vector<16xi32> to vector<32xbf16>
      %parallel_loop3A_573 = arith.addf %parallel_loop3A_571, %parallel_loop3A_572 : vector<32xbf16>
      %parallel_loop3A_574 = vector.bitcast %parallel_loop3A_573 : vector<32xbf16> to vector<16xi32>
      %parallel_loop3A_575 = vector.bitcast %parallel_loop3A_413 : vector<16xi32> to vector<32xbf16>
      %parallel_loop3A_576 = vector.bitcast %parallel_loop3A_416 : vector<16xi32> to vector<32xbf16>
      %parallel_loop3A_577 = arith.addf %parallel_loop3A_575, %parallel_loop3A_576 : vector<32xbf16>
      %parallel_loop3A_578 = vector.bitcast %parallel_loop3A_577 : vector<32xbf16> to vector<16xi32>
      %parallel_loop3A_579 = vector.bitcast %parallel_loop3A_419 : vector<16xi32> to vector<32xbf16>
      %parallel_loop3A_580 = vector.bitcast %parallel_loop3A_422 : vector<16xi32> to vector<32xbf16>
      %parallel_loop3A_581 = arith.addf %parallel_loop3A_579, %parallel_loop3A_580 : vector<32xbf16>
      %parallel_loop3A_582 = vector.bitcast %parallel_loop3A_581 : vector<32xbf16> to vector<16xi32>
      %parallel_loop3A_583 = vector.bitcast %parallel_loop3A_425 : vector<16xi32> to vector<32xbf16>
      %parallel_loop3A_584 = vector.bitcast %parallel_loop3A_428 : vector<16xi32> to vector<32xbf16>
      %parallel_loop3A_585 = arith.addf %parallel_loop3A_583, %parallel_loop3A_584 : vector<32xbf16>
      %parallel_loop3A_586 = vector.bitcast %parallel_loop3A_585 : vector<32xbf16> to vector<16xi32>
      %parallel_loop3A_587 = vector.bitcast %parallel_loop3A_431 : vector<16xi32> to vector<32xbf16>
      %parallel_loop3A_588 = vector.bitcast %parallel_loop3A_434 : vector<16xi32> to vector<32xbf16>
      %parallel_loop3A_589 = arith.addf %parallel_loop3A_587, %parallel_loop3A_588 : vector<32xbf16>
      %parallel_loop3A_590 = vector.bitcast %parallel_loop3A_589 : vector<32xbf16> to vector<16xi32>
      %parallel_loop3A_591 = arith.constant 16 : i32
      %parallel_loop3A_592 = vector.broadcast %parallel_loop3A_591 : i32 to vector<16xi32>
      %parallel_loop3A_593 = arith.shli %parallel_loop3A_574, %parallel_loop3A_592 : vector<16xi32>
      %parallel_loop3A_594 = vector.bitcast %parallel_loop3A_593 : vector<16xi32> to vector<16xf32>
      %parallel_loop3A_595 = arith.constant -65536 : i32
      %parallel_loop3A_596 = vector.broadcast %parallel_loop3A_595 : i32 to vector<16xi32>
      %parallel_loop3A_597 = arith.andi %parallel_loop3A_574, %parallel_loop3A_596 : vector<16xi32>
      %parallel_loop3A_598 = vector.bitcast %parallel_loop3A_597 : vector<16xi32> to vector<16xf32>
      %parallel_loop3A_599 = arith.constant 16 : i32
      %parallel_loop3A_600 = vector.broadcast %parallel_loop3A_599 : i32 to vector<16xi32>
      %parallel_loop3A_601 = arith.shli %parallel_loop3A_578, %parallel_loop3A_600 : vector<16xi32>
      %parallel_loop3A_602 = vector.bitcast %parallel_loop3A_601 : vector<16xi32> to vector<16xf32>
      %parallel_loop3A_603 = arith.constant -65536 : i32
      %parallel_loop3A_604 = vector.broadcast %parallel_loop3A_603 : i32 to vector<16xi32>
      %parallel_loop3A_605 = arith.andi %parallel_loop3A_578, %parallel_loop3A_604 : vector<16xi32>
      %parallel_loop3A_606 = vector.bitcast %parallel_loop3A_605 : vector<16xi32> to vector<16xf32>
      %parallel_loop3A_607 = arith.constant 16 : i32
      %parallel_loop3A_608 = vector.broadcast %parallel_loop3A_607 : i32 to vector<16xi32>
      %parallel_loop3A_609 = arith.shli %parallel_loop3A_582, %parallel_loop3A_608 : vector<16xi32>
      %parallel_loop3A_610 = vector.bitcast %parallel_loop3A_609 : vector<16xi32> to vector<16xf32>
      %parallel_loop3A_611 = arith.constant -65536 : i32
      %parallel_loop3A_612 = vector.broadcast %parallel_loop3A_611 : i32 to vector<16xi32>
      %parallel_loop3A_613 = arith.andi %parallel_loop3A_582, %parallel_loop3A_612 : vector<16xi32>
      %parallel_loop3A_614 = vector.bitcast %parallel_loop3A_613 : vector<16xi32> to vector<16xf32>
      %parallel_loop3A_615 = arith.constant 16 : i32
      %parallel_loop3A_616 = vector.broadcast %parallel_loop3A_615 : i32 to vector<16xi32>
      %parallel_loop3A_617 = arith.shli %parallel_loop3A_586, %parallel_loop3A_616 : vector<16xi32>
      %parallel_loop3A_618 = vector.bitcast %parallel_loop3A_617 : vector<16xi32> to vector<16xf32>
      %parallel_loop3A_619 = arith.constant -65536 : i32
      %parallel_loop3A_620 = vector.broadcast %parallel_loop3A_619 : i32 to vector<16xi32>
      %parallel_loop3A_621 = arith.andi %parallel_loop3A_586, %parallel_loop3A_620 : vector<16xi32>
      %parallel_loop3A_622 = vector.bitcast %parallel_loop3A_621 : vector<16xi32> to vector<16xf32>
      %parallel_loop3A_623 = arith.constant 16 : i32
      %parallel_loop3A_624 = vector.broadcast %parallel_loop3A_623 : i32 to vector<16xi32>
      %parallel_loop3A_625 = arith.shli %parallel_loop3A_590, %parallel_loop3A_624 : vector<16xi32>
      %parallel_loop3A_626 = vector.bitcast %parallel_loop3A_625 : vector<16xi32> to vector<16xf32>
      %parallel_loop3A_627 = arith.constant -65536 : i32
      %parallel_loop3A_628 = vector.broadcast %parallel_loop3A_627 : i32 to vector<16xi32>
      %parallel_loop3A_629 = arith.andi %parallel_loop3A_590, %parallel_loop3A_628 : vector<16xi32>
      %parallel_loop3A_630 = vector.bitcast %parallel_loop3A_629 : vector<16xi32> to vector<16xf32>
      %parallel_loop3A_631 = arith.addf %parallel_loop3A_594, %parallel_loop3A_602 : vector<16xf32>
      %parallel_loop3A_632 = arith.addf %parallel_loop3A_610, %parallel_loop3A_618 : vector<16xf32>
      %parallel_loop3A_633 = arith.addf %parallel_loop3A_631, %parallel_loop3A_632 : vector<16xf32>
      %parallel_loop3A_634 = arith.addf %parallel_loop3A_633, %parallel_loop3A_626 : vector<16xf32>
      %parallel_loop3A_635 = arith.addf %parallel_loop3A_598, %parallel_loop3A_606 : vector<16xf32>
      %parallel_loop3A_636 = arith.addf %parallel_loop3A_614, %parallel_loop3A_622 : vector<16xf32>
      %parallel_loop3A_637 = arith.addf %parallel_loop3A_635, %parallel_loop3A_636 : vector<16xf32>
      %parallel_loop3A_638 = arith.addf %parallel_loop3A_637, %parallel_loop3A_630 : vector<16xf32>
      %parallel_loop3A_639 = arith.constant 128 : i32
      %parallel_loop3A_640 = arith.addi %parallel_loop3A_639, %parallel_loop3A_334 : i32
      %parallel_loop3A_641 = arith.index_cast %parallel_loop3A_640 : i32 to index
      %parallel_loop3A_642 = tpu.vector_load %arg7[%parallel_loop3A_641] {strides = array<i32>} : memref<36864xf32, #tpu.memory_space<vmem>>, vector<16xf32>,
      tpu.vector_store %arg7[%parallel_loop3A_641], %parallel_loop3A_634 {strides = array<i32>} : memref<36864xf32, #tpu.memory_space<vmem>>, vector<16xf32>,
      %parallel_loop3A_643 = arith.constant 16640 : i32
      %parallel_loop3A_644 = arith.addi %parallel_loop3A_643, %parallel_loop3A_334 : i32
      %parallel_loop3A_645 = arith.index_cast %parallel_loop3A_644 : i32 to index
      %parallel_loop3A_646 = tpu.vector_load %arg7[%parallel_loop3A_645] {strides = array<i32>} : memref<36864xf32, #tpu.memory_space<vmem>>, vector<16xf32>,
      tpu.vector_store %arg7[%parallel_loop3A_645], %parallel_loop3A_638 {strides = array<i32>} : memref<36864xf32, #tpu.memory_space<vmem>>, vector<16xf32>,
      %parallel_loop3A_647 = arith.constant 512 : i32
      %parallel_loop3A_648 = tpu.memref_slice %arg6[%parallel_loop3A_647] : memref<5120xi32, #tpu.memory_space<vmem>> -> memref<128xi32, #tpu.memory_space<vmem>>
      %parallel_loop3A_649 = tpu.vector_load_idx %parallel_loop3A_648[%parallel_loop3A_338] : memref<128xi32, #tpu.memory_space<vmem>>[vector<16xi32>], vector<16xi32>,
      %parallel_loop3A_650 = arith.constant 512 : i32
      %parallel_loop3A_651 = tpu.memref_slice %arg6[%parallel_loop3A_650] : memref<5120xi32, #tpu.memory_space<vmem>> -> memref<128xi32, #tpu.memory_space<vmem>>
      %parallel_loop3A_652 = tpu.vector_load_idx %parallel_loop3A_651[%parallel_loop3A_342] : memref<128xi32, #tpu.memory_space<vmem>>[vector<16xi32>], vector<16xi32>,
      %parallel_loop3A_653 = arith.constant 512 : i32
      %parallel_loop3A_654 = tpu.memref_slice %arg6[%parallel_loop3A_653] : memref<5120xi32, #tpu.memory_space<vmem>> -> memref<128xi32, #tpu.memory_space<vmem>>
      %parallel_loop3A_655 = tpu.vector_load_idx %parallel_loop3A_654[%parallel_loop3A_346] : memref<128xi32, #tpu.memory_space<vmem>>[vector<16xi32>], vector<16xi32>,
      %parallel_loop3A_656 = arith.constant 512 : i32
      %parallel_loop3A_657 = tpu.memref_slice %arg6[%parallel_loop3A_656] : memref<5120xi32, #tpu.memory_space<vmem>> -> memref<128xi32, #tpu.memory_space<vmem>>
      %parallel_loop3A_658 = tpu.vector_load_idx %parallel_loop3A_657[%parallel_loop3A_350] : memref<128xi32, #tpu.memory_space<vmem>>[vector<16xi32>], vector<16xi32>,
      %parallel_loop3A_659 = arith.constant 512 : i32
      %parallel_loop3A_660 = tpu.memref_slice %arg6[%parallel_loop3A_659] : memref<5120xi32, #tpu.memory_space<vmem>> -> memref<128xi32, #tpu.memory_space<vmem>>
      %parallel_loop3A_661 = tpu.vector_load_idx %parallel_loop3A_660[%parallel_loop3A_354] : memref<128xi32, #tpu.memory_space<vmem>>[vector<16xi32>], vector<16xi32>,
      %parallel_loop3A_662 = arith.constant 512 : i32
      %parallel_loop3A_663 = tpu.memref_slice %arg6[%parallel_loop3A_662] : memref<5120xi32, #tpu.memory_space<vmem>> -> memref<128xi32, #tpu.memory_space<vmem>>
      %parallel_loop3A_664 = tpu.vector_load_idx %parallel_loop3A_663[%parallel_loop3A_358] : memref<128xi32, #tpu.memory_space<vmem>>[vector<16xi32>], vector<16xi32>,
      %parallel_loop3A_665 = arith.constant 512 : i32
      %parallel_loop3A_666 = tpu.memref_slice %arg6[%parallel_loop3A_665] : memref<5120xi32, #tpu.memory_space<vmem>> -> memref<128xi32, #tpu.memory_space<vmem>>
      %parallel_loop3A_667 = tpu.vector_load_idx %parallel_loop3A_666[%parallel_loop3A_362] : memref<128xi32, #tpu.memory_space<vmem>>[vector<16xi32>], vector<16xi32>,
      %parallel_loop3A_668 = arith.constant 512 : i32
      %parallel_loop3A_669 = tpu.memref_slice %arg6[%parallel_loop3A_668] : memref<5120xi32, #tpu.memory_space<vmem>> -> memref<128xi32, #tpu.memory_space<vmem>>
      %parallel_loop3A_670 = tpu.vector_load_idx %parallel_loop3A_669[%parallel_loop3A_366] : memref<128xi32, #tpu.memory_space<vmem>>[vector<16xi32>], vector<16xi32>,
      %parallel_loop3A_671 = arith.constant 512 : i32
      %parallel_loop3A_672 = tpu.memref_slice %arg6[%parallel_loop3A_671] : memref<5120xi32, #tpu.memory_space<vmem>> -> memref<128xi32, #tpu.memory_space<vmem>>
      %parallel_loop3A_673 = tpu.vector_load_idx %parallel_loop3A_672[%parallel_loop3A_370] : memref<128xi32, #tpu.memory_space<vmem>>[vector<16xi32>], vector<16xi32>,
      %parallel_loop3A_674 = arith.constant 512 : i32
      %parallel_loop3A_675 = tpu.memref_slice %arg6[%parallel_loop3A_674] : memref<5120xi32, #tpu.memory_space<vmem>> -> memref<128xi32, #tpu.memory_space<vmem>>
      %parallel_loop3A_676 = tpu.vector_load_idx %parallel_loop3A_675[%parallel_loop3A_374] : memref<128xi32, #tpu.memory_space<vmem>>[vector<16xi32>], vector<16xi32>,
      %parallel_loop3A_677 = vector.bitcast %parallel_loop3A_437 : vector<16xi32> to vector<32xbf16>
      %parallel_loop3A_678 = vector.bitcast %parallel_loop3A_440 : vector<16xi32> to vector<32xbf16>
      %parallel_loop3A_679 = arith.addf %parallel_loop3A_677, %parallel_loop3A_678 : vector<32xbf16>
      %parallel_loop3A_680 = vector.bitcast %parallel_loop3A_679 : vector<32xbf16> to vector<16xi32>
      %parallel_loop3A_681 = vector.bitcast %parallel_loop3A_443 : vector<16xi32> to vector<32xbf16>
      %parallel_loop3A_682 = vector.bitcast %parallel_loop3A_446 : vector<16xi32> to vector<32xbf16>
      %parallel_loop3A_683 = arith.addf %parallel_loop3A_681, %parallel_loop3A_682 : vector<32xbf16>
      %parallel_loop3A_684 = vector.bitcast %parallel_loop3A_683 : vector<32xbf16> to vector<16xi32>
      %parallel_loop3A_685 = vector.bitcast %parallel_loop3A_449 : vector<16xi32> to vector<32xbf16>
      %parallel_loop3A_686 = vector.bitcast %parallel_loop3A_452 : vector<16xi32> to vector<32xbf16>
      %parallel_loop3A_687 = arith.addf %parallel_loop3A_685, %parallel_loop3A_686 : vector<32xbf16>
      %parallel_loop3A_688 = vector.bitcast %parallel_loop3A_687 : vector<32xbf16> to vector<16xi32>
      %parallel_loop3A_689 = vector.bitcast %parallel_loop3A_455 : vector<16xi32> to vector<32xbf16>
      %parallel_loop3A_690 = vector.bitcast %parallel_loop3A_458 : vector<16xi32> to vector<32xbf16>
      %parallel_loop3A_691 = arith.addf %parallel_loop3A_689, %parallel_loop3A_690 : vector<32xbf16>
      %parallel_loop3A_692 = vector.bitcast %parallel_loop3A_691 : vector<32xbf16> to vector<16xi32>
      %parallel_loop3A_693 = vector.bitcast %parallel_loop3A_461 : vector<16xi32> to vector<32xbf16>
      %parallel_loop3A_694 = vector.bitcast %parallel_loop3A_464 : vector<16xi32> to vector<32xbf16>
      %parallel_loop3A_695 = arith.addf %parallel_loop3A_693, %parallel_loop3A_694 : vector<32xbf16>
      %parallel_loop3A_696 = vector.bitcast %parallel_loop3A_695 : vector<32xbf16> to vector<16xi32>
      %parallel_loop3A_697 = arith.constant 16 : i32
      %parallel_loop3A_698 = vector.broadcast %parallel_loop3A_697 : i32 to vector<16xi32>
      %parallel_loop3A_699 = arith.shli %parallel_loop3A_680, %parallel_loop3A_698 : vector<16xi32>
      %parallel_loop3A_700 = vector.bitcast %parallel_loop3A_699 : vector<16xi32> to vector<16xf32>
      %parallel_loop3A_701 = arith.constant -65536 : i32
      %parallel_loop3A_702 = vector.broadcast %parallel_loop3A_701 : i32 to vector<16xi32>
      %parallel_loop3A_703 = arith.andi %parallel_loop3A_680, %parallel_loop3A_702 : vector<16xi32>
      %parallel_loop3A_704 = vector.bitcast %parallel_loop3A_703 : vector<16xi32> to vector<16xf32>
      %parallel_loop3A_705 = arith.constant 16 : i32
      %parallel_loop3A_706 = vector.broadcast %parallel_loop3A_705 : i32 to vector<16xi32>
      %parallel_loop3A_707 = arith.shli %parallel_loop3A_684, %parallel_loop3A_706 : vector<16xi32>
      %parallel_loop3A_708 = vector.bitcast %parallel_loop3A_707 : vector<16xi32> to vector<16xf32>
      %parallel_loop3A_709 = arith.constant -65536 : i32
      %parallel_loop3A_710 = vector.broadcast %parallel_loop3A_709 : i32 to vector<16xi32>
      %parallel_loop3A_711 = arith.andi %parallel_loop3A_684, %parallel_loop3A_710 : vector<16xi32>
      %parallel_loop3A_712 = vector.bitcast %parallel_loop3A_711 : vector<16xi32> to vector<16xf32>
      %parallel_loop3A_713 = arith.constant 16 : i32
      %parallel_loop3A_714 = vector.broadcast %parallel_loop3A_713 : i32 to vector<16xi32>
      %parallel_loop3A_715 = arith.shli %parallel_loop3A_688, %parallel_loop3A_714 : vector<16xi32>
      %parallel_loop3A_716 = vector.bitcast %parallel_loop3A_715 : vector<16xi32> to vector<16xf32>
      %parallel_loop3A_717 = arith.constant -65536 : i32
      %parallel_loop3A_718 = vector.broadcast %parallel_loop3A_717 : i32 to vector<16xi32>
      %parallel_loop3A_719 = arith.andi %parallel_loop3A_688, %parallel_loop3A_718 : vector<16xi32>
      %parallel_loop3A_720 = vector.bitcast %parallel_loop3A_719 : vector<16xi32> to vector<16xf32>
      %parallel_loop3A_721 = arith.constant 16 : i32
      %parallel_loop3A_722 = vector.broadcast %parallel_loop3A_721 : i32 to vector<16xi32>
      %parallel_loop3A_723 = arith.shli %parallel_loop3A_692, %parallel_loop3A_722 : vector<16xi32>
      %parallel_loop3A_724 = vector.bitcast %parallel_loop3A_723 : vector<16xi32> to vector<16xf32>
      %parallel_loop3A_725 = arith.constant -65536 : i32
      %parallel_loop3A_726 = vector.broadcast %parallel_loop3A_725 : i32 to vector<16xi32>
      %parallel_loop3A_727 = arith.andi %parallel_loop3A_692, %parallel_loop3A_726 : vector<16xi32>
      %parallel_loop3A_728 = vector.bitcast %parallel_loop3A_727 : vector<16xi32> to vector<16xf32>
      %parallel_loop3A_729 = arith.constant 16 : i32
      %parallel_loop3A_730 = vector.broadcast %parallel_loop3A_729 : i32 to vector<16xi32>
      %parallel_loop3A_731 = arith.shli %parallel_loop3A_696, %parallel_loop3A_730 : vector<16xi32>
      %parallel_loop3A_732 = vector.bitcast %parallel_loop3A_731 : vector<16xi32> to vector<16xf32>
      %parallel_loop3A_733 = arith.constant -65536 : i32
      %parallel_loop3A_734 = vector.broadcast %parallel_loop3A_733 : i32 to vector<16xi32>
      %parallel_loop3A_735 = arith.andi %parallel_loop3A_696, %parallel_loop3A_734 : vector<16xi32>
      %parallel_loop3A_736 = vector.bitcast %parallel_loop3A_735 : vector<16xi32> to vector<16xf32>
      %parallel_loop3A_737 = arith.addf %parallel_loop3A_700, %parallel_loop3A_708 : vector<16xf32>
      %parallel_loop3A_738 = arith.addf %parallel_loop3A_716, %parallel_loop3A_724 : vector<16xf32>
      %parallel_loop3A_739 = arith.addf %parallel_loop3A_737, %parallel_loop3A_738 : vector<16xf32>
      %parallel_loop3A_740 = arith.addf %parallel_loop3A_739, %parallel_loop3A_732 : vector<16xf32>
      %parallel_loop3A_741 = arith.addf %parallel_loop3A_704, %parallel_loop3A_712 : vector<16xf32>
      %parallel_loop3A_742 = arith.addf %parallel_loop3A_720, %parallel_loop3A_728 : vector<16xf32>
      %parallel_loop3A_743 = arith.addf %parallel_loop3A_741, %parallel_loop3A_742 : vector<16xf32>
      %parallel_loop3A_744 = arith.addf %parallel_loop3A_743, %parallel_loop3A_736 : vector<16xf32>
      %parallel_loop3A_745 = arith.constant 256 : i32
      %parallel_loop3A_746 = arith.addi %parallel_loop3A_745, %parallel_loop3A_334 : i32
      %parallel_loop3A_747 = arith.index_cast %parallel_loop3A_746 : i32 to index
      %parallel_loop3A_748 = tpu.vector_load %arg7[%parallel_loop3A_747] {strides = array<i32>} : memref<36864xf32, #tpu.memory_space<vmem>>, vector<16xf32>,
      tpu.vector_store %arg7[%parallel_loop3A_747], %parallel_loop3A_740 {strides = array<i32>} : memref<36864xf32, #tpu.memory_space<vmem>>, vector<16xf32>,
      %parallel_loop3A_749 = arith.constant 16768 : i32
      %parallel_loop3A_750 = arith.addi %parallel_loop3A_749, %parallel_loop3A_334 : i32
      %parallel_loop3A_751 = arith.index_cast %parallel_loop3A_750 : i32 to index
      %parallel_loop3A_752 = tpu.vector_load %arg7[%parallel_loop3A_751] {strides = array<i32>} : memref<36864xf32, #tpu.memory_space<vmem>>, vector<16xf32>,
      tpu.vector_store %arg7[%parallel_loop3A_751], %parallel_loop3A_744 {strides = array<i32>} : memref<36864xf32, #tpu.memory_space<vmem>>, vector<16xf32>,
      %parallel_loop3A_753 = arith.constant 640 : i32
      %parallel_loop3A_754 = tpu.memref_slice %arg6[%parallel_loop3A_753] : memref<5120xi32, #tpu.memory_space<vmem>> -> memref<128xi32, #tpu.memory_space<vmem>>
      %parallel_loop3A_755 = tpu.vector_load_idx %parallel_loop3A_754[%parallel_loop3A_338] : memref<128xi32, #tpu.memory_space<vmem>>[vector<16xi32>], vector<16xi32>,
      %parallel_loop3A_756 = arith.constant 640 : i32
      %parallel_loop3A_757 = tpu.memref_slice %arg6[%parallel_loop3A_756] : memref<5120xi32, #tpu.memory_space<vmem>> -> memref<128xi32, #tpu.memory_space<vmem>>
      %parallel_loop3A_758 = tpu.vector_load_idx %parallel_loop3A_757[%parallel_loop3A_342] : memref<128xi32, #tpu.memory_space<vmem>>[vector<16xi32>], vector<16xi32>,
      %parallel_loop3A_759 = arith.constant 640 : i32
      %parallel_loop3A_760 = tpu.memref_slice %arg6[%parallel_loop3A_759] : memref<5120xi32, #tpu.memory_space<vmem>> -> memref<128xi32, #tpu.memory_space<vmem>>
      %parallel_loop3A_761 = tpu.vector_load_idx %parallel_loop3A_760[%parallel_loop3A_346] : memref<128xi32, #tpu.memory_space<vmem>>[vector<16xi32>], vector<16xi32>,
      %parallel_loop3A_762 = arith.constant 640 : i32
      %parallel_loop3A_763 = tpu.memref_slice %arg6[%parallel_loop3A_762] : memref<5120xi32, #tpu.memory_space<vmem>> -> memref<128xi32, #tpu.memory_space<vmem>>
      %parallel_loop3A_764 = tpu.vector_load_idx %parallel_loop3A_763[%parallel_loop3A_350] : memref<128xi32, #tpu.memory_space<vmem>>[vector<16xi32>], vector<16xi32>,
      %parallel_loop3A_765 = arith.constant 640 : i32
      %parallel_loop3A_766 = tpu.memref_slice %arg6[%parallel_loop3A_765] : memref<5120xi32, #tpu.memory_space<vmem>> -> memref<128xi32, #tpu.memory_space<vmem>>
      %parallel_loop3A_767 = tpu.vector_load_idx %parallel_loop3A_766[%parallel_loop3A_354] : memref<128xi32, #tpu.memory_space<vmem>>[vector<16xi32>], vector<16xi32>,
      %parallel_loop3A_768 = arith.constant 640 : i32
      %parallel_loop3A_769 = tpu.memref_slice %arg6[%parallel_loop3A_768] : memref<5120xi32, #tpu.memory_space<vmem>> -> memref<128xi32, #tpu.memory_space<vmem>>
      %parallel_loop3A_770 = tpu.vector_load_idx %parallel_loop3A_769[%parallel_loop3A_358] : memref<128xi32, #tpu.memory_space<vmem>>[vector<16xi32>], vector<16xi32>,
      %parallel_loop3A_771 = arith.constant 640 : i32
      %parallel_loop3A_772 = tpu.memref_slice %arg6[%parallel_loop3A_771] : memref<5120xi32, #tpu.memory_space<vmem>> -> memref<128xi32, #tpu.memory_space<vmem>>
      %parallel_loop3A_773 = tpu.vector_load_idx %parallel_loop3A_772[%parallel_loop3A_362] : memref<128xi32, #tpu.memory_space<vmem>>[vector<16xi32>], vector<16xi32>,
      %parallel_loop3A_774 = arith.constant 640 : i32
      %parallel_loop3A_775 = tpu.memref_slice %arg6[%parallel_loop3A_774] : memref<5120xi32, #tpu.memory_space<vmem>> -> memref<128xi32, #tpu.memory_space<vmem>>
      %parallel_loop3A_776 = tpu.vector_load_idx %parallel_loop3A_775[%parallel_loop3A_366] : memref<128xi32, #tpu.memory_space<vmem>>[vector<16xi32>], vector<16xi32>,
      %parallel_loop3A_777 = arith.constant 640 : i32
      %parallel_loop3A_778 = tpu.memref_slice %arg6[%parallel_loop3A_777] : memref<5120xi32, #tpu.memory_space<vmem>> -> memref<128xi32, #tpu.memory_space<vmem>>
      %parallel_loop3A_779 = tpu.vector_load_idx %parallel_loop3A_778[%parallel_loop3A_370] : memref<128xi32, #tpu.memory_space<vmem>>[vector<16xi32>], vector<16xi32>,
      %parallel_loop3A_780 = arith.constant 640 : i32
      %parallel_loop3A_781 = tpu.memref_slice %arg6[%parallel_loop3A_780] : memref<5120xi32, #tpu.memory_space<vmem>> -> memref<128xi32, #tpu.memory_space<vmem>>
      %parallel_loop3A_782 = tpu.vector_load_idx %parallel_loop3A_781[%parallel_loop3A_374] : memref<128xi32, #tpu.memory_space<vmem>>[vector<16xi32>], vector<16xi32>,
      %parallel_loop3A_783 = vector.bitcast %parallel_loop3A_543 : vector<16xi32> to vector<32xbf16>
      %parallel_loop3A_784 = vector.bitcast %parallel_loop3A_546 : vector<16xi32> to vector<32xbf16>
      %parallel_loop3A_785 = arith.addf %parallel_loop3A_783, %parallel_loop3A_784 : vector<32xbf16>
      %parallel_loop3A_786 = vector.bitcast %parallel_loop3A_785 : vector<32xbf16> to vector<16xi32>
      %parallel_loop3A_787 = vector.bitcast %parallel_loop3A_549 : vector<16xi32> to vector<32xbf16>
      %parallel_loop3A_788 = vector.bitcast %parallel_loop3A_552 : vector<16xi32> to vector<32xbf16>
      %parallel_loop3A_789 = arith.addf %parallel_loop3A_787, %parallel_loop3A_788 : vector<32xbf16>
      %parallel_loop3A_790 = vector.bitcast %parallel_loop3A_789 : vector<32xbf16> to vector<16xi32>
      %parallel_loop3A_791 = vector.bitcast %parallel_loop3A_555 : vector<16xi32> to vector<32xbf16>
      %parallel_loop3A_792 = vector.bitcast %parallel_loop3A_558 : vector<16xi32> to vector<32xbf16>
      %parallel_loop3A_793 = arith.addf %parallel_loop3A_791, %parallel_loop3A_792 : vector<32xbf16>
      %parallel_loop3A_794 = vector.bitcast %parallel_loop3A_793 : vector<32xbf16> to vector<16xi32>
      %parallel_loop3A_795 = vector.bitcast %parallel_loop3A_561 : vector<16xi32> to vector<32xbf16>
      %parallel_loop3A_796 = vector.bitcast %parallel_loop3A_564 : vector<16xi32> to vector<32xbf16>
      %parallel_loop3A_797 = arith.addf %parallel_loop3A_795, %parallel_loop3A_796 : vector<32xbf16>
      %parallel_loop3A_798 = vector.bitcast %parallel_loop3A_797 : vector<32xbf16> to vector<16xi32>
      %parallel_loop3A_799 = vector.bitcast %parallel_loop3A_567 : vector<16xi32> to vector<32xbf16>
      %parallel_loop3A_800 = vector.bitcast %parallel_loop3A_570 : vector<16xi32> to vector<32xbf16>
      %parallel_loop3A_801 = arith.addf %parallel_loop3A_799, %parallel_loop3A_800 : vector<32xbf16>
      %parallel_loop3A_802 = vector.bitcast %parallel_loop3A_801 : vector<32xbf16> to vector<16xi32>
      %parallel_loop3A_803 = arith.constant 16 : i32
      %parallel_loop3A_804 = vector.broadcast %parallel_loop3A_803 : i32 to vector<16xi32>
      %parallel_loop3A_805 = arith.shli %parallel_loop3A_786, %parallel_loop3A_804 : vector<16xi32>
      %parallel_loop3A_806 = vector.bitcast %parallel_loop3A_805 : vector<16xi32> to vector<16xf32>
      %parallel_loop3A_807 = arith.constant -65536 : i32
      %parallel_loop3A_808 = vector.broadcast %parallel_loop3A_807 : i32 to vector<16xi32>
      %parallel_loop3A_809 = arith.andi %parallel_loop3A_786, %parallel_loop3A_808 : vector<16xi32>
      %parallel_loop3A_810 = vector.bitcast %parallel_loop3A_809 : vector<16xi32> to vector<16xf32>
      %parallel_loop3A_811 = arith.constant 16 : i32
      %parallel_loop3A_812 = vector.broadcast %parallel_loop3A_811 : i32 to vector<16xi32>
      %parallel_loop3A_813 = arith.shli %parallel_loop3A_790, %parallel_loop3A_812 : vector<16xi32>
      %parallel_loop3A_814 = vector.bitcast %parallel_loop3A_813 : vector<16xi32> to vector<16xf32>
      %parallel_loop3A_815 = arith.constant -65536 : i32
      %parallel_loop3A_816 = vector.broadcast %parallel_loop3A_815 : i32 to vector<16xi32>
      %parallel_loop3A_817 = arith.andi %parallel_loop3A_790, %parallel_loop3A_816 : vector<16xi32>
      %parallel_loop3A_818 = vector.bitcast %parallel_loop3A_817 : vector<16xi32> to vector<16xf32>
      %parallel_loop3A_819 = arith.constant 16 : i32
      %parallel_loop3A_820 = vector.broadcast %parallel_loop3A_819 : i32 to vector<16xi32>
      %parallel_loop3A_821 = arith.shli %parallel_loop3A_794, %parallel_loop3A_820 : vector<16xi32>
      %parallel_loop3A_822 = vector.bitcast %parallel_loop3A_821 : vector<16xi32> to vector<16xf32>
      %parallel_loop3A_823 = arith.constant -65536 : i32
      %parallel_loop3A_824 = vector.broadcast %parallel_loop3A_823 : i32 to vector<16xi32>
      %parallel_loop3A_825 = arith.andi %parallel_loop3A_794, %parallel_loop3A_824 : vector<16xi32>
      %parallel_loop3A_826 = vector.bitcast %parallel_loop3A_825 : vector<16xi32> to vector<16xf32>
      %parallel_loop3A_827 = arith.constant 16 : i32
      %parallel_loop3A_828 = vector.broadcast %parallel_loop3A_827 : i32 to vector<16xi32>
      %parallel_loop3A_829 = arith.shli %parallel_loop3A_798, %parallel_loop3A_828 : vector<16xi32>
      %parallel_loop3A_830 = vector.bitcast %parallel_loop3A_829 : vector<16xi32> to vector<16xf32>
      %parallel_loop3A_831 = arith.constant -65536 : i32
      %parallel_loop3A_832 = vector.broadcast %parallel_loop3A_831 : i32 to vector<16xi32>
      %parallel_loop3A_833 = arith.andi %parallel_loop3A_798, %parallel_loop3A_832 : vector<16xi32>
      %parallel_loop3A_834 = vector.bitcast %parallel_loop3A_833 : vector<16xi32> to vector<16xf32>
      %parallel_loop3A_835 = arith.constant 16 : i32
      %parallel_loop3A_836 = vector.broadcast %parallel_loop3A_835 : i32 to vector<16xi32>
      %parallel_loop3A_837 = arith.shli %parallel_loop3A_802, %parallel_loop3A_836 : vector<16xi32>
      %parallel_loop3A_838 = vector.bitcast %parallel_loop3A_837 : vector<16xi32> to vector<16xf32>
      %parallel_loop3A_839 = arith.constant -65536 : i32
      %parallel_loop3A_840 = vector.broadcast %parallel_loop3A_839 : i32 to vector<16xi32>
      %parallel_loop3A_841 = arith.andi %parallel_loop3A_802, %parallel_loop3A_840 : vector<16xi32>
      %parallel_loop3A_842 = vector.bitcast %parallel_loop3A_841 : vector<16xi32> to vector<16xf32>
      %parallel_loop3A_843 = arith.addf %parallel_loop3A_806, %parallel_loop3A_814 : vector<16xf32>
      %parallel_loop3A_844 = arith.addf %parallel_loop3A_822, %parallel_loop3A_830 : vector<16xf32>
      %parallel_loop3A_845 = arith.addf %parallel_loop3A_843, %parallel_loop3A_844 : vector<16xf32>
      %parallel_loop3A_846 = arith.addf %parallel_loop3A_845, %parallel_loop3A_838 : vector<16xf32>
      %parallel_loop3A_847 = arith.addf %parallel_loop3A_810, %parallel_loop3A_818 : vector<16xf32>
      %parallel_loop3A_848 = arith.addf %parallel_loop3A_826, %parallel_loop3A_834 : vector<16xf32>
      %parallel_loop3A_849 = arith.addf %parallel_loop3A_847, %parallel_loop3A_848 : vector<16xf32>
      %parallel_loop3A_850 = arith.addf %parallel_loop3A_849, %parallel_loop3A_842 : vector<16xf32>
      %parallel_loop3A_851 = arith.constant 384 : i32
      %parallel_loop3A_852 = arith.addi %parallel_loop3A_851, %parallel_loop3A_334 : i32
      %parallel_loop3A_853 = arith.index_cast %parallel_loop3A_852 : i32 to index
      %parallel_loop3A_854 = tpu.vector_load %arg7[%parallel_loop3A_853] {strides = array<i32>} : memref<36864xf32, #tpu.memory_space<vmem>>, vector<16xf32>,
      tpu.vector_store %arg7[%parallel_loop3A_853], %parallel_loop3A_846 {strides = array<i32>} : memref<36864xf32, #tpu.memory_space<vmem>>, vector<16xf32>,
      %parallel_loop3A_855 = arith.constant 16896 : i32
      %parallel_loop3A_856 = arith.addi %parallel_loop3A_855, %parallel_loop3A_334 : i32
      %parallel_loop3A_857 = arith.index_cast %parallel_loop3A_856 : i32 to index
      %parallel_loop3A_858 = tpu.vector_load %arg7[%parallel_loop3A_857] {strides = array<i32>} : memref<36864xf32, #tpu.memory_space<vmem>>, vector<16xf32>,
      tpu.vector_store %arg7[%parallel_loop3A_857], %parallel_loop3A_850 {strides = array<i32>} : memref<36864xf32, #tpu.memory_space<vmem>>, vector<16xf32>,
      %parallel_loop3A_859 = arith.constant 768 : i32
      %parallel_loop3A_860 = tpu.memref_slice %arg6[%parallel_loop3A_859] : memref<5120xi32, #tpu.memory_space<vmem>> -> memref<128xi32, #tpu.memory_space<vmem>>
      %parallel_loop3A_861 = tpu.vector_load_idx %parallel_loop3A_860[%parallel_loop3A_338] : memref<128xi32, #tpu.memory_space<vmem>>[vector<16xi32>], vector<16xi32>,
      %parallel_loop3A_862 = arith.constant 768 : i32
      %parallel_loop3A_863 = tpu.memref_slice %arg6[%parallel_loop3A_862] : memref<5120xi32, #tpu.memory_space<vmem>> -> memref<128xi32, #tpu.memory_space<vmem>>
      %parallel_loop3A_864 = tpu.vector_load_idx %parallel_loop3A_863[%parallel_loop3A_342] : memref<128xi32, #tpu.memory_space<vmem>>[vector<16xi32>], vector<16xi32>,
      %parallel_loop3A_865 = arith.constant 768 : i32
      %parallel_loop3A_866 = tpu.memref_slice %arg6[%parallel_loop3A_865] : memref<5120xi32, #tpu.memory_space<vmem>> -> memref<128xi32, #tpu.memory_space<vmem>>
      %parallel_loop3A_867 = tpu.vector_load_idx %parallel_loop3A_866[%parallel_loop3A_346] : memref<128xi32, #tpu.memory_space<vmem>>[vector<16xi32>], vector<16xi32>,
      %parallel_loop3A_868 = arith.constant 768 : i32
      %parallel_loop3A_869 = tpu.memref_slice %arg6[%parallel_loop3A_868] : memref<5120xi32, #tpu.memory_space<vmem>> -> memref<128xi32, #tpu.memory_space<vmem>>
      %parallel_loop3A_870 = tpu.vector_load_idx %parallel_loop3A_869[%parallel_loop3A_350] : memref<128xi32, #tpu.memory_space<vmem>>[vector<16xi32>], vector<16xi32>,
      %parallel_loop3A_871 = arith.constant 768 : i32
      %parallel_loop3A_872 = tpu.memref_slice %arg6[%parallel_loop3A_871] : memref<5120xi32, #tpu.memory_space<vmem>> -> memref<128xi32, #tpu.memory_space<vmem>>
      %parallel_loop3A_873 = tpu.vector_load_idx %parallel_loop3A_872[%parallel_loop3A_354] : memref<128xi32, #tpu.memory_space<vmem>>[vector<16xi32>], vector<16xi32>,
      %parallel_loop3A_874 = arith.constant 768 : i32
      %parallel_loop3A_875 = tpu.memref_slice %arg6[%parallel_loop3A_874] : memref<5120xi32, #tpu.memory_space<vmem>> -> memref<128xi32, #tpu.memory_space<vmem>>
      %parallel_loop3A_876 = tpu.vector_load_idx %parallel_loop3A_875[%parallel_loop3A_358] : memref<128xi32, #tpu.memory_space<vmem>>[vector<16xi32>], vector<16xi32>,
      %parallel_loop3A_877 = arith.constant 768 : i32
      %parallel_loop3A_878 = tpu.memref_slice %arg6[%parallel_loop3A_877] : memref<5120xi32, #tpu.memory_space<vmem>> -> memref<128xi32, #tpu.memory_space<vmem>>
      %parallel_loop3A_879 = tpu.vector_load_idx %parallel_loop3A_878[%parallel_loop3A_362] : memref<128xi32, #tpu.memory_space<vmem>>[vector<16xi32>], vector<16xi32>,
      %parallel_loop3A_880 = arith.constant 768 : i32
      %parallel_loop3A_881 = tpu.memref_slice %arg6[%parallel_loop3A_880] : memref<5120xi32, #tpu.memory_space<vmem>> -> memref<128xi32, #tpu.memory_space<vmem>>
      %parallel_loop3A_882 = tpu.vector_load_idx %parallel_loop3A_881[%parallel_loop3A_366] : memref<128xi32, #tpu.memory_space<vmem>>[vector<16xi32>], vector<16xi32>,
      %parallel_loop3A_883 = arith.constant 768 : i32
      %parallel_loop3A_884 = tpu.memref_slice %arg6[%parallel_loop3A_883] : memref<5120xi32, #tpu.memory_space<vmem>> -> memref<128xi32, #tpu.memory_space<vmem>>
      %parallel_loop3A_885 = tpu.vector_load_idx %parallel_loop3A_884[%parallel_loop3A_370] : memref<128xi32, #tpu.memory_space<vmem>>[vector<16xi32>], vector<16xi32>,
      %parallel_loop3A_886 = arith.constant 768 : i32
      %parallel_loop3A_887 = tpu.memref_slice %arg6[%parallel_loop3A_886] : memref<5120xi32, #tpu.memory_space<vmem>> -> memref<128xi32, #tpu.memory_space<vmem>>
      %parallel_loop3A_888 = tpu.vector_load_idx %parallel_loop3A_887[%parallel_loop3A_374] : memref<128xi32, #tpu.memory_space<vmem>>[vector<16xi32>], vector<16xi32>,
      %parallel_loop3A_889 = vector.bitcast %parallel_loop3A_649 : vector<16xi32> to vector<32xbf16>
      %parallel_loop3A_890 = vector.bitcast %parallel_loop3A_652 : vector<16xi32> to vector<32xbf16>
      %parallel_loop3A_891 = arith.addf %parallel_loop3A_889, %parallel_loop3A_890 : vector<32xbf16>
      %parallel_loop3A_892 = vector.bitcast %parallel_loop3A_891 : vector<32xbf16> to vector<16xi32>
      %parallel_loop3A_893 = vector.bitcast %parallel_loop3A_655 : vector<16xi32> to vector<32xbf16>
      %parallel_loop3A_894 = vector.bitcast %parallel_loop3A_658 : vector<16xi32> to vector<32xbf16>
      %parallel_loop3A_895 = arith.addf %parallel_loop3A_893, %parallel_loop3A_894 : vector<32xbf16>
      %parallel_loop3A_896 = vector.bitcast %parallel_loop3A_895 : vector<32xbf16> to vector<16xi32>
      %parallel_loop3A_897 = vector.bitcast %parallel_loop3A_661 : vector<16xi32> to vector<32xbf16>
      %parallel_loop3A_898 = vector.bitcast %parallel_loop3A_664 : vector<16xi32> to vector<32xbf16>
      %parallel_loop3A_899 = arith.addf %parallel_loop3A_897, %parallel_loop3A_898 : vector<32xbf16>
      %parallel_loop3A_900 = vector.bitcast %parallel_loop3A_899 : vector<32xbf16> to vector<16xi32>
      %parallel_loop3A_901 = vector.bitcast %parallel_loop3A_667 : vector<16xi32> to vector<32xbf16>
      %parallel_loop3A_902 = vector.bitcast %parallel_loop3A_670 : vector<16xi32> to vector<32xbf16>
      %parallel_loop3A_903 = arith.addf %parallel_loop3A_901, %parallel_loop3A_902 : vector<32xbf16>
      %parallel_loop3A_904 = vector.bitcast %parallel_loop3A_903 : vector<32xbf16> to vector<16xi32>
      %parallel_loop3A_905 = vector.bitcast %parallel_loop3A_673 : vector<16xi32> to vector<32xbf16>
      %parallel_loop3A_906 = vector.bitcast %parallel_loop3A_676 : vector<16xi32> to vector<32xbf16>
      %parallel_loop3A_907 = arith.addf %parallel_loop3A_905, %parallel_loop3A_906 : vector<32xbf16>
      %parallel_loop3A_908 = vector.bitcast %parallel_loop3A_907 : vector<32xbf16> to vector<16xi32>
      %parallel_loop3A_909 = arith.constant 16 : i32
      %parallel_loop3A_910 = vector.broadcast %parallel_loop3A_909 : i32 to vector<16xi32>
      %parallel_loop3A_911 = arith.shli %parallel_loop3A_892, %parallel_loop3A_910 : vector<16xi32>
      %parallel_loop3A_912 = vector.bitcast %parallel_loop3A_911 : vector<16xi32> to vector<16xf32>
      %parallel_loop3A_913 = arith.constant -65536 : i32
      %parallel_loop3A_914 = vector.broadcast %parallel_loop3A_913 : i32 to vector<16xi32>
      %parallel_loop3A_915 = arith.andi %parallel_loop3A_892, %parallel_loop3A_914 : vector<16xi32>
      %parallel_loop3A_916 = vector.bitcast %parallel_loop3A_915 : vector<16xi32> to vector<16xf32>
      %parallel_loop3A_917 = arith.constant 16 : i32
      %parallel_loop3A_918 = vector.broadcast %parallel_loop3A_917 : i32 to vector<16xi32>
      %parallel_loop3A_919 = arith.shli %parallel_loop3A_896, %parallel_loop3A_918 : vector<16xi32>
      %parallel_loop3A_920 = vector.bitcast %parallel_loop3A_919 : vector<16xi32> to vector<16xf32>
      %parallel_loop3A_921 = arith.constant -65536 : i32
      %parallel_loop3A_922 = vector.broadcast %parallel_loop3A_921 : i32 to vector<16xi32>
      %parallel_loop3A_923 = arith.andi %parallel_loop3A_896, %parallel_loop3A_922 : vector<16xi32>
      %parallel_loop3A_924 = vector.bitcast %parallel_loop3A_923 : vector<16xi32> to vector<16xf32>
      %parallel_loop3A_925 = arith.constant 16 : i32
      %parallel_loop3A_926 = vector.broadcast %parallel_loop3A_925 : i32 to vector<16xi32>
      %parallel_loop3A_927 = arith.shli %parallel_loop3A_900, %parallel_loop3A_926 : vector<16xi32>
      %parallel_loop3A_928 = vector.bitcast %parallel_loop3A_927 : vector<16xi32> to vector<16xf32>
      %parallel_loop3A_929 = arith.constant -65536 : i32
      %parallel_loop3A_930 = vector.broadcast %parallel_loop3A_929 : i32 to vector<16xi32>
      %parallel_loop3A_931 = arith.andi %parallel_loop3A_900, %parallel_loop3A_930 : vector<16xi32>
      %parallel_loop3A_932 = vector.bitcast %parallel_loop3A_931 : vector<16xi32> to vector<16xf32>
      %parallel_loop3A_933 = arith.constant 16 : i32
      %parallel_loop3A_934 = vector.broadcast %parallel_loop3A_933 : i32 to vector<16xi32>
      %parallel_loop3A_935 = arith.shli %parallel_loop3A_904, %parallel_loop3A_934 : vector<16xi32>
      %parallel_loop3A_936 = vector.bitcast %parallel_loop3A_935 : vector<16xi32> to vector<16xf32>
      %parallel_loop3A_937 = arith.constant -65536 : i32
      %parallel_loop3A_938 = vector.broadcast %parallel_loop3A_937 : i32 to vector<16xi32>
      %parallel_loop3A_939 = arith.andi %parallel_loop3A_904, %parallel_loop3A_938 : vector<16xi32>
      %parallel_loop3A_940 = vector.bitcast %parallel_loop3A_939 : vector<16xi32> to vector<16xf32>
      %parallel_loop3A_941 = arith.constant 16 : i32
      %parallel_loop3A_942 = vector.broadcast %parallel_loop3A_941 : i32 to vector<16xi32>
      %parallel_loop3A_943 = arith.shli %parallel_loop3A_908, %parallel_loop3A_942 : vector<16xi32>
      %parallel_loop3A_944 = vector.bitcast %parallel_loop3A_943 : vector<16xi32> to vector<16xf32>
      %parallel_loop3A_945 = arith.constant -65536 : i32
      %parallel_loop3A_946 = vector.broadcast %parallel_loop3A_945 : i32 to vector<16xi32>
      %parallel_loop3A_947 = arith.andi %parallel_loop3A_908, %parallel_loop3A_946 : vector<16xi32>
      %parallel_loop3A_948 = vector.bitcast %parallel_loop3A_947 : vector<16xi32> to vector<16xf32>
      %parallel_loop3A_949 = arith.addf %parallel_loop3A_912, %parallel_loop3A_920 : vector<16xf32>
      %parallel_loop3A_950 = arith.addf %parallel_loop3A_928, %parallel_loop3A_936 : vector<16xf32>
      %parallel_loop3A_951 = arith.addf %parallel_loop3A_949, %parallel_loop3A_950 : vector<16xf32>
      %parallel_loop3A_952 = arith.addf %parallel_loop3A_951, %parallel_loop3A_944 : vector<16xf32>
      %parallel_loop3A_953 = arith.addf %parallel_loop3A_916, %parallel_loop3A_924 : vector<16xf32>
      %parallel_loop3A_954 = arith.addf %parallel_loop3A_932, %parallel_loop3A_940 : vector<16xf32>
      %parallel_loop3A_955 = arith.addf %parallel_loop3A_953, %parallel_loop3A_954 : vector<16xf32>
      %parallel_loop3A_956 = arith.addf %parallel_loop3A_955, %parallel_loop3A_948 : vector<16xf32>
      %parallel_loop3A_957 = arith.constant 512 : i32
      %parallel_loop3A_958 = arith.addi %parallel_loop3A_957, %parallel_loop3A_334 : i32
      %parallel_loop3A_959 = arith.index_cast %parallel_loop3A_958 : i32 to index
      %parallel_loop3A_960 = tpu.vector_load %arg7[%parallel_loop3A_959] {strides = array<i32>} : memref<36864xf32, #tpu.memory_space<vmem>>, vector<16xf32>,
      tpu.vector_store %arg7[%parallel_loop3A_959], %parallel_loop3A_952 {strides = array<i32>} : memref<36864xf32, #tpu.memory_space<vmem>>, vector<16xf32>,
      %parallel_loop3A_961 = arith.constant 17024 : i32
      %parallel_loop3A_962 = arith.addi %parallel_loop3A_961, %parallel_loop3A_334 : i32
      %parallel_loop3A_963 = arith.index_cast %parallel_loop3A_962 : i32 to index
      %parallel_loop3A_964 = tpu.vector_load %arg7[%parallel_loop3A_963] {strides = array<i32>} : memref<36864xf32, #tpu.memory_space<vmem>>, vector<16xf32>,
      tpu.vector_store %arg7[%parallel_loop3A_963], %parallel_loop3A_956 {strides = array<i32>} : memref<36864xf32, #tpu.memory_space<vmem>>, vector<16xf32>,
      %parallel_loop3A_965 = arith.constant 896 : i32
      %parallel_loop3A_966 = tpu.memref_slice %arg6[%parallel_loop3A_965] : memref<5120xi32, #tpu.memory_space<vmem>> -> memref<128xi32, #tpu.memory_space<vmem>>
      %parallel_loop3A_967 = tpu.vector_load_idx %parallel_loop3A_966[%parallel_loop3A_338] : memref<128xi32, #tpu.memory_space<vmem>>[vector<16xi32>], vector<16xi32>,
      %parallel_loop3A_968 = arith.constant 896 : i32
      %parallel_loop3A_969 = tpu.memref_slice %arg6[%parallel_loop3A_968] : memref<5120xi32, #tpu.memory_space<vmem>> -> memref<128xi32, #tpu.memory_space<vmem>>
      %parallel_loop3A_970 = tpu.vector_load_idx %parallel_loop3A_969[%parallel_loop3A_342] : memref<128xi32, #tpu.memory_space<vmem>>[vector<16xi32>], vector<16xi32>,
      %parallel_loop3A_971 = arith.constant 896 : i32
      %parallel_loop3A_972 = tpu.memref_slice %arg6[%parallel_loop3A_971] : memref<5120xi32, #tpu.memory_space<vmem>> -> memref<128xi32, #tpu.memory_space<vmem>>
      %parallel_loop3A_973 = tpu.vector_load_idx %parallel_loop3A_972[%parallel_loop3A_346] : memref<128xi32, #tpu.memory_space<vmem>>[vector<16xi32>], vector<16xi32>,
      %parallel_loop3A_974 = arith.constant 896 : i32
      %parallel_loop3A_975 = tpu.memref_slice %arg6[%parallel_loop3A_974] : memref<5120xi32, #tpu.memory_space<vmem>> -> memref<128xi32, #tpu.memory_space<vmem>>
      %parallel_loop3A_976 = tpu.vector_load_idx %parallel_loop3A_975[%parallel_loop3A_350] : memref<128xi32, #tpu.memory_space<vmem>>[vector<16xi32>], vector<16xi32>,
      %parallel_loop3A_977 = arith.constant 896 : i32
      %parallel_loop3A_978 = tpu.memref_slice %arg6[%parallel_loop3A_977] : memref<5120xi32, #tpu.memory_space<vmem>> -> memref<128xi32, #tpu.memory_space<vmem>>
      %parallel_loop3A_979 = tpu.vector_load_idx %parallel_loop3A_978[%parallel_loop3A_354] : memref<128xi32, #tpu.memory_space<vmem>>[vector<16xi32>], vector<16xi32>,
      %parallel_loop3A_980 = arith.constant 896 : i32
      %parallel_loop3A_981 = tpu.memref_slice %arg6[%parallel_loop3A_980] : memref<5120xi32, #tpu.memory_space<vmem>> -> memref<128xi32, #tpu.memory_space<vmem>>
      %parallel_loop3A_982 = tpu.vector_load_idx %parallel_loop3A_981[%parallel_loop3A_358] : memref<128xi32, #tpu.memory_space<vmem>>[vector<16xi32>], vector<16xi32>,
      %parallel_loop3A_983 = arith.constant 896 : i32
      %parallel_loop3A_984 = tpu.memref_slice %arg6[%parallel_loop3A_983] : memref<5120xi32, #tpu.memory_space<vmem>> -> memref<128xi32, #tpu.memory_space<vmem>>
      %parallel_loop3A_985 = tpu.vector_load_idx %parallel_loop3A_984[%parallel_loop3A_362] : memref<128xi32, #tpu.memory_space<vmem>>[vector<16xi32>], vector<16xi32>,
      %parallel_loop3A_986 = arith.constant 896 : i32
      %parallel_loop3A_987 = tpu.memref_slice %arg6[%parallel_loop3A_986] : memref<5120xi32, #tpu.memory_space<vmem>> -> memref<128xi32, #tpu.memory_space<vmem>>
      %parallel_loop3A_988 = tpu.vector_load_idx %parallel_loop3A_987[%parallel_loop3A_366] : memref<128xi32, #tpu.memory_space<vmem>>[vector<16xi32>], vector<16xi32>,
      %parallel_loop3A_989 = arith.constant 896 : i32
      %parallel_loop3A_990 = tpu.memref_slice %arg6[%parallel_loop3A_989] : memref<5120xi32, #tpu.memory_space<vmem>> -> memref<128xi32, #tpu.memory_space<vmem>>
      %parallel_loop3A_991 = tpu.vector_load_idx %parallel_loop3A_990[%parallel_loop3A_370] : memref<128xi32, #tpu.memory_space<vmem>>[vector<16xi32>], vector<16xi32>,
      %parallel_loop3A_992 = arith.constant 896 : i32
      %parallel_loop3A_993 = tpu.memref_slice %arg6[%parallel_loop3A_992] : memref<5120xi32, #tpu.memory_space<vmem>> -> memref<128xi32, #tpu.memory_space<vmem>>
      %parallel_loop3A_994 = tpu.vector_load_idx %parallel_loop3A_993[%parallel_loop3A_374] : memref<128xi32, #tpu.memory_space<vmem>>[vector<16xi32>], vector<16xi32>,
      %parallel_loop3A_995 = vector.bitcast %parallel_loop3A_755 : vector<16xi32> to vector<32xbf16>
      %parallel_loop3A_996 = vector.bitcast %parallel_loop3A_758 : vector<16xi32> to vector<32xbf16>
      %parallel_loop3A_997 = arith.addf %parallel_loop3A_995, %parallel_loop3A_996 : vector<32xbf16>
      %parallel_loop3A_998 = vector.bitcast %parallel_loop3A_997 : vector<32xbf16> to vector<16xi32>
      %parallel_loop3A_999 = vector.bitcast %parallel_loop3A_761 : vector<16xi32> to vector<32xbf16>
      %parallel_loop3A_1000 = vector.bitcast %parallel_loop3A_764 : vector<16xi32> to vector<32xbf16>
      %parallel_loop3A_1001 = arith.addf %parallel_loop3A_999, %parallel_loop3A_1000 : vector<32xbf16>
      %parallel_loop3A_1002 = vector.bitcast %parallel_loop3A_1001 : vector<32xbf16> to vector<16xi32>
      %parallel_loop3A_1003 = vector.bitcast %parallel_loop3A_767 : vector<16xi32> to vector<32xbf16>
      %parallel_loop3A_1004 = vector.bitcast %parallel_loop3A_770 : vector<16xi32> to vector<32xbf16>
      %parallel_loop3A_1005 = arith.addf %parallel_loop3A_1003, %parallel_loop3A_1004 : vector<32xbf16>
      %parallel_loop3A_1006 = vector.bitcast %parallel_loop3A_1005 : vector<32xbf16> to vector<16xi32>
      %parallel_loop3A_1007 = vector.bitcast %parallel_loop3A_773 : vector<16xi32> to vector<32xbf16>
      %parallel_loop3A_1008 = vector.bitcast %parallel_loop3A_776 : vector<16xi32> to vector<32xbf16>
      %parallel_loop3A_1009 = arith.addf %parallel_loop3A_1007, %parallel_loop3A_1008 : vector<32xbf16>
      %parallel_loop3A_1010 = vector.bitcast %parallel_loop3A_1009 : vector<32xbf16> to vector<16xi32>
      %parallel_loop3A_1011 = vector.bitcast %parallel_loop3A_779 : vector<16xi32> to vector<32xbf16>
      %parallel_loop3A_1012 = vector.bitcast %parallel_loop3A_782 : vector<16xi32> to vector<32xbf16>
      %parallel_loop3A_1013 = arith.addf %parallel_loop3A_1011, %parallel_loop3A_1012 : vector<32xbf16>
      %parallel_loop3A_1014 = vector.bitcast %parallel_loop3A_1013 : vector<32xbf16> to vector<16xi32>
      %parallel_loop3A_1015 = arith.constant 16 : i32
      %parallel_loop3A_1016 = vector.broadcast %parallel_loop3A_1015 : i32 to vector<16xi32>
      %parallel_loop3A_1017 = arith.shli %parallel_loop3A_998, %parallel_loop3A_1016 : vector<16xi32>
      %parallel_loop3A_1018 = vector.bitcast %parallel_loop3A_1017 : vector<16xi32> to vector<16xf32>
      %parallel_loop3A_1019 = arith.constant -65536 : i32
      %parallel_loop3A_1020 = vector.broadcast %parallel_loop3A_1019 : i32 to vector<16xi32>
      %parallel_loop3A_1021 = arith.andi %parallel_loop3A_998, %parallel_loop3A_1020 : vector<16xi32>
      %parallel_loop3A_1022 = vector.bitcast %parallel_loop3A_1021 : vector<16xi32> to vector<16xf32>
      %parallel_loop3A_1023 = arith.constant 16 : i32
      %parallel_loop3A_1024 = vector.broadcast %parallel_loop3A_1023 : i32 to vector<16xi32>
      %parallel_loop3A_1025 = arith.shli %parallel_loop3A_1002, %parallel_loop3A_1024 : vector<16xi32>
      %parallel_loop3A_1026 = vector.bitcast %parallel_loop3A_1025 : vector<16xi32> to vector<16xf32>
      %parallel_loop3A_1027 = arith.constant -65536 : i32
      %parallel_loop3A_1028 = vector.broadcast %parallel_loop3A_1027 : i32 to vector<16xi32>
      %parallel_loop3A_1029 = arith.andi %parallel_loop3A_1002, %parallel_loop3A_1028 : vector<16xi32>
      %parallel_loop3A_1030 = vector.bitcast %parallel_loop3A_1029 : vector<16xi32> to vector<16xf32>
      %parallel_loop3A_1031 = arith.constant 16 : i32
      %parallel_loop3A_1032 = vector.broadcast %parallel_loop3A_1031 : i32 to vector<16xi32>
      %parallel_loop3A_1033 = arith.shli %parallel_loop3A_1006, %parallel_loop3A_1032 : vector<16xi32>
      %parallel_loop3A_1034 = vector.bitcast %parallel_loop3A_1033 : vector<16xi32> to vector<16xf32>
      %parallel_loop3A_1035 = arith.constant -65536 : i32
      %parallel_loop3A_1036 = vector.broadcast %parallel_loop3A_1035 : i32 to vector<16xi32>
      %parallel_loop3A_1037 = arith.andi %parallel_loop3A_1006, %parallel_loop3A_1036 : vector<16xi32>
      %parallel_loop3A_1038 = vector.bitcast %parallel_loop3A_1037 : vector<16xi32> to vector<16xf32>
      %parallel_loop3A_1039 = arith.constant 16 : i32
      %parallel_loop3A_1040 = vector.broadcast %parallel_loop3A_1039 : i32 to vector<16xi32>
      %parallel_loop3A_1041 = arith.shli %parallel_loop3A_1010, %parallel_loop3A_1040 : vector<16xi32>
      %parallel_loop3A_1042 = vector.bitcast %parallel_loop3A_1041 : vector<16xi32> to vector<16xf32>
      %parallel_loop3A_1043 = arith.constant -65536 : i32
      %parallel_loop3A_1044 = vector.broadcast %parallel_loop3A_1043 : i32 to vector<16xi32>
      %parallel_loop3A_1045 = arith.andi %parallel_loop3A_1010, %parallel_loop3A_1044 : vector<16xi32>
      %parallel_loop3A_1046 = vector.bitcast %parallel_loop3A_1045 : vector<16xi32> to vector<16xf32>
      %parallel_loop3A_1047 = arith.constant 16 : i32
      %parallel_loop3A_1048 = vector.broadcast %parallel_loop3A_1047 : i32 to vector<16xi32>
      %parallel_loop3A_1049 = arith.shli %parallel_loop3A_1014, %parallel_loop3A_1048 : vector<16xi32>
      %parallel_loop3A_1050 = vector.bitcast %parallel_loop3A_1049 : vector<16xi32> to vector<16xf32>
      %parallel_loop3A_1051 = arith.constant -65536 : i32
      %parallel_loop3A_1052 = vector.broadcast %parallel_loop3A_1051 : i32 to vector<16xi32>
      %parallel_loop3A_1053 = arith.andi %parallel_loop3A_1014, %parallel_loop3A_1052 : vector<16xi32>
      %parallel_loop3A_1054 = vector.bitcast %parallel_loop3A_1053 : vector<16xi32> to vector<16xf32>
      %parallel_loop3A_1055 = arith.addf %parallel_loop3A_1018, %parallel_loop3A_1026 : vector<16xf32>
      %parallel_loop3A_1056 = arith.addf %parallel_loop3A_1034, %parallel_loop3A_1042 : vector<16xf32>
      %parallel_loop3A_1057 = arith.addf %parallel_loop3A_1055, %parallel_loop3A_1056 : vector<16xf32>
      %parallel_loop3A_1058 = arith.addf %parallel_loop3A_1057, %parallel_loop3A_1050 : vector<16xf32>
      %parallel_loop3A_1059 = arith.addf %parallel_loop3A_1022, %parallel_loop3A_1030 : vector<16xf32>
      %parallel_loop3A_1060 = arith.addf %parallel_loop3A_1038, %parallel_loop3A_1046 : vector<16xf32>
      %parallel_loop3A_1061 = arith.addf %parallel_loop3A_1059, %parallel_loop3A_1060 : vector<16xf32>
      %parallel_loop3A_1062 = arith.addf %parallel_loop3A_1061, %parallel_loop3A_1054 : vector<16xf32>
      %parallel_loop3A_1063 = arith.constant 640 : i32
      %parallel_loop3A_1064 = arith.addi %parallel_loop3A_1063, %parallel_loop3A_334 : i32
      %parallel_loop3A_1065 = arith.index_cast %parallel_loop3A_1064 : i32 to index
      %parallel_loop3A_1066 = tpu.vector_load %arg7[%parallel_loop3A_1065] {strides = array<i32>} : memref<36864xf32, #tpu.memory_space<vmem>>, vector<16xf32>,
      tpu.vector_store %arg7[%parallel_loop3A_1065], %parallel_loop3A_1058 {strides = array<i32>} : memref<36864xf32, #tpu.memory_space<vmem>>, vector<16xf32>,
      %parallel_loop3A_1067 = arith.constant 17152 : i32
      %parallel_loop3A_1068 = arith.addi %parallel_loop3A_1067, %parallel_loop3A_334 : i32
      %parallel_loop3A_1069 = arith.index_cast %parallel_loop3A_1068 : i32 to index
      %parallel_loop3A_1070 = tpu.vector_load %arg7[%parallel_loop3A_1069] {strides = array<i32>} : memref<36864xf32, #tpu.memory_space<vmem>>, vector<16xf32>,
      tpu.vector_store %arg7[%parallel_loop3A_1069], %parallel_loop3A_1062 {strides = array<i32>} : memref<36864xf32, #tpu.memory_space<vmem>>, vector<16xf32>,
      %parallel_loop3A_1071 = arith.constant 1024 : i32
      %parallel_loop3A_1072 = tpu.memref_slice %arg6[%parallel_loop3A_1071] : memref<5120xi32, #tpu.memory_space<vmem>> -> memref<128xi32, #tpu.memory_space<vmem>>
      %parallel_loop3A_1073 = tpu.vector_load_idx %parallel_loop3A_1072[%parallel_loop3A_338] : memref<128xi32, #tpu.memory_space<vmem>>[vector<16xi32>], vector<16xi32>,
      %parallel_loop3A_1074 = arith.constant 1024 : i32
      %parallel_loop3A_1075 = tpu.memref_slice %arg6[%parallel_loop3A_1074] : memref<5120xi32, #tpu.memory_space<vmem>> -> memref<128xi32, #tpu.memory_space<vmem>>
      %parallel_loop3A_1076 = tpu.vector_load_idx %parallel_loop3A_1075[%parallel_loop3A_342] : memref<128xi32, #tpu.memory_space<vmem>>[vector<16xi32>], vector<16xi32>,
      %parallel_loop3A_1077 = arith.constant 1024 : i32
      %parallel_loop3A_1078 = tpu.memref_slice %arg6[%parallel_loop3A_1077] : memref<5120xi32, #tpu.memory_space<vmem>> -> memref<128xi32, #tpu.memory_space<vmem>>
      %parallel_loop3A_1079 = tpu.vector_load_idx %parallel_loop3A_1078[%parallel_loop3A_346] : memref<128xi32, #tpu.memory_space<vmem>>[vector<16xi32>], vector<16xi32>,
      %parallel_loop3A_1080 = arith.constant 1024 : i32
      %parallel_loop3A_1081 = tpu.memref_slice %arg6[%parallel_loop3A_1080] : memref<5120xi32, #tpu.memory_space<vmem>> -> memref<128xi32, #tpu.memory_space<vmem>>
      %parallel_loop3A_1082 = tpu.vector_load_idx %parallel_loop3A_1081[%parallel_loop3A_350] : memref<128xi32, #tpu.memory_space<vmem>>[vector<16xi32>], vector<16xi32>,
      %parallel_loop3A_1083 = arith.constant 1024 : i32
      %parallel_loop3A_1084 = tpu.memref_slice %arg6[%parallel_loop3A_1083] : memref<5120xi32, #tpu.memory_space<vmem>> -> memref<128xi32, #tpu.memory_space<vmem>>
      %parallel_loop3A_1085 = tpu.vector_load_idx %parallel_loop3A_1084[%parallel_loop3A_354] : memref<128xi32, #tpu.memory_space<vmem>>[vector<16xi32>], vector<16xi32>,
      %parallel_loop3A_1086 = arith.constant 1024 : i32
      %parallel_loop3A_1087 = tpu.memref_slice %arg6[%parallel_loop3A_1086] : memref<5120xi32, #tpu.memory_space<vmem>> -> memref<128xi32, #tpu.memory_space<vmem>>
      %parallel_loop3A_1088 = tpu.vector_load_idx %parallel_loop3A_1087[%parallel_loop3A_358] : memref<128xi32, #tpu.memory_space<vmem>>[vector<16xi32>], vector<16xi32>,
      %parallel_loop3A_1089 = arith.constant 1024 : i32
      %parallel_loop3A_1090 = tpu.memref_slice %arg6[%parallel_loop3A_1089] : memref<5120xi32, #tpu.memory_space<vmem>> -> memref<128xi32, #tpu.memory_space<vmem>>
      %parallel_loop3A_1091 = tpu.vector_load_idx %parallel_loop3A_1090[%parallel_loop3A_362] : memref<128xi32, #tpu.memory_space<vmem>>[vector<16xi32>], vector<16xi32>,
      %parallel_loop3A_1092 = arith.constant 1024 : i32
      %parallel_loop3A_1093 = tpu.memref_slice %arg6[%parallel_loop3A_1092] : memref<5120xi32, #tpu.memory_space<vmem>> -> memref<128xi32, #tpu.memory_space<vmem>>
      %parallel_loop3A_1094 = tpu.vector_load_idx %parallel_loop3A_1093[%parallel_loop3A_366] : memref<128xi32, #tpu.memory_space<vmem>>[vector<16xi32>], vector<16xi32>,
      %parallel_loop3A_1095 = arith.constant 1024 : i32
      %parallel_loop3A_1096 = tpu.memref_slice %arg6[%parallel_loop3A_1095] : memref<5120xi32, #tpu.memory_space<vmem>> -> memref<128xi32, #tpu.memory_space<vmem>>
      %parallel_loop3A_1097 = tpu.vector_load_idx %parallel_loop3A_1096[%parallel_loop3A_370] : memref<128xi32, #tpu.memory_space<vmem>>[vector<16xi32>], vector<16xi32>,
      %parallel_loop3A_1098 = arith.constant 1024 : i32
      %parallel_loop3A_1099 = tpu.memref_slice %arg6[%parallel_loop3A_1098] : memref<5120xi32, #tpu.memory_space<vmem>> -> memref<128xi32, #tpu.memory_space<vmem>>
      %parallel_loop3A_1100 = tpu.vector_load_idx %parallel_loop3A_1099[%parallel_loop3A_374] : memref<128xi32, #tpu.memory_space<vmem>>[vector<16xi32>], vector<16xi32>,
      %parallel_loop3A_1101 = vector.bitcast %parallel_loop3A_861 : vector<16xi32> to vector<32xbf16>
      %parallel_loop3A_1102 = vector.bitcast %parallel_loop3A_864 : vector<16xi32> to vector<32xbf16>
      %parallel_loop3A_1103 = arith.addf %parallel_loop3A_1101, %parallel_loop3A_1102 : vector<32xbf16>
      %parallel_loop3A_1104 = vector.bitcast %parallel_loop3A_1103 : vector<32xbf16> to vector<16xi32>
      %parallel_loop3A_1105 = vector.bitcast %parallel_loop3A_867 : vector<16xi32> to vector<32xbf16>
      %parallel_loop3A_1106 = vector.bitcast %parallel_loop3A_870 : vector<16xi32> to vector<32xbf16>
      %parallel_loop3A_1107 = arith.addf %parallel_loop3A_1105, %parallel_loop3A_1106 : vector<32xbf16>
      %parallel_loop3A_1108 = vector.bitcast %parallel_loop3A_1107 : vector<32xbf16> to vector<16xi32>
      %parallel_loop3A_1109 = vector.bitcast %parallel_loop3A_873 : vector<16xi32> to vector<32xbf16>
      %parallel_loop3A_1110 = vector.bitcast %parallel_loop3A_876 : vector<16xi32> to vector<32xbf16>
      %parallel_loop3A_1111 = arith.addf %parallel_loop3A_1109, %parallel_loop3A_1110 : vector<32xbf16>
      %parallel_loop3A_1112 = vector.bitcast %parallel_loop3A_1111 : vector<32xbf16> to vector<16xi32>
      %parallel_loop3A_1113 = vector.bitcast %parallel_loop3A_879 : vector<16xi32> to vector<32xbf16>
      %parallel_loop3A_1114 = vector.bitcast %parallel_loop3A_882 : vector<16xi32> to vector<32xbf16>
      %parallel_loop3A_1115 = arith.addf %parallel_loop3A_1113, %parallel_loop3A_1114 : vector<32xbf16>
      %parallel_loop3A_1116 = vector.bitcast %parallel_loop3A_1115 : vector<32xbf16> to vector<16xi32>
      %parallel_loop3A_1117 = vector.bitcast %parallel_loop3A_885 : vector<16xi32> to vector<32xbf16>
      %parallel_loop3A_1118 = vector.bitcast %parallel_loop3A_888 : vector<16xi32> to vector<32xbf16>
      %parallel_loop3A_1119 = arith.addf %parallel_loop3A_1117, %parallel_loop3A_1118 : vector<32xbf16>
      %parallel_loop3A_1120 = vector.bitcast %parallel_loop3A_1119 : vector<32xbf16> to vector<16xi32>
      %parallel_loop3A_1121 = arith.constant 16 : i32
      %parallel_loop3A_1122 = vector.broadcast %parallel_loop3A_1121 : i32 to vector<16xi32>
      %parallel_loop3A_1123 = arith.shli %parallel_loop3A_1104, %parallel_loop3A_1122 : vector<16xi32>
      %parallel_loop3A_1124 = vector.bitcast %parallel_loop3A_1123 : vector<16xi32> to vector<16xf32>
      %parallel_loop3A_1125 = arith.constant -65536 : i32
      %parallel_loop3A_1126 = vector.broadcast %parallel_loop3A_1125 : i32 to vector<16xi32>
      %parallel_loop3A_1127 = arith.andi %parallel_loop3A_1104, %parallel_loop3A_1126 : vector<16xi32>
      %parallel_loop3A_1128 = vector.bitcast %parallel_loop3A_1127 : vector<16xi32> to vector<16xf32>
      %parallel_loop3A_1129 = arith.constant 16 : i32
      %parallel_loop3A_1130 = vector.broadcast %parallel_loop3A_1129 : i32 to vector<16xi32>
      %parallel_loop3A_1131 = arith.shli %parallel_loop3A_1108, %parallel_loop3A_1130 : vector<16xi32>
      %parallel_loop3A_1132 = vector.bitcast %parallel_loop3A_1131 : vector<16xi32> to vector<16xf32>
      %parallel_loop3A_1133 = arith.constant -65536 : i32
      %parallel_loop3A_1134 = vector.broadcast %parallel_loop3A_1133 : i32 to vector<16xi32>
      %parallel_loop3A_1135 = arith.andi %parallel_loop3A_1108, %parallel_loop3A_1134 : vector<16xi32>
      %parallel_loop3A_1136 = vector.bitcast %parallel_loop3A_1135 : vector<16xi32> to vector<16xf32>
      %parallel_loop3A_1137 = arith.constant 16 : i32
      %parallel_loop3A_1138 = vector.broadcast %parallel_loop3A_1137 : i32 to vector<16xi32>
      %parallel_loop3A_1139 = arith.shli %parallel_loop3A_1112, %parallel_loop3A_1138 : vector<16xi32>
      %parallel_loop3A_1140 = vector.bitcast %parallel_loop3A_1139 : vector<16xi32> to vector<16xf32>
      %parallel_loop3A_1141 = arith.constant -65536 : i32
      %parallel_loop3A_1142 = vector.broadcast %parallel_loop3A_1141 : i32 to vector<16xi32>
      %parallel_loop3A_1143 = arith.andi %parallel_loop3A_1112, %parallel_loop3A_1142 : vector<16xi32>
      %parallel_loop3A_1144 = vector.bitcast %parallel_loop3A_1143 : vector<16xi32> to vector<16xf32>
      %parallel_loop3A_1145 = arith.constant 16 : i32
      %parallel_loop3A_1146 = vector.broadcast %parallel_loop3A_1145 : i32 to vector<16xi32>
      %parallel_loop3A_1147 = arith.shli %parallel_loop3A_1116, %parallel_loop3A_1146 : vector<16xi32>
      %parallel_loop3A_1148 = vector.bitcast %parallel_loop3A_1147 : vector<16xi32> to vector<16xf32>
      %parallel_loop3A_1149 = arith.constant -65536 : i32
      %parallel_loop3A_1150 = vector.broadcast %parallel_loop3A_1149 : i32 to vector<16xi32>
      %parallel_loop3A_1151 = arith.andi %parallel_loop3A_1116, %parallel_loop3A_1150 : vector<16xi32>
      %parallel_loop3A_1152 = vector.bitcast %parallel_loop3A_1151 : vector<16xi32> to vector<16xf32>
      %parallel_loop3A_1153 = arith.constant 16 : i32
      %parallel_loop3A_1154 = vector.broadcast %parallel_loop3A_1153 : i32 to vector<16xi32>
      %parallel_loop3A_1155 = arith.shli %parallel_loop3A_1120, %parallel_loop3A_1154 : vector<16xi32>
      %parallel_loop3A_1156 = vector.bitcast %parallel_loop3A_1155 : vector<16xi32> to vector<16xf32>
      %parallel_loop3A_1157 = arith.constant -65536 : i32
      %parallel_loop3A_1158 = vector.broadcast %parallel_loop3A_1157 : i32 to vector<16xi32>
      %parallel_loop3A_1159 = arith.andi %parallel_loop3A_1120, %parallel_loop3A_1158 : vector<16xi32>
      %parallel_loop3A_1160 = vector.bitcast %parallel_loop3A_1159 : vector<16xi32> to vector<16xf32>
      %parallel_loop3A_1161 = arith.addf %parallel_loop3A_1124, %parallel_loop3A_1132 : vector<16xf32>
      %parallel_loop3A_1162 = arith.addf %parallel_loop3A_1140, %parallel_loop3A_1148 : vector<16xf32>
      %parallel_loop3A_1163 = arith.addf %parallel_loop3A_1161, %parallel_loop3A_1162 : vector<16xf32>
      %parallel_loop3A_1164 = arith.addf %parallel_loop3A_1163, %parallel_loop3A_1156 : vector<16xf32>
      %parallel_loop3A_1165 = arith.addf %parallel_loop3A_1128, %parallel_loop3A_1136 : vector<16xf32>
      %parallel_loop3A_1166 = arith.addf %parallel_loop3A_1144, %parallel_loop3A_1152 : vector<16xf32>
      %parallel_loop3A_1167 = arith.addf %parallel_loop3A_1165, %parallel_loop3A_1166 : vector<16xf32>
      %parallel_loop3A_1168 = arith.addf %parallel_loop3A_1167, %parallel_loop3A_1160 : vector<16xf32>
      %parallel_loop3A_1169 = arith.constant 768 : i32
      %parallel_loop3A_1170 = arith.addi %parallel_loop3A_1169, %parallel_loop3A_334 : i32
      %parallel_loop3A_1171 = arith.index_cast %parallel_loop3A_1170 : i32 to index
      %parallel_loop3A_1172 = tpu.vector_load %arg7[%parallel_loop3A_1171] {strides = array<i32>} : memref<36864xf32, #tpu.memory_space<vmem>>, vector<16xf32>,
      tpu.vector_store %arg7[%parallel_loop3A_1171], %parallel_loop3A_1164 {strides = array<i32>} : memref<36864xf32, #tpu.memory_space<vmem>>, vector<16xf32>,
      %parallel_loop3A_1173 = arith.constant 17280 : i32
      %parallel_loop3A_1174 = arith.addi %parallel_loop3A_1173, %parallel_loop3A_334 : i32
      %parallel_loop3A_1175 = arith.index_cast %parallel_loop3A_1174 : i32 to index
      %parallel_loop3A_1176 = tpu.vector_load %arg7[%parallel_loop3A_1175] {strides = array<i32>} : memref<36864xf32, #tpu.memory_space<vmem>>, vector<16xf32>,
      tpu.vector_store %arg7[%parallel_loop3A_1175], %parallel_loop3A_1168 {strides = array<i32>} : memref<36864xf32, #tpu.memory_space<vmem>>, vector<16xf32>,
      %parallel_loop3A_1177 = arith.constant 1152 : i32
      %parallel_loop3A_1178 = tpu.memref_slice %arg6[%parallel_loop3A_1177] : memref<5120xi32, #tpu.memory_space<vmem>> -> memref<128xi32, #tpu.memory_space<vmem>>
      %parallel_loop3A_1179 = tpu.vector_load_idx %parallel_loop3A_1178[%parallel_loop3A_338] : memref<128xi32, #tpu.memory_space<vmem>>[vector<16xi32>], vector<16xi32>,
      %parallel_loop3A_1180 = arith.constant 1152 : i32
      %parallel_loop3A_1181 = tpu.memref_slice %arg6[%parallel_loop3A_1180] : memref<5120xi32, #tpu.memory_space<vmem>> -> memref<128xi32, #tpu.memory_space<vmem>>
      %parallel_loop3A_1182 = tpu.vector_load_idx %parallel_loop3A_1181[%parallel_loop3A_342] : memref<128xi32, #tpu.memory_space<vmem>>[vector<16xi32>], vector<16xi32>,
      %parallel_loop3A_1183 = arith.constant 1152 : i32
      %parallel_loop3A_1184 = tpu.memref_slice %arg6[%parallel_loop3A_1183] : memref<5120xi32, #tpu.memory_space<vmem>> -> memref<128xi32, #tpu.memory_space<vmem>>
      %parallel_loop3A_1185 = tpu.vector_load_idx %parallel_loop3A_1184[%parallel_loop3A_346] : memref<128xi32, #tpu.memory_space<vmem>>[vector<16xi32>], vector<16xi32>,
      %parallel_loop3A_1186 = arith.constant 1152 : i32
      %parallel_loop3A_1187 = tpu.memref_slice %arg6[%parallel_loop3A_1186] : memref<5120xi32, #tpu.memory_space<vmem>> -> memref<128xi32, #tpu.memory_space<vmem>>
      %parallel_loop3A_1188 = tpu.vector_load_idx %parallel_loop3A_1187[%parallel_loop3A_350] : memref<128xi32, #tpu.memory_space<vmem>>[vector<16xi32>], vector<16xi32>,
      %parallel_loop3A_1189 = arith.constant 1152 : i32
      %parallel_loop3A_1190 = tpu.memref_slice %arg6[%parallel_loop3A_1189] : memref<5120xi32, #tpu.memory_space<vmem>> -> memref<128xi32, #tpu.memory_space<vmem>>
      %parallel_loop3A_1191 = tpu.vector_load_idx %parallel_loop3A_1190[%parallel_loop3A_354] : memref<128xi32, #tpu.memory_space<vmem>>[vector<16xi32>], vector<16xi32>,
      %parallel_loop3A_1192 = arith.constant 1152 : i32
      %parallel_loop3A_1193 = tpu.memref_slice %arg6[%parallel_loop3A_1192] : memref<5120xi32, #tpu.memory_space<vmem>> -> memref<128xi32, #tpu.memory_space<vmem>>
      %parallel_loop3A_1194 = tpu.vector_load_idx %parallel_loop3A_1193[%parallel_loop3A_358] : memref<128xi32, #tpu.memory_space<vmem>>[vector<16xi32>], vector<16xi32>,
      %parallel_loop3A_1195 = arith.constant 1152 : i32
      %parallel_loop3A_1196 = tpu.memref_slice %arg6[%parallel_loop3A_1195] : memref<5120xi32, #tpu.memory_space<vmem>> -> memref<128xi32, #tpu.memory_space<vmem>>
      %parallel_loop3A_1197 = tpu.vector_load_idx %parallel_loop3A_1196[%parallel_loop3A_362] : memref<128xi32, #tpu.memory_space<vmem>>[vector<16xi32>], vector<16xi32>,
      %parallel_loop3A_1198 = arith.constant 1152 : i32
      %parallel_loop3A_1199 = tpu.memref_slice %arg6[%parallel_loop3A_1198] : memref<5120xi32, #tpu.memory_space<vmem>> -> memref<128xi32, #tpu.memory_space<vmem>>
      %parallel_loop3A_1200 = tpu.vector_load_idx %parallel_loop3A_1199[%parallel_loop3A_366] : memref<128xi32, #tpu.memory_space<vmem>>[vector<16xi32>], vector<16xi32>,
      %parallel_loop3A_1201 = arith.constant 1152 : i32
      %parallel_loop3A_1202 = tpu.memref_slice %arg6[%parallel_loop3A_1201] : memref<5120xi32, #tpu.memory_space<vmem>> -> memref<128xi32, #tpu.memory_space<vmem>>
      %parallel_loop3A_1203 = tpu.vector_load_idx %parallel_loop3A_1202[%parallel_loop3A_370] : memref<128xi32, #tpu.memory_space<vmem>>[vector<16xi32>], vector<16xi32>,
      %parallel_loop3A_1204 = arith.constant 1152 : i32
      %parallel_loop3A_1205 = tpu.memref_slice %arg6[%parallel_loop3A_1204] : memref<5120xi32, #tpu.memory_space<vmem>> -> memref<128xi32, #tpu.memory_space<vmem>>
      %parallel_loop3A_1206 = tpu.vector_load_idx %parallel_loop3A_1205[%parallel_loop3A_374] : memref<128xi32, #tpu.memory_space<vmem>>[vector<16xi32>], vector<16xi32>,
      %parallel_loop3A_1207 = vector.bitcast %parallel_loop3A_967 : vector<16xi32> to vector<32xbf16>
      %parallel_loop3A_1208 = vector.bitcast %parallel_loop3A_970 : vector<16xi32> to vector<32xbf16>
      %parallel_loop3A_1209 = arith.addf %parallel_loop3A_1207, %parallel_loop3A_1208 : vector<32xbf16>
      %parallel_loop3A_1210 = vector.bitcast %parallel_loop3A_1209 : vector<32xbf16> to vector<16xi32>
      %parallel_loop3A_1211 = vector.bitcast %parallel_loop3A_973 : vector<16xi32> to vector<32xbf16>
      %parallel_loop3A_1212 = vector.bitcast %parallel_loop3A_976 : vector<16xi32> to vector<32xbf16>
      %parallel_loop3A_1213 = arith.addf %parallel_loop3A_1211, %parallel_loop3A_1212 : vector<32xbf16>
      %parallel_loop3A_1214 = vector.bitcast %parallel_loop3A_1213 : vector<32xbf16> to vector<16xi32>
      %parallel_loop3A_1215 = vector.bitcast %parallel_loop3A_979 : vector<16xi32> to vector<32xbf16>
      %parallel_loop3A_1216 = vector.bitcast %parallel_loop3A_982 : vector<16xi32> to vector<32xbf16>
      %parallel_loop3A_1217 = arith.addf %parallel_loop3A_1215, %parallel_loop3A_1216 : vector<32xbf16>
      %parallel_loop3A_1218 = vector.bitcast %parallel_loop3A_1217 : vector<32xbf16> to vector<16xi32>
      %parallel_loop3A_1219 = vector.bitcast %parallel_loop3A_985 : vector<16xi32> to vector<32xbf16>
      %parallel_loop3A_1220 = vector.bitcast %parallel_loop3A_988 : vector<16xi32> to vector<32xbf16>
      %parallel_loop3A_1221 = arith.addf %parallel_loop3A_1219, %parallel_loop3A_1220 : vector<32xbf16>
      %parallel_loop3A_1222 = vector.bitcast %parallel_loop3A_1221 : vector<32xbf16> to vector<16xi32>
      %parallel_loop3A_1223 = vector.bitcast %parallel_loop3A_991 : vector<16xi32> to vector<32xbf16>
      %parallel_loop3A_1224 = vector.bitcast %parallel_loop3A_994 : vector<16xi32> to vector<32xbf16>
      %parallel_loop3A_1225 = arith.addf %parallel_loop3A_1223, %parallel_loop3A_1224 : vector<32xbf16>
      %parallel_loop3A_1226 = vector.bitcast %parallel_loop3A_1225 : vector<32xbf16> to vector<16xi32>
      %parallel_loop3A_1227 = arith.constant 16 : i32
      %parallel_loop3A_1228 = vector.broadcast %parallel_loop3A_1227 : i32 to vector<16xi32>
      %parallel_loop3A_1229 = arith.shli %parallel_loop3A_1210, %parallel_loop3A_1228 : vector<16xi32>
      %parallel_loop3A_1230 = vector.bitcast %parallel_loop3A_1229 : vector<16xi32> to vector<16xf32>
      %parallel_loop3A_1231 = arith.constant -65536 : i32
      %parallel_loop3A_1232 = vector.broadcast %parallel_loop3A_1231 : i32 to vector<16xi32>
      %parallel_loop3A_1233 = arith.andi %parallel_loop3A_1210, %parallel_loop3A_1232 : vector<16xi32>
      %parallel_loop3A_1234 = vector.bitcast %parallel_loop3A_1233 : vector<16xi32> to vector<16xf32>
      %parallel_loop3A_1235 = arith.constant 16 : i32
      %parallel_loop3A_1236 = vector.broadcast %parallel_loop3A_1235 : i32 to vector<16xi32>
      %parallel_loop3A_1237 = arith.shli %parallel_loop3A_1214, %parallel_loop3A_1236 : vector<16xi32>
      %parallel_loop3A_1238 = vector.bitcast %parallel_loop3A_1237 : vector<16xi32> to vector<16xf32>
      %parallel_loop3A_1239 = arith.constant -65536 : i32
      %parallel_loop3A_1240 = vector.broadcast %parallel_loop3A_1239 : i32 to vector<16xi32>
      %parallel_loop3A_1241 = arith.andi %parallel_loop3A_1214, %parallel_loop3A_1240 : vector<16xi32>
      %parallel_loop3A_1242 = vector.bitcast %parallel_loop3A_1241 : vector<16xi32> to vector<16xf32>
      %parallel_loop3A_1243 = arith.constant 16 : i32
      %parallel_loop3A_1244 = vector.broadcast %parallel_loop3A_1243 : i32 to vector<16xi32>
      %parallel_loop3A_1245 = arith.shli %parallel_loop3A_1218, %parallel_loop3A_1244 : vector<16xi32>
      %parallel_loop3A_1246 = vector.bitcast %parallel_loop3A_1245 : vector<16xi32> to vector<16xf32>
      %parallel_loop3A_1247 = arith.constant -65536 : i32
      %parallel_loop3A_1248 = vector.broadcast %parallel_loop3A_1247 : i32 to vector<16xi32>
      %parallel_loop3A_1249 = arith.andi %parallel_loop3A_1218, %parallel_loop3A_1248 : vector<16xi32>
      %parallel_loop3A_1250 = vector.bitcast %parallel_loop3A_1249 : vector<16xi32> to vector<16xf32>
      %parallel_loop3A_1251 = arith.constant 16 : i32
      %parallel_loop3A_1252 = vector.broadcast %parallel_loop3A_1251 : i32 to vector<16xi32>
      %parallel_loop3A_1253 = arith.shli %parallel_loop3A_1222, %parallel_loop3A_1252 : vector<16xi32>
      %parallel_loop3A_1254 = vector.bitcast %parallel_loop3A_1253 : vector<16xi32> to vector<16xf32>
      %parallel_loop3A_1255 = arith.constant -65536 : i32
      %parallel_loop3A_1256 = vector.broadcast %parallel_loop3A_1255 : i32 to vector<16xi32>
      %parallel_loop3A_1257 = arith.andi %parallel_loop3A_1222, %parallel_loop3A_1256 : vector<16xi32>
      %parallel_loop3A_1258 = vector.bitcast %parallel_loop3A_1257 : vector<16xi32> to vector<16xf32>
      %parallel_loop3A_1259 = arith.constant 16 : i32
      %parallel_loop3A_1260 = vector.broadcast %parallel_loop3A_1259 : i32 to vector<16xi32>
      %parallel_loop3A_1261 = arith.shli %parallel_loop3A_1226, %parallel_loop3A_1260 : vector<16xi32>
      %parallel_loop3A_1262 = vector.bitcast %parallel_loop3A_1261 : vector<16xi32> to vector<16xf32>
      %parallel_loop3A_1263 = arith.constant -65536 : i32
      %parallel_loop3A_1264 = vector.broadcast %parallel_loop3A_1263 : i32 to vector<16xi32>
      %parallel_loop3A_1265 = arith.andi %parallel_loop3A_1226, %parallel_loop3A_1264 : vector<16xi32>
      %parallel_loop3A_1266 = vector.bitcast %parallel_loop3A_1265 : vector<16xi32> to vector<16xf32>
      %parallel_loop3A_1267 = arith.addf %parallel_loop3A_1230, %parallel_loop3A_1238 : vector<16xf32>
      %parallel_loop3A_1268 = arith.addf %parallel_loop3A_1246, %parallel_loop3A_1254 : vector<16xf32>
      %parallel_loop3A_1269 = arith.addf %parallel_loop3A_1267, %parallel_loop3A_1268 : vector<16xf32>
      %parallel_loop3A_1270 = arith.addf %parallel_loop3A_1269, %parallel_loop3A_1262 : vector<16xf32>
      %parallel_loop3A_1271 = arith.addf %parallel_loop3A_1234, %parallel_loop3A_1242 : vector<16xf32>
      %parallel_loop3A_1272 = arith.addf %parallel_loop3A_1250, %parallel_loop3A_1258 : vector<16xf32>
      %parallel_loop3A_1273 = arith.addf %parallel_loop3A_1271, %parallel_loop3A_1272 : vector<16xf32>
      %parallel_loop3A_1274 = arith.addf %parallel_loop3A_1273, %parallel_loop3A_1266 : vector<16xf32>
      %parallel_loop3A_1275 = arith.constant 896 : i32
      %parallel_loop3A_1276 = arith.addi %parallel_loop3A_1275, %parallel_loop3A_334 : i32
      %parallel_loop3A_1277 = arith.index_cast %parallel_loop3A_1276 : i32 to index
      %parallel_loop3A_1278 = tpu.vector_load %arg7[%parallel_loop3A_1277] {strides = array<i32>} : memref<36864xf32, #tpu.memory_space<vmem>>, vector<16xf32>,
      tpu.vector_store %arg7[%parallel_loop3A_1277], %parallel_loop3A_1270 {strides = array<i32>} : memref<36864xf32, #tpu.memory_space<vmem>>, vector<16xf32>,
      %parallel_loop3A_1279 = arith.constant 20480 : i32
      %parallel_loop3A_1280 = arith.addi %parallel_loop3A_1279, %parallel_loop3A_334 : i32
      %parallel_loop3A_1281 = arith.index_cast %parallel_loop3A_1280 : i32 to index
      %parallel_loop3A_1282 = tpu.vector_load %arg7[%parallel_loop3A_1281] {strides = array<i32>} : memref<36864xf32, #tpu.memory_space<vmem>>, vector<16xf32>,
      tpu.vector_store %arg7[%parallel_loop3A_1281], %parallel_loop3A_1274 {strides = array<i32>} : memref<36864xf32, #tpu.memory_space<vmem>>, vector<16xf32>,
      %parallel_loop3A_1283 = arith.constant 1280 : i32
      %parallel_loop3A_1284 = tpu.memref_slice %arg6[%parallel_loop3A_1283] : memref<5120xi32, #tpu.memory_space<vmem>> -> memref<128xi32, #tpu.memory_space<vmem>>
      %parallel_loop3A_1285 = tpu.vector_load_idx %parallel_loop3A_1284[%parallel_loop3A_338] : memref<128xi32, #tpu.memory_space<vmem>>[vector<16xi32>], vector<16xi32>,
      %parallel_loop3A_1286 = arith.constant 1280 : i32
      %parallel_loop3A_1287 = tpu.memref_slice %arg6[%parallel_loop3A_1286] : memref<5120xi32, #tpu.memory_space<vmem>> -> memref<128xi32, #tpu.memory_space<vmem>>
      %parallel_loop3A_1288 = tpu.vector_load_idx %parallel_loop3A_1287[%parallel_loop3A_342] : memref<128xi32, #tpu.memory_space<vmem>>[vector<16xi32>], vector<16xi32>,
      %parallel_loop3A_1289 = arith.constant 1280 : i32
      %parallel_loop3A_1290 = tpu.memref_slice %arg6[%parallel_loop3A_1289] : memref<5120xi32, #tpu.memory_space<vmem>> -> memref<128xi32, #tpu.memory_space<vmem>>
      %parallel_loop3A_1291 = tpu.vector_load_idx %parallel_loop3A_1290[%parallel_loop3A_346] : memref<128xi32, #tpu.memory_space<vmem>>[vector<16xi32>], vector<16xi32>,
      %parallel_loop3A_1292 = arith.constant 1280 : i32
      %parallel_loop3A_1293 = tpu.memref_slice %arg6[%parallel_loop3A_1292] : memref<5120xi32, #tpu.memory_space<vmem>> -> memref<128xi32, #tpu.memory_space<vmem>>
      %parallel_loop3A_1294 = tpu.vector_load_idx %parallel_loop3A_1293[%parallel_loop3A_350] : memref<128xi32, #tpu.memory_space<vmem>>[vector<16xi32>], vector<16xi32>,
      %parallel_loop3A_1295 = arith.constant 1280 : i32
      %parallel_loop3A_1296 = tpu.memref_slice %arg6[%parallel_loop3A_1295] : memref<5120xi32, #tpu.memory_space<vmem>> -> memref<128xi32, #tpu.memory_space<vmem>>
      %parallel_loop3A_1297 = tpu.vector_load_idx %parallel_loop3A_1296[%parallel_loop3A_354] : memref<128xi32, #tpu.memory_space<vmem>>[vector<16xi32>], vector<16xi32>,
      %parallel_loop3A_1298 = arith.constant 1280 : i32
      %parallel_loop3A_1299 = tpu.memref_slice %arg6[%parallel_loop3A_1298] : memref<5120xi32, #tpu.memory_space<vmem>> -> memref<128xi32, #tpu.memory_space<vmem>>
      %parallel_loop3A_1300 = tpu.vector_load_idx %parallel_loop3A_1299[%parallel_loop3A_358] : memref<128xi32, #tpu.memory_space<vmem>>[vector<16xi32>], vector<16xi32>,
      %parallel_loop3A_1301 = arith.constant 1280 : i32
      %parallel_loop3A_1302 = tpu.memref_slice %arg6[%parallel_loop3A_1301] : memref<5120xi32, #tpu.memory_space<vmem>> -> memref<128xi32, #tpu.memory_space<vmem>>
      %parallel_loop3A_1303 = tpu.vector_load_idx %parallel_loop3A_1302[%parallel_loop3A_362] : memref<128xi32, #tpu.memory_space<vmem>>[vector<16xi32>], vector<16xi32>,
      %parallel_loop3A_1304 = arith.constant 1280 : i32
      %parallel_loop3A_1305 = tpu.memref_slice %arg6[%parallel_loop3A_1304] : memref<5120xi32, #tpu.memory_space<vmem>> -> memref<128xi32, #tpu.memory_space<vmem>>
      %parallel_loop3A_1306 = tpu.vector_load_idx %parallel_loop3A_1305[%parallel_loop3A_366] : memref<128xi32, #tpu.memory_space<vmem>>[vector<16xi32>], vector<16xi32>,
      %parallel_loop3A_1307 = arith.constant 1280 : i32
      %parallel_loop3A_1308 = tpu.memref_slice %arg6[%parallel_loop3A_1307] : memref<5120xi32, #tpu.memory_space<vmem>> -> memref<128xi32, #tpu.memory_space<vmem>>
      %parallel_loop3A_1309 = tpu.vector_load_idx %parallel_loop3A_1308[%parallel_loop3A_370] : memref<128xi32, #tpu.memory_space<vmem>>[vector<16xi32>], vector<16xi32>,
      %parallel_loop3A_1310 = arith.constant 1280 : i32
      %parallel_loop3A_1311 = tpu.memref_slice %arg6[%parallel_loop3A_1310] : memref<5120xi32, #tpu.memory_space<vmem>> -> memref<128xi32, #tpu.memory_space<vmem>>
      %parallel_loop3A_1312 = tpu.vector_load_idx %parallel_loop3A_1311[%parallel_loop3A_374] : memref<128xi32, #tpu.memory_space<vmem>>[vector<16xi32>], vector<16xi32>,
      %parallel_loop3A_1313 = vector.bitcast %parallel_loop3A_1073 : vector<16xi32> to vector<32xbf16>
      %parallel_loop3A_1314 = vector.bitcast %parallel_loop3A_1076 : vector<16xi32> to vector<32xbf16>
      %parallel_loop3A_1315 = arith.addf %parallel_loop3A_1313, %parallel_loop3A_1314 : vector<32xbf16>
      %parallel_loop3A_1316 = vector.bitcast %parallel_loop3A_1315 : vector<32xbf16> to vector<16xi32>
      %parallel_loop3A_1317 = vector.bitcast %parallel_loop3A_1079 : vector<16xi32> to vector<32xbf16>
      %parallel_loop3A_1318 = vector.bitcast %parallel_loop3A_1082 : vector<16xi32> to vector<32xbf16>
      %parallel_loop3A_1319 = arith.addf %parallel_loop3A_1317, %parallel_loop3A_1318 : vector<32xbf16>
      %parallel_loop3A_1320 = vector.bitcast %parallel_loop3A_1319 : vector<32xbf16> to vector<16xi32>
      %parallel_loop3A_1321 = vector.bitcast %parallel_loop3A_1085 : vector<16xi32> to vector<32xbf16>
      %parallel_loop3A_1322 = vector.bitcast %parallel_loop3A_1088 : vector<16xi32> to vector<32xbf16>
      %parallel_loop3A_1323 = arith.addf %parallel_loop3A_1321, %parallel_loop3A_1322 : vector<32xbf16>
      %parallel_loop3A_1324 = vector.bitcast %parallel_loop3A_1323 : vector<32xbf16> to vector<16xi32>
      %parallel_loop3A_1325 = vector.bitcast %parallel_loop3A_1091 : vector<16xi32> to vector<32xbf16>
      %parallel_loop3A_1326 = vector.bitcast %parallel_loop3A_1094 : vector<16xi32> to vector<32xbf16>
      %parallel_loop3A_1327 = arith.addf %parallel_loop3A_1325, %parallel_loop3A_1326 : vector<32xbf16>
      %parallel_loop3A_1328 = vector.bitcast %parallel_loop3A_1327 : vector<32xbf16> to vector<16xi32>
      %parallel_loop3A_1329 = vector.bitcast %parallel_loop3A_1097 : vector<16xi32> to vector<32xbf16>
      %parallel_loop3A_1330 = vector.bitcast %parallel_loop3A_1100 : vector<16xi32> to vector<32xbf16>
      %parallel_loop3A_1331 = arith.addf %parallel_loop3A_1329, %parallel_loop3A_1330 : vector<32xbf16>
      %parallel_loop3A_1332 = vector.bitcast %parallel_loop3A_1331 : vector<32xbf16> to vector<16xi32>
      %parallel_loop3A_1333 = arith.constant 16 : i32
      %parallel_loop3A_1334 = vector.broadcast %parallel_loop3A_1333 : i32 to vector<16xi32>
      %parallel_loop3A_1335 = arith.shli %parallel_loop3A_1316, %parallel_loop3A_1334 : vector<16xi32>
      %parallel_loop3A_1336 = vector.bitcast %parallel_loop3A_1335 : vector<16xi32> to vector<16xf32>
      %parallel_loop3A_1337 = arith.constant -65536 : i32
      %parallel_loop3A_1338 = vector.broadcast %parallel_loop3A_1337 : i32 to vector<16xi32>
      %parallel_loop3A_1339 = arith.andi %parallel_loop3A_1316, %parallel_loop3A_1338 : vector<16xi32>
      %parallel_loop3A_1340 = vector.bitcast %parallel_loop3A_1339 : vector<16xi32> to vector<16xf32>
      %parallel_loop3A_1341 = arith.constant 16 : i32
      %parallel_loop3A_1342 = vector.broadcast %parallel_loop3A_1341 : i32 to vector<16xi32>
      %parallel_loop3A_1343 = arith.shli %parallel_loop3A_1320, %parallel_loop3A_1342 : vector<16xi32>
      %parallel_loop3A_1344 = vector.bitcast %parallel_loop3A_1343 : vector<16xi32> to vector<16xf32>
      %parallel_loop3A_1345 = arith.constant -65536 : i32
      %parallel_loop3A_1346 = vector.broadcast %parallel_loop3A_1345 : i32 to vector<16xi32>
      %parallel_loop3A_1347 = arith.andi %parallel_loop3A_1320, %parallel_loop3A_1346 : vector<16xi32>
      %parallel_loop3A_1348 = vector.bitcast %parallel_loop3A_1347 : vector<16xi32> to vector<16xf32>
      %parallel_loop3A_1349 = arith.constant 16 : i32
      %parallel_loop3A_1350 = vector.broadcast %parallel_loop3A_1349 : i32 to vector<16xi32>
      %parallel_loop3A_1351 = arith.shli %parallel_loop3A_1324, %parallel_loop3A_1350 : vector<16xi32>
      %parallel_loop3A_1352 = vector.bitcast %parallel_loop3A_1351 : vector<16xi32> to vector<16xf32>
      %parallel_loop3A_1353 = arith.constant -65536 : i32
      %parallel_loop3A_1354 = vector.broadcast %parallel_loop3A_1353 : i32 to vector<16xi32>
      %parallel_loop3A_1355 = arith.andi %parallel_loop3A_1324, %parallel_loop3A_1354 : vector<16xi32>
      %parallel_loop3A_1356 = vector.bitcast %parallel_loop3A_1355 : vector<16xi32> to vector<16xf32>
      %parallel_loop3A_1357 = arith.constant 16 : i32
      %parallel_loop3A_1358 = vector.broadcast %parallel_loop3A_1357 : i32 to vector<16xi32>
      %parallel_loop3A_1359 = arith.shli %parallel_loop3A_1328, %parallel_loop3A_1358 : vector<16xi32>
      %parallel_loop3A_1360 = vector.bitcast %parallel_loop3A_1359 : vector<16xi32> to vector<16xf32>
      %parallel_loop3A_1361 = arith.constant -65536 : i32
      %parallel_loop3A_1362 = vector.broadcast %parallel_loop3A_1361 : i32 to vector<16xi32>
      %parallel_loop3A_1363 = arith.andi %parallel_loop3A_1328, %parallel_loop3A_1362 : vector<16xi32>
      %parallel_loop3A_1364 = vector.bitcast %parallel_loop3A_1363 : vector<16xi32> to vector<16xf32>
      %parallel_loop3A_1365 = arith.constant 16 : i32
      %parallel_loop3A_1366 = vector.broadcast %parallel_loop3A_1365 : i32 to vector<16xi32>
      %parallel_loop3A_1367 = arith.shli %parallel_loop3A_1332, %parallel_loop3A_1366 : vector<16xi32>
      %parallel_loop3A_1368 = vector.bitcast %parallel_loop3A_1367 : vector<16xi32> to vector<16xf32>
      %parallel_loop3A_1369 = arith.constant -65536 : i32
      %parallel_loop3A_1370 = vector.broadcast %parallel_loop3A_1369 : i32 to vector<16xi32>
      %parallel_loop3A_1371 = arith.andi %parallel_loop3A_1332, %parallel_loop3A_1370 : vector<16xi32>
      %parallel_loop3A_1372 = vector.bitcast %parallel_loop3A_1371 : vector<16xi32> to vector<16xf32>
      %parallel_loop3A_1373 = arith.addf %parallel_loop3A_1336, %parallel_loop3A_1344 : vector<16xf32>
      %parallel_loop3A_1374 = arith.addf %parallel_loop3A_1352, %parallel_loop3A_1360 : vector<16xf32>
      %parallel_loop3A_1375 = arith.addf %parallel_loop3A_1373, %parallel_loop3A_1374 : vector<16xf32>
      %parallel_loop3A_1376 = arith.addf %parallel_loop3A_1375, %parallel_loop3A_1368 : vector<16xf32>
      %parallel_loop3A_1377 = arith.addf %parallel_loop3A_1340, %parallel_loop3A_1348 : vector<16xf32>
      %parallel_loop3A_1378 = arith.addf %parallel_loop3A_1356, %parallel_loop3A_1364 : vector<16xf32>
      %parallel_loop3A_1379 = arith.addf %parallel_loop3A_1377, %parallel_loop3A_1378 : vector<16xf32>
      %parallel_loop3A_1380 = arith.addf %parallel_loop3A_1379, %parallel_loop3A_1372 : vector<16xf32>
      %parallel_loop3A_1381 = arith.constant 4096 : i32
      %parallel_loop3A_1382 = arith.addi %parallel_loop3A_1381, %parallel_loop3A_334 : i32
      %parallel_loop3A_1383 = arith.index_cast %parallel_loop3A_1382 : i32 to index
      %parallel_loop3A_1384 = tpu.vector_load %arg7[%parallel_loop3A_1383] {strides = array<i32>} : memref<36864xf32, #tpu.memory_space<vmem>>, vector<16xf32>,
      tpu.vector_store %arg7[%parallel_loop3A_1383], %parallel_loop3A_1376 {strides = array<i32>} : memref<36864xf32, #tpu.memory_space<vmem>>, vector<16xf32>,
      %parallel_loop3A_1385 = arith.constant 20608 : i32
      %parallel_loop3A_1386 = arith.addi %parallel_loop3A_1385, %parallel_loop3A_334 : i32
      %parallel_loop3A_1387 = arith.index_cast %parallel_loop3A_1386 : i32 to index
      %parallel_loop3A_1388 = tpu.vector_load %arg7[%parallel_loop3A_1387] {strides = array<i32>} : memref<36864xf32, #tpu.memory_space<vmem>>, vector<16xf32>,
      tpu.vector_store %arg7[%parallel_loop3A_1387], %parallel_loop3A_1380 {strides = array<i32>} : memref<36864xf32, #tpu.memory_space<vmem>>, vector<16xf32>,
      %parallel_loop3A_1389 = arith.constant 1408 : i32
      %parallel_loop3A_1390 = tpu.memref_slice %arg6[%parallel_loop3A_1389] : memref<5120xi32, #tpu.memory_space<vmem>> -> memref<128xi32, #tpu.memory_space<vmem>>
      %parallel_loop3A_1391 = tpu.vector_load_idx %parallel_loop3A_1390[%parallel_loop3A_338] : memref<128xi32, #tpu.memory_space<vmem>>[vector<16xi32>], vector<16xi32>,
      %parallel_loop3A_1392 = arith.constant 1408 : i32
      %parallel_loop3A_1393 = tpu.memref_slice %arg6[%parallel_loop3A_1392] : memref<5120xi32, #tpu.memory_space<vmem>> -> memref<128xi32, #tpu.memory_space<vmem>>
      %parallel_loop3A_1394 = tpu.vector_load_idx %parallel_loop3A_1393[%parallel_loop3A_342] : memref<128xi32, #tpu.memory_space<vmem>>[vector<16xi32>], vector<16xi32>,
      %parallel_loop3A_1395 = arith.constant 1408 : i32
      %parallel_loop3A_1396 = tpu.memref_slice %arg6[%parallel_loop3A_1395] : memref<5120xi32, #tpu.memory_space<vmem>> -> memref<128xi32, #tpu.memory_space<vmem>>
      %parallel_loop3A_1397 = tpu.vector_load_idx %parallel_loop3A_1396[%parallel_loop3A_346] : memref<128xi32, #tpu.memory_space<vmem>>[vector<16xi32>], vector<16xi32>,
      %parallel_loop3A_1398 = arith.constant 1408 : i32
      %parallel_loop3A_1399 = tpu.memref_slice %arg6[%parallel_loop3A_1398] : memref<5120xi32, #tpu.memory_space<vmem>> -> memref<128xi32, #tpu.memory_space<vmem>>
      %parallel_loop3A_1400 = tpu.vector_load_idx %parallel_loop3A_1399[%parallel_loop3A_350] : memref<128xi32, #tpu.memory_space<vmem>>[vector<16xi32>], vector<16xi32>,
      %parallel_loop3A_1401 = arith.constant 1408 : i32
      %parallel_loop3A_1402 = tpu.memref_slice %arg6[%parallel_loop3A_1401] : memref<5120xi32, #tpu.memory_space<vmem>> -> memref<128xi32, #tpu.memory_space<vmem>>
      %parallel_loop3A_1403 = tpu.vector_load_idx %parallel_loop3A_1402[%parallel_loop3A_354] : memref<128xi32, #tpu.memory_space<vmem>>[vector<16xi32>], vector<16xi32>,
      %parallel_loop3A_1404 = arith.constant 1408 : i32
      %parallel_loop3A_1405 = tpu.memref_slice %arg6[%parallel_loop3A_1404] : memref<5120xi32, #tpu.memory_space<vmem>> -> memref<128xi32, #tpu.memory_space<vmem>>
      %parallel_loop3A_1406 = tpu.vector_load_idx %parallel_loop3A_1405[%parallel_loop3A_358] : memref<128xi32, #tpu.memory_space<vmem>>[vector<16xi32>], vector<16xi32>,
      %parallel_loop3A_1407 = arith.constant 1408 : i32
      %parallel_loop3A_1408 = tpu.memref_slice %arg6[%parallel_loop3A_1407] : memref<5120xi32, #tpu.memory_space<vmem>> -> memref<128xi32, #tpu.memory_space<vmem>>
      %parallel_loop3A_1409 = tpu.vector_load_idx %parallel_loop3A_1408[%parallel_loop3A_362] : memref<128xi32, #tpu.memory_space<vmem>>[vector<16xi32>], vector<16xi32>,
      %parallel_loop3A_1410 = arith.constant 1408 : i32
      %parallel_loop3A_1411 = tpu.memref_slice %arg6[%parallel_loop3A_1410] : memref<5120xi32, #tpu.memory_space<vmem>> -> memref<128xi32, #tpu.memory_space<vmem>>
      %parallel_loop3A_1412 = tpu.vector_load_idx %parallel_loop3A_1411[%parallel_loop3A_366] : memref<128xi32, #tpu.memory_space<vmem>>[vector<16xi32>], vector<16xi32>,
      %parallel_loop3A_1413 = arith.constant 1408 : i32
      %parallel_loop3A_1414 = tpu.memref_slice %arg6[%parallel_loop3A_1413] : memref<5120xi32, #tpu.memory_space<vmem>> -> memref<128xi32, #tpu.memory_space<vmem>>
      %parallel_loop3A_1415 = tpu.vector_load_idx %parallel_loop3A_1414[%parallel_loop3A_370] : memref<128xi32, #tpu.memory_space<vmem>>[vector<16xi32>], vector<16xi32>,
      %parallel_loop3A_1416 = arith.constant 1408 : i32
      %parallel_loop3A_1417 = tpu.memref_slice %arg6[%parallel_loop3A_1416] : memref<5120xi32, #tpu.memory_space<vmem>> -> memref<128xi32, #tpu.memory_space<vmem>>
      %parallel_loop3A_1418 = tpu.vector_load_idx %parallel_loop3A_1417[%parallel_loop3A_374] : memref<128xi32, #tpu.memory_space<vmem>>[vector<16xi32>], vector<16xi32>,
      %parallel_loop3A_1419 = vector.bitcast %parallel_loop3A_1179 : vector<16xi32> to vector<32xbf16>
      %parallel_loop3A_1420 = vector.bitcast %parallel_loop3A_1182 : vector<16xi32> to vector<32xbf16>
      %parallel_loop3A_1421 = arith.addf %parallel_loop3A_1419, %parallel_loop3A_1420 : vector<32xbf16>
      %parallel_loop3A_1422 = vector.bitcast %parallel_loop3A_1421 : vector<32xbf16> to vector<16xi32>
      %parallel_loop3A_1423 = vector.bitcast %parallel_loop3A_1185 : vector<16xi32> to vector<32xbf16>
      %parallel_loop3A_1424 = vector.bitcast %parallel_loop3A_1188 : vector<16xi32> to vector<32xbf16>
      %parallel_loop3A_1425 = arith.addf %parallel_loop3A_1423, %parallel_loop3A_1424 : vector<32xbf16>
      %parallel_loop3A_1426 = vector.bitcast %parallel_loop3A_1425 : vector<32xbf16> to vector<16xi32>
      %parallel_loop3A_1427 = vector.bitcast %parallel_loop3A_1191 : vector<16xi32> to vector<32xbf16>
      %parallel_loop3A_1428 = vector.bitcast %parallel_loop3A_1194 : vector<16xi32> to vector<32xbf16>
      %parallel_loop3A_1429 = arith.addf %parallel_loop3A_1427, %parallel_loop3A_1428 : vector<32xbf16>
      %parallel_loop3A_1430 = vector.bitcast %parallel_loop3A_1429 : vector<32xbf16> to vector<16xi32>
      %parallel_loop3A_1431 = vector.bitcast %parallel_loop3A_1197 : vector<16xi32> to vector<32xbf16>
      %parallel_loop3A_1432 = vector.bitcast %parallel_loop3A_1200 : vector<16xi32> to vector<32xbf16>
      %parallel_loop3A_1433 = arith.addf %parallel_loop3A_1431, %parallel_loop3A_1432 : vector<32xbf16>
      %parallel_loop3A_1434 = vector.bitcast %parallel_loop3A_1433 : vector<32xbf16> to vector<16xi32>
      %parallel_loop3A_1435 = vector.bitcast %parallel_loop3A_1203 : vector<16xi32> to vector<32xbf16>
      %parallel_loop3A_1436 = vector.bitcast %parallel_loop3A_1206 : vector<16xi32> to vector<32xbf16>
      %parallel_loop3A_1437 = arith.addf %parallel_loop3A_1435, %parallel_loop3A_1436 : vector<32xbf16>
      %parallel_loop3A_1438 = vector.bitcast %parallel_loop3A_1437 : vector<32xbf16> to vector<16xi32>
      %parallel_loop3A_1439 = arith.constant 16 : i32
      %parallel_loop3A_1440 = vector.broadcast %parallel_loop3A_1439 : i32 to vector<16xi32>
      %parallel_loop3A_1441 = arith.shli %parallel_loop3A_1422, %parallel_loop3A_1440 : vector<16xi32>
      %parallel_loop3A_1442 = vector.bitcast %parallel_loop3A_1441 : vector<16xi32> to vector<16xf32>
      %parallel_loop3A_1443 = arith.constant -65536 : i32
      %parallel_loop3A_1444 = vector.broadcast %parallel_loop3A_1443 : i32 to vector<16xi32>
      %parallel_loop3A_1445 = arith.andi %parallel_loop3A_1422, %parallel_loop3A_1444 : vector<16xi32>
      %parallel_loop3A_1446 = vector.bitcast %parallel_loop3A_1445 : vector<16xi32> to vector<16xf32>
      %parallel_loop3A_1447 = arith.constant 16 : i32
      %parallel_loop3A_1448 = vector.broadcast %parallel_loop3A_1447 : i32 to vector<16xi32>
      %parallel_loop3A_1449 = arith.shli %parallel_loop3A_1426, %parallel_loop3A_1448 : vector<16xi32>
      %parallel_loop3A_1450 = vector.bitcast %parallel_loop3A_1449 : vector<16xi32> to vector<16xf32>
      %parallel_loop3A_1451 = arith.constant -65536 : i32
      %parallel_loop3A_1452 = vector.broadcast %parallel_loop3A_1451 : i32 to vector<16xi32>
      %parallel_loop3A_1453 = arith.andi %parallel_loop3A_1426, %parallel_loop3A_1452 : vector<16xi32>
      %parallel_loop3A_1454 = vector.bitcast %parallel_loop3A_1453 : vector<16xi32> to vector<16xf32>
      %parallel_loop3A_1455 = arith.constant 16 : i32
      %parallel_loop3A_1456 = vector.broadcast %parallel_loop3A_1455 : i32 to vector<16xi32>
      %parallel_loop3A_1457 = arith.shli %parallel_loop3A_1430, %parallel_loop3A_1456 : vector<16xi32>
      %parallel_loop3A_1458 = vector.bitcast %parallel_loop3A_1457 : vector<16xi32> to vector<16xf32>
      %parallel_loop3A_1459 = arith.constant -65536 : i32
      %parallel_loop3A_1460 = vector.broadcast %parallel_loop3A_1459 : i32 to vector<16xi32>
      %parallel_loop3A_1461 = arith.andi %parallel_loop3A_1430, %parallel_loop3A_1460 : vector<16xi32>
      %parallel_loop3A_1462 = vector.bitcast %parallel_loop3A_1461 : vector<16xi32> to vector<16xf32>
      %parallel_loop3A_1463 = arith.constant 16 : i32
      %parallel_loop3A_1464 = vector.broadcast %parallel_loop3A_1463 : i32 to vector<16xi32>
      %parallel_loop3A_1465 = arith.shli %parallel_loop3A_1434, %parallel_loop3A_1464 : vector<16xi32>
      %parallel_loop3A_1466 = vector.bitcast %parallel_loop3A_1465 : vector<16xi32> to vector<16xf32>
      %parallel_loop3A_1467 = arith.constant -65536 : i32
      %parallel_loop3A_1468 = vector.broadcast %parallel_loop3A_1467 : i32 to vector<16xi32>
      %parallel_loop3A_1469 = arith.andi %parallel_loop3A_1434, %parallel_loop3A_1468 : vector<16xi32>
      %parallel_loop3A_1470 = vector.bitcast %parallel_loop3A_1469 : vector<16xi32> to vector<16xf32>
      %parallel_loop3A_1471 = arith.constant 16 : i32
      %parallel_loop3A_1472 = vector.broadcast %parallel_loop3A_1471 : i32 to vector<16xi32>
      %parallel_loop3A_1473 = arith.shli %parallel_loop3A_1438, %parallel_loop3A_1472 : vector<16xi32>
      %parallel_loop3A_1474 = vector.bitcast %parallel_loop3A_1473 : vector<16xi32> to vector<16xf32>
      %parallel_loop3A_1475 = arith.constant -65536 : i32
      %parallel_loop3A_1476 = vector.broadcast %parallel_loop3A_1475 : i32 to vector<16xi32>
      %parallel_loop3A_1477 = arith.andi %parallel_loop3A_1438, %parallel_loop3A_1476 : vector<16xi32>
      %parallel_loop3A_1478 = vector.bitcast %parallel_loop3A_1477 : vector<16xi32> to vector<16xf32>
      %parallel_loop3A_1479 = arith.addf %parallel_loop3A_1442, %parallel_loop3A_1450 : vector<16xf32>
      %parallel_loop3A_1480 = arith.addf %parallel_loop3A_1458, %parallel_loop3A_1466 : vector<16xf32>
      %parallel_loop3A_1481 = arith.addf %parallel_loop3A_1479, %parallel_loop3A_1480 : vector<16xf32>
      %parallel_loop3A_1482 = arith.addf %parallel_loop3A_1481, %parallel_loop3A_1474 : vector<16xf32>
      %parallel_loop3A_1483 = arith.addf %parallel_loop3A_1446, %parallel_loop3A_1454 : vector<16xf32>
      %parallel_loop3A_1484 = arith.addf %parallel_loop3A_1462, %parallel_loop3A_1470 : vector<16xf32>
      %parallel_loop3A_1485 = arith.addf %parallel_loop3A_1483, %parallel_loop3A_1484 : vector<16xf32>
      %parallel_loop3A_1486 = arith.addf %parallel_loop3A_1485, %parallel_loop3A_1478 : vector<16xf32>
      %parallel_loop3A_1487 = arith.constant 4224 : i32
      %parallel_loop3A_1488 = arith.addi %parallel_loop3A_1487, %parallel_loop3A_334 : i32
      %parallel_loop3A_1489 = arith.index_cast %parallel_loop3A_1488 : i32 to index
      %parallel_loop3A_1490 = tpu.vector_load %arg7[%parallel_loop3A_1489] {strides = array<i32>} : memref<36864xf32, #tpu.memory_space<vmem>>, vector<16xf32>,
      tpu.vector_store %arg7[%parallel_loop3A_1489], %parallel_loop3A_1482 {strides = array<i32>} : memref<36864xf32, #tpu.memory_space<vmem>>, vector<16xf32>,
      %parallel_loop3A_1491 = arith.constant 20736 : i32
      %parallel_loop3A_1492 = arith.addi %parallel_loop3A_1491, %parallel_loop3A_334 : i32
      %parallel_loop3A_1493 = arith.index_cast %parallel_loop3A_1492 : i32 to index
      %parallel_loop3A_1494 = tpu.vector_load %arg7[%parallel_loop3A_1493] {strides = array<i32>} : memref<36864xf32, #tpu.memory_space<vmem>>, vector<16xf32>,
      tpu.vector_store %arg7[%parallel_loop3A_1493], %parallel_loop3A_1486 {strides = array<i32>} : memref<36864xf32, #tpu.memory_space<vmem>>, vector<16xf32>,
      %parallel_loop3A_1495 = arith.constant 1536 : i32
      %parallel_loop3A_1496 = tpu.memref_slice %arg6[%parallel_loop3A_1495] : memref<5120xi32, #tpu.memory_space<vmem>> -> memref<128xi32, #tpu.memory_space<vmem>>
      %parallel_loop3A_1497 = tpu.vector_load_idx %parallel_loop3A_1496[%parallel_loop3A_338] : memref<128xi32, #tpu.memory_space<vmem>>[vector<16xi32>], vector<16xi32>,
      %parallel_loop3A_1498 = arith.constant 1536 : i32
      %parallel_loop3A_1499 = tpu.memref_slice %arg6[%parallel_loop3A_1498] : memref<5120xi32, #tpu.memory_space<vmem>> -> memref<128xi32, #tpu.memory_space<vmem>>
      %parallel_loop3A_1500 = tpu.vector_load_idx %parallel_loop3A_1499[%parallel_loop3A_342] : memref<128xi32, #tpu.memory_space<vmem>>[vector<16xi32>], vector<16xi32>,
      %parallel_loop3A_1501 = arith.constant 1536 : i32
      %parallel_loop3A_1502 = tpu.memref_slice %arg6[%parallel_loop3A_1501] : memref<5120xi32, #tpu.memory_space<vmem>> -> memref<128xi32, #tpu.memory_space<vmem>>
      %parallel_loop3A_1503 = tpu.vector_load_idx %parallel_loop3A_1502[%parallel_loop3A_346] : memref<128xi32, #tpu.memory_space<vmem>>[vector<16xi32>], vector<16xi32>,
      %parallel_loop3A_1504 = arith.constant 1536 : i32
      %parallel_loop3A_1505 = tpu.memref_slice %arg6[%parallel_loop3A_1504] : memref<5120xi32, #tpu.memory_space<vmem>> -> memref<128xi32, #tpu.memory_space<vmem>>
      %parallel_loop3A_1506 = tpu.vector_load_idx %parallel_loop3A_1505[%parallel_loop3A_350] : memref<128xi32, #tpu.memory_space<vmem>>[vector<16xi32>], vector<16xi32>,
      %parallel_loop3A_1507 = arith.constant 1536 : i32
      %parallel_loop3A_1508 = tpu.memref_slice %arg6[%parallel_loop3A_1507] : memref<5120xi32, #tpu.memory_space<vmem>> -> memref<128xi32, #tpu.memory_space<vmem>>
      %parallel_loop3A_1509 = tpu.vector_load_idx %parallel_loop3A_1508[%parallel_loop3A_354] : memref<128xi32, #tpu.memory_space<vmem>>[vector<16xi32>], vector<16xi32>,
      %parallel_loop3A_1510 = arith.constant 1536 : i32
      %parallel_loop3A_1511 = tpu.memref_slice %arg6[%parallel_loop3A_1510] : memref<5120xi32, #tpu.memory_space<vmem>> -> memref<128xi32, #tpu.memory_space<vmem>>
      %parallel_loop3A_1512 = tpu.vector_load_idx %parallel_loop3A_1511[%parallel_loop3A_358] : memref<128xi32, #tpu.memory_space<vmem>>[vector<16xi32>], vector<16xi32>,
      %parallel_loop3A_1513 = arith.constant 1536 : i32
      %parallel_loop3A_1514 = tpu.memref_slice %arg6[%parallel_loop3A_1513] : memref<5120xi32, #tpu.memory_space<vmem>> -> memref<128xi32, #tpu.memory_space<vmem>>
      %parallel_loop3A_1515 = tpu.vector_load_idx %parallel_loop3A_1514[%parallel_loop3A_362] : memref<128xi32, #tpu.memory_space<vmem>>[vector<16xi32>], vector<16xi32>,
      %parallel_loop3A_1516 = arith.constant 1536 : i32
      %parallel_loop3A_1517 = tpu.memref_slice %arg6[%parallel_loop3A_1516] : memref<5120xi32, #tpu.memory_space<vmem>> -> memref<128xi32, #tpu.memory_space<vmem>>
      %parallel_loop3A_1518 = tpu.vector_load_idx %parallel_loop3A_1517[%parallel_loop3A_366] : memref<128xi32, #tpu.memory_space<vmem>>[vector<16xi32>], vector<16xi32>,
      %parallel_loop3A_1519 = arith.constant 1536 : i32
      %parallel_loop3A_1520 = tpu.memref_slice %arg6[%parallel_loop3A_1519] : memref<5120xi32, #tpu.memory_space<vmem>> -> memref<128xi32, #tpu.memory_space<vmem>>
      %parallel_loop3A_1521 = tpu.vector_load_idx %parallel_loop3A_1520[%parallel_loop3A_370] : memref<128xi32, #tpu.memory_space<vmem>>[vector<16xi32>], vector<16xi32>,
      %parallel_loop3A_1522 = arith.constant 1536 : i32
      %parallel_loop3A_1523 = tpu.memref_slice %arg6[%parallel_loop3A_1522] : memref<5120xi32, #tpu.memory_space<vmem>> -> memref<128xi32, #tpu.memory_space<vmem>>
      %parallel_loop3A_1524 = tpu.vector_load_idx %parallel_loop3A_1523[%parallel_loop3A_374] : memref<128xi32, #tpu.memory_space<vmem>>[vector<16xi32>], vector<16xi32>,
      %parallel_loop3A_1525 = vector.bitcast %parallel_loop3A_1285 : vector<16xi32> to vector<32xbf16>
      %parallel_loop3A_1526 = vector.bitcast %parallel_loop3A_1288 : vector<16xi32> to vector<32xbf16>
      %parallel_loop3A_1527 = arith.addf %parallel_loop3A_1525, %parallel_loop3A_1526 : vector<32xbf16>
      %parallel_loop3A_1528 = vector.bitcast %parallel_loop3A_1527 : vector<32xbf16> to vector<16xi32>
      %parallel_loop3A_1529 = vector.bitcast %parallel_loop3A_1291 : vector<16xi32> to vector<32xbf16>
      %parallel_loop3A_1530 = vector.bitcast %parallel_loop3A_1294 : vector<16xi32> to vector<32xbf16>
      %parallel_loop3A_1531 = arith.addf %parallel_loop3A_1529, %parallel_loop3A_1530 : vector<32xbf16>
      %parallel_loop3A_1532 = vector.bitcast %parallel_loop3A_1531 : vector<32xbf16> to vector<16xi32>
      %parallel_loop3A_1533 = vector.bitcast %parallel_loop3A_1297 : vector<16xi32> to vector<32xbf16>
      %parallel_loop3A_1534 = vector.bitcast %parallel_loop3A_1300 : vector<16xi32> to vector<32xbf16>
      %parallel_loop3A_1535 = arith.addf %parallel_loop3A_1533, %parallel_loop3A_1534 : vector<32xbf16>
      %parallel_loop3A_1536 = vector.bitcast %parallel_loop3A_1535 : vector<32xbf16> to vector<16xi32>
      %parallel_loop3A_1537 = vector.bitcast %parallel_loop3A_1303 : vector<16xi32> to vector<32xbf16>
      %parallel_loop3A_1538 = vector.bitcast %parallel_loop3A_1306 : vector<16xi32> to vector<32xbf16>
      %parallel_loop3A_1539 = arith.addf %parallel_loop3A_1537, %parallel_loop3A_1538 : vector<32xbf16>
      %parallel_loop3A_1540 = vector.bitcast %parallel_loop3A_1539 : vector<32xbf16> to vector<16xi32>
      %parallel_loop3A_1541 = vector.bitcast %parallel_loop3A_1309 : vector<16xi32> to vector<32xbf16>
      %parallel_loop3A_1542 = vector.bitcast %parallel_loop3A_1312 : vector<16xi32> to vector<32xbf16>
      %parallel_loop3A_1543 = arith.addf %parallel_loop3A_1541, %parallel_loop3A_1542 : vector<32xbf16>
      %parallel_loop3A_1544 = vector.bitcast %parallel_loop3A_1543 : vector<32xbf16> to vector<16xi32>
      %parallel_loop3A_1545 = arith.constant 16 : i32
      %parallel_loop3A_1546 = vector.broadcast %parallel_loop3A_1545 : i32 to vector<16xi32>
      %parallel_loop3A_1547 = arith.shli %parallel_loop3A_1528, %parallel_loop3A_1546 : vector<16xi32>
      %parallel_loop3A_1548 = vector.bitcast %parallel_loop3A_1547 : vector<16xi32> to vector<16xf32>
      %parallel_loop3A_1549 = arith.constant -65536 : i32
      %parallel_loop3A_1550 = vector.broadcast %parallel_loop3A_1549 : i32 to vector<16xi32>
      %parallel_loop3A_1551 = arith.andi %parallel_loop3A_1528, %parallel_loop3A_1550 : vector<16xi32>
      %parallel_loop3A_1552 = vector.bitcast %parallel_loop3A_1551 : vector<16xi32> to vector<16xf32>
      %parallel_loop3A_1553 = arith.constant 16 : i32
      %parallel_loop3A_1554 = vector.broadcast %parallel_loop3A_1553 : i32 to vector<16xi32>
      %parallel_loop3A_1555 = arith.shli %parallel_loop3A_1532, %parallel_loop3A_1554 : vector<16xi32>
      %parallel_loop3A_1556 = vector.bitcast %parallel_loop3A_1555 : vector<16xi32> to vector<16xf32>
      %parallel_loop3A_1557 = arith.constant -65536 : i32
      %parallel_loop3A_1558 = vector.broadcast %parallel_loop3A_1557 : i32 to vector<16xi32>
      %parallel_loop3A_1559 = arith.andi %parallel_loop3A_1532, %parallel_loop3A_1558 : vector<16xi32>
      %parallel_loop3A_1560 = vector.bitcast %parallel_loop3A_1559 : vector<16xi32> to vector<16xf32>
      %parallel_loop3A_1561 = arith.constant 16 : i32
      %parallel_loop3A_1562 = vector.broadcast %parallel_loop3A_1561 : i32 to vector<16xi32>
      %parallel_loop3A_1563 = arith.shli %parallel_loop3A_1536, %parallel_loop3A_1562 : vector<16xi32>
      %parallel_loop3A_1564 = vector.bitcast %parallel_loop3A_1563 : vector<16xi32> to vector<16xf32>
      %parallel_loop3A_1565 = arith.constant -65536 : i32
      %parallel_loop3A_1566 = vector.broadcast %parallel_loop3A_1565 : i32 to vector<16xi32>
      %parallel_loop3A_1567 = arith.andi %parallel_loop3A_1536, %parallel_loop3A_1566 : vector<16xi32>
      %parallel_loop3A_1568 = vector.bitcast %parallel_loop3A_1567 : vector<16xi32> to vector<16xf32>
      %parallel_loop3A_1569 = arith.constant 16 : i32
      %parallel_loop3A_1570 = vector.broadcast %parallel_loop3A_1569 : i32 to vector<16xi32>
      %parallel_loop3A_1571 = arith.shli %parallel_loop3A_1540, %parallel_loop3A_1570 : vector<16xi32>
      %parallel_loop3A_1572 = vector.bitcast %parallel_loop3A_1571 : vector<16xi32> to vector<16xf32>
      %parallel_loop3A_1573 = arith.constant -65536 : i32
      %parallel_loop3A_1574 = vector.broadcast %parallel_loop3A_1573 : i32 to vector<16xi32>
      %parallel_loop3A_1575 = arith.andi %parallel_loop3A_1540, %parallel_loop3A_1574 : vector<16xi32>
      %parallel_loop3A_1576 = vector.bitcast %parallel_loop3A_1575 : vector<16xi32> to vector<16xf32>
      %parallel_loop3A_1577 = arith.constant 16 : i32
      %parallel_loop3A_1578 = vector.broadcast %parallel_loop3A_1577 : i32 to vector<16xi32>
      %parallel_loop3A_1579 = arith.shli %parallel_loop3A_1544, %parallel_loop3A_1578 : vector<16xi32>
      %parallel_loop3A_1580 = vector.bitcast %parallel_loop3A_1579 : vector<16xi32> to vector<16xf32>
      %parallel_loop3A_1581 = arith.constant -65536 : i32
      %parallel_loop3A_1582 = vector.broadcast %parallel_loop3A_1581 : i32 to vector<16xi32>
      %parallel_loop3A_1583 = arith.andi %parallel_loop3A_1544, %parallel_loop3A_1582 : vector<16xi32>
      %parallel_loop3A_1584 = vector.bitcast %parallel_loop3A_1583 : vector<16xi32> to vector<16xf32>
      %parallel_loop3A_1585 = arith.addf %parallel_loop3A_1548, %parallel_loop3A_1556 : vector<16xf32>
      %parallel_loop3A_1586 = arith.addf %parallel_loop3A_1564, %parallel_loop3A_1572 : vector<16xf32>
      %parallel_loop3A_1587 = arith.addf %parallel_loop3A_1585, %parallel_loop3A_1586 : vector<16xf32>
      %parallel_loop3A_1588 = arith.addf %parallel_loop3A_1587, %parallel_loop3A_1580 : vector<16xf32>
      %parallel_loop3A_1589 = arith.addf %parallel_loop3A_1552, %parallel_loop3A_1560 : vector<16xf32>
      %parallel_loop3A_1590 = arith.addf %parallel_loop3A_1568, %parallel_loop3A_1576 : vector<16xf32>
      %parallel_loop3A_1591 = arith.addf %parallel_loop3A_1589, %parallel_loop3A_1590 : vector<16xf32>
      %parallel_loop3A_1592 = arith.addf %parallel_loop3A_1591, %parallel_loop3A_1584 : vector<16xf32>
      %parallel_loop3A_1593 = arith.constant 4352 : i32
      %parallel_loop3A_1594 = arith.addi %parallel_loop3A_1593, %parallel_loop3A_334 : i32
      %parallel_loop3A_1595 = arith.index_cast %parallel_loop3A_1594 : i32 to index
      %parallel_loop3A_1596 = tpu.vector_load %arg7[%parallel_loop3A_1595] {strides = array<i32>} : memref<36864xf32, #tpu.memory_space<vmem>>, vector<16xf32>,
      tpu.vector_store %arg7[%parallel_loop3A_1595], %parallel_loop3A_1588 {strides = array<i32>} : memref<36864xf32, #tpu.memory_space<vmem>>, vector<16xf32>,
      %parallel_loop3A_1597 = arith.constant 20864 : i32
      %parallel_loop3A_1598 = arith.addi %parallel_loop3A_1597, %parallel_loop3A_334 : i32
      %parallel_loop3A_1599 = arith.index_cast %parallel_loop3A_1598 : i32 to index
      %parallel_loop3A_1600 = tpu.vector_load %arg7[%parallel_loop3A_1599] {strides = array<i32>} : memref<36864xf32, #tpu.memory_space<vmem>>, vector<16xf32>,
      tpu.vector_store %arg7[%parallel_loop3A_1599], %parallel_loop3A_1592 {strides = array<i32>} : memref<36864xf32, #tpu.memory_space<vmem>>, vector<16xf32>,
      %parallel_loop3A_1601 = arith.constant 1664 : i32
      %parallel_loop3A_1602 = tpu.memref_slice %arg6[%parallel_loop3A_1601] : memref<5120xi32, #tpu.memory_space<vmem>> -> memref<128xi32, #tpu.memory_space<vmem>>
      %parallel_loop3A_1603 = tpu.vector_load_idx %parallel_loop3A_1602[%parallel_loop3A_338] : memref<128xi32, #tpu.memory_space<vmem>>[vector<16xi32>], vector<16xi32>,
      %parallel_loop3A_1604 = arith.constant 1664 : i32
      %parallel_loop3A_1605 = tpu.memref_slice %arg6[%parallel_loop3A_1604] : memref<5120xi32, #tpu.memory_space<vmem>> -> memref<128xi32, #tpu.memory_space<vmem>>
      %parallel_loop3A_1606 = tpu.vector_load_idx %parallel_loop3A_1605[%parallel_loop3A_342] : memref<128xi32, #tpu.memory_space<vmem>>[vector<16xi32>], vector<16xi32>,
      %parallel_loop3A_1607 = arith.constant 1664 : i32
      %parallel_loop3A_1608 = tpu.memref_slice %arg6[%parallel_loop3A_1607] : memref<5120xi32, #tpu.memory_space<vmem>> -> memref<128xi32, #tpu.memory_space<vmem>>
      %parallel_loop3A_1609 = tpu.vector_load_idx %parallel_loop3A_1608[%parallel_loop3A_346] : memref<128xi32, #tpu.memory_space<vmem>>[vector<16xi32>], vector<16xi32>,
      %parallel_loop3A_1610 = arith.constant 1664 : i32
      %parallel_loop3A_1611 = tpu.memref_slice %arg6[%parallel_loop3A_1610] : memref<5120xi32, #tpu.memory_space<vmem>> -> memref<128xi32, #tpu.memory_space<vmem>>
      %parallel_loop3A_1612 = tpu.vector_load_idx %parallel_loop3A_1611[%parallel_loop3A_350] : memref<128xi32, #tpu.memory_space<vmem>>[vector<16xi32>], vector<16xi32>,
      %parallel_loop3A_1613 = arith.constant 1664 : i32
      %parallel_loop3A_1614 = tpu.memref_slice %arg6[%parallel_loop3A_1613] : memref<5120xi32, #tpu.memory_space<vmem>> -> memref<128xi32, #tpu.memory_space<vmem>>
      %parallel_loop3A_1615 = tpu.vector_load_idx %parallel_loop3A_1614[%parallel_loop3A_354] : memref<128xi32, #tpu.memory_space<vmem>>[vector<16xi32>], vector<16xi32>,
      %parallel_loop3A_1616 = arith.constant 1664 : i32
      %parallel_loop3A_1617 = tpu.memref_slice %arg6[%parallel_loop3A_1616] : memref<5120xi32, #tpu.memory_space<vmem>> -> memref<128xi32, #tpu.memory_space<vmem>>
      %parallel_loop3A_1618 = tpu.vector_load_idx %parallel_loop3A_1617[%parallel_loop3A_358] : memref<128xi32, #tpu.memory_space<vmem>>[vector<16xi32>], vector<16xi32>,
      %parallel_loop3A_1619 = arith.constant 1664 : i32
      %parallel_loop3A_1620 = tpu.memref_slice %arg6[%parallel_loop3A_1619] : memref<5120xi32, #tpu.memory_space<vmem>> -> memref<128xi32, #tpu.memory_space<vmem>>
      %parallel_loop3A_1621 = tpu.vector_load_idx %parallel_loop3A_1620[%parallel_loop3A_362] : memref<128xi32, #tpu.memory_space<vmem>>[vector<16xi32>], vector<16xi32>,
      %parallel_loop3A_1622 = arith.constant 1664 : i32
      %parallel_loop3A_1623 = tpu.memref_slice %arg6[%parallel_loop3A_1622] : memref<5120xi32, #tpu.memory_space<vmem>> -> memref<128xi32, #tpu.memory_space<vmem>>
      %parallel_loop3A_1624 = tpu.vector_load_idx %parallel_loop3A_1623[%parallel_loop3A_366] : memref<128xi32, #tpu.memory_space<vmem>>[vector<16xi32>], vector<16xi32>,
      %parallel_loop3A_1625 = arith.constant 1664 : i32
      %parallel_loop3A_1626 = tpu.memref_slice %arg6[%parallel_loop3A_1625] : memref<5120xi32, #tpu.memory_space<vmem>> -> memref<128xi32, #tpu.memory_space<vmem>>
      %parallel_loop3A_1627 = tpu.vector_load_idx %parallel_loop3A_1626[%parallel_loop3A_370] : memref<128xi32, #tpu.memory_space<vmem>>[vector<16xi32>], vector<16xi32>,
      %parallel_loop3A_1628 = arith.constant 1664 : i32
      %parallel_loop3A_1629 = tpu.memref_slice %arg6[%parallel_loop3A_1628] : memref<5120xi32, #tpu.memory_space<vmem>> -> memref<128xi32, #tpu.memory_space<vmem>>
      %parallel_loop3A_1630 = tpu.vector_load_idx %parallel_loop3A_1629[%parallel_loop3A_374] : memref<128xi32, #tpu.memory_space<vmem>>[vector<16xi32>], vector<16xi32>,
      %parallel_loop3A_1631 = vector.bitcast %parallel_loop3A_1391 : vector<16xi32> to vector<32xbf16>
      %parallel_loop3A_1632 = vector.bitcast %parallel_loop3A_1394 : vector<16xi32> to vector<32xbf16>
      %parallel_loop3A_1633 = arith.addf %parallel_loop3A_1631, %parallel_loop3A_1632 : vector<32xbf16>
      %parallel_loop3A_1634 = vector.bitcast %parallel_loop3A_1633 : vector<32xbf16> to vector<16xi32>
      %parallel_loop3A_1635 = vector.bitcast %parallel_loop3A_1397 : vector<16xi32> to vector<32xbf16>
      %parallel_loop3A_1636 = vector.bitcast %parallel_loop3A_1400 : vector<16xi32> to vector<32xbf16>
      %parallel_loop3A_1637 = arith.addf %parallel_loop3A_1635, %parallel_loop3A_1636 : vector<32xbf16>
      %parallel_loop3A_1638 = vector.bitcast %parallel_loop3A_1637 : vector<32xbf16> to vector<16xi32>
      %parallel_loop3A_1639 = vector.bitcast %parallel_loop3A_1403 : vector<16xi32> to vector<32xbf16>
      %parallel_loop3A_1640 = vector.bitcast %parallel_loop3A_1406 : vector<16xi32> to vector<32xbf16>
      %parallel_loop3A_1641 = arith.addf %parallel_loop3A_1639, %parallel_loop3A_1640 : vector<32xbf16>
      %parallel_loop3A_1642 = vector.bitcast %parallel_loop3A_1641 : vector<32xbf16> to vector<16xi32>
      %parallel_loop3A_1643 = vector.bitcast %parallel_loop3A_1409 : vector<16xi32> to vector<32xbf16>
      %parallel_loop3A_1644 = vector.bitcast %parallel_loop3A_1412 : vector<16xi32> to vector<32xbf16>
      %parallel_loop3A_1645 = arith.addf %parallel_loop3A_1643, %parallel_loop3A_1644 : vector<32xbf16>
      %parallel_loop3A_1646 = vector.bitcast %parallel_loop3A_1645 : vector<32xbf16> to vector<16xi32>
      %parallel_loop3A_1647 = vector.bitcast %parallel_loop3A_1415 : vector<16xi32> to vector<32xbf16>
      %parallel_loop3A_1648 = vector.bitcast %parallel_loop3A_1418 : vector<16xi32> to vector<32xbf16>
      %parallel_loop3A_1649 = arith.addf %parallel_loop3A_1647, %parallel_loop3A_1648 : vector<32xbf16>
      %parallel_loop3A_1650 = vector.bitcast %parallel_loop3A_1649 : vector<32xbf16> to vector<16xi32>
      %parallel_loop3A_1651 = arith.constant 16 : i32
      %parallel_loop3A_1652 = vector.broadcast %parallel_loop3A_1651 : i32 to vector<16xi32>
      %parallel_loop3A_1653 = arith.shli %parallel_loop3A_1634, %parallel_loop3A_1652 : vector<16xi32>
      %parallel_loop3A_1654 = vector.bitcast %parallel_loop3A_1653 : vector<16xi32> to vector<16xf32>
      %parallel_loop3A_1655 = arith.constant -65536 : i32
      %parallel_loop3A_1656 = vector.broadcast %parallel_loop3A_1655 : i32 to vector<16xi32>
      %parallel_loop3A_1657 = arith.andi %parallel_loop3A_1634, %parallel_loop3A_1656 : vector<16xi32>
      %parallel_loop3A_1658 = vector.bitcast %parallel_loop3A_1657 : vector<16xi32> to vector<16xf32>
      %parallel_loop3A_1659 = arith.constant 16 : i32
      %parallel_loop3A_1660 = vector.broadcast %parallel_loop3A_1659 : i32 to vector<16xi32>
      %parallel_loop3A_1661 = arith.shli %parallel_loop3A_1638, %parallel_loop3A_1660 : vector<16xi32>
      %parallel_loop3A_1662 = vector.bitcast %parallel_loop3A_1661 : vector<16xi32> to vector<16xf32>
      %parallel_loop3A_1663 = arith.constant -65536 : i32
      %parallel_loop3A_1664 = vector.broadcast %parallel_loop3A_1663 : i32 to vector<16xi32>
      %parallel_loop3A_1665 = arith.andi %parallel_loop3A_1638, %parallel_loop3A_1664 : vector<16xi32>
      %parallel_loop3A_1666 = vector.bitcast %parallel_loop3A_1665 : vector<16xi32> to vector<16xf32>
      %parallel_loop3A_1667 = arith.constant 16 : i32
      %parallel_loop3A_1668 = vector.broadcast %parallel_loop3A_1667 : i32 to vector<16xi32>
      %parallel_loop3A_1669 = arith.shli %parallel_loop3A_1642, %parallel_loop3A_1668 : vector<16xi32>
      %parallel_loop3A_1670 = vector.bitcast %parallel_loop3A_1669 : vector<16xi32> to vector<16xf32>
      %parallel_loop3A_1671 = arith.constant -65536 : i32
      %parallel_loop3A_1672 = vector.broadcast %parallel_loop3A_1671 : i32 to vector<16xi32>
      %parallel_loop3A_1673 = arith.andi %parallel_loop3A_1642, %parallel_loop3A_1672 : vector<16xi32>
      %parallel_loop3A_1674 = vector.bitcast %parallel_loop3A_1673 : vector<16xi32> to vector<16xf32>
      %parallel_loop3A_1675 = arith.constant 16 : i32
      %parallel_loop3A_1676 = vector.broadcast %parallel_loop3A_1675 : i32 to vector<16xi32>
      %parallel_loop3A_1677 = arith.shli %parallel_loop3A_1646, %parallel_loop3A_1676 : vector<16xi32>
      %parallel_loop3A_1678 = vector.bitcast %parallel_loop3A_1677 : vector<16xi32> to vector<16xf32>
      %parallel_loop3A_1679 = arith.constant -65536 : i32
      %parallel_loop3A_1680 = vector.broadcast %parallel_loop3A_1679 : i32 to vector<16xi32>
      %parallel_loop3A_1681 = arith.andi %parallel_loop3A_1646, %parallel_loop3A_1680 : vector<16xi32>
      %parallel_loop3A_1682 = vector.bitcast %parallel_loop3A_1681 : vector<16xi32> to vector<16xf32>
      %parallel_loop3A_1683 = arith.constant 16 : i32
      %parallel_loop3A_1684 = vector.broadcast %parallel_loop3A_1683 : i32 to vector<16xi32>
      %parallel_loop3A_1685 = arith.shli %parallel_loop3A_1650, %parallel_loop3A_1684 : vector<16xi32>
      %parallel_loop3A_1686 = vector.bitcast %parallel_loop3A_1685 : vector<16xi32> to vector<16xf32>
      %parallel_loop3A_1687 = arith.constant -65536 : i32
      %parallel_loop3A_1688 = vector.broadcast %parallel_loop3A_1687 : i32 to vector<16xi32>
      %parallel_loop3A_1689 = arith.andi %parallel_loop3A_1650, %parallel_loop3A_1688 : vector<16xi32>
      %parallel_loop3A_1690 = vector.bitcast %parallel_loop3A_1689 : vector<16xi32> to vector<16xf32>
      %parallel_loop3A_1691 = arith.addf %parallel_loop3A_1654, %parallel_loop3A_1662 : vector<16xf32>
      %parallel_loop3A_1692 = arith.addf %parallel_loop3A_1670, %parallel_loop3A_1678 : vector<16xf32>
      %parallel_loop3A_1693 = arith.addf %parallel_loop3A_1691, %parallel_loop3A_1692 : vector<16xf32>
      %parallel_loop3A_1694 = arith.addf %parallel_loop3A_1693, %parallel_loop3A_1686 : vector<16xf32>
      %parallel_loop3A_1695 = arith.addf %parallel_loop3A_1658, %parallel_loop3A_1666 : vector<16xf32>
      %parallel_loop3A_1696 = arith.addf %parallel_loop3A_1674, %parallel_loop3A_1682 : vector<16xf32>
      %parallel_loop3A_1697 = arith.addf %parallel_loop3A_1695, %parallel_loop3A_1696 : vector<16xf32>
      %parallel_loop3A_1698 = arith.addf %parallel_loop3A_1697, %parallel_loop3A_1690 : vector<16xf32>
      %parallel_loop3A_1699 = arith.constant 4480 : i32
      %parallel_loop3A_1700 = arith.addi %parallel_loop3A_1699, %parallel_loop3A_334 : i32
      %parallel_loop3A_1701 = arith.index_cast %parallel_loop3A_1700 : i32 to index
      %parallel_loop3A_1702 = tpu.vector_load %arg7[%parallel_loop3A_1701] {strides = array<i32>} : memref<36864xf32, #tpu.memory_space<vmem>>, vector<16xf32>,
      tpu.vector_store %arg7[%parallel_loop3A_1701], %parallel_loop3A_1694 {strides = array<i32>} : memref<36864xf32, #tpu.memory_space<vmem>>, vector<16xf32>,
      %parallel_loop3A_1703 = arith.constant 20992 : i32
      %parallel_loop3A_1704 = arith.addi %parallel_loop3A_1703, %parallel_loop3A_334 : i32
      %parallel_loop3A_1705 = arith.index_cast %parallel_loop3A_1704 : i32 to index
      %parallel_loop3A_1706 = tpu.vector_load %arg7[%parallel_loop3A_1705] {strides = array<i32>} : memref<36864xf32, #tpu.memory_space<vmem>>, vector<16xf32>,
      tpu.vector_store %arg7[%parallel_loop3A_1705], %parallel_loop3A_1698 {strides = array<i32>} : memref<36864xf32, #tpu.memory_space<vmem>>, vector<16xf32>,
      %parallel_loop3A_1707 = arith.constant 1792 : i32
      %parallel_loop3A_1708 = tpu.memref_slice %arg6[%parallel_loop3A_1707] : memref<5120xi32, #tpu.memory_space<vmem>> -> memref<128xi32, #tpu.memory_space<vmem>>
      %parallel_loop3A_1709 = tpu.vector_load_idx %parallel_loop3A_1708[%parallel_loop3A_338] : memref<128xi32, #tpu.memory_space<vmem>>[vector<16xi32>], vector<16xi32>,
      %parallel_loop3A_1710 = arith.constant 1792 : i32
      %parallel_loop3A_1711 = tpu.memref_slice %arg6[%parallel_loop3A_1710] : memref<5120xi32, #tpu.memory_space<vmem>> -> memref<128xi32, #tpu.memory_space<vmem>>
      %parallel_loop3A_1712 = tpu.vector_load_idx %parallel_loop3A_1711[%parallel_loop3A_342] : memref<128xi32, #tpu.memory_space<vmem>>[vector<16xi32>], vector<16xi32>,
      %parallel_loop3A_1713 = arith.constant 1792 : i32
      %parallel_loop3A_1714 = tpu.memref_slice %arg6[%parallel_loop3A_1713] : memref<5120xi32, #tpu.memory_space<vmem>> -> memref<128xi32, #tpu.memory_space<vmem>>
      %parallel_loop3A_1715 = tpu.vector_load_idx %parallel_loop3A_1714[%parallel_loop3A_346] : memref<128xi32, #tpu.memory_space<vmem>>[vector<16xi32>], vector<16xi32>,
      %parallel_loop3A_1716 = arith.constant 1792 : i32
      %parallel_loop3A_1717 = tpu.memref_slice %arg6[%parallel_loop3A_1716] : memref<5120xi32, #tpu.memory_space<vmem>> -> memref<128xi32, #tpu.memory_space<vmem>>
      %parallel_loop3A_1718 = tpu.vector_load_idx %parallel_loop3A_1717[%parallel_loop3A_350] : memref<128xi32, #tpu.memory_space<vmem>>[vector<16xi32>], vector<16xi32>,
      %parallel_loop3A_1719 = arith.constant 1792 : i32
      %parallel_loop3A_1720 = tpu.memref_slice %arg6[%parallel_loop3A_1719] : memref<5120xi32, #tpu.memory_space<vmem>> -> memref<128xi32, #tpu.memory_space<vmem>>
      %parallel_loop3A_1721 = tpu.vector_load_idx %parallel_loop3A_1720[%parallel_loop3A_354] : memref<128xi32, #tpu.memory_space<vmem>>[vector<16xi32>], vector<16xi32>,
      %parallel_loop3A_1722 = arith.constant 1792 : i32
      %parallel_loop3A_1723 = tpu.memref_slice %arg6[%parallel_loop3A_1722] : memref<5120xi32, #tpu.memory_space<vmem>> -> memref<128xi32, #tpu.memory_space<vmem>>
      %parallel_loop3A_1724 = tpu.vector_load_idx %parallel_loop3A_1723[%parallel_loop3A_358] : memref<128xi32, #tpu.memory_space<vmem>>[vector<16xi32>], vector<16xi32>,
      %parallel_loop3A_1725 = arith.constant 1792 : i32
      %parallel_loop3A_1726 = tpu.memref_slice %arg6[%parallel_loop3A_1725] : memref<5120xi32, #tpu.memory_space<vmem>> -> memref<128xi32, #tpu.memory_space<vmem>>
      %parallel_loop3A_1727 = tpu.vector_load_idx %parallel_loop3A_1726[%parallel_loop3A_362] : memref<128xi32, #tpu.memory_space<vmem>>[vector<16xi32>], vector<16xi32>,
      %parallel_loop3A_1728 = arith.constant 1792 : i32
      %parallel_loop3A_1729 = tpu.memref_slice %arg6[%parallel_loop3A_1728] : memref<5120xi32, #tpu.memory_space<vmem>> -> memref<128xi32, #tpu.memory_space<vmem>>
      %parallel_loop3A_1730 = tpu.vector_load_idx %parallel_loop3A_1729[%parallel_loop3A_366] : memref<128xi32, #tpu.memory_space<vmem>>[vector<16xi32>], vector<16xi32>,
      %parallel_loop3A_1731 = arith.constant 1792 : i32
      %parallel_loop3A_1732 = tpu.memref_slice %arg6[%parallel_loop3A_1731] : memref<5120xi32, #tpu.memory_space<vmem>> -> memref<128xi32, #tpu.memory_space<vmem>>
      %parallel_loop3A_1733 = tpu.vector_load_idx %parallel_loop3A_1732[%parallel_loop3A_370] : memref<128xi32, #tpu.memory_space<vmem>>[vector<16xi32>], vector<16xi32>,
      %parallel_loop3A_1734 = arith.constant 1792 : i32
      %parallel_loop3A_1735 = tpu.memref_slice %arg6[%parallel_loop3A_1734] : memref<5120xi32, #tpu.memory_space<vmem>> -> memref<128xi32, #tpu.memory_space<vmem>>
      %parallel_loop3A_1736 = tpu.vector_load_idx %parallel_loop3A_1735[%parallel_loop3A_374] : memref<128xi32, #tpu.memory_space<vmem>>[vector<16xi32>], vector<16xi32>,
      %parallel_loop3A_1737 = vector.bitcast %parallel_loop3A_1497 : vector<16xi32> to vector<32xbf16>
      %parallel_loop3A_1738 = vector.bitcast %parallel_loop3A_1500 : vector<16xi32> to vector<32xbf16>
      %parallel_loop3A_1739 = arith.addf %parallel_loop3A_1737, %parallel_loop3A_1738 : vector<32xbf16>
      %parallel_loop3A_1740 = vector.bitcast %parallel_loop3A_1739 : vector<32xbf16> to vector<16xi32>
      %parallel_loop3A_1741 = vector.bitcast %parallel_loop3A_1503 : vector<16xi32> to vector<32xbf16>
      %parallel_loop3A_1742 = vector.bitcast %parallel_loop3A_1506 : vector<16xi32> to vector<32xbf16>
      %parallel_loop3A_1743 = arith.addf %parallel_loop3A_1741, %parallel_loop3A_1742 : vector<32xbf16>
      %parallel_loop3A_1744 = vector.bitcast %parallel_loop3A_1743 : vector<32xbf16> to vector<16xi32>
      %parallel_loop3A_1745 = vector.bitcast %parallel_loop3A_1509 : vector<16xi32> to vector<32xbf16>
      %parallel_loop3A_1746 = vector.bitcast %parallel_loop3A_1512 : vector<16xi32> to vector<32xbf16>
      %parallel_loop3A_1747 = arith.addf %parallel_loop3A_1745, %parallel_loop3A_1746 : vector<32xbf16>
      %parallel_loop3A_1748 = vector.bitcast %parallel_loop3A_1747 : vector<32xbf16> to vector<16xi32>
      %parallel_loop3A_1749 = vector.bitcast %parallel_loop3A_1515 : vector<16xi32> to vector<32xbf16>
      %parallel_loop3A_1750 = vector.bitcast %parallel_loop3A_1518 : vector<16xi32> to vector<32xbf16>
      %parallel_loop3A_1751 = arith.addf %parallel_loop3A_1749, %parallel_loop3A_1750 : vector<32xbf16>
      %parallel_loop3A_1752 = vector.bitcast %parallel_loop3A_1751 : vector<32xbf16> to vector<16xi32>
      %parallel_loop3A_1753 = vector.bitcast %parallel_loop3A_1521 : vector<16xi32> to vector<32xbf16>
      %parallel_loop3A_1754 = vector.bitcast %parallel_loop3A_1524 : vector<16xi32> to vector<32xbf16>
      %parallel_loop3A_1755 = arith.addf %parallel_loop3A_1753, %parallel_loop3A_1754 : vector<32xbf16>
      %parallel_loop3A_1756 = vector.bitcast %parallel_loop3A_1755 : vector<32xbf16> to vector<16xi32>
      %parallel_loop3A_1757 = arith.constant 16 : i32
      %parallel_loop3A_1758 = vector.broadcast %parallel_loop3A_1757 : i32 to vector<16xi32>
      %parallel_loop3A_1759 = arith.shli %parallel_loop3A_1740, %parallel_loop3A_1758 : vector<16xi32>
      %parallel_loop3A_1760 = vector.bitcast %parallel_loop3A_1759 : vector<16xi32> to vector<16xf32>
      %parallel_loop3A_1761 = arith.constant -65536 : i32
      %parallel_loop3A_1762 = vector.broadcast %parallel_loop3A_1761 : i32 to vector<16xi32>
      %parallel_loop3A_1763 = arith.andi %parallel_loop3A_1740, %parallel_loop3A_1762 : vector<16xi32>
      %parallel_loop3A_1764 = vector.bitcast %parallel_loop3A_1763 : vector<16xi32> to vector<16xf32>
      %parallel_loop3A_1765 = arith.constant 16 : i32
      %parallel_loop3A_1766 = vector.broadcast %parallel_loop3A_1765 : i32 to vector<16xi32>
      %parallel_loop3A_1767 = arith.shli %parallel_loop3A_1744, %parallel_loop3A_1766 : vector<16xi32>
      %parallel_loop3A_1768 = vector.bitcast %parallel_loop3A_1767 : vector<16xi32> to vector<16xf32>
      %parallel_loop3A_1769 = arith.constant -65536 : i32
      %parallel_loop3A_1770 = vector.broadcast %parallel_loop3A_1769 : i32 to vector<16xi32>
      %parallel_loop3A_1771 = arith.andi %parallel_loop3A_1744, %parallel_loop3A_1770 : vector<16xi32>
      %parallel_loop3A_1772 = vector.bitcast %parallel_loop3A_1771 : vector<16xi32> to vector<16xf32>
      %parallel_loop3A_1773 = arith.constant 16 : i32
      %parallel_loop3A_1774 = vector.broadcast %parallel_loop3A_1773 : i32 to vector<16xi32>
      %parallel_loop3A_1775 = arith.shli %parallel_loop3A_1748, %parallel_loop3A_1774 : vector<16xi32>
      %parallel_loop3A_1776 = vector.bitcast %parallel_loop3A_1775 : vector<16xi32> to vector<16xf32>
      %parallel_loop3A_1777 = arith.constant -65536 : i32
      %parallel_loop3A_1778 = vector.broadcast %parallel_loop3A_1777 : i32 to vector<16xi32>
      %parallel_loop3A_1779 = arith.andi %parallel_loop3A_1748, %parallel_loop3A_1778 : vector<16xi32>
      %parallel_loop3A_1780 = vector.bitcast %parallel_loop3A_1779 : vector<16xi32> to vector<16xf32>
      %parallel_loop3A_1781 = arith.constant 16 : i32
      %parallel_loop3A_1782 = vector.broadcast %parallel_loop3A_1781 : i32 to vector<16xi32>
      %parallel_loop3A_1783 = arith.shli %parallel_loop3A_1752, %parallel_loop3A_1782 : vector<16xi32>
      %parallel_loop3A_1784 = vector.bitcast %parallel_loop3A_1783 : vector<16xi32> to vector<16xf32>
      %parallel_loop3A_1785 = arith.constant -65536 : i32
      %parallel_loop3A_1786 = vector.broadcast %parallel_loop3A_1785 : i32 to vector<16xi32>
      %parallel_loop3A_1787 = arith.andi %parallel_loop3A_1752, %parallel_loop3A_1786 : vector<16xi32>
      %parallel_loop3A_1788 = vector.bitcast %parallel_loop3A_1787 : vector<16xi32> to vector<16xf32>
      %parallel_loop3A_1789 = arith.constant 16 : i32
      %parallel_loop3A_1790 = vector.broadcast %parallel_loop3A_1789 : i32 to vector<16xi32>
      %parallel_loop3A_1791 = arith.shli %parallel_loop3A_1756, %parallel_loop3A_1790 : vector<16xi32>
      %parallel_loop3A_1792 = vector.bitcast %parallel_loop3A_1791 : vector<16xi32> to vector<16xf32>
      %parallel_loop3A_1793 = arith.constant -65536 : i32
      %parallel_loop3A_1794 = vector.broadcast %parallel_loop3A_1793 : i32 to vector<16xi32>
      %parallel_loop3A_1795 = arith.andi %parallel_loop3A_1756, %parallel_loop3A_1794 : vector<16xi32>
      %parallel_loop3A_1796 = vector.bitcast %parallel_loop3A_1795 : vector<16xi32> to vector<16xf32>
      %parallel_loop3A_1797 = arith.addf %parallel_loop3A_1760, %parallel_loop3A_1768 : vector<16xf32>
      %parallel_loop3A_1798 = arith.addf %parallel_loop3A_1776, %parallel_loop3A_1784 : vector<16xf32>
      %parallel_loop3A_1799 = arith.addf %parallel_loop3A_1797, %parallel_loop3A_1798 : vector<16xf32>
      %parallel_loop3A_1800 = arith.addf %parallel_loop3A_1799, %parallel_loop3A_1792 : vector<16xf32>
      %parallel_loop3A_1801 = arith.addf %parallel_loop3A_1764, %parallel_loop3A_1772 : vector<16xf32>
      %parallel_loop3A_1802 = arith.addf %parallel_loop3A_1780, %parallel_loop3A_1788 : vector<16xf32>
      %parallel_loop3A_1803 = arith.addf %parallel_loop3A_1801, %parallel_loop3A_1802 : vector<16xf32>
      %parallel_loop3A_1804 = arith.addf %parallel_loop3A_1803, %parallel_loop3A_1796 : vector<16xf32>
      %parallel_loop3A_1805 = arith.constant 4608 : i32
      %parallel_loop3A_1806 = arith.addi %parallel_loop3A_1805, %parallel_loop3A_334 : i32
      %parallel_loop3A_1807 = arith.index_cast %parallel_loop3A_1806 : i32 to index
      %parallel_loop3A_1808 = tpu.vector_load %arg7[%parallel_loop3A_1807] {strides = array<i32>} : memref<36864xf32, #tpu.memory_space<vmem>>, vector<16xf32>,
      tpu.vector_store %arg7[%parallel_loop3A_1807], %parallel_loop3A_1800 {strides = array<i32>} : memref<36864xf32, #tpu.memory_space<vmem>>, vector<16xf32>,
      %parallel_loop3A_1809 = arith.constant 21120 : i32
      %parallel_loop3A_1810 = arith.addi %parallel_loop3A_1809, %parallel_loop3A_334 : i32
      %parallel_loop3A_1811 = arith.index_cast %parallel_loop3A_1810 : i32 to index
      %parallel_loop3A_1812 = tpu.vector_load %arg7[%parallel_loop3A_1811] {strides = array<i32>} : memref<36864xf32, #tpu.memory_space<vmem>>, vector<16xf32>,
      tpu.vector_store %arg7[%parallel_loop3A_1811], %parallel_loop3A_1804 {strides = array<i32>} : memref<36864xf32, #tpu.memory_space<vmem>>, vector<16xf32>,
      %parallel_loop3A_1813 = arith.constant 1920 : i32
      %parallel_loop3A_1814 = tpu.memref_slice %arg6[%parallel_loop3A_1813] : memref<5120xi32, #tpu.memory_space<vmem>> -> memref<128xi32, #tpu.memory_space<vmem>>
      %parallel_loop3A_1815 = tpu.vector_load_idx %parallel_loop3A_1814[%parallel_loop3A_338] : memref<128xi32, #tpu.memory_space<vmem>>[vector<16xi32>], vector<16xi32>,
      %parallel_loop3A_1816 = arith.constant 1920 : i32
      %parallel_loop3A_1817 = tpu.memref_slice %arg6[%parallel_loop3A_1816] : memref<5120xi32, #tpu.memory_space<vmem>> -> memref<128xi32, #tpu.memory_space<vmem>>
      %parallel_loop3A_1818 = tpu.vector_load_idx %parallel_loop3A_1817[%parallel_loop3A_342] : memref<128xi32, #tpu.memory_space<vmem>>[vector<16xi32>], vector<16xi32>,
      %parallel_loop3A_1819 = arith.constant 1920 : i32
      %parallel_loop3A_1820 = tpu.memref_slice %arg6[%parallel_loop3A_1819] : memref<5120xi32, #tpu.memory_space<vmem>> -> memref<128xi32, #tpu.memory_space<vmem>>
      %parallel_loop3A_1821 = tpu.vector_load_idx %parallel_loop3A_1820[%parallel_loop3A_346] : memref<128xi32, #tpu.memory_space<vmem>>[vector<16xi32>], vector<16xi32>,
      %parallel_loop3A_1822 = arith.constant 1920 : i32
      %parallel_loop3A_1823 = tpu.memref_slice %arg6[%parallel_loop3A_1822] : memref<5120xi32, #tpu.memory_space<vmem>> -> memref<128xi32, #tpu.memory_space<vmem>>
      %parallel_loop3A_1824 = tpu.vector_load_idx %parallel_loop3A_1823[%parallel_loop3A_350] : memref<128xi32, #tpu.memory_space<vmem>>[vector<16xi32>], vector<16xi32>,
      %parallel_loop3A_1825 = arith.constant 1920 : i32
      %parallel_loop3A_1826 = tpu.memref_slice %arg6[%parallel_loop3A_1825] : memref<5120xi32, #tpu.memory_space<vmem>> -> memref<128xi32, #tpu.memory_space<vmem>>
      %parallel_loop3A_1827 = tpu.vector_load_idx %parallel_loop3A_1826[%parallel_loop3A_354] : memref<128xi32, #tpu.memory_space<vmem>>[vector<16xi32>], vector<16xi32>,
      %parallel_loop3A_1828 = arith.constant 1920 : i32
      %parallel_loop3A_1829 = tpu.memref_slice %arg6[%parallel_loop3A_1828] : memref<5120xi32, #tpu.memory_space<vmem>> -> memref<128xi32, #tpu.memory_space<vmem>>
      %parallel_loop3A_1830 = tpu.vector_load_idx %parallel_loop3A_1829[%parallel_loop3A_358] : memref<128xi32, #tpu.memory_space<vmem>>[vector<16xi32>], vector<16xi32>,
      %parallel_loop3A_1831 = arith.constant 1920 : i32
      %parallel_loop3A_1832 = tpu.memref_slice %arg6[%parallel_loop3A_1831] : memref<5120xi32, #tpu.memory_space<vmem>> -> memref<128xi32, #tpu.memory_space<vmem>>
      %parallel_loop3A_1833 = tpu.vector_load_idx %parallel_loop3A_1832[%parallel_loop3A_362] : memref<128xi32, #tpu.memory_space<vmem>>[vector<16xi32>], vector<16xi32>,
      %parallel_loop3A_1834 = arith.constant 1920 : i32
      %parallel_loop3A_1835 = tpu.memref_slice %arg6[%parallel_loop3A_1834] : memref<5120xi32, #tpu.memory_space<vmem>> -> memref<128xi32, #tpu.memory_space<vmem>>
      %parallel_loop3A_1836 = tpu.vector_load_idx %parallel_loop3A_1835[%parallel_loop3A_366] : memref<128xi32, #tpu.memory_space<vmem>>[vector<16xi32>], vector<16xi32>,
      %parallel_loop3A_1837 = arith.constant 1920 : i32
      %parallel_loop3A_1838 = tpu.memref_slice %arg6[%parallel_loop3A_1837] : memref<5120xi32, #tpu.memory_space<vmem>> -> memref<128xi32, #tpu.memory_space<vmem>>
      %parallel_loop3A_1839 = tpu.vector_load_idx %parallel_loop3A_1838[%parallel_loop3A_370] : memref<128xi32, #tpu.memory_space<vmem>>[vector<16xi32>], vector<16xi32>,
      %parallel_loop3A_1840 = arith.constant 1920 : i32
      %parallel_loop3A_1841 = tpu.memref_slice %arg6[%parallel_loop3A_1840] : memref<5120xi32, #tpu.memory_space<vmem>> -> memref<128xi32, #tpu.memory_space<vmem>>
      %parallel_loop3A_1842 = tpu.vector_load_idx %parallel_loop3A_1841[%parallel_loop3A_374] : memref<128xi32, #tpu.memory_space<vmem>>[vector<16xi32>], vector<16xi32>,
      %parallel_loop3A_1843 = vector.bitcast %parallel_loop3A_1603 : vector<16xi32> to vector<32xbf16>
      %parallel_loop3A_1844 = vector.bitcast %parallel_loop3A_1606 : vector<16xi32> to vector<32xbf16>
      %parallel_loop3A_1845 = arith.addf %parallel_loop3A_1843, %parallel_loop3A_1844 : vector<32xbf16>
      %parallel_loop3A_1846 = vector.bitcast %parallel_loop3A_1845 : vector<32xbf16> to vector<16xi32>
      %parallel_loop3A_1847 = vector.bitcast %parallel_loop3A_1609 : vector<16xi32> to vector<32xbf16>
      %parallel_loop3A_1848 = vector.bitcast %parallel_loop3A_1612 : vector<16xi32> to vector<32xbf16>
      %parallel_loop3A_1849 = arith.addf %parallel_loop3A_1847, %parallel_loop3A_1848 : vector<32xbf16>
      %parallel_loop3A_1850 = vector.bitcast %parallel_loop3A_1849 : vector<32xbf16> to vector<16xi32>
      %parallel_loop3A_1851 = vector.bitcast %parallel_loop3A_1615 : vector<16xi32> to vector<32xbf16>
      %parallel_loop3A_1852 = vector.bitcast %parallel_loop3A_1618 : vector<16xi32> to vector<32xbf16>
      %parallel_loop3A_1853 = arith.addf %parallel_loop3A_1851, %parallel_loop3A_1852 : vector<32xbf16>
      %parallel_loop3A_1854 = vector.bitcast %parallel_loop3A_1853 : vector<32xbf16> to vector<16xi32>
      %parallel_loop3A_1855 = vector.bitcast %parallel_loop3A_1621 : vector<16xi32> to vector<32xbf16>
      %parallel_loop3A_1856 = vector.bitcast %parallel_loop3A_1624 : vector<16xi32> to vector<32xbf16>
      %parallel_loop3A_1857 = arith.addf %parallel_loop3A_1855, %parallel_loop3A_1856 : vector<32xbf16>
      %parallel_loop3A_1858 = vector.bitcast %parallel_loop3A_1857 : vector<32xbf16> to vector<16xi32>
      %parallel_loop3A_1859 = vector.bitcast %parallel_loop3A_1627 : vector<16xi32> to vector<32xbf16>
      %parallel_loop3A_1860 = vector.bitcast %parallel_loop3A_1630 : vector<16xi32> to vector<32xbf16>
      %parallel_loop3A_1861 = arith.addf %parallel_loop3A_1859, %parallel_loop3A_1860 : vector<32xbf16>
      %parallel_loop3A_1862 = vector.bitcast %parallel_loop3A_1861 : vector<32xbf16> to vector<16xi32>
      %parallel_loop3A_1863 = arith.constant 16 : i32
      %parallel_loop3A_1864 = vector.broadcast %parallel_loop3A_1863 : i32 to vector<16xi32>
      %parallel_loop3A_1865 = arith.shli %parallel_loop3A_1846, %parallel_loop3A_1864 : vector<16xi32>
      %parallel_loop3A_1866 = vector.bitcast %parallel_loop3A_1865 : vector<16xi32> to vector<16xf32>
      %parallel_loop3A_1867 = arith.constant -65536 : i32
      %parallel_loop3A_1868 = vector.broadcast %parallel_loop3A_1867 : i32 to vector<16xi32>
      %parallel_loop3A_1869 = arith.andi %parallel_loop3A_1846, %parallel_loop3A_1868 : vector<16xi32>
      %parallel_loop3A_1870 = vector.bitcast %parallel_loop3A_1869 : vector<16xi32> to vector<16xf32>
      %parallel_loop3A_1871 = arith.constant 16 : i32
      %parallel_loop3A_1872 = vector.broadcast %parallel_loop3A_1871 : i32 to vector<16xi32>
      %parallel_loop3A_1873 = arith.shli %parallel_loop3A_1850, %parallel_loop3A_1872 : vector<16xi32>
      %parallel_loop3A_1874 = vector.bitcast %parallel_loop3A_1873 : vector<16xi32> to vector<16xf32>
      %parallel_loop3A_1875 = arith.constant -65536 : i32
      %parallel_loop3A_1876 = vector.broadcast %parallel_loop3A_1875 : i32 to vector<16xi32>
      %parallel_loop3A_1877 = arith.andi %parallel_loop3A_1850, %parallel_loop3A_1876 : vector<16xi32>
      %parallel_loop3A_1878 = vector.bitcast %parallel_loop3A_1877 : vector<16xi32> to vector<16xf32>
      %parallel_loop3A_1879 = arith.constant 16 : i32
      %parallel_loop3A_1880 = vector.broadcast %parallel_loop3A_1879 : i32 to vector<16xi32>
      %parallel_loop3A_1881 = arith.shli %parallel_loop3A_1854, %parallel_loop3A_1880 : vector<16xi32>
      %parallel_loop3A_1882 = vector.bitcast %parallel_loop3A_1881 : vector<16xi32> to vector<16xf32>
      %parallel_loop3A_1883 = arith.constant -65536 : i32
      %parallel_loop3A_1884 = vector.broadcast %parallel_loop3A_1883 : i32 to vector<16xi32>
      %parallel_loop3A_1885 = arith.andi %parallel_loop3A_1854, %parallel_loop3A_1884 : vector<16xi32>
      %parallel_loop3A_1886 = vector.bitcast %parallel_loop3A_1885 : vector<16xi32> to vector<16xf32>
      %parallel_loop3A_1887 = arith.constant 16 : i32
      %parallel_loop3A_1888 = vector.broadcast %parallel_loop3A_1887 : i32 to vector<16xi32>
      %parallel_loop3A_1889 = arith.shli %parallel_loop3A_1858, %parallel_loop3A_1888 : vector<16xi32>
      %parallel_loop3A_1890 = vector.bitcast %parallel_loop3A_1889 : vector<16xi32> to vector<16xf32>
      %parallel_loop3A_1891 = arith.constant -65536 : i32
      %parallel_loop3A_1892 = vector.broadcast %parallel_loop3A_1891 : i32 to vector<16xi32>
      %parallel_loop3A_1893 = arith.andi %parallel_loop3A_1858, %parallel_loop3A_1892 : vector<16xi32>
      %parallel_loop3A_1894 = vector.bitcast %parallel_loop3A_1893 : vector<16xi32> to vector<16xf32>
      %parallel_loop3A_1895 = arith.constant 16 : i32
      %parallel_loop3A_1896 = vector.broadcast %parallel_loop3A_1895 : i32 to vector<16xi32>
      %parallel_loop3A_1897 = arith.shli %parallel_loop3A_1862, %parallel_loop3A_1896 : vector<16xi32>
      %parallel_loop3A_1898 = vector.bitcast %parallel_loop3A_1897 : vector<16xi32> to vector<16xf32>
      %parallel_loop3A_1899 = arith.constant -65536 : i32
      %parallel_loop3A_1900 = vector.broadcast %parallel_loop3A_1899 : i32 to vector<16xi32>
      %parallel_loop3A_1901 = arith.andi %parallel_loop3A_1862, %parallel_loop3A_1900 : vector<16xi32>
      %parallel_loop3A_1902 = vector.bitcast %parallel_loop3A_1901 : vector<16xi32> to vector<16xf32>
      %parallel_loop3A_1903 = arith.addf %parallel_loop3A_1866, %parallel_loop3A_1874 : vector<16xf32>
      %parallel_loop3A_1904 = arith.addf %parallel_loop3A_1882, %parallel_loop3A_1890 : vector<16xf32>
      %parallel_loop3A_1905 = arith.addf %parallel_loop3A_1903, %parallel_loop3A_1904 : vector<16xf32>
      %parallel_loop3A_1906 = arith.addf %parallel_loop3A_1905, %parallel_loop3A_1898 : vector<16xf32>
      %parallel_loop3A_1907 = arith.addf %parallel_loop3A_1870, %parallel_loop3A_1878 : vector<16xf32>
      %parallel_loop3A_1908 = arith.addf %parallel_loop3A_1886, %parallel_loop3A_1894 : vector<16xf32>
      %parallel_loop3A_1909 = arith.addf %parallel_loop3A_1907, %parallel_loop3A_1908 : vector<16xf32>
      %parallel_loop3A_1910 = arith.addf %parallel_loop3A_1909, %parallel_loop3A_1902 : vector<16xf32>
      %parallel_loop3A_1911 = arith.constant 4736 : i32
      %parallel_loop3A_1912 = arith.addi %parallel_loop3A_1911, %parallel_loop3A_334 : i32
      %parallel_loop3A_1913 = arith.index_cast %parallel_loop3A_1912 : i32 to index
      %parallel_loop3A_1914 = tpu.vector_load %arg7[%parallel_loop3A_1913] {strides = array<i32>} : memref<36864xf32, #tpu.memory_space<vmem>>, vector<16xf32>,
      tpu.vector_store %arg7[%parallel_loop3A_1913], %parallel_loop3A_1906 {strides = array<i32>} : memref<36864xf32, #tpu.memory_space<vmem>>, vector<16xf32>,
      %parallel_loop3A_1915 = arith.constant 21248 : i32
      %parallel_loop3A_1916 = arith.addi %parallel_loop3A_1915, %parallel_loop3A_334 : i32
      %parallel_loop3A_1917 = arith.index_cast %parallel_loop3A_1916 : i32 to index
      %parallel_loop3A_1918 = tpu.vector_load %arg7[%parallel_loop3A_1917] {strides = array<i32>} : memref<36864xf32, #tpu.memory_space<vmem>>, vector<16xf32>,
      tpu.vector_store %arg7[%parallel_loop3A_1917], %parallel_loop3A_1910 {strides = array<i32>} : memref<36864xf32, #tpu.memory_space<vmem>>, vector<16xf32>,
      %parallel_loop3A_1919 = arith.constant 2048 : i32
      %parallel_loop3A_1920 = tpu.memref_slice %arg6[%parallel_loop3A_1919] : memref<5120xi32, #tpu.memory_space<vmem>> -> memref<128xi32, #tpu.memory_space<vmem>>
      %parallel_loop3A_1921 = tpu.vector_load_idx %parallel_loop3A_1920[%parallel_loop3A_338] : memref<128xi32, #tpu.memory_space<vmem>>[vector<16xi32>], vector<16xi32>,
      %parallel_loop3A_1922 = arith.constant 2048 : i32
      %parallel_loop3A_1923 = tpu.memref_slice %arg6[%parallel_loop3A_1922] : memref<5120xi32, #tpu.memory_space<vmem>> -> memref<128xi32, #tpu.memory_space<vmem>>
      %parallel_loop3A_1924 = tpu.vector_load_idx %parallel_loop3A_1923[%parallel_loop3A_342] : memref<128xi32, #tpu.memory_space<vmem>>[vector<16xi32>], vector<16xi32>,
      %parallel_loop3A_1925 = arith.constant 2048 : i32
      %parallel_loop3A_1926 = tpu.memref_slice %arg6[%parallel_loop3A_1925] : memref<5120xi32, #tpu.memory_space<vmem>> -> memref<128xi32, #tpu.memory_space<vmem>>
      %parallel_loop3A_1927 = tpu.vector_load_idx %parallel_loop3A_1926[%parallel_loop3A_346] : memref<128xi32, #tpu.memory_space<vmem>>[vector<16xi32>], vector<16xi32>,
      %parallel_loop3A_1928 = arith.constant 2048 : i32
      %parallel_loop3A_1929 = tpu.memref_slice %arg6[%parallel_loop3A_1928] : memref<5120xi32, #tpu.memory_space<vmem>> -> memref<128xi32, #tpu.memory_space<vmem>>
      %parallel_loop3A_1930 = tpu.vector_load_idx %parallel_loop3A_1929[%parallel_loop3A_350] : memref<128xi32, #tpu.memory_space<vmem>>[vector<16xi32>], vector<16xi32>,
      %parallel_loop3A_1931 = arith.constant 2048 : i32
      %parallel_loop3A_1932 = tpu.memref_slice %arg6[%parallel_loop3A_1931] : memref<5120xi32, #tpu.memory_space<vmem>> -> memref<128xi32, #tpu.memory_space<vmem>>
      %parallel_loop3A_1933 = tpu.vector_load_idx %parallel_loop3A_1932[%parallel_loop3A_354] : memref<128xi32, #tpu.memory_space<vmem>>[vector<16xi32>], vector<16xi32>,
      %parallel_loop3A_1934 = arith.constant 2048 : i32
      %parallel_loop3A_1935 = tpu.memref_slice %arg6[%parallel_loop3A_1934] : memref<5120xi32, #tpu.memory_space<vmem>> -> memref<128xi32, #tpu.memory_space<vmem>>
      %parallel_loop3A_1936 = tpu.vector_load_idx %parallel_loop3A_1935[%parallel_loop3A_358] : memref<128xi32, #tpu.memory_space<vmem>>[vector<16xi32>], vector<16xi32>,
      %parallel_loop3A_1937 = arith.constant 2048 : i32
      %parallel_loop3A_1938 = tpu.memref_slice %arg6[%parallel_loop3A_1937] : memref<5120xi32, #tpu.memory_space<vmem>> -> memref<128xi32, #tpu.memory_space<vmem>>
      %parallel_loop3A_1939 = tpu.vector_load_idx %parallel_loop3A_1938[%parallel_loop3A_362] : memref<128xi32, #tpu.memory_space<vmem>>[vector<16xi32>], vector<16xi32>,
      %parallel_loop3A_1940 = arith.constant 2048 : i32
      %parallel_loop3A_1941 = tpu.memref_slice %arg6[%parallel_loop3A_1940] : memref<5120xi32, #tpu.memory_space<vmem>> -> memref<128xi32, #tpu.memory_space<vmem>>
      %parallel_loop3A_1942 = tpu.vector_load_idx %parallel_loop3A_1941[%parallel_loop3A_366] : memref<128xi32, #tpu.memory_space<vmem>>[vector<16xi32>], vector<16xi32>,
      %parallel_loop3A_1943 = arith.constant 2048 : i32
      %parallel_loop3A_1944 = tpu.memref_slice %arg6[%parallel_loop3A_1943] : memref<5120xi32, #tpu.memory_space<vmem>> -> memref<128xi32, #tpu.memory_space<vmem>>
      %parallel_loop3A_1945 = tpu.vector_load_idx %parallel_loop3A_1944[%parallel_loop3A_370] : memref<128xi32, #tpu.memory_space<vmem>>[vector<16xi32>], vector<16xi32>,
      %parallel_loop3A_1946 = arith.constant 2048 : i32
      %parallel_loop3A_1947 = tpu.memref_slice %arg6[%parallel_loop3A_1946] : memref<5120xi32, #tpu.memory_space<vmem>> -> memref<128xi32, #tpu.memory_space<vmem>>
      %parallel_loop3A_1948 = tpu.vector_load_idx %parallel_loop3A_1947[%parallel_loop3A_374] : memref<128xi32, #tpu.memory_space<vmem>>[vector<16xi32>], vector<16xi32>,
      %parallel_loop3A_1949 = vector.bitcast %parallel_loop3A_1709 : vector<16xi32> to vector<32xbf16>
      %parallel_loop3A_1950 = vector.bitcast %parallel_loop3A_1712 : vector<16xi32> to vector<32xbf16>
      %parallel_loop3A_1951 = arith.addf %parallel_loop3A_1949, %parallel_loop3A_1950 : vector<32xbf16>
      %parallel_loop3A_1952 = vector.bitcast %parallel_loop3A_1951 : vector<32xbf16> to vector<16xi32>
      %parallel_loop3A_1953 = vector.bitcast %parallel_loop3A_1715 : vector<16xi32> to vector<32xbf16>
      %parallel_loop3A_1954 = vector.bitcast %parallel_loop3A_1718 : vector<16xi32> to vector<32xbf16>
      %parallel_loop3A_1955 = arith.addf %parallel_loop3A_1953, %parallel_loop3A_1954 : vector<32xbf16>
      %parallel_loop3A_1956 = vector.bitcast %parallel_loop3A_1955 : vector<32xbf16> to vector<16xi32>
      %parallel_loop3A_1957 = vector.bitcast %parallel_loop3A_1721 : vector<16xi32> to vector<32xbf16>
      %parallel_loop3A_1958 = vector.bitcast %parallel_loop3A_1724 : vector<16xi32> to vector<32xbf16>
      %parallel_loop3A_1959 = arith.addf %parallel_loop3A_1957, %parallel_loop3A_1958 : vector<32xbf16>
      %parallel_loop3A_1960 = vector.bitcast %parallel_loop3A_1959 : vector<32xbf16> to vector<16xi32>
      %parallel_loop3A_1961 = vector.bitcast %parallel_loop3A_1727 : vector<16xi32> to vector<32xbf16>
      %parallel_loop3A_1962 = vector.bitcast %parallel_loop3A_1730 : vector<16xi32> to vector<32xbf16>
      %parallel_loop3A_1963 = arith.addf %parallel_loop3A_1961, %parallel_loop3A_1962 : vector<32xbf16>
      %parallel_loop3A_1964 = vector.bitcast %parallel_loop3A_1963 : vector<32xbf16> to vector<16xi32>
      %parallel_loop3A_1965 = vector.bitcast %parallel_loop3A_1733 : vector<16xi32> to vector<32xbf16>
      %parallel_loop3A_1966 = vector.bitcast %parallel_loop3A_1736 : vector<16xi32> to vector<32xbf16>
      %parallel_loop3A_1967 = arith.addf %parallel_loop3A_1965, %parallel_loop3A_1966 : vector<32xbf16>
      %parallel_loop3A_1968 = vector.bitcast %parallel_loop3A_1967 : vector<32xbf16> to vector<16xi32>
      %parallel_loop3A_1969 = arith.constant 16 : i32
      %parallel_loop3A_1970 = vector.broadcast %parallel_loop3A_1969 : i32 to vector<16xi32>
      %parallel_loop3A_1971 = arith.shli %parallel_loop3A_1952, %parallel_loop3A_1970 : vector<16xi32>
      %parallel_loop3A_1972 = vector.bitcast %parallel_loop3A_1971 : vector<16xi32> to vector<16xf32>
      %parallel_loop3A_1973 = arith.constant -65536 : i32
      %parallel_loop3A_1974 = vector.broadcast %parallel_loop3A_1973 : i32 to vector<16xi32>
      %parallel_loop3A_1975 = arith.andi %parallel_loop3A_1952, %parallel_loop3A_1974 : vector<16xi32>
      %parallel_loop3A_1976 = vector.bitcast %parallel_loop3A_1975 : vector<16xi32> to vector<16xf32>
      %parallel_loop3A_1977 = arith.constant 16 : i32
      %parallel_loop3A_1978 = vector.broadcast %parallel_loop3A_1977 : i32 to vector<16xi32>
      %parallel_loop3A_1979 = arith.shli %parallel_loop3A_1956, %parallel_loop3A_1978 : vector<16xi32>
      %parallel_loop3A_1980 = vector.bitcast %parallel_loop3A_1979 : vector<16xi32> to vector<16xf32>
      %parallel_loop3A_1981 = arith.constant -65536 : i32
      %parallel_loop3A_1982 = vector.broadcast %parallel_loop3A_1981 : i32 to vector<16xi32>
      %parallel_loop3A_1983 = arith.andi %parallel_loop3A_1956, %parallel_loop3A_1982 : vector<16xi32>
      %parallel_loop3A_1984 = vector.bitcast %parallel_loop3A_1983 : vector<16xi32> to vector<16xf32>
      %parallel_loop3A_1985 = arith.constant 16 : i32
      %parallel_loop3A_1986 = vector.broadcast %parallel_loop3A_1985 : i32 to vector<16xi32>
      %parallel_loop3A_1987 = arith.shli %parallel_loop3A_1960, %parallel_loop3A_1986 : vector<16xi32>
      %parallel_loop3A_1988 = vector.bitcast %parallel_loop3A_1987 : vector<16xi32> to vector<16xf32>
      %parallel_loop3A_1989 = arith.constant -65536 : i32
      %parallel_loop3A_1990 = vector.broadcast %parallel_loop3A_1989 : i32 to vector<16xi32>
      %parallel_loop3A_1991 = arith.andi %parallel_loop3A_1960, %parallel_loop3A_1990 : vector<16xi32>
      %parallel_loop3A_1992 = vector.bitcast %parallel_loop3A_1991 : vector<16xi32> to vector<16xf32>
      %parallel_loop3A_1993 = arith.constant 16 : i32
      %parallel_loop3A_1994 = vector.broadcast %parallel_loop3A_1993 : i32 to vector<16xi32>
      %parallel_loop3A_1995 = arith.shli %parallel_loop3A_1964, %parallel_loop3A_1994 : vector<16xi32>
      %parallel_loop3A_1996 = vector.bitcast %parallel_loop3A_1995 : vector<16xi32> to vector<16xf32>
      %parallel_loop3A_1997 = arith.constant -65536 : i32
      %parallel_loop3A_1998 = vector.broadcast %parallel_loop3A_1997 : i32 to vector<16xi32>
      %parallel_loop3A_1999 = arith.andi %parallel_loop3A_1964, %parallel_loop3A_1998 : vector<16xi32>
      %parallel_loop3A_2000 = vector.bitcast %parallel_loop3A_1999 : vector<16xi32> to vector<16xf32>
      %parallel_loop3A_2001 = arith.constant 16 : i32
      %parallel_loop3A_2002 = vector.broadcast %parallel_loop3A_2001 : i32 to vector<16xi32>
      %parallel_loop3A_2003 = arith.shli %parallel_loop3A_1968, %parallel_loop3A_2002 : vector<16xi32>
      %parallel_loop3A_2004 = vector.bitcast %parallel_loop3A_2003 : vector<16xi32> to vector<16xf32>
      %parallel_loop3A_2005 = arith.constant -65536 : i32
      %parallel_loop3A_2006 = vector.broadcast %parallel_loop3A_2005 : i32 to vector<16xi32>
      %parallel_loop3A_2007 = arith.andi %parallel_loop3A_1968, %parallel_loop3A_2006 : vector<16xi32>
      %parallel_loop3A_2008 = vector.bitcast %parallel_loop3A_2007 : vector<16xi32> to vector<16xf32>
      %parallel_loop3A_2009 = arith.addf %parallel_loop3A_1972, %parallel_loop3A_1980 : vector<16xf32>
      %parallel_loop3A_2010 = arith.addf %parallel_loop3A_1988, %parallel_loop3A_1996 : vector<16xf32>
      %parallel_loop3A_2011 = arith.addf %parallel_loop3A_2009, %parallel_loop3A_2010 : vector<16xf32>
      %parallel_loop3A_2012 = arith.addf %parallel_loop3A_2011, %parallel_loop3A_2004 : vector<16xf32>
      %parallel_loop3A_2013 = arith.addf %parallel_loop3A_1976, %parallel_loop3A_1984 : vector<16xf32>
      %parallel_loop3A_2014 = arith.addf %parallel_loop3A_1992, %parallel_loop3A_2000 : vector<16xf32>
      %parallel_loop3A_2015 = arith.addf %parallel_loop3A_2013, %parallel_loop3A_2014 : vector<16xf32>
      %parallel_loop3A_2016 = arith.addf %parallel_loop3A_2015, %parallel_loop3A_2008 : vector<16xf32>
      %parallel_loop3A_2017 = arith.constant 4864 : i32
      %parallel_loop3A_2018 = arith.addi %parallel_loop3A_2017, %parallel_loop3A_334 : i32
      %parallel_loop3A_2019 = arith.index_cast %parallel_loop3A_2018 : i32 to index
      %parallel_loop3A_2020 = tpu.vector_load %arg7[%parallel_loop3A_2019] {strides = array<i32>} : memref<36864xf32, #tpu.memory_space<vmem>>, vector<16xf32>,
      tpu.vector_store %arg7[%parallel_loop3A_2019], %parallel_loop3A_2012 {strides = array<i32>} : memref<36864xf32, #tpu.memory_space<vmem>>, vector<16xf32>,
      %parallel_loop3A_2021 = arith.constant 21376 : i32
      %parallel_loop3A_2022 = arith.addi %parallel_loop3A_2021, %parallel_loop3A_334 : i32
      %parallel_loop3A_2023 = arith.index_cast %parallel_loop3A_2022 : i32 to index
      %parallel_loop3A_2024 = tpu.vector_load %arg7[%parallel_loop3A_2023] {strides = array<i32>} : memref<36864xf32, #tpu.memory_space<vmem>>, vector<16xf32>,
      tpu.vector_store %arg7[%parallel_loop3A_2023], %parallel_loop3A_2016 {strides = array<i32>} : memref<36864xf32, #tpu.memory_space<vmem>>, vector<16xf32>,
      %parallel_loop3A_2025 = arith.constant 2176 : i32
      %parallel_loop3A_2026 = tpu.memref_slice %arg6[%parallel_loop3A_2025] : memref<5120xi32, #tpu.memory_space<vmem>> -> memref<128xi32, #tpu.memory_space<vmem>>
      %parallel_loop3A_2027 = tpu.vector_load_idx %parallel_loop3A_2026[%parallel_loop3A_338] : memref<128xi32, #tpu.memory_space<vmem>>[vector<16xi32>], vector<16xi32>,
      %parallel_loop3A_2028 = arith.constant 2176 : i32
      %parallel_loop3A_2029 = tpu.memref_slice %arg6[%parallel_loop3A_2028] : memref<5120xi32, #tpu.memory_space<vmem>> -> memref<128xi32, #tpu.memory_space<vmem>>
      %parallel_loop3A_2030 = tpu.vector_load_idx %parallel_loop3A_2029[%parallel_loop3A_342] : memref<128xi32, #tpu.memory_space<vmem>>[vector<16xi32>], vector<16xi32>,
      %parallel_loop3A_2031 = arith.constant 2176 : i32
      %parallel_loop3A_2032 = tpu.memref_slice %arg6[%parallel_loop3A_2031] : memref<5120xi32, #tpu.memory_space<vmem>> -> memref<128xi32, #tpu.memory_space<vmem>>
      %parallel_loop3A_2033 = tpu.vector_load_idx %parallel_loop3A_2032[%parallel_loop3A_346] : memref<128xi32, #tpu.memory_space<vmem>>[vector<16xi32>], vector<16xi32>,
      %parallel_loop3A_2034 = arith.constant 2176 : i32
      %parallel_loop3A_2035 = tpu.memref_slice %arg6[%parallel_loop3A_2034] : memref<5120xi32, #tpu.memory_space<vmem>> -> memref<128xi32, #tpu.memory_space<vmem>>
      %parallel_loop3A_2036 = tpu.vector_load_idx %parallel_loop3A_2035[%parallel_loop3A_350] : memref<128xi32, #tpu.memory_space<vmem>>[vector<16xi32>], vector<16xi32>,
      %parallel_loop3A_2037 = arith.constant 2176 : i32
      %parallel_loop3A_2038 = tpu.memref_slice %arg6[%parallel_loop3A_2037] : memref<5120xi32, #tpu.memory_space<vmem>> -> memref<128xi32, #tpu.memory_space<vmem>>
      %parallel_loop3A_2039 = tpu.vector_load_idx %parallel_loop3A_2038[%parallel_loop3A_354] : memref<128xi32, #tpu.memory_space<vmem>>[vector<16xi32>], vector<16xi32>,
      %parallel_loop3A_2040 = arith.constant 2176 : i32
      %parallel_loop3A_2041 = tpu.memref_slice %arg6[%parallel_loop3A_2040] : memref<5120xi32, #tpu.memory_space<vmem>> -> memref<128xi32, #tpu.memory_space<vmem>>
      %parallel_loop3A_2042 = tpu.vector_load_idx %parallel_loop3A_2041[%parallel_loop3A_358] : memref<128xi32, #tpu.memory_space<vmem>>[vector<16xi32>], vector<16xi32>,
      %parallel_loop3A_2043 = arith.constant 2176 : i32
      %parallel_loop3A_2044 = tpu.memref_slice %arg6[%parallel_loop3A_2043] : memref<5120xi32, #tpu.memory_space<vmem>> -> memref<128xi32, #tpu.memory_space<vmem>>
      %parallel_loop3A_2045 = tpu.vector_load_idx %parallel_loop3A_2044[%parallel_loop3A_362] : memref<128xi32, #tpu.memory_space<vmem>>[vector<16xi32>], vector<16xi32>,
      %parallel_loop3A_2046 = arith.constant 2176 : i32
      %parallel_loop3A_2047 = tpu.memref_slice %arg6[%parallel_loop3A_2046] : memref<5120xi32, #tpu.memory_space<vmem>> -> memref<128xi32, #tpu.memory_space<vmem>>
      %parallel_loop3A_2048 = tpu.vector_load_idx %parallel_loop3A_2047[%parallel_loop3A_366] : memref<128xi32, #tpu.memory_space<vmem>>[vector<16xi32>], vector<16xi32>,
      %parallel_loop3A_2049 = arith.constant 2176 : i32
      %parallel_loop3A_2050 = tpu.memref_slice %arg6[%parallel_loop3A_2049] : memref<5120xi32, #tpu.memory_space<vmem>> -> memref<128xi32, #tpu.memory_space<vmem>>
      %parallel_loop3A_2051 = tpu.vector_load_idx %parallel_loop3A_2050[%parallel_loop3A_370] : memref<128xi32, #tpu.memory_space<vmem>>[vector<16xi32>], vector<16xi32>,
      %parallel_loop3A_2052 = arith.constant 2176 : i32
      %parallel_loop3A_2053 = tpu.memref_slice %arg6[%parallel_loop3A_2052] : memref<5120xi32, #tpu.memory_space<vmem>> -> memref<128xi32, #tpu.memory_space<vmem>>
      %parallel_loop3A_2054 = tpu.vector_load_idx %parallel_loop3A_2053[%parallel_loop3A_374] : memref<128xi32, #tpu.memory_space<vmem>>[vector<16xi32>], vector<16xi32>,
      %parallel_loop3A_2055 = vector.bitcast %parallel_loop3A_1815 : vector<16xi32> to vector<32xbf16>
      %parallel_loop3A_2056 = vector.bitcast %parallel_loop3A_1818 : vector<16xi32> to vector<32xbf16>
      %parallel_loop3A_2057 = arith.addf %parallel_loop3A_2055, %parallel_loop3A_2056 : vector<32xbf16>
      %parallel_loop3A_2058 = vector.bitcast %parallel_loop3A_2057 : vector<32xbf16> to vector<16xi32>
      %parallel_loop3A_2059 = vector.bitcast %parallel_loop3A_1821 : vector<16xi32> to vector<32xbf16>
      %parallel_loop3A_2060 = vector.bitcast %parallel_loop3A_1824 : vector<16xi32> to vector<32xbf16>
      %parallel_loop3A_2061 = arith.addf %parallel_loop3A_2059, %parallel_loop3A_2060 : vector<32xbf16>
      %parallel_loop3A_2062 = vector.bitcast %parallel_loop3A_2061 : vector<32xbf16> to vector<16xi32>
      %parallel_loop3A_2063 = vector.bitcast %parallel_loop3A_1827 : vector<16xi32> to vector<32xbf16>
      %parallel_loop3A_2064 = vector.bitcast %parallel_loop3A_1830 : vector<16xi32> to vector<32xbf16>
      %parallel_loop3A_2065 = arith.addf %parallel_loop3A_2063, %parallel_loop3A_2064 : vector<32xbf16>
      %parallel_loop3A_2066 = vector.bitcast %parallel_loop3A_2065 : vector<32xbf16> to vector<16xi32>
      %parallel_loop3A_2067 = vector.bitcast %parallel_loop3A_1833 : vector<16xi32> to vector<32xbf16>
      %parallel_loop3A_2068 = vector.bitcast %parallel_loop3A_1836 : vector<16xi32> to vector<32xbf16>
      %parallel_loop3A_2069 = arith.addf %parallel_loop3A_2067, %parallel_loop3A_2068 : vector<32xbf16>
      %parallel_loop3A_2070 = vector.bitcast %parallel_loop3A_2069 : vector<32xbf16> to vector<16xi32>
      %parallel_loop3A_2071 = vector.bitcast %parallel_loop3A_1839 : vector<16xi32> to vector<32xbf16>
      %parallel_loop3A_2072 = vector.bitcast %parallel_loop3A_1842 : vector<16xi32> to vector<32xbf16>
      %parallel_loop3A_2073 = arith.addf %parallel_loop3A_2071, %parallel_loop3A_2072 : vector<32xbf16>
      %parallel_loop3A_2074 = vector.bitcast %parallel_loop3A_2073 : vector<32xbf16> to vector<16xi32>
      %parallel_loop3A_2075 = arith.constant 16 : i32
      %parallel_loop3A_2076 = vector.broadcast %parallel_loop3A_2075 : i32 to vector<16xi32>
      %parallel_loop3A_2077 = arith.shli %parallel_loop3A_2058, %parallel_loop3A_2076 : vector<16xi32>
      %parallel_loop3A_2078 = vector.bitcast %parallel_loop3A_2077 : vector<16xi32> to vector<16xf32>
      %parallel_loop3A_2079 = arith.constant -65536 : i32
      %parallel_loop3A_2080 = vector.broadcast %parallel_loop3A_2079 : i32 to vector<16xi32>
      %parallel_loop3A_2081 = arith.andi %parallel_loop3A_2058, %parallel_loop3A_2080 : vector<16xi32>
      %parallel_loop3A_2082 = vector.bitcast %parallel_loop3A_2081 : vector<16xi32> to vector<16xf32>
      %parallel_loop3A_2083 = arith.constant 16 : i32
      %parallel_loop3A_2084 = vector.broadcast %parallel_loop3A_2083 : i32 to vector<16xi32>
      %parallel_loop3A_2085 = arith.shli %parallel_loop3A_2062, %parallel_loop3A_2084 : vector<16xi32>
      %parallel_loop3A_2086 = vector.bitcast %parallel_loop3A_2085 : vector<16xi32> to vector<16xf32>
      %parallel_loop3A_2087 = arith.constant -65536 : i32
      %parallel_loop3A_2088 = vector.broadcast %parallel_loop3A_2087 : i32 to vector<16xi32>
      %parallel_loop3A_2089 = arith.andi %parallel_loop3A_2062, %parallel_loop3A_2088 : vector<16xi32>
      %parallel_loop3A_2090 = vector.bitcast %parallel_loop3A_2089 : vector<16xi32> to vector<16xf32>
      %parallel_loop3A_2091 = arith.constant 16 : i32
      %parallel_loop3A_2092 = vector.broadcast %parallel_loop3A_2091 : i32 to vector<16xi32>
      %parallel_loop3A_2093 = arith.shli %parallel_loop3A_2066, %parallel_loop3A_2092 : vector<16xi32>
      %parallel_loop3A_2094 = vector.bitcast %parallel_loop3A_2093 : vector<16xi32> to vector<16xf32>
      %parallel_loop3A_2095 = arith.constant -65536 : i32
      %parallel_loop3A_2096 = vector.broadcast %parallel_loop3A_2095 : i32 to vector<16xi32>
      %parallel_loop3A_2097 = arith.andi %parallel_loop3A_2066, %parallel_loop3A_2096 : vector<16xi32>
      %parallel_loop3A_2098 = vector.bitcast %parallel_loop3A_2097 : vector<16xi32> to vector<16xf32>
      %parallel_loop3A_2099 = arith.constant 16 : i32
      %parallel_loop3A_2100 = vector.broadcast %parallel_loop3A_2099 : i32 to vector<16xi32>
      %parallel_loop3A_2101 = arith.shli %parallel_loop3A_2070, %parallel_loop3A_2100 : vector<16xi32>
      %parallel_loop3A_2102 = vector.bitcast %parallel_loop3A_2101 : vector<16xi32> to vector<16xf32>
      %parallel_loop3A_2103 = arith.constant -65536 : i32
      %parallel_loop3A_2104 = vector.broadcast %parallel_loop3A_2103 : i32 to vector<16xi32>
      %parallel_loop3A_2105 = arith.andi %parallel_loop3A_2070, %parallel_loop3A_2104 : vector<16xi32>
      %parallel_loop3A_2106 = vector.bitcast %parallel_loop3A_2105 : vector<16xi32> to vector<16xf32>
      %parallel_loop3A_2107 = arith.constant 16 : i32
      %parallel_loop3A_2108 = vector.broadcast %parallel_loop3A_2107 : i32 to vector<16xi32>
      %parallel_loop3A_2109 = arith.shli %parallel_loop3A_2074, %parallel_loop3A_2108 : vector<16xi32>
      %parallel_loop3A_2110 = vector.bitcast %parallel_loop3A_2109 : vector<16xi32> to vector<16xf32>
      %parallel_loop3A_2111 = arith.constant -65536 : i32
      %parallel_loop3A_2112 = vector.broadcast %parallel_loop3A_2111 : i32 to vector<16xi32>
      %parallel_loop3A_2113 = arith.andi %parallel_loop3A_2074, %parallel_loop3A_2112 : vector<16xi32>
      %parallel_loop3A_2114 = vector.bitcast %parallel_loop3A_2113 : vector<16xi32> to vector<16xf32>
      %parallel_loop3A_2115 = arith.addf %parallel_loop3A_2078, %parallel_loop3A_2086 : vector<16xf32>
      %parallel_loop3A_2116 = arith.addf %parallel_loop3A_2094, %parallel_loop3A_2102 : vector<16xf32>
      %parallel_loop3A_2117 = arith.addf %parallel_loop3A_2115, %parallel_loop3A_2116 : vector<16xf32>
      %parallel_loop3A_2118 = arith.addf %parallel_loop3A_2117, %parallel_loop3A_2110 : vector<16xf32>
      %parallel_loop3A_2119 = arith.addf %parallel_loop3A_2082, %parallel_loop3A_2090 : vector<16xf32>
      %parallel_loop3A_2120 = arith.addf %parallel_loop3A_2098, %parallel_loop3A_2106 : vector<16xf32>
      %parallel_loop3A_2121 = arith.addf %parallel_loop3A_2119, %parallel_loop3A_2120 : vector<16xf32>
      %parallel_loop3A_2122 = arith.addf %parallel_loop3A_2121, %parallel_loop3A_2114 : vector<16xf32>
      %parallel_loop3A_2123 = arith.constant 4992 : i32
      %parallel_loop3A_2124 = arith.addi %parallel_loop3A_2123, %parallel_loop3A_334 : i32
      %parallel_loop3A_2125 = arith.index_cast %parallel_loop3A_2124 : i32 to index
      %parallel_loop3A_2126 = tpu.vector_load %arg7[%parallel_loop3A_2125] {strides = array<i32>} : memref<36864xf32, #tpu.memory_space<vmem>>, vector<16xf32>,
      tpu.vector_store %arg7[%parallel_loop3A_2125], %parallel_loop3A_2118 {strides = array<i32>} : memref<36864xf32, #tpu.memory_space<vmem>>, vector<16xf32>,
      %parallel_loop3A_2127 = arith.constant 24576 : i32
      %parallel_loop3A_2128 = arith.addi %parallel_loop3A_2127, %parallel_loop3A_334 : i32
      %parallel_loop3A_2129 = arith.index_cast %parallel_loop3A_2128 : i32 to index
      %parallel_loop3A_2130 = tpu.vector_load %arg7[%parallel_loop3A_2129] {strides = array<i32>} : memref<36864xf32, #tpu.memory_space<vmem>>, vector<16xf32>,
      tpu.vector_store %arg7[%parallel_loop3A_2129], %parallel_loop3A_2122 {strides = array<i32>} : memref<36864xf32, #tpu.memory_space<vmem>>, vector<16xf32>,
      %parallel_loop3A_2131 = arith.constant 2304 : i32
      %parallel_loop3A_2132 = tpu.memref_slice %arg6[%parallel_loop3A_2131] : memref<5120xi32, #tpu.memory_space<vmem>> -> memref<128xi32, #tpu.memory_space<vmem>>
      %parallel_loop3A_2133 = tpu.vector_load_idx %parallel_loop3A_2132[%parallel_loop3A_338] : memref<128xi32, #tpu.memory_space<vmem>>[vector<16xi32>], vector<16xi32>,
      %parallel_loop3A_2134 = arith.constant 2304 : i32
      %parallel_loop3A_2135 = tpu.memref_slice %arg6[%parallel_loop3A_2134] : memref<5120xi32, #tpu.memory_space<vmem>> -> memref<128xi32, #tpu.memory_space<vmem>>
      %parallel_loop3A_2136 = tpu.vector_load_idx %parallel_loop3A_2135[%parallel_loop3A_342] : memref<128xi32, #tpu.memory_space<vmem>>[vector<16xi32>], vector<16xi32>,
      %parallel_loop3A_2137 = arith.constant 2304 : i32
      %parallel_loop3A_2138 = tpu.memref_slice %arg6[%parallel_loop3A_2137] : memref<5120xi32, #tpu.memory_space<vmem>> -> memref<128xi32, #tpu.memory_space<vmem>>
      %parallel_loop3A_2139 = tpu.vector_load_idx %parallel_loop3A_2138[%parallel_loop3A_346] : memref<128xi32, #tpu.memory_space<vmem>>[vector<16xi32>], vector<16xi32>,
      %parallel_loop3A_2140 = arith.constant 2304 : i32
      %parallel_loop3A_2141 = tpu.memref_slice %arg6[%parallel_loop3A_2140] : memref<5120xi32, #tpu.memory_space<vmem>> -> memref<128xi32, #tpu.memory_space<vmem>>
      %parallel_loop3A_2142 = tpu.vector_load_idx %parallel_loop3A_2141[%parallel_loop3A_350] : memref<128xi32, #tpu.memory_space<vmem>>[vector<16xi32>], vector<16xi32>,
      %parallel_loop3A_2143 = arith.constant 2304 : i32
      %parallel_loop3A_2144 = tpu.memref_slice %arg6[%parallel_loop3A_2143] : memref<5120xi32, #tpu.memory_space<vmem>> -> memref<128xi32, #tpu.memory_space<vmem>>
      %parallel_loop3A_2145 = tpu.vector_load_idx %parallel_loop3A_2144[%parallel_loop3A_354] : memref<128xi32, #tpu.memory_space<vmem>>[vector<16xi32>], vector<16xi32>,
      %parallel_loop3A_2146 = arith.constant 2304 : i32
      %parallel_loop3A_2147 = tpu.memref_slice %arg6[%parallel_loop3A_2146] : memref<5120xi32, #tpu.memory_space<vmem>> -> memref<128xi32, #tpu.memory_space<vmem>>
      %parallel_loop3A_2148 = tpu.vector_load_idx %parallel_loop3A_2147[%parallel_loop3A_358] : memref<128xi32, #tpu.memory_space<vmem>>[vector<16xi32>], vector<16xi32>,
      %parallel_loop3A_2149 = arith.constant 2304 : i32
      %parallel_loop3A_2150 = tpu.memref_slice %arg6[%parallel_loop3A_2149] : memref<5120xi32, #tpu.memory_space<vmem>> -> memref<128xi32, #tpu.memory_space<vmem>>
      %parallel_loop3A_2151 = tpu.vector_load_idx %parallel_loop3A_2150[%parallel_loop3A_362] : memref<128xi32, #tpu.memory_space<vmem>>[vector<16xi32>], vector<16xi32>,
      %parallel_loop3A_2152 = arith.constant 2304 : i32
      %parallel_loop3A_2153 = tpu.memref_slice %arg6[%parallel_loop3A_2152] : memref<5120xi32, #tpu.memory_space<vmem>> -> memref<128xi32, #tpu.memory_space<vmem>>
      %parallel_loop3A_2154 = tpu.vector_load_idx %parallel_loop3A_2153[%parallel_loop3A_366] : memref<128xi32, #tpu.memory_space<vmem>>[vector<16xi32>], vector<16xi32>,
      %parallel_loop3A_2155 = arith.constant 2304 : i32
      %parallel_loop3A_2156 = tpu.memref_slice %arg6[%parallel_loop3A_2155] : memref<5120xi32, #tpu.memory_space<vmem>> -> memref<128xi32, #tpu.memory_space<vmem>>
      %parallel_loop3A_2157 = tpu.vector_load_idx %parallel_loop3A_2156[%parallel_loop3A_370] : memref<128xi32, #tpu.memory_space<vmem>>[vector<16xi32>], vector<16xi32>,
      %parallel_loop3A_2158 = arith.constant 2304 : i32
      %parallel_loop3A_2159 = tpu.memref_slice %arg6[%parallel_loop3A_2158] : memref<5120xi32, #tpu.memory_space<vmem>> -> memref<128xi32, #tpu.memory_space<vmem>>
      %parallel_loop3A_2160 = tpu.vector_load_idx %parallel_loop3A_2159[%parallel_loop3A_374] : memref<128xi32, #tpu.memory_space<vmem>>[vector<16xi32>], vector<16xi32>,
      %parallel_loop3A_2161 = vector.bitcast %parallel_loop3A_1921 : vector<16xi32> to vector<32xbf16>
      %parallel_loop3A_2162 = vector.bitcast %parallel_loop3A_1924 : vector<16xi32> to vector<32xbf16>
      %parallel_loop3A_2163 = arith.addf %parallel_loop3A_2161, %parallel_loop3A_2162 : vector<32xbf16>
      %parallel_loop3A_2164 = vector.bitcast %parallel_loop3A_2163 : vector<32xbf16> to vector<16xi32>
      %parallel_loop3A_2165 = vector.bitcast %parallel_loop3A_1927 : vector<16xi32> to vector<32xbf16>
      %parallel_loop3A_2166 = vector.bitcast %parallel_loop3A_1930 : vector<16xi32> to vector<32xbf16>
      %parallel_loop3A_2167 = arith.addf %parallel_loop3A_2165, %parallel_loop3A_2166 : vector<32xbf16>
      %parallel_loop3A_2168 = vector.bitcast %parallel_loop3A_2167 : vector<32xbf16> to vector<16xi32>
      %parallel_loop3A_2169 = vector.bitcast %parallel_loop3A_1933 : vector<16xi32> to vector<32xbf16>
      %parallel_loop3A_2170 = vector.bitcast %parallel_loop3A_1936 : vector<16xi32> to vector<32xbf16>
      %parallel_loop3A_2171 = arith.addf %parallel_loop3A_2169, %parallel_loop3A_2170 : vector<32xbf16>
      %parallel_loop3A_2172 = vector.bitcast %parallel_loop3A_2171 : vector<32xbf16> to vector<16xi32>
      %parallel_loop3A_2173 = vector.bitcast %parallel_loop3A_1939 : vector<16xi32> to vector<32xbf16>
      %parallel_loop3A_2174 = vector.bitcast %parallel_loop3A_1942 : vector<16xi32> to vector<32xbf16>
      %parallel_loop3A_2175 = arith.addf %parallel_loop3A_2173, %parallel_loop3A_2174 : vector<32xbf16>
      %parallel_loop3A_2176 = vector.bitcast %parallel_loop3A_2175 : vector<32xbf16> to vector<16xi32>
      %parallel_loop3A_2177 = vector.bitcast %parallel_loop3A_1945 : vector<16xi32> to vector<32xbf16>
      %parallel_loop3A_2178 = vector.bitcast %parallel_loop3A_1948 : vector<16xi32> to vector<32xbf16>
      %parallel_loop3A_2179 = arith.addf %parallel_loop3A_2177, %parallel_loop3A_2178 : vector<32xbf16>
      %parallel_loop3A_2180 = vector.bitcast %parallel_loop3A_2179 : vector<32xbf16> to vector<16xi32>
      %parallel_loop3A_2181 = arith.constant 16 : i32
      %parallel_loop3A_2182 = vector.broadcast %parallel_loop3A_2181 : i32 to vector<16xi32>
      %parallel_loop3A_2183 = arith.shli %parallel_loop3A_2164, %parallel_loop3A_2182 : vector<16xi32>
      %parallel_loop3A_2184 = vector.bitcast %parallel_loop3A_2183 : vector<16xi32> to vector<16xf32>
      %parallel_loop3A_2185 = arith.constant -65536 : i32
      %parallel_loop3A_2186 = vector.broadcast %parallel_loop3A_2185 : i32 to vector<16xi32>
      %parallel_loop3A_2187 = arith.andi %parallel_loop3A_2164, %parallel_loop3A_2186 : vector<16xi32>
      %parallel_loop3A_2188 = vector.bitcast %parallel_loop3A_2187 : vector<16xi32> to vector<16xf32>
      %parallel_loop3A_2189 = arith.constant 16 : i32
      %parallel_loop3A_2190 = vector.broadcast %parallel_loop3A_2189 : i32 to vector<16xi32>
      %parallel_loop3A_2191 = arith.shli %parallel_loop3A_2168, %parallel_loop3A_2190 : vector<16xi32>
      %parallel_loop3A_2192 = vector.bitcast %parallel_loop3A_2191 : vector<16xi32> to vector<16xf32>
      %parallel_loop3A_2193 = arith.constant -65536 : i32
      %parallel_loop3A_2194 = vector.broadcast %parallel_loop3A_2193 : i32 to vector<16xi32>
      %parallel_loop3A_2195 = arith.andi %parallel_loop3A_2168, %parallel_loop3A_2194 : vector<16xi32>
      %parallel_loop3A_2196 = vector.bitcast %parallel_loop3A_2195 : vector<16xi32> to vector<16xf32>
      %parallel_loop3A_2197 = arith.constant 16 : i32
      %parallel_loop3A_2198 = vector.broadcast %parallel_loop3A_2197 : i32 to vector<16xi32>
      %parallel_loop3A_2199 = arith.shli %parallel_loop3A_2172, %parallel_loop3A_2198 : vector<16xi32>
      %parallel_loop3A_2200 = vector.bitcast %parallel_loop3A_2199 : vector<16xi32> to vector<16xf32>
      %parallel_loop3A_2201 = arith.constant -65536 : i32
      %parallel_loop3A_2202 = vector.broadcast %parallel_loop3A_2201 : i32 to vector<16xi32>
      %parallel_loop3A_2203 = arith.andi %parallel_loop3A_2172, %parallel_loop3A_2202 : vector<16xi32>
      %parallel_loop3A_2204 = vector.bitcast %parallel_loop3A_2203 : vector<16xi32> to vector<16xf32>
      %parallel_loop3A_2205 = arith.constant 16 : i32
      %parallel_loop3A_2206 = vector.broadcast %parallel_loop3A_2205 : i32 to vector<16xi32>
      %parallel_loop3A_2207 = arith.shli %parallel_loop3A_2176, %parallel_loop3A_2206 : vector<16xi32>
      %parallel_loop3A_2208 = vector.bitcast %parallel_loop3A_2207 : vector<16xi32> to vector<16xf32>
      %parallel_loop3A_2209 = arith.constant -65536 : i32
      %parallel_loop3A_2210 = vector.broadcast %parallel_loop3A_2209 : i32 to vector<16xi32>
      %parallel_loop3A_2211 = arith.andi %parallel_loop3A_2176, %parallel_loop3A_2210 : vector<16xi32>
      %parallel_loop3A_2212 = vector.bitcast %parallel_loop3A_2211 : vector<16xi32> to vector<16xf32>
      %parallel_loop3A_2213 = arith.constant 16 : i32
      %parallel_loop3A_2214 = vector.broadcast %parallel_loop3A_2213 : i32 to vector<16xi32>
      %parallel_loop3A_2215 = arith.shli %parallel_loop3A_2180, %parallel_loop3A_2214 : vector<16xi32>
      %parallel_loop3A_2216 = vector.bitcast %parallel_loop3A_2215 : vector<16xi32> to vector<16xf32>
      %parallel_loop3A_2217 = arith.constant -65536 : i32
      %parallel_loop3A_2218 = vector.broadcast %parallel_loop3A_2217 : i32 to vector<16xi32>
      %parallel_loop3A_2219 = arith.andi %parallel_loop3A_2180, %parallel_loop3A_2218 : vector<16xi32>
      %parallel_loop3A_2220 = vector.bitcast %parallel_loop3A_2219 : vector<16xi32> to vector<16xf32>
      %parallel_loop3A_2221 = arith.addf %parallel_loop3A_2184, %parallel_loop3A_2192 : vector<16xf32>
      %parallel_loop3A_2222 = arith.addf %parallel_loop3A_2200, %parallel_loop3A_2208 : vector<16xf32>
      %parallel_loop3A_2223 = arith.addf %parallel_loop3A_2221, %parallel_loop3A_2222 : vector<16xf32>
      %parallel_loop3A_2224 = arith.addf %parallel_loop3A_2223, %parallel_loop3A_2216 : vector<16xf32>
      %parallel_loop3A_2225 = arith.addf %parallel_loop3A_2188, %parallel_loop3A_2196 : vector<16xf32>
      %parallel_loop3A_2226 = arith.addf %parallel_loop3A_2204, %parallel_loop3A_2212 : vector<16xf32>
      %parallel_loop3A_2227 = arith.addf %parallel_loop3A_2225, %parallel_loop3A_2226 : vector<16xf32>
      %parallel_loop3A_2228 = arith.addf %parallel_loop3A_2227, %parallel_loop3A_2220 : vector<16xf32>
      %parallel_loop3A_2229 = arith.constant 8192 : i32
      %parallel_loop3A_2230 = arith.addi %parallel_loop3A_2229, %parallel_loop3A_334 : i32
      %parallel_loop3A_2231 = arith.index_cast %parallel_loop3A_2230 : i32 to index
      %parallel_loop3A_2232 = tpu.vector_load %arg7[%parallel_loop3A_2231] {strides = array<i32>} : memref<36864xf32, #tpu.memory_space<vmem>>, vector<16xf32>,
      tpu.vector_store %arg7[%parallel_loop3A_2231], %parallel_loop3A_2224 {strides = array<i32>} : memref<36864xf32, #tpu.memory_space<vmem>>, vector<16xf32>,
      %parallel_loop3A_2233 = arith.constant 24704 : i32
      %parallel_loop3A_2234 = arith.addi %parallel_loop3A_2233, %parallel_loop3A_334 : i32
      %parallel_loop3A_2235 = arith.index_cast %parallel_loop3A_2234 : i32 to index
      %parallel_loop3A_2236 = tpu.vector_load %arg7[%parallel_loop3A_2235] {strides = array<i32>} : memref<36864xf32, #tpu.memory_space<vmem>>, vector<16xf32>,
      tpu.vector_store %arg7[%parallel_loop3A_2235], %parallel_loop3A_2228 {strides = array<i32>} : memref<36864xf32, #tpu.memory_space<vmem>>, vector<16xf32>,
      %parallel_loop3A_2237 = arith.constant 2432 : i32
      %parallel_loop3A_2238 = tpu.memref_slice %arg6[%parallel_loop3A_2237] : memref<5120xi32, #tpu.memory_space<vmem>> -> memref<128xi32, #tpu.memory_space<vmem>>
      %parallel_loop3A_2239 = tpu.vector_load_idx %parallel_loop3A_2238[%parallel_loop3A_338] : memref<128xi32, #tpu.memory_space<vmem>>[vector<16xi32>], vector<16xi32>,
      %parallel_loop3A_2240 = arith.constant 2432 : i32
      %parallel_loop3A_2241 = tpu.memref_slice %arg6[%parallel_loop3A_2240] : memref<5120xi32, #tpu.memory_space<vmem>> -> memref<128xi32, #tpu.memory_space<vmem>>
      %parallel_loop3A_2242 = tpu.vector_load_idx %parallel_loop3A_2241[%parallel_loop3A_342] : memref<128xi32, #tpu.memory_space<vmem>>[vector<16xi32>], vector<16xi32>,
      %parallel_loop3A_2243 = arith.constant 2432 : i32
      %parallel_loop3A_2244 = tpu.memref_slice %arg6[%parallel_loop3A_2243] : memref<5120xi32, #tpu.memory_space<vmem>> -> memref<128xi32, #tpu.memory_space<vmem>>
      %parallel_loop3A_2245 = tpu.vector_load_idx %parallel_loop3A_2244[%parallel_loop3A_346] : memref<128xi32, #tpu.memory_space<vmem>>[vector<16xi32>], vector<16xi32>,
      %parallel_loop3A_2246 = arith.constant 2432 : i32
      %parallel_loop3A_2247 = tpu.memref_slice %arg6[%parallel_loop3A_2246] : memref<5120xi32, #tpu.memory_space<vmem>> -> memref<128xi32, #tpu.memory_space<vmem>>
      %parallel_loop3A_2248 = tpu.vector_load_idx %parallel_loop3A_2247[%parallel_loop3A_350] : memref<128xi32, #tpu.memory_space<vmem>>[vector<16xi32>], vector<16xi32>,
      %parallel_loop3A_2249 = arith.constant 2432 : i32
      %parallel_loop3A_2250 = tpu.memref_slice %arg6[%parallel_loop3A_2249] : memref<5120xi32, #tpu.memory_space<vmem>> -> memref<128xi32, #tpu.memory_space<vmem>>
      %parallel_loop3A_2251 = tpu.vector_load_idx %parallel_loop3A_2250[%parallel_loop3A_354] : memref<128xi32, #tpu.memory_space<vmem>>[vector<16xi32>], vector<16xi32>,
      %parallel_loop3A_2252 = arith.constant 2432 : i32
      %parallel_loop3A_2253 = tpu.memref_slice %arg6[%parallel_loop3A_2252] : memref<5120xi32, #tpu.memory_space<vmem>> -> memref<128xi32, #tpu.memory_space<vmem>>
      %parallel_loop3A_2254 = tpu.vector_load_idx %parallel_loop3A_2253[%parallel_loop3A_358] : memref<128xi32, #tpu.memory_space<vmem>>[vector<16xi32>], vector<16xi32>,
      %parallel_loop3A_2255 = arith.constant 2432 : i32
      %parallel_loop3A_2256 = tpu.memref_slice %arg6[%parallel_loop3A_2255] : memref<5120xi32, #tpu.memory_space<vmem>> -> memref<128xi32, #tpu.memory_space<vmem>>
      %parallel_loop3A_2257 = tpu.vector_load_idx %parallel_loop3A_2256[%parallel_loop3A_362] : memref<128xi32, #tpu.memory_space<vmem>>[vector<16xi32>], vector<16xi32>,
      %parallel_loop3A_2258 = arith.constant 2432 : i32
      %parallel_loop3A_2259 = tpu.memref_slice %arg6[%parallel_loop3A_2258] : memref<5120xi32, #tpu.memory_space<vmem>> -> memref<128xi32, #tpu.memory_space<vmem>>
      %parallel_loop3A_2260 = tpu.vector_load_idx %parallel_loop3A_2259[%parallel_loop3A_366] : memref<128xi32, #tpu.memory_space<vmem>>[vector<16xi32>], vector<16xi32>,
      %parallel_loop3A_2261 = arith.constant 2432 : i32
      %parallel_loop3A_2262 = tpu.memref_slice %arg6[%parallel_loop3A_2261] : memref<5120xi32, #tpu.memory_space<vmem>> -> memref<128xi32, #tpu.memory_space<vmem>>
      %parallel_loop3A_2263 = tpu.vector_load_idx %parallel_loop3A_2262[%parallel_loop3A_370] : memref<128xi32, #tpu.memory_space<vmem>>[vector<16xi32>], vector<16xi32>,
      %parallel_loop3A_2264 = arith.constant 2432 : i32
      %parallel_loop3A_2265 = tpu.memref_slice %arg6[%parallel_loop3A_2264] : memref<5120xi32, #tpu.memory_space<vmem>> -> memref<128xi32, #tpu.memory_space<vmem>>
      %parallel_loop3A_2266 = tpu.vector_load_idx %parallel_loop3A_2265[%parallel_loop3A_374] : memref<128xi32, #tpu.memory_space<vmem>>[vector<16xi32>], vector<16xi32>,
      %parallel_loop3A_2267 = vector.bitcast %parallel_loop3A_2027 : vector<16xi32> to vector<32xbf16>
      %parallel_loop3A_2268 = vector.bitcast %parallel_loop3A_2030 : vector<16xi32> to vector<32xbf16>
      %parallel_loop3A_2269 = arith.addf %parallel_loop3A_2267, %parallel_loop3A_2268 : vector<32xbf16>
      %parallel_loop3A_2270 = vector.bitcast %parallel_loop3A_2269 : vector<32xbf16> to vector<16xi32>
      %parallel_loop3A_2271 = vector.bitcast %parallel_loop3A_2033 : vector<16xi32> to vector<32xbf16>
      %parallel_loop3A_2272 = vector.bitcast %parallel_loop3A_2036 : vector<16xi32> to vector<32xbf16>
      %parallel_loop3A_2273 = arith.addf %parallel_loop3A_2271, %parallel_loop3A_2272 : vector<32xbf16>
      %parallel_loop3A_2274 = vector.bitcast %parallel_loop3A_2273 : vector<32xbf16> to vector<16xi32>
      %parallel_loop3A_2275 = vector.bitcast %parallel_loop3A_2039 : vector<16xi32> to vector<32xbf16>
      %parallel_loop3A_2276 = vector.bitcast %parallel_loop3A_2042 : vector<16xi32> to vector<32xbf16>
      %parallel_loop3A_2277 = arith.addf %parallel_loop3A_2275, %parallel_loop3A_2276 : vector<32xbf16>
      %parallel_loop3A_2278 = vector.bitcast %parallel_loop3A_2277 : vector<32xbf16> to vector<16xi32>
      %parallel_loop3A_2279 = vector.bitcast %parallel_loop3A_2045 : vector<16xi32> to vector<32xbf16>
      %parallel_loop3A_2280 = vector.bitcast %parallel_loop3A_2048 : vector<16xi32> to vector<32xbf16>
      %parallel_loop3A_2281 = arith.addf %parallel_loop3A_2279, %parallel_loop3A_2280 : vector<32xbf16>
      %parallel_loop3A_2282 = vector.bitcast %parallel_loop3A_2281 : vector<32xbf16> to vector<16xi32>
      %parallel_loop3A_2283 = vector.bitcast %parallel_loop3A_2051 : vector<16xi32> to vector<32xbf16>
      %parallel_loop3A_2284 = vector.bitcast %parallel_loop3A_2054 : vector<16xi32> to vector<32xbf16>
      %parallel_loop3A_2285 = arith.addf %parallel_loop3A_2283, %parallel_loop3A_2284 : vector<32xbf16>
      %parallel_loop3A_2286 = vector.bitcast %parallel_loop3A_2285 : vector<32xbf16> to vector<16xi32>
      %parallel_loop3A_2287 = arith.constant 16 : i32
      %parallel_loop3A_2288 = vector.broadcast %parallel_loop3A_2287 : i32 to vector<16xi32>
      %parallel_loop3A_2289 = arith.shli %parallel_loop3A_2270, %parallel_loop3A_2288 : vector<16xi32>
      %parallel_loop3A_2290 = vector.bitcast %parallel_loop3A_2289 : vector<16xi32> to vector<16xf32>
      %parallel_loop3A_2291 = arith.constant -65536 : i32
      %parallel_loop3A_2292 = vector.broadcast %parallel_loop3A_2291 : i32 to vector<16xi32>
      %parallel_loop3A_2293 = arith.andi %parallel_loop3A_2270, %parallel_loop3A_2292 : vector<16xi32>
      %parallel_loop3A_2294 = vector.bitcast %parallel_loop3A_2293 : vector<16xi32> to vector<16xf32>
      %parallel_loop3A_2295 = arith.constant 16 : i32
      %parallel_loop3A_2296 = vector.broadcast %parallel_loop3A_2295 : i32 to vector<16xi32>
      %parallel_loop3A_2297 = arith.shli %parallel_loop3A_2274, %parallel_loop3A_2296 : vector<16xi32>
      %parallel_loop3A_2298 = vector.bitcast %parallel_loop3A_2297 : vector<16xi32> to vector<16xf32>
      %parallel_loop3A_2299 = arith.constant -65536 : i32
      %parallel_loop3A_2300 = vector.broadcast %parallel_loop3A_2299 : i32 to vector<16xi32>
      %parallel_loop3A_2301 = arith.andi %parallel_loop3A_2274, %parallel_loop3A_2300 : vector<16xi32>
      %parallel_loop3A_2302 = vector.bitcast %parallel_loop3A_2301 : vector<16xi32> to vector<16xf32>
      %parallel_loop3A_2303 = arith.constant 16 : i32
      %parallel_loop3A_2304 = vector.broadcast %parallel_loop3A_2303 : i32 to vector<16xi32>
      %parallel_loop3A_2305 = arith.shli %parallel_loop3A_2278, %parallel_loop3A_2304 : vector<16xi32>
      %parallel_loop3A_2306 = vector.bitcast %parallel_loop3A_2305 : vector<16xi32> to vector<16xf32>
      %parallel_loop3A_2307 = arith.constant -65536 : i32
      %parallel_loop3A_2308 = vector.broadcast %parallel_loop3A_2307 : i32 to vector<16xi32>
      %parallel_loop3A_2309 = arith.andi %parallel_loop3A_2278, %parallel_loop3A_2308 : vector<16xi32>
      %parallel_loop3A_2310 = vector.bitcast %parallel_loop3A_2309 : vector<16xi32> to vector<16xf32>
      %parallel_loop3A_2311 = arith.constant 16 : i32
      %parallel_loop3A_2312 = vector.broadcast %parallel_loop3A_2311 : i32 to vector<16xi32>
      %parallel_loop3A_2313 = arith.shli %parallel_loop3A_2282, %parallel_loop3A_2312 : vector<16xi32>
      %parallel_loop3A_2314 = vector.bitcast %parallel_loop3A_2313 : vector<16xi32> to vector<16xf32>
      %parallel_loop3A_2315 = arith.constant -65536 : i32
      %parallel_loop3A_2316 = vector.broadcast %parallel_loop3A_2315 : i32 to vector<16xi32>
      %parallel_loop3A_2317 = arith.andi %parallel_loop3A_2282, %parallel_loop3A_2316 : vector<16xi32>
      %parallel_loop3A_2318 = vector.bitcast %parallel_loop3A_2317 : vector<16xi32> to vector<16xf32>
      %parallel_loop3A_2319 = arith.constant 16 : i32
      %parallel_loop3A_2320 = vector.broadcast %parallel_loop3A_2319 : i32 to vector<16xi32>
      %parallel_loop3A_2321 = arith.shli %parallel_loop3A_2286, %parallel_loop3A_2320 : vector<16xi32>
      %parallel_loop3A_2322 = vector.bitcast %parallel_loop3A_2321 : vector<16xi32> to vector<16xf32>
      %parallel_loop3A_2323 = arith.constant -65536 : i32
      %parallel_loop3A_2324 = vector.broadcast %parallel_loop3A_2323 : i32 to vector<16xi32>
      %parallel_loop3A_2325 = arith.andi %parallel_loop3A_2286, %parallel_loop3A_2324 : vector<16xi32>
      %parallel_loop3A_2326 = vector.bitcast %parallel_loop3A_2325 : vector<16xi32> to vector<16xf32>
      %parallel_loop3A_2327 = arith.addf %parallel_loop3A_2290, %parallel_loop3A_2298 : vector<16xf32>
      %parallel_loop3A_2328 = arith.addf %parallel_loop3A_2306, %parallel_loop3A_2314 : vector<16xf32>
      %parallel_loop3A_2329 = arith.addf %parallel_loop3A_2327, %parallel_loop3A_2328 : vector<16xf32>
      %parallel_loop3A_2330 = arith.addf %parallel_loop3A_2329, %parallel_loop3A_2322 : vector<16xf32>
      %parallel_loop3A_2331 = arith.addf %parallel_loop3A_2294, %parallel_loop3A_2302 : vector<16xf32>
      %parallel_loop3A_2332 = arith.addf %parallel_loop3A_2310, %parallel_loop3A_2318 : vector<16xf32>
      %parallel_loop3A_2333 = arith.addf %parallel_loop3A_2331, %parallel_loop3A_2332 : vector<16xf32>
      %parallel_loop3A_2334 = arith.addf %parallel_loop3A_2333, %parallel_loop3A_2326 : vector<16xf32>
      %parallel_loop3A_2335 = arith.constant 8320 : i32
      %parallel_loop3A_2336 = arith.addi %parallel_loop3A_2335, %parallel_loop3A_334 : i32
      %parallel_loop3A_2337 = arith.index_cast %parallel_loop3A_2336 : i32 to index
      %parallel_loop3A_2338 = tpu.vector_load %arg7[%parallel_loop3A_2337] {strides = array<i32>} : memref<36864xf32, #tpu.memory_space<vmem>>, vector<16xf32>,
      tpu.vector_store %arg7[%parallel_loop3A_2337], %parallel_loop3A_2330 {strides = array<i32>} : memref<36864xf32, #tpu.memory_space<vmem>>, vector<16xf32>,
      %parallel_loop3A_2339 = arith.constant 24832 : i32
      %parallel_loop3A_2340 = arith.addi %parallel_loop3A_2339, %parallel_loop3A_334 : i32
      %parallel_loop3A_2341 = arith.index_cast %parallel_loop3A_2340 : i32 to index
      %parallel_loop3A_2342 = tpu.vector_load %arg7[%parallel_loop3A_2341] {strides = array<i32>} : memref<36864xf32, #tpu.memory_space<vmem>>, vector<16xf32>,
      tpu.vector_store %arg7[%parallel_loop3A_2341], %parallel_loop3A_2334 {strides = array<i32>} : memref<36864xf32, #tpu.memory_space<vmem>>, vector<16xf32>,
      %parallel_loop3A_2343 = arith.constant 2560 : i32
      %parallel_loop3A_2344 = tpu.memref_slice %arg6[%parallel_loop3A_2343] : memref<5120xi32, #tpu.memory_space<vmem>> -> memref<128xi32, #tpu.memory_space<vmem>>
      %parallel_loop3A_2345 = tpu.vector_load_idx %parallel_loop3A_2344[%parallel_loop3A_338] : memref<128xi32, #tpu.memory_space<vmem>>[vector<16xi32>], vector<16xi32>,
      %parallel_loop3A_2346 = arith.constant 2560 : i32
      %parallel_loop3A_2347 = tpu.memref_slice %arg6[%parallel_loop3A_2346] : memref<5120xi32, #tpu.memory_space<vmem>> -> memref<128xi32, #tpu.memory_space<vmem>>
      %parallel_loop3A_2348 = tpu.vector_load_idx %parallel_loop3A_2347[%parallel_loop3A_342] : memref<128xi32, #tpu.memory_space<vmem>>[vector<16xi32>], vector<16xi32>,
      %parallel_loop3A_2349 = arith.constant 2560 : i32
      %parallel_loop3A_2350 = tpu.memref_slice %arg6[%parallel_loop3A_2349] : memref<5120xi32, #tpu.memory_space<vmem>> -> memref<128xi32, #tpu.memory_space<vmem>>
      %parallel_loop3A_2351 = tpu.vector_load_idx %parallel_loop3A_2350[%parallel_loop3A_346] : memref<128xi32, #tpu.memory_space<vmem>>[vector<16xi32>], vector<16xi32>,
      %parallel_loop3A_2352 = arith.constant 2560 : i32
      %parallel_loop3A_2353 = tpu.memref_slice %arg6[%parallel_loop3A_2352] : memref<5120xi32, #tpu.memory_space<vmem>> -> memref<128xi32, #tpu.memory_space<vmem>>
      %parallel_loop3A_2354 = tpu.vector_load_idx %parallel_loop3A_2353[%parallel_loop3A_350] : memref<128xi32, #tpu.memory_space<vmem>>[vector<16xi32>], vector<16xi32>,
      %parallel_loop3A_2355 = arith.constant 2560 : i32
      %parallel_loop3A_2356 = tpu.memref_slice %arg6[%parallel_loop3A_2355] : memref<5120xi32, #tpu.memory_space<vmem>> -> memref<128xi32, #tpu.memory_space<vmem>>
      %parallel_loop3A_2357 = tpu.vector_load_idx %parallel_loop3A_2356[%parallel_loop3A_354] : memref<128xi32, #tpu.memory_space<vmem>>[vector<16xi32>], vector<16xi32>,
      %parallel_loop3A_2358 = arith.constant 2560 : i32
      %parallel_loop3A_2359 = tpu.memref_slice %arg6[%parallel_loop3A_2358] : memref<5120xi32, #tpu.memory_space<vmem>> -> memref<128xi32, #tpu.memory_space<vmem>>
      %parallel_loop3A_2360 = tpu.vector_load_idx %parallel_loop3A_2359[%parallel_loop3A_358] : memref<128xi32, #tpu.memory_space<vmem>>[vector<16xi32>], vector<16xi32>,
      %parallel_loop3A_2361 = arith.constant 2560 : i32
      %parallel_loop3A_2362 = tpu.memref_slice %arg6[%parallel_loop3A_2361] : memref<5120xi32, #tpu.memory_space<vmem>> -> memref<128xi32, #tpu.memory_space<vmem>>
      %parallel_loop3A_2363 = tpu.vector_load_idx %parallel_loop3A_2362[%parallel_loop3A_362] : memref<128xi32, #tpu.memory_space<vmem>>[vector<16xi32>], vector<16xi32>,
      %parallel_loop3A_2364 = arith.constant 2560 : i32
      %parallel_loop3A_2365 = tpu.memref_slice %arg6[%parallel_loop3A_2364] : memref<5120xi32, #tpu.memory_space<vmem>> -> memref<128xi32, #tpu.memory_space<vmem>>
      %parallel_loop3A_2366 = tpu.vector_load_idx %parallel_loop3A_2365[%parallel_loop3A_366] : memref<128xi32, #tpu.memory_space<vmem>>[vector<16xi32>], vector<16xi32>,
      %parallel_loop3A_2367 = arith.constant 2560 : i32
      %parallel_loop3A_2368 = tpu.memref_slice %arg6[%parallel_loop3A_2367] : memref<5120xi32, #tpu.memory_space<vmem>> -> memref<128xi32, #tpu.memory_space<vmem>>
      %parallel_loop3A_2369 = tpu.vector_load_idx %parallel_loop3A_2368[%parallel_loop3A_370] : memref<128xi32, #tpu.memory_space<vmem>>[vector<16xi32>], vector<16xi32>,
      %parallel_loop3A_2370 = arith.constant 2560 : i32
      %parallel_loop3A_2371 = tpu.memref_slice %arg6[%parallel_loop3A_2370] : memref<5120xi32, #tpu.memory_space<vmem>> -> memref<128xi32, #tpu.memory_space<vmem>>
      %parallel_loop3A_2372 = tpu.vector_load_idx %parallel_loop3A_2371[%parallel_loop3A_374] : memref<128xi32, #tpu.memory_space<vmem>>[vector<16xi32>], vector<16xi32>,
      %parallel_loop3A_2373 = vector.bitcast %parallel_loop3A_2133 : vector<16xi32> to vector<32xbf16>
      %parallel_loop3A_2374 = vector.bitcast %parallel_loop3A_2136 : vector<16xi32> to vector<32xbf16>
      %parallel_loop3A_2375 = arith.addf %parallel_loop3A_2373, %parallel_loop3A_2374 : vector<32xbf16>
      %parallel_loop3A_2376 = vector.bitcast %parallel_loop3A_2375 : vector<32xbf16> to vector<16xi32>
      %parallel_loop3A_2377 = vector.bitcast %parallel_loop3A_2139 : vector<16xi32> to vector<32xbf16>
      %parallel_loop3A_2378 = vector.bitcast %parallel_loop3A_2142 : vector<16xi32> to vector<32xbf16>
      %parallel_loop3A_2379 = arith.addf %parallel_loop3A_2377, %parallel_loop3A_2378 : vector<32xbf16>
      %parallel_loop3A_2380 = vector.bitcast %parallel_loop3A_2379 : vector<32xbf16> to vector<16xi32>
      %parallel_loop3A_2381 = vector.bitcast %parallel_loop3A_2145 : vector<16xi32> to vector<32xbf16>
      %parallel_loop3A_2382 = vector.bitcast %parallel_loop3A_2148 : vector<16xi32> to vector<32xbf16>
      %parallel_loop3A_2383 = arith.addf %parallel_loop3A_2381, %parallel_loop3A_2382 : vector<32xbf16>
      %parallel_loop3A_2384 = vector.bitcast %parallel_loop3A_2383 : vector<32xbf16> to vector<16xi32>
      %parallel_loop3A_2385 = vector.bitcast %parallel_loop3A_2151 : vector<16xi32> to vector<32xbf16>
      %parallel_loop3A_2386 = vector.bitcast %parallel_loop3A_2154 : vector<16xi32> to vector<32xbf16>
      %parallel_loop3A_2387 = arith.addf %parallel_loop3A_2385, %parallel_loop3A_2386 : vector<32xbf16>
      %parallel_loop3A_2388 = vector.bitcast %parallel_loop3A_2387 : vector<32xbf16> to vector<16xi32>
      %parallel_loop3A_2389 = vector.bitcast %parallel_loop3A_2157 : vector<16xi32> to vector<32xbf16>
      %parallel_loop3A_2390 = vector.bitcast %parallel_loop3A_2160 : vector<16xi32> to vector<32xbf16>
      %parallel_loop3A_2391 = arith.addf %parallel_loop3A_2389, %parallel_loop3A_2390 : vector<32xbf16>
      %parallel_loop3A_2392 = vector.bitcast %parallel_loop3A_2391 : vector<32xbf16> to vector<16xi32>
      %parallel_loop3A_2393 = arith.constant 16 : i32
      %parallel_loop3A_2394 = vector.broadcast %parallel_loop3A_2393 : i32 to vector<16xi32>
      %parallel_loop3A_2395 = arith.shli %parallel_loop3A_2376, %parallel_loop3A_2394 : vector<16xi32>
      %parallel_loop3A_2396 = vector.bitcast %parallel_loop3A_2395 : vector<16xi32> to vector<16xf32>
      %parallel_loop3A_2397 = arith.constant -65536 : i32
      %parallel_loop3A_2398 = vector.broadcast %parallel_loop3A_2397 : i32 to vector<16xi32>
      %parallel_loop3A_2399 = arith.andi %parallel_loop3A_2376, %parallel_loop3A_2398 : vector<16xi32>
      %parallel_loop3A_2400 = vector.bitcast %parallel_loop3A_2399 : vector<16xi32> to vector<16xf32>
      %parallel_loop3A_2401 = arith.constant 16 : i32
      %parallel_loop3A_2402 = vector.broadcast %parallel_loop3A_2401 : i32 to vector<16xi32>
      %parallel_loop3A_2403 = arith.shli %parallel_loop3A_2380, %parallel_loop3A_2402 : vector<16xi32>
      %parallel_loop3A_2404 = vector.bitcast %parallel_loop3A_2403 : vector<16xi32> to vector<16xf32>
      %parallel_loop3A_2405 = arith.constant -65536 : i32
      %parallel_loop3A_2406 = vector.broadcast %parallel_loop3A_2405 : i32 to vector<16xi32>
      %parallel_loop3A_2407 = arith.andi %parallel_loop3A_2380, %parallel_loop3A_2406 : vector<16xi32>
      %parallel_loop3A_2408 = vector.bitcast %parallel_loop3A_2407 : vector<16xi32> to vector<16xf32>
      %parallel_loop3A_2409 = arith.constant 16 : i32
      %parallel_loop3A_2410 = vector.broadcast %parallel_loop3A_2409 : i32 to vector<16xi32>
      %parallel_loop3A_2411 = arith.shli %parallel_loop3A_2384, %parallel_loop3A_2410 : vector<16xi32>
      %parallel_loop3A_2412 = vector.bitcast %parallel_loop3A_2411 : vector<16xi32> to vector<16xf32>
      %parallel_loop3A_2413 = arith.constant -65536 : i32
      %parallel_loop3A_2414 = vector.broadcast %parallel_loop3A_2413 : i32 to vector<16xi32>
      %parallel_loop3A_2415 = arith.andi %parallel_loop3A_2384, %parallel_loop3A_2414 : vector<16xi32>
      %parallel_loop3A_2416 = vector.bitcast %parallel_loop3A_2415 : vector<16xi32> to vector<16xf32>
      %parallel_loop3A_2417 = arith.constant 16 : i32
      %parallel_loop3A_2418 = vector.broadcast %parallel_loop3A_2417 : i32 to vector<16xi32>
      %parallel_loop3A_2419 = arith.shli %parallel_loop3A_2388, %parallel_loop3A_2418 : vector<16xi32>
      %parallel_loop3A_2420 = vector.bitcast %parallel_loop3A_2419 : vector<16xi32> to vector<16xf32>
      %parallel_loop3A_2421 = arith.constant -65536 : i32
      %parallel_loop3A_2422 = vector.broadcast %parallel_loop3A_2421 : i32 to vector<16xi32>
      %parallel_loop3A_2423 = arith.andi %parallel_loop3A_2388, %parallel_loop3A_2422 : vector<16xi32>
      %parallel_loop3A_2424 = vector.bitcast %parallel_loop3A_2423 : vector<16xi32> to vector<16xf32>
      %parallel_loop3A_2425 = arith.constant 16 : i32
      %parallel_loop3A_2426 = vector.broadcast %parallel_loop3A_2425 : i32 to vector<16xi32>
      %parallel_loop3A_2427 = arith.shli %parallel_loop3A_2392, %parallel_loop3A_2426 : vector<16xi32>
      %parallel_loop3A_2428 = vector.bitcast %parallel_loop3A_2427 : vector<16xi32> to vector<16xf32>
      %parallel_loop3A_2429 = arith.constant -65536 : i32
      %parallel_loop3A_2430 = vector.broadcast %parallel_loop3A_2429 : i32 to vector<16xi32>
      %parallel_loop3A_2431 = arith.andi %parallel_loop3A_2392, %parallel_loop3A_2430 : vector<16xi32>
      %parallel_loop3A_2432 = vector.bitcast %parallel_loop3A_2431 : vector<16xi32> to vector<16xf32>
      %parallel_loop3A_2433 = arith.addf %parallel_loop3A_2396, %parallel_loop3A_2404 : vector<16xf32>
      %parallel_loop3A_2434 = arith.addf %parallel_loop3A_2412, %parallel_loop3A_2420 : vector<16xf32>
      %parallel_loop3A_2435 = arith.addf %parallel_loop3A_2433, %parallel_loop3A_2434 : vector<16xf32>
      %parallel_loop3A_2436 = arith.addf %parallel_loop3A_2435, %parallel_loop3A_2428 : vector<16xf32>
      %parallel_loop3A_2437 = arith.addf %parallel_loop3A_2400, %parallel_loop3A_2408 : vector<16xf32>
      %parallel_loop3A_2438 = arith.addf %parallel_loop3A_2416, %parallel_loop3A_2424 : vector<16xf32>
      %parallel_loop3A_2439 = arith.addf %parallel_loop3A_2437, %parallel_loop3A_2438 : vector<16xf32>
      %parallel_loop3A_2440 = arith.addf %parallel_loop3A_2439, %parallel_loop3A_2432 : vector<16xf32>
      %parallel_loop3A_2441 = arith.constant 8448 : i32
      %parallel_loop3A_2442 = arith.addi %parallel_loop3A_2441, %parallel_loop3A_334 : i32
      %parallel_loop3A_2443 = arith.index_cast %parallel_loop3A_2442 : i32 to index
      %parallel_loop3A_2444 = tpu.vector_load %arg7[%parallel_loop3A_2443] {strides = array<i32>} : memref<36864xf32, #tpu.memory_space<vmem>>, vector<16xf32>,
      tpu.vector_store %arg7[%parallel_loop3A_2443], %parallel_loop3A_2436 {strides = array<i32>} : memref<36864xf32, #tpu.memory_space<vmem>>, vector<16xf32>,
      %parallel_loop3A_2445 = arith.constant 24960 : i32
      %parallel_loop3A_2446 = arith.addi %parallel_loop3A_2445, %parallel_loop3A_334 : i32
      %parallel_loop3A_2447 = arith.index_cast %parallel_loop3A_2446 : i32 to index
      %parallel_loop3A_2448 = tpu.vector_load %arg7[%parallel_loop3A_2447] {strides = array<i32>} : memref<36864xf32, #tpu.memory_space<vmem>>, vector<16xf32>,
      tpu.vector_store %arg7[%parallel_loop3A_2447], %parallel_loop3A_2440 {strides = array<i32>} : memref<36864xf32, #tpu.memory_space<vmem>>, vector<16xf32>,
      %parallel_loop3A_2449 = arith.constant 2688 : i32
      %parallel_loop3A_2450 = tpu.memref_slice %arg6[%parallel_loop3A_2449] : memref<5120xi32, #tpu.memory_space<vmem>> -> memref<128xi32, #tpu.memory_space<vmem>>
      %parallel_loop3A_2451 = tpu.vector_load_idx %parallel_loop3A_2450[%parallel_loop3A_338] : memref<128xi32, #tpu.memory_space<vmem>>[vector<16xi32>], vector<16xi32>,
      %parallel_loop3A_2452 = arith.constant 2688 : i32
      %parallel_loop3A_2453 = tpu.memref_slice %arg6[%parallel_loop3A_2452] : memref<5120xi32, #tpu.memory_space<vmem>> -> memref<128xi32, #tpu.memory_space<vmem>>
      %parallel_loop3A_2454 = tpu.vector_load_idx %parallel_loop3A_2453[%parallel_loop3A_342] : memref<128xi32, #tpu.memory_space<vmem>>[vector<16xi32>], vector<16xi32>,
      %parallel_loop3A_2455 = arith.constant 2688 : i32
      %parallel_loop3A_2456 = tpu.memref_slice %arg6[%parallel_loop3A_2455] : memref<5120xi32, #tpu.memory_space<vmem>> -> memref<128xi32, #tpu.memory_space<vmem>>
      %parallel_loop3A_2457 = tpu.vector_load_idx %parallel_loop3A_2456[%parallel_loop3A_346] : memref<128xi32, #tpu.memory_space<vmem>>[vector<16xi32>], vector<16xi32>,
      %parallel_loop3A_2458 = arith.constant 2688 : i32
      %parallel_loop3A_2459 = tpu.memref_slice %arg6[%parallel_loop3A_2458] : memref<5120xi32, #tpu.memory_space<vmem>> -> memref<128xi32, #tpu.memory_space<vmem>>
      %parallel_loop3A_2460 = tpu.vector_load_idx %parallel_loop3A_2459[%parallel_loop3A_350] : memref<128xi32, #tpu.memory_space<vmem>>[vector<16xi32>], vector<16xi32>,
      %parallel_loop3A_2461 = arith.constant 2688 : i32
      %parallel_loop3A_2462 = tpu.memref_slice %arg6[%parallel_loop3A_2461] : memref<5120xi32, #tpu.memory_space<vmem>> -> memref<128xi32, #tpu.memory_space<vmem>>
      %parallel_loop3A_2463 = tpu.vector_load_idx %parallel_loop3A_2462[%parallel_loop3A_354] : memref<128xi32, #tpu.memory_space<vmem>>[vector<16xi32>], vector<16xi32>,
      %parallel_loop3A_2464 = arith.constant 2688 : i32
      %parallel_loop3A_2465 = tpu.memref_slice %arg6[%parallel_loop3A_2464] : memref<5120xi32, #tpu.memory_space<vmem>> -> memref<128xi32, #tpu.memory_space<vmem>>
      %parallel_loop3A_2466 = tpu.vector_load_idx %parallel_loop3A_2465[%parallel_loop3A_358] : memref<128xi32, #tpu.memory_space<vmem>>[vector<16xi32>], vector<16xi32>,
      %parallel_loop3A_2467 = arith.constant 2688 : i32
      %parallel_loop3A_2468 = tpu.memref_slice %arg6[%parallel_loop3A_2467] : memref<5120xi32, #tpu.memory_space<vmem>> -> memref<128xi32, #tpu.memory_space<vmem>>
      %parallel_loop3A_2469 = tpu.vector_load_idx %parallel_loop3A_2468[%parallel_loop3A_362] : memref<128xi32, #tpu.memory_space<vmem>>[vector<16xi32>], vector<16xi32>,
      %parallel_loop3A_2470 = arith.constant 2688 : i32
      %parallel_loop3A_2471 = tpu.memref_slice %arg6[%parallel_loop3A_2470] : memref<5120xi32, #tpu.memory_space<vmem>> -> memref<128xi32, #tpu.memory_space<vmem>>
      %parallel_loop3A_2472 = tpu.vector_load_idx %parallel_loop3A_2471[%parallel_loop3A_366] : memref<128xi32, #tpu.memory_space<vmem>>[vector<16xi32>], vector<16xi32>,
      %parallel_loop3A_2473 = arith.constant 2688 : i32
      %parallel_loop3A_2474 = tpu.memref_slice %arg6[%parallel_loop3A_2473] : memref<5120xi32, #tpu.memory_space<vmem>> -> memref<128xi32, #tpu.memory_space<vmem>>
      %parallel_loop3A_2475 = tpu.vector_load_idx %parallel_loop3A_2474[%parallel_loop3A_370] : memref<128xi32, #tpu.memory_space<vmem>>[vector<16xi32>], vector<16xi32>,
      %parallel_loop3A_2476 = arith.constant 2688 : i32
      %parallel_loop3A_2477 = tpu.memref_slice %arg6[%parallel_loop3A_2476] : memref<5120xi32, #tpu.memory_space<vmem>> -> memref<128xi32, #tpu.memory_space<vmem>>
      %parallel_loop3A_2478 = tpu.vector_load_idx %parallel_loop3A_2477[%parallel_loop3A_374] : memref<128xi32, #tpu.memory_space<vmem>>[vector<16xi32>], vector<16xi32>,
      %parallel_loop3A_2479 = vector.bitcast %parallel_loop3A_2239 : vector<16xi32> to vector<32xbf16>
      %parallel_loop3A_2480 = vector.bitcast %parallel_loop3A_2242 : vector<16xi32> to vector<32xbf16>
      %parallel_loop3A_2481 = arith.addf %parallel_loop3A_2479, %parallel_loop3A_2480 : vector<32xbf16>
      %parallel_loop3A_2482 = vector.bitcast %parallel_loop3A_2481 : vector<32xbf16> to vector<16xi32>
      %parallel_loop3A_2483 = vector.bitcast %parallel_loop3A_2245 : vector<16xi32> to vector<32xbf16>
      %parallel_loop3A_2484 = vector.bitcast %parallel_loop3A_2248 : vector<16xi32> to vector<32xbf16>
      %parallel_loop3A_2485 = arith.addf %parallel_loop3A_2483, %parallel_loop3A_2484 : vector<32xbf16>
      %parallel_loop3A_2486 = vector.bitcast %parallel_loop3A_2485 : vector<32xbf16> to vector<16xi32>
      %parallel_loop3A_2487 = vector.bitcast %parallel_loop3A_2251 : vector<16xi32> to vector<32xbf16>
      %parallel_loop3A_2488 = vector.bitcast %parallel_loop3A_2254 : vector<16xi32> to vector<32xbf16>
      %parallel_loop3A_2489 = arith.addf %parallel_loop3A_2487, %parallel_loop3A_2488 : vector<32xbf16>
      %parallel_loop3A_2490 = vector.bitcast %parallel_loop3A_2489 : vector<32xbf16> to vector<16xi32>
      %parallel_loop3A_2491 = vector.bitcast %parallel_loop3A_2257 : vector<16xi32> to vector<32xbf16>
      %parallel_loop3A_2492 = vector.bitcast %parallel_loop3A_2260 : vector<16xi32> to vector<32xbf16>
      %parallel_loop3A_2493 = arith.addf %parallel_loop3A_2491, %parallel_loop3A_2492 : vector<32xbf16>
      %parallel_loop3A_2494 = vector.bitcast %parallel_loop3A_2493 : vector<32xbf16> to vector<16xi32>
      %parallel_loop3A_2495 = vector.bitcast %parallel_loop3A_2263 : vector<16xi32> to vector<32xbf16>
      %parallel_loop3A_2496 = vector.bitcast %parallel_loop3A_2266 : vector<16xi32> to vector<32xbf16>
      %parallel_loop3A_2497 = arith.addf %parallel_loop3A_2495, %parallel_loop3A_2496 : vector<32xbf16>
      %parallel_loop3A_2498 = vector.bitcast %parallel_loop3A_2497 : vector<32xbf16> to vector<16xi32>
      %parallel_loop3A_2499 = arith.constant 16 : i32
      %parallel_loop3A_2500 = vector.broadcast %parallel_loop3A_2499 : i32 to vector<16xi32>
      %parallel_loop3A_2501 = arith.shli %parallel_loop3A_2482, %parallel_loop3A_2500 : vector<16xi32>
      %parallel_loop3A_2502 = vector.bitcast %parallel_loop3A_2501 : vector<16xi32> to vector<16xf32>
      %parallel_loop3A_2503 = arith.constant -65536 : i32
      %parallel_loop3A_2504 = vector.broadcast %parallel_loop3A_2503 : i32 to vector<16xi32>
      %parallel_loop3A_2505 = arith.andi %parallel_loop3A_2482, %parallel_loop3A_2504 : vector<16xi32>
      %parallel_loop3A_2506 = vector.bitcast %parallel_loop3A_2505 : vector<16xi32> to vector<16xf32>
      %parallel_loop3A_2507 = arith.constant 16 : i32
      %parallel_loop3A_2508 = vector.broadcast %parallel_loop3A_2507 : i32 to vector<16xi32>
      %parallel_loop3A_2509 = arith.shli %parallel_loop3A_2486, %parallel_loop3A_2508 : vector<16xi32>
      %parallel_loop3A_2510 = vector.bitcast %parallel_loop3A_2509 : vector<16xi32> to vector<16xf32>
      %parallel_loop3A_2511 = arith.constant -65536 : i32
      %parallel_loop3A_2512 = vector.broadcast %parallel_loop3A_2511 : i32 to vector<16xi32>
      %parallel_loop3A_2513 = arith.andi %parallel_loop3A_2486, %parallel_loop3A_2512 : vector<16xi32>
      %parallel_loop3A_2514 = vector.bitcast %parallel_loop3A_2513 : vector<16xi32> to vector<16xf32>
      %parallel_loop3A_2515 = arith.constant 16 : i32
      %parallel_loop3A_2516 = vector.broadcast %parallel_loop3A_2515 : i32 to vector<16xi32>
      %parallel_loop3A_2517 = arith.shli %parallel_loop3A_2490, %parallel_loop3A_2516 : vector<16xi32>
      %parallel_loop3A_2518 = vector.bitcast %parallel_loop3A_2517 : vector<16xi32> to vector<16xf32>
      %parallel_loop3A_2519 = arith.constant -65536 : i32
      %parallel_loop3A_2520 = vector.broadcast %parallel_loop3A_2519 : i32 to vector<16xi32>
      %parallel_loop3A_2521 = arith.andi %parallel_loop3A_2490, %parallel_loop3A_2520 : vector<16xi32>
      %parallel_loop3A_2522 = vector.bitcast %parallel_loop3A_2521 : vector<16xi32> to vector<16xf32>
      %parallel_loop3A_2523 = arith.constant 16 : i32
      %parallel_loop3A_2524 = vector.broadcast %parallel_loop3A_2523 : i32 to vector<16xi32>
      %parallel_loop3A_2525 = arith.shli %parallel_loop3A_2494, %parallel_loop3A_2524 : vector<16xi32>
      %parallel_loop3A_2526 = vector.bitcast %parallel_loop3A_2525 : vector<16xi32> to vector<16xf32>
      %parallel_loop3A_2527 = arith.constant -65536 : i32
      %parallel_loop3A_2528 = vector.broadcast %parallel_loop3A_2527 : i32 to vector<16xi32>
      %parallel_loop3A_2529 = arith.andi %parallel_loop3A_2494, %parallel_loop3A_2528 : vector<16xi32>
      %parallel_loop3A_2530 = vector.bitcast %parallel_loop3A_2529 : vector<16xi32> to vector<16xf32>
      %parallel_loop3A_2531 = arith.constant 16 : i32
      %parallel_loop3A_2532 = vector.broadcast %parallel_loop3A_2531 : i32 to vector<16xi32>
      %parallel_loop3A_2533 = arith.shli %parallel_loop3A_2498, %parallel_loop3A_2532 : vector<16xi32>
      %parallel_loop3A_2534 = vector.bitcast %parallel_loop3A_2533 : vector<16xi32> to vector<16xf32>
      %parallel_loop3A_2535 = arith.constant -65536 : i32
      %parallel_loop3A_2536 = vector.broadcast %parallel_loop3A_2535 : i32 to vector<16xi32>
      %parallel_loop3A_2537 = arith.andi %parallel_loop3A_2498, %parallel_loop3A_2536 : vector<16xi32>
      %parallel_loop3A_2538 = vector.bitcast %parallel_loop3A_2537 : vector<16xi32> to vector<16xf32>
      %parallel_loop3A_2539 = arith.addf %parallel_loop3A_2502, %parallel_loop3A_2510 : vector<16xf32>
      %parallel_loop3A_2540 = arith.addf %parallel_loop3A_2518, %parallel_loop3A_2526 : vector<16xf32>
      %parallel_loop3A_2541 = arith.addf %parallel_loop3A_2539, %parallel_loop3A_2540 : vector<16xf32>
      %parallel_loop3A_2542 = arith.addf %parallel_loop3A_2541, %parallel_loop3A_2534 : vector<16xf32>
      %parallel_loop3A_2543 = arith.addf %parallel_loop3A_2506, %parallel_loop3A_2514 : vector<16xf32>
      %parallel_loop3A_2544 = arith.addf %parallel_loop3A_2522, %parallel_loop3A_2530 : vector<16xf32>
      %parallel_loop3A_2545 = arith.addf %parallel_loop3A_2543, %parallel_loop3A_2544 : vector<16xf32>
      %parallel_loop3A_2546 = arith.addf %parallel_loop3A_2545, %parallel_loop3A_2538 : vector<16xf32>
      %parallel_loop3A_2547 = arith.constant 8576 : i32
      %parallel_loop3A_2548 = arith.addi %parallel_loop3A_2547, %parallel_loop3A_334 : i32
      %parallel_loop3A_2549 = arith.index_cast %parallel_loop3A_2548 : i32 to index
      %parallel_loop3A_2550 = tpu.vector_load %arg7[%parallel_loop3A_2549] {strides = array<i32>} : memref<36864xf32, #tpu.memory_space<vmem>>, vector<16xf32>,
      tpu.vector_store %arg7[%parallel_loop3A_2549], %parallel_loop3A_2542 {strides = array<i32>} : memref<36864xf32, #tpu.memory_space<vmem>>, vector<16xf32>,
      %parallel_loop3A_2551 = arith.constant 25088 : i32
      %parallel_loop3A_2552 = arith.addi %parallel_loop3A_2551, %parallel_loop3A_334 : i32
      %parallel_loop3A_2553 = arith.index_cast %parallel_loop3A_2552 : i32 to index
      %parallel_loop3A_2554 = tpu.vector_load %arg7[%parallel_loop3A_2553] {strides = array<i32>} : memref<36864xf32, #tpu.memory_space<vmem>>, vector<16xf32>,
      tpu.vector_store %arg7[%parallel_loop3A_2553], %parallel_loop3A_2546 {strides = array<i32>} : memref<36864xf32, #tpu.memory_space<vmem>>, vector<16xf32>,
      %parallel_loop3A_2555 = arith.constant 2816 : i32
      %parallel_loop3A_2556 = tpu.memref_slice %arg6[%parallel_loop3A_2555] : memref<5120xi32, #tpu.memory_space<vmem>> -> memref<128xi32, #tpu.memory_space<vmem>>
      %parallel_loop3A_2557 = tpu.vector_load_idx %parallel_loop3A_2556[%parallel_loop3A_338] : memref<128xi32, #tpu.memory_space<vmem>>[vector<16xi32>], vector<16xi32>,
      %parallel_loop3A_2558 = arith.constant 2816 : i32
      %parallel_loop3A_2559 = tpu.memref_slice %arg6[%parallel_loop3A_2558] : memref<5120xi32, #tpu.memory_space<vmem>> -> memref<128xi32, #tpu.memory_space<vmem>>
      %parallel_loop3A_2560 = tpu.vector_load_idx %parallel_loop3A_2559[%parallel_loop3A_342] : memref<128xi32, #tpu.memory_space<vmem>>[vector<16xi32>], vector<16xi32>,
      %parallel_loop3A_2561 = arith.constant 2816 : i32
      %parallel_loop3A_2562 = tpu.memref_slice %arg6[%parallel_loop3A_2561] : memref<5120xi32, #tpu.memory_space<vmem>> -> memref<128xi32, #tpu.memory_space<vmem>>
      %parallel_loop3A_2563 = tpu.vector_load_idx %parallel_loop3A_2562[%parallel_loop3A_346] : memref<128xi32, #tpu.memory_space<vmem>>[vector<16xi32>], vector<16xi32>,
      %parallel_loop3A_2564 = arith.constant 2816 : i32
      %parallel_loop3A_2565 = tpu.memref_slice %arg6[%parallel_loop3A_2564] : memref<5120xi32, #tpu.memory_space<vmem>> -> memref<128xi32, #tpu.memory_space<vmem>>
      %parallel_loop3A_2566 = tpu.vector_load_idx %parallel_loop3A_2565[%parallel_loop3A_350] : memref<128xi32, #tpu.memory_space<vmem>>[vector<16xi32>], vector<16xi32>,
      %parallel_loop3A_2567 = arith.constant 2816 : i32
      %parallel_loop3A_2568 = tpu.memref_slice %arg6[%parallel_loop3A_2567] : memref<5120xi32, #tpu.memory_space<vmem>> -> memref<128xi32, #tpu.memory_space<vmem>>
      %parallel_loop3A_2569 = tpu.vector_load_idx %parallel_loop3A_2568[%parallel_loop3A_354] : memref<128xi32, #tpu.memory_space<vmem>>[vector<16xi32>], vector<16xi32>,
      %parallel_loop3A_2570 = arith.constant 2816 : i32
      %parallel_loop3A_2571 = tpu.memref_slice %arg6[%parallel_loop3A_2570] : memref<5120xi32, #tpu.memory_space<vmem>> -> memref<128xi32, #tpu.memory_space<vmem>>
      %parallel_loop3A_2572 = tpu.vector_load_idx %parallel_loop3A_2571[%parallel_loop3A_358] : memref<128xi32, #tpu.memory_space<vmem>>[vector<16xi32>], vector<16xi32>,
      %parallel_loop3A_2573 = arith.constant 2816 : i32
      %parallel_loop3A_2574 = tpu.memref_slice %arg6[%parallel_loop3A_2573] : memref<5120xi32, #tpu.memory_space<vmem>> -> memref<128xi32, #tpu.memory_space<vmem>>
      %parallel_loop3A_2575 = tpu.vector_load_idx %parallel_loop3A_2574[%parallel_loop3A_362] : memref<128xi32, #tpu.memory_space<vmem>>[vector<16xi32>], vector<16xi32>,
      %parallel_loop3A_2576 = arith.constant 2816 : i32
      %parallel_loop3A_2577 = tpu.memref_slice %arg6[%parallel_loop3A_2576] : memref<5120xi32, #tpu.memory_space<vmem>> -> memref<128xi32, #tpu.memory_space<vmem>>
      %parallel_loop3A_2578 = tpu.vector_load_idx %parallel_loop3A_2577[%parallel_loop3A_366] : memref<128xi32, #tpu.memory_space<vmem>>[vector<16xi32>], vector<16xi32>,
      %parallel_loop3A_2579 = arith.constant 2816 : i32
      %parallel_loop3A_2580 = tpu.memref_slice %arg6[%parallel_loop3A_2579] : memref<5120xi32, #tpu.memory_space<vmem>> -> memref<128xi32, #tpu.memory_space<vmem>>
      %parallel_loop3A_2581 = tpu.vector_load_idx %parallel_loop3A_2580[%parallel_loop3A_370] : memref<128xi32, #tpu.memory_space<vmem>>[vector<16xi32>], vector<16xi32>,
      %parallel_loop3A_2582 = arith.constant 2816 : i32
      %parallel_loop3A_2583 = tpu.memref_slice %arg6[%parallel_loop3A_2582] : memref<5120xi32, #tpu.memory_space<vmem>> -> memref<128xi32, #tpu.memory_space<vmem>>
      %parallel_loop3A_2584 = tpu.vector_load_idx %parallel_loop3A_2583[%parallel_loop3A_374] : memref<128xi32, #tpu.memory_space<vmem>>[vector<16xi32>], vector<16xi32>,
      %parallel_loop3A_2585 = vector.bitcast %parallel_loop3A_2345 : vector<16xi32> to vector<32xbf16>
      %parallel_loop3A_2586 = vector.bitcast %parallel_loop3A_2348 : vector<16xi32> to vector<32xbf16>
      %parallel_loop3A_2587 = arith.addf %parallel_loop3A_2585, %parallel_loop3A_2586 : vector<32xbf16>
      %parallel_loop3A_2588 = vector.bitcast %parallel_loop3A_2587 : vector<32xbf16> to vector<16xi32>
      %parallel_loop3A_2589 = vector.bitcast %parallel_loop3A_2351 : vector<16xi32> to vector<32xbf16>
      %parallel_loop3A_2590 = vector.bitcast %parallel_loop3A_2354 : vector<16xi32> to vector<32xbf16>
      %parallel_loop3A_2591 = arith.addf %parallel_loop3A_2589, %parallel_loop3A_2590 : vector<32xbf16>
      %parallel_loop3A_2592 = vector.bitcast %parallel_loop3A_2591 : vector<32xbf16> to vector<16xi32>
      %parallel_loop3A_2593 = vector.bitcast %parallel_loop3A_2357 : vector<16xi32> to vector<32xbf16>
      %parallel_loop3A_2594 = vector.bitcast %parallel_loop3A_2360 : vector<16xi32> to vector<32xbf16>
      %parallel_loop3A_2595 = arith.addf %parallel_loop3A_2593, %parallel_loop3A_2594 : vector<32xbf16>
      %parallel_loop3A_2596 = vector.bitcast %parallel_loop3A_2595 : vector<32xbf16> to vector<16xi32>
      %parallel_loop3A_2597 = vector.bitcast %parallel_loop3A_2363 : vector<16xi32> to vector<32xbf16>
      %parallel_loop3A_2598 = vector.bitcast %parallel_loop3A_2366 : vector<16xi32> to vector<32xbf16>
      %parallel_loop3A_2599 = arith.addf %parallel_loop3A_2597, %parallel_loop3A_2598 : vector<32xbf16>
      %parallel_loop3A_2600 = vector.bitcast %parallel_loop3A_2599 : vector<32xbf16> to vector<16xi32>
      %parallel_loop3A_2601 = vector.bitcast %parallel_loop3A_2369 : vector<16xi32> to vector<32xbf16>
      %parallel_loop3A_2602 = vector.bitcast %parallel_loop3A_2372 : vector<16xi32> to vector<32xbf16>
      %parallel_loop3A_2603 = arith.addf %parallel_loop3A_2601, %parallel_loop3A_2602 : vector<32xbf16>
      %parallel_loop3A_2604 = vector.bitcast %parallel_loop3A_2603 : vector<32xbf16> to vector<16xi32>
      %parallel_loop3A_2605 = arith.constant 16 : i32
      %parallel_loop3A_2606 = vector.broadcast %parallel_loop3A_2605 : i32 to vector<16xi32>
      %parallel_loop3A_2607 = arith.shli %parallel_loop3A_2588, %parallel_loop3A_2606 : vector<16xi32>
      %parallel_loop3A_2608 = vector.bitcast %parallel_loop3A_2607 : vector<16xi32> to vector<16xf32>
      %parallel_loop3A_2609 = arith.constant -65536 : i32
      %parallel_loop3A_2610 = vector.broadcast %parallel_loop3A_2609 : i32 to vector<16xi32>
      %parallel_loop3A_2611 = arith.andi %parallel_loop3A_2588, %parallel_loop3A_2610 : vector<16xi32>
      %parallel_loop3A_2612 = vector.bitcast %parallel_loop3A_2611 : vector<16xi32> to vector<16xf32>
      %parallel_loop3A_2613 = arith.constant 16 : i32
      %parallel_loop3A_2614 = vector.broadcast %parallel_loop3A_2613 : i32 to vector<16xi32>
      %parallel_loop3A_2615 = arith.shli %parallel_loop3A_2592, %parallel_loop3A_2614 : vector<16xi32>
      %parallel_loop3A_2616 = vector.bitcast %parallel_loop3A_2615 : vector<16xi32> to vector<16xf32>
      %parallel_loop3A_2617 = arith.constant -65536 : i32
      %parallel_loop3A_2618 = vector.broadcast %parallel_loop3A_2617 : i32 to vector<16xi32>
      %parallel_loop3A_2619 = arith.andi %parallel_loop3A_2592, %parallel_loop3A_2618 : vector<16xi32>
      %parallel_loop3A_2620 = vector.bitcast %parallel_loop3A_2619 : vector<16xi32> to vector<16xf32>
      %parallel_loop3A_2621 = arith.constant 16 : i32
      %parallel_loop3A_2622 = vector.broadcast %parallel_loop3A_2621 : i32 to vector<16xi32>
      %parallel_loop3A_2623 = arith.shli %parallel_loop3A_2596, %parallel_loop3A_2622 : vector<16xi32>
      %parallel_loop3A_2624 = vector.bitcast %parallel_loop3A_2623 : vector<16xi32> to vector<16xf32>
      %parallel_loop3A_2625 = arith.constant -65536 : i32
      %parallel_loop3A_2626 = vector.broadcast %parallel_loop3A_2625 : i32 to vector<16xi32>
      %parallel_loop3A_2627 = arith.andi %parallel_loop3A_2596, %parallel_loop3A_2626 : vector<16xi32>
      %parallel_loop3A_2628 = vector.bitcast %parallel_loop3A_2627 : vector<16xi32> to vector<16xf32>
      %parallel_loop3A_2629 = arith.constant 16 : i32
      %parallel_loop3A_2630 = vector.broadcast %parallel_loop3A_2629 : i32 to vector<16xi32>
      %parallel_loop3A_2631 = arith.shli %parallel_loop3A_2600, %parallel_loop3A_2630 : vector<16xi32>
      %parallel_loop3A_2632 = vector.bitcast %parallel_loop3A_2631 : vector<16xi32> to vector<16xf32>
      %parallel_loop3A_2633 = arith.constant -65536 : i32
      %parallel_loop3A_2634 = vector.broadcast %parallel_loop3A_2633 : i32 to vector<16xi32>
      %parallel_loop3A_2635 = arith.andi %parallel_loop3A_2600, %parallel_loop3A_2634 : vector<16xi32>
      %parallel_loop3A_2636 = vector.bitcast %parallel_loop3A_2635 : vector<16xi32> to vector<16xf32>
      %parallel_loop3A_2637 = arith.constant 16 : i32
      %parallel_loop3A_2638 = vector.broadcast %parallel_loop3A_2637 : i32 to vector<16xi32>
      %parallel_loop3A_2639 = arith.shli %parallel_loop3A_2604, %parallel_loop3A_2638 : vector<16xi32>
      %parallel_loop3A_2640 = vector.bitcast %parallel_loop3A_2639 : vector<16xi32> to vector<16xf32>
      %parallel_loop3A_2641 = arith.constant -65536 : i32
      %parallel_loop3A_2642 = vector.broadcast %parallel_loop3A_2641 : i32 to vector<16xi32>
      %parallel_loop3A_2643 = arith.andi %parallel_loop3A_2604, %parallel_loop3A_2642 : vector<16xi32>
      %parallel_loop3A_2644 = vector.bitcast %parallel_loop3A_2643 : vector<16xi32> to vector<16xf32>
      %parallel_loop3A_2645 = arith.addf %parallel_loop3A_2608, %parallel_loop3A_2616 : vector<16xf32>
      %parallel_loop3A_2646 = arith.addf %parallel_loop3A_2624, %parallel_loop3A_2632 : vector<16xf32>
      %parallel_loop3A_2647 = arith.addf %parallel_loop3A_2645, %parallel_loop3A_2646 : vector<16xf32>
      %parallel_loop3A_2648 = arith.addf %parallel_loop3A_2647, %parallel_loop3A_2640 : vector<16xf32>
      %parallel_loop3A_2649 = arith.addf %parallel_loop3A_2612, %parallel_loop3A_2620 : vector<16xf32>
      %parallel_loop3A_2650 = arith.addf %parallel_loop3A_2628, %parallel_loop3A_2636 : vector<16xf32>
      %parallel_loop3A_2651 = arith.addf %parallel_loop3A_2649, %parallel_loop3A_2650 : vector<16xf32>
      %parallel_loop3A_2652 = arith.addf %parallel_loop3A_2651, %parallel_loop3A_2644 : vector<16xf32>
      %parallel_loop3A_2653 = arith.constant 8704 : i32
      %parallel_loop3A_2654 = arith.addi %parallel_loop3A_2653, %parallel_loop3A_334 : i32
      %parallel_loop3A_2655 = arith.index_cast %parallel_loop3A_2654 : i32 to index
      %parallel_loop3A_2656 = tpu.vector_load %arg7[%parallel_loop3A_2655] {strides = array<i32>} : memref<36864xf32, #tpu.memory_space<vmem>>, vector<16xf32>,
      tpu.vector_store %arg7[%parallel_loop3A_2655], %parallel_loop3A_2648 {strides = array<i32>} : memref<36864xf32, #tpu.memory_space<vmem>>, vector<16xf32>,
      %parallel_loop3A_2657 = arith.constant 25216 : i32
      %parallel_loop3A_2658 = arith.addi %parallel_loop3A_2657, %parallel_loop3A_334 : i32
      %parallel_loop3A_2659 = arith.index_cast %parallel_loop3A_2658 : i32 to index
      %parallel_loop3A_2660 = tpu.vector_load %arg7[%parallel_loop3A_2659] {strides = array<i32>} : memref<36864xf32, #tpu.memory_space<vmem>>, vector<16xf32>,
      tpu.vector_store %arg7[%parallel_loop3A_2659], %parallel_loop3A_2652 {strides = array<i32>} : memref<36864xf32, #tpu.memory_space<vmem>>, vector<16xf32>,
      %parallel_loop3A_2661 = arith.constant 2944 : i32
      %parallel_loop3A_2662 = tpu.memref_slice %arg6[%parallel_loop3A_2661] : memref<5120xi32, #tpu.memory_space<vmem>> -> memref<128xi32, #tpu.memory_space<vmem>>
      %parallel_loop3A_2663 = tpu.vector_load_idx %parallel_loop3A_2662[%parallel_loop3A_338] : memref<128xi32, #tpu.memory_space<vmem>>[vector<16xi32>], vector<16xi32>,
      %parallel_loop3A_2664 = arith.constant 2944 : i32
      %parallel_loop3A_2665 = tpu.memref_slice %arg6[%parallel_loop3A_2664] : memref<5120xi32, #tpu.memory_space<vmem>> -> memref<128xi32, #tpu.memory_space<vmem>>
      %parallel_loop3A_2666 = tpu.vector_load_idx %parallel_loop3A_2665[%parallel_loop3A_342] : memref<128xi32, #tpu.memory_space<vmem>>[vector<16xi32>], vector<16xi32>,
      %parallel_loop3A_2667 = arith.constant 2944 : i32
      %parallel_loop3A_2668 = tpu.memref_slice %arg6[%parallel_loop3A_2667] : memref<5120xi32, #tpu.memory_space<vmem>> -> memref<128xi32, #tpu.memory_space<vmem>>
      %parallel_loop3A_2669 = tpu.vector_load_idx %parallel_loop3A_2668[%parallel_loop3A_346] : memref<128xi32, #tpu.memory_space<vmem>>[vector<16xi32>], vector<16xi32>,
      %parallel_loop3A_2670 = arith.constant 2944 : i32
      %parallel_loop3A_2671 = tpu.memref_slice %arg6[%parallel_loop3A_2670] : memref<5120xi32, #tpu.memory_space<vmem>> -> memref<128xi32, #tpu.memory_space<vmem>>
      %parallel_loop3A_2672 = tpu.vector_load_idx %parallel_loop3A_2671[%parallel_loop3A_350] : memref<128xi32, #tpu.memory_space<vmem>>[vector<16xi32>], vector<16xi32>,
      %parallel_loop3A_2673 = arith.constant 2944 : i32
      %parallel_loop3A_2674 = tpu.memref_slice %arg6[%parallel_loop3A_2673] : memref<5120xi32, #tpu.memory_space<vmem>> -> memref<128xi32, #tpu.memory_space<vmem>>
      %parallel_loop3A_2675 = tpu.vector_load_idx %parallel_loop3A_2674[%parallel_loop3A_354] : memref<128xi32, #tpu.memory_space<vmem>>[vector<16xi32>], vector<16xi32>,
      %parallel_loop3A_2676 = arith.constant 2944 : i32
      %parallel_loop3A_2677 = tpu.memref_slice %arg6[%parallel_loop3A_2676] : memref<5120xi32, #tpu.memory_space<vmem>> -> memref<128xi32, #tpu.memory_space<vmem>>
      %parallel_loop3A_2678 = tpu.vector_load_idx %parallel_loop3A_2677[%parallel_loop3A_358] : memref<128xi32, #tpu.memory_space<vmem>>[vector<16xi32>], vector<16xi32>,
      %parallel_loop3A_2679 = arith.constant 2944 : i32
      %parallel_loop3A_2680 = tpu.memref_slice %arg6[%parallel_loop3A_2679] : memref<5120xi32, #tpu.memory_space<vmem>> -> memref<128xi32, #tpu.memory_space<vmem>>
      %parallel_loop3A_2681 = tpu.vector_load_idx %parallel_loop3A_2680[%parallel_loop3A_362] : memref<128xi32, #tpu.memory_space<vmem>>[vector<16xi32>], vector<16xi32>,
      %parallel_loop3A_2682 = arith.constant 2944 : i32
      %parallel_loop3A_2683 = tpu.memref_slice %arg6[%parallel_loop3A_2682] : memref<5120xi32, #tpu.memory_space<vmem>> -> memref<128xi32, #tpu.memory_space<vmem>>
      %parallel_loop3A_2684 = tpu.vector_load_idx %parallel_loop3A_2683[%parallel_loop3A_366] : memref<128xi32, #tpu.memory_space<vmem>>[vector<16xi32>], vector<16xi32>,
      %parallel_loop3A_2685 = arith.constant 2944 : i32
      %parallel_loop3A_2686 = tpu.memref_slice %arg6[%parallel_loop3A_2685] : memref<5120xi32, #tpu.memory_space<vmem>> -> memref<128xi32, #tpu.memory_space<vmem>>
      %parallel_loop3A_2687 = tpu.vector_load_idx %parallel_loop3A_2686[%parallel_loop3A_370] : memref<128xi32, #tpu.memory_space<vmem>>[vector<16xi32>], vector<16xi32>,
      %parallel_loop3A_2688 = arith.constant 2944 : i32
      %parallel_loop3A_2689 = tpu.memref_slice %arg6[%parallel_loop3A_2688] : memref<5120xi32, #tpu.memory_space<vmem>> -> memref<128xi32, #tpu.memory_space<vmem>>
      %parallel_loop3A_2690 = tpu.vector_load_idx %parallel_loop3A_2689[%parallel_loop3A_374] : memref<128xi32, #tpu.memory_space<vmem>>[vector<16xi32>], vector<16xi32>,
      %parallel_loop3A_2691 = vector.bitcast %parallel_loop3A_2451 : vector<16xi32> to vector<32xbf16>
      %parallel_loop3A_2692 = vector.bitcast %parallel_loop3A_2454 : vector<16xi32> to vector<32xbf16>
      %parallel_loop3A_2693 = arith.addf %parallel_loop3A_2691, %parallel_loop3A_2692 : vector<32xbf16>
      %parallel_loop3A_2694 = vector.bitcast %parallel_loop3A_2693 : vector<32xbf16> to vector<16xi32>
      %parallel_loop3A_2695 = vector.bitcast %parallel_loop3A_2457 : vector<16xi32> to vector<32xbf16>
      %parallel_loop3A_2696 = vector.bitcast %parallel_loop3A_2460 : vector<16xi32> to vector<32xbf16>
      %parallel_loop3A_2697 = arith.addf %parallel_loop3A_2695, %parallel_loop3A_2696 : vector<32xbf16>
      %parallel_loop3A_2698 = vector.bitcast %parallel_loop3A_2697 : vector<32xbf16> to vector<16xi32>
      %parallel_loop3A_2699 = vector.bitcast %parallel_loop3A_2463 : vector<16xi32> to vector<32xbf16>
      %parallel_loop3A_2700 = vector.bitcast %parallel_loop3A_2466 : vector<16xi32> to vector<32xbf16>
      %parallel_loop3A_2701 = arith.addf %parallel_loop3A_2699, %parallel_loop3A_2700 : vector<32xbf16>
      %parallel_loop3A_2702 = vector.bitcast %parallel_loop3A_2701 : vector<32xbf16> to vector<16xi32>
      %parallel_loop3A_2703 = vector.bitcast %parallel_loop3A_2469 : vector<16xi32> to vector<32xbf16>
      %parallel_loop3A_2704 = vector.bitcast %parallel_loop3A_2472 : vector<16xi32> to vector<32xbf16>
      %parallel_loop3A_2705 = arith.addf %parallel_loop3A_2703, %parallel_loop3A_2704 : vector<32xbf16>
      %parallel_loop3A_2706 = vector.bitcast %parallel_loop3A_2705 : vector<32xbf16> to vector<16xi32>
      %parallel_loop3A_2707 = vector.bitcast %parallel_loop3A_2475 : vector<16xi32> to vector<32xbf16>
      %parallel_loop3A_2708 = vector.bitcast %parallel_loop3A_2478 : vector<16xi32> to vector<32xbf16>
      %parallel_loop3A_2709 = arith.addf %parallel_loop3A_2707, %parallel_loop3A_2708 : vector<32xbf16>
      %parallel_loop3A_2710 = vector.bitcast %parallel_loop3A_2709 : vector<32xbf16> to vector<16xi32>
      %parallel_loop3A_2711 = arith.constant 16 : i32
      %parallel_loop3A_2712 = vector.broadcast %parallel_loop3A_2711 : i32 to vector<16xi32>
      %parallel_loop3A_2713 = arith.shli %parallel_loop3A_2694, %parallel_loop3A_2712 : vector<16xi32>
      %parallel_loop3A_2714 = vector.bitcast %parallel_loop3A_2713 : vector<16xi32> to vector<16xf32>
      %parallel_loop3A_2715 = arith.constant -65536 : i32
      %parallel_loop3A_2716 = vector.broadcast %parallel_loop3A_2715 : i32 to vector<16xi32>
      %parallel_loop3A_2717 = arith.andi %parallel_loop3A_2694, %parallel_loop3A_2716 : vector<16xi32>
      %parallel_loop3A_2718 = vector.bitcast %parallel_loop3A_2717 : vector<16xi32> to vector<16xf32>
      %parallel_loop3A_2719 = arith.constant 16 : i32
      %parallel_loop3A_2720 = vector.broadcast %parallel_loop3A_2719 : i32 to vector<16xi32>
      %parallel_loop3A_2721 = arith.shli %parallel_loop3A_2698, %parallel_loop3A_2720 : vector<16xi32>
      %parallel_loop3A_2722 = vector.bitcast %parallel_loop3A_2721 : vector<16xi32> to vector<16xf32>
      %parallel_loop3A_2723 = arith.constant -65536 : i32
      %parallel_loop3A_2724 = vector.broadcast %parallel_loop3A_2723 : i32 to vector<16xi32>
      %parallel_loop3A_2725 = arith.andi %parallel_loop3A_2698, %parallel_loop3A_2724 : vector<16xi32>
      %parallel_loop3A_2726 = vector.bitcast %parallel_loop3A_2725 : vector<16xi32> to vector<16xf32>
      %parallel_loop3A_2727 = arith.constant 16 : i32
      %parallel_loop3A_2728 = vector.broadcast %parallel_loop3A_2727 : i32 to vector<16xi32>
      %parallel_loop3A_2729 = arith.shli %parallel_loop3A_2702, %parallel_loop3A_2728 : vector<16xi32>
      %parallel_loop3A_2730 = vector.bitcast %parallel_loop3A_2729 : vector<16xi32> to vector<16xf32>
      %parallel_loop3A_2731 = arith.constant -65536 : i32
      %parallel_loop3A_2732 = vector.broadcast %parallel_loop3A_2731 : i32 to vector<16xi32>
      %parallel_loop3A_2733 = arith.andi %parallel_loop3A_2702, %parallel_loop3A_2732 : vector<16xi32>
      %parallel_loop3A_2734 = vector.bitcast %parallel_loop3A_2733 : vector<16xi32> to vector<16xf32>
      %parallel_loop3A_2735 = arith.constant 16 : i32
      %parallel_loop3A_2736 = vector.broadcast %parallel_loop3A_2735 : i32 to vector<16xi32>
      %parallel_loop3A_2737 = arith.shli %parallel_loop3A_2706, %parallel_loop3A_2736 : vector<16xi32>
      %parallel_loop3A_2738 = vector.bitcast %parallel_loop3A_2737 : vector<16xi32> to vector<16xf32>
      %parallel_loop3A_2739 = arith.constant -65536 : i32
      %parallel_loop3A_2740 = vector.broadcast %parallel_loop3A_2739 : i32 to vector<16xi32>
      %parallel_loop3A_2741 = arith.andi %parallel_loop3A_2706, %parallel_loop3A_2740 : vector<16xi32>
      %parallel_loop3A_2742 = vector.bitcast %parallel_loop3A_2741 : vector<16xi32> to vector<16xf32>
      %parallel_loop3A_2743 = arith.constant 16 : i32
      %parallel_loop3A_2744 = vector.broadcast %parallel_loop3A_2743 : i32 to vector<16xi32>
      %parallel_loop3A_2745 = arith.shli %parallel_loop3A_2710, %parallel_loop3A_2744 : vector<16xi32>
      %parallel_loop3A_2746 = vector.bitcast %parallel_loop3A_2745 : vector<16xi32> to vector<16xf32>
      %parallel_loop3A_2747 = arith.constant -65536 : i32
      %parallel_loop3A_2748 = vector.broadcast %parallel_loop3A_2747 : i32 to vector<16xi32>
      %parallel_loop3A_2749 = arith.andi %parallel_loop3A_2710, %parallel_loop3A_2748 : vector<16xi32>
      %parallel_loop3A_2750 = vector.bitcast %parallel_loop3A_2749 : vector<16xi32> to vector<16xf32>
      %parallel_loop3A_2751 = arith.addf %parallel_loop3A_2714, %parallel_loop3A_2722 : vector<16xf32>
      %parallel_loop3A_2752 = arith.addf %parallel_loop3A_2730, %parallel_loop3A_2738 : vector<16xf32>
      %parallel_loop3A_2753 = arith.addf %parallel_loop3A_2751, %parallel_loop3A_2752 : vector<16xf32>
      %parallel_loop3A_2754 = arith.addf %parallel_loop3A_2753, %parallel_loop3A_2746 : vector<16xf32>
      %parallel_loop3A_2755 = arith.addf %parallel_loop3A_2718, %parallel_loop3A_2726 : vector<16xf32>
      %parallel_loop3A_2756 = arith.addf %parallel_loop3A_2734, %parallel_loop3A_2742 : vector<16xf32>
      %parallel_loop3A_2757 = arith.addf %parallel_loop3A_2755, %parallel_loop3A_2756 : vector<16xf32>
      %parallel_loop3A_2758 = arith.addf %parallel_loop3A_2757, %parallel_loop3A_2750 : vector<16xf32>
      %parallel_loop3A_2759 = arith.constant 8832 : i32
      %parallel_loop3A_2760 = arith.addi %parallel_loop3A_2759, %parallel_loop3A_334 : i32
      %parallel_loop3A_2761 = arith.index_cast %parallel_loop3A_2760 : i32 to index
      %parallel_loop3A_2762 = tpu.vector_load %arg7[%parallel_loop3A_2761] {strides = array<i32>} : memref<36864xf32, #tpu.memory_space<vmem>>, vector<16xf32>,
      tpu.vector_store %arg7[%parallel_loop3A_2761], %parallel_loop3A_2754 {strides = array<i32>} : memref<36864xf32, #tpu.memory_space<vmem>>, vector<16xf32>,
      %parallel_loop3A_2763 = arith.constant 25344 : i32
      %parallel_loop3A_2764 = arith.addi %parallel_loop3A_2763, %parallel_loop3A_334 : i32
      %parallel_loop3A_2765 = arith.index_cast %parallel_loop3A_2764 : i32 to index
      %parallel_loop3A_2766 = tpu.vector_load %arg7[%parallel_loop3A_2765] {strides = array<i32>} : memref<36864xf32, #tpu.memory_space<vmem>>, vector<16xf32>,
      tpu.vector_store %arg7[%parallel_loop3A_2765], %parallel_loop3A_2758 {strides = array<i32>} : memref<36864xf32, #tpu.memory_space<vmem>>, vector<16xf32>,
      %parallel_loop3A_2767 = arith.constant 3072 : i32
      %parallel_loop3A_2768 = tpu.memref_slice %arg6[%parallel_loop3A_2767] : memref<5120xi32, #tpu.memory_space<vmem>> -> memref<128xi32, #tpu.memory_space<vmem>>
      %parallel_loop3A_2769 = tpu.vector_load_idx %parallel_loop3A_2768[%parallel_loop3A_338] : memref<128xi32, #tpu.memory_space<vmem>>[vector<16xi32>], vector<16xi32>,
      %parallel_loop3A_2770 = arith.constant 3072 : i32
      %parallel_loop3A_2771 = tpu.memref_slice %arg6[%parallel_loop3A_2770] : memref<5120xi32, #tpu.memory_space<vmem>> -> memref<128xi32, #tpu.memory_space<vmem>>
      %parallel_loop3A_2772 = tpu.vector_load_idx %parallel_loop3A_2771[%parallel_loop3A_342] : memref<128xi32, #tpu.memory_space<vmem>>[vector<16xi32>], vector<16xi32>,
      %parallel_loop3A_2773 = arith.constant 3072 : i32
      %parallel_loop3A_2774 = tpu.memref_slice %arg6[%parallel_loop3A_2773] : memref<5120xi32, #tpu.memory_space<vmem>> -> memref<128xi32, #tpu.memory_space<vmem>>
      %parallel_loop3A_2775 = tpu.vector_load_idx %parallel_loop3A_2774[%parallel_loop3A_346] : memref<128xi32, #tpu.memory_space<vmem>>[vector<16xi32>], vector<16xi32>,
      %parallel_loop3A_2776 = arith.constant 3072 : i32
      %parallel_loop3A_2777 = tpu.memref_slice %arg6[%parallel_loop3A_2776] : memref<5120xi32, #tpu.memory_space<vmem>> -> memref<128xi32, #tpu.memory_space<vmem>>
      %parallel_loop3A_2778 = tpu.vector_load_idx %parallel_loop3A_2777[%parallel_loop3A_350] : memref<128xi32, #tpu.memory_space<vmem>>[vector<16xi32>], vector<16xi32>,
      %parallel_loop3A_2779 = arith.constant 3072 : i32
      %parallel_loop3A_2780 = tpu.memref_slice %arg6[%parallel_loop3A_2779] : memref<5120xi32, #tpu.memory_space<vmem>> -> memref<128xi32, #tpu.memory_space<vmem>>
      %parallel_loop3A_2781 = tpu.vector_load_idx %parallel_loop3A_2780[%parallel_loop3A_354] : memref<128xi32, #tpu.memory_space<vmem>>[vector<16xi32>], vector<16xi32>,
      %parallel_loop3A_2782 = arith.constant 3072 : i32
      %parallel_loop3A_2783 = tpu.memref_slice %arg6[%parallel_loop3A_2782] : memref<5120xi32, #tpu.memory_space<vmem>> -> memref<128xi32, #tpu.memory_space<vmem>>
      %parallel_loop3A_2784 = tpu.vector_load_idx %parallel_loop3A_2783[%parallel_loop3A_358] : memref<128xi32, #tpu.memory_space<vmem>>[vector<16xi32>], vector<16xi32>,
      %parallel_loop3A_2785 = arith.constant 3072 : i32
      %parallel_loop3A_2786 = tpu.memref_slice %arg6[%parallel_loop3A_2785] : memref<5120xi32, #tpu.memory_space<vmem>> -> memref<128xi32, #tpu.memory_space<vmem>>
      %parallel_loop3A_2787 = tpu.vector_load_idx %parallel_loop3A_2786[%parallel_loop3A_362] : memref<128xi32, #tpu.memory_space<vmem>>[vector<16xi32>], vector<16xi32>,
      %parallel_loop3A_2788 = arith.constant 3072 : i32
      %parallel_loop3A_2789 = tpu.memref_slice %arg6[%parallel_loop3A_2788] : memref<5120xi32, #tpu.memory_space<vmem>> -> memref<128xi32, #tpu.memory_space<vmem>>
      %parallel_loop3A_2790 = tpu.vector_load_idx %parallel_loop3A_2789[%parallel_loop3A_366] : memref<128xi32, #tpu.memory_space<vmem>>[vector<16xi32>], vector<16xi32>,
      %parallel_loop3A_2791 = arith.constant 3072 : i32
      %parallel_loop3A_2792 = tpu.memref_slice %arg6[%parallel_loop3A_2791] : memref<5120xi32, #tpu.memory_space<vmem>> -> memref<128xi32, #tpu.memory_space<vmem>>
      %parallel_loop3A_2793 = tpu.vector_load_idx %parallel_loop3A_2792[%parallel_loop3A_370] : memref<128xi32, #tpu.memory_space<vmem>>[vector<16xi32>], vector<16xi32>,
      %parallel_loop3A_2794 = arith.constant 3072 : i32
      %parallel_loop3A_2795 = tpu.memref_slice %arg6[%parallel_loop3A_2794] : memref<5120xi32, #tpu.memory_space<vmem>> -> memref<128xi32, #tpu.memory_space<vmem>>
      %parallel_loop3A_2796 = tpu.vector_load_idx %parallel_loop3A_2795[%parallel_loop3A_374] : memref<128xi32, #tpu.memory_space<vmem>>[vector<16xi32>], vector<16xi32>,
      %parallel_loop3A_2797 = vector.bitcast %parallel_loop3A_2557 : vector<16xi32> to vector<32xbf16>
      %parallel_loop3A_2798 = vector.bitcast %parallel_loop3A_2560 : vector<16xi32> to vector<32xbf16>
      %parallel_loop3A_2799 = arith.addf %parallel_loop3A_2797, %parallel_loop3A_2798 : vector<32xbf16>
      %parallel_loop3A_2800 = vector.bitcast %parallel_loop3A_2799 : vector<32xbf16> to vector<16xi32>
      %parallel_loop3A_2801 = vector.bitcast %parallel_loop3A_2563 : vector<16xi32> to vector<32xbf16>
      %parallel_loop3A_2802 = vector.bitcast %parallel_loop3A_2566 : vector<16xi32> to vector<32xbf16>
      %parallel_loop3A_2803 = arith.addf %parallel_loop3A_2801, %parallel_loop3A_2802 : vector<32xbf16>
      %parallel_loop3A_2804 = vector.bitcast %parallel_loop3A_2803 : vector<32xbf16> to vector<16xi32>
      %parallel_loop3A_2805 = vector.bitcast %parallel_loop3A_2569 : vector<16xi32> to vector<32xbf16>
      %parallel_loop3A_2806 = vector.bitcast %parallel_loop3A_2572 : vector<16xi32> to vector<32xbf16>
      %parallel_loop3A_2807 = arith.addf %parallel_loop3A_2805, %parallel_loop3A_2806 : vector<32xbf16>
      %parallel_loop3A_2808 = vector.bitcast %parallel_loop3A_2807 : vector<32xbf16> to vector<16xi32>
      %parallel_loop3A_2809 = vector.bitcast %parallel_loop3A_2575 : vector<16xi32> to vector<32xbf16>
      %parallel_loop3A_2810 = vector.bitcast %parallel_loop3A_2578 : vector<16xi32> to vector<32xbf16>
      %parallel_loop3A_2811 = arith.addf %parallel_loop3A_2809, %parallel_loop3A_2810 : vector<32xbf16>
      %parallel_loop3A_2812 = vector.bitcast %parallel_loop3A_2811 : vector<32xbf16> to vector<16xi32>
      %parallel_loop3A_2813 = vector.bitcast %parallel_loop3A_2581 : vector<16xi32> to vector<32xbf16>
      %parallel_loop3A_2814 = vector.bitcast %parallel_loop3A_2584 : vector<16xi32> to vector<32xbf16>
      %parallel_loop3A_2815 = arith.addf %parallel_loop3A_2813, %parallel_loop3A_2814 : vector<32xbf16>
      %parallel_loop3A_2816 = vector.bitcast %parallel_loop3A_2815 : vector<32xbf16> to vector<16xi32>
      %parallel_loop3A_2817 = arith.constant 16 : i32
      %parallel_loop3A_2818 = vector.broadcast %parallel_loop3A_2817 : i32 to vector<16xi32>
      %parallel_loop3A_2819 = arith.shli %parallel_loop3A_2800, %parallel_loop3A_2818 : vector<16xi32>
      %parallel_loop3A_2820 = vector.bitcast %parallel_loop3A_2819 : vector<16xi32> to vector<16xf32>
      %parallel_loop3A_2821 = arith.constant -65536 : i32
      %parallel_loop3A_2822 = vector.broadcast %parallel_loop3A_2821 : i32 to vector<16xi32>
      %parallel_loop3A_2823 = arith.andi %parallel_loop3A_2800, %parallel_loop3A_2822 : vector<16xi32>
      %parallel_loop3A_2824 = vector.bitcast %parallel_loop3A_2823 : vector<16xi32> to vector<16xf32>
      %parallel_loop3A_2825 = arith.constant 16 : i32
      %parallel_loop3A_2826 = vector.broadcast %parallel_loop3A_2825 : i32 to vector<16xi32>
      %parallel_loop3A_2827 = arith.shli %parallel_loop3A_2804, %parallel_loop3A_2826 : vector<16xi32>
      %parallel_loop3A_2828 = vector.bitcast %parallel_loop3A_2827 : vector<16xi32> to vector<16xf32>
      %parallel_loop3A_2829 = arith.constant -65536 : i32
      %parallel_loop3A_2830 = vector.broadcast %parallel_loop3A_2829 : i32 to vector<16xi32>
      %parallel_loop3A_2831 = arith.andi %parallel_loop3A_2804, %parallel_loop3A_2830 : vector<16xi32>
      %parallel_loop3A_2832 = vector.bitcast %parallel_loop3A_2831 : vector<16xi32> to vector<16xf32>
      %parallel_loop3A_2833 = arith.constant 16 : i32
      %parallel_loop3A_2834 = vector.broadcast %parallel_loop3A_2833 : i32 to vector<16xi32>
      %parallel_loop3A_2835 = arith.shli %parallel_loop3A_2808, %parallel_loop3A_2834 : vector<16xi32>
      %parallel_loop3A_2836 = vector.bitcast %parallel_loop3A_2835 : vector<16xi32> to vector<16xf32>
      %parallel_loop3A_2837 = arith.constant -65536 : i32
      %parallel_loop3A_2838 = vector.broadcast %parallel_loop3A_2837 : i32 to vector<16xi32>
      %parallel_loop3A_2839 = arith.andi %parallel_loop3A_2808, %parallel_loop3A_2838 : vector<16xi32>
      %parallel_loop3A_2840 = vector.bitcast %parallel_loop3A_2839 : vector<16xi32> to vector<16xf32>
      %parallel_loop3A_2841 = arith.constant 16 : i32
      %parallel_loop3A_2842 = vector.broadcast %parallel_loop3A_2841 : i32 to vector<16xi32>
      %parallel_loop3A_2843 = arith.shli %parallel_loop3A_2812, %parallel_loop3A_2842 : vector<16xi32>
      %parallel_loop3A_2844 = vector.bitcast %parallel_loop3A_2843 : vector<16xi32> to vector<16xf32>
      %parallel_loop3A_2845 = arith.constant -65536 : i32
      %parallel_loop3A_2846 = vector.broadcast %parallel_loop3A_2845 : i32 to vector<16xi32>
      %parallel_loop3A_2847 = arith.andi %parallel_loop3A_2812, %parallel_loop3A_2846 : vector<16xi32>
      %parallel_loop3A_2848 = vector.bitcast %parallel_loop3A_2847 : vector<16xi32> to vector<16xf32>
      %parallel_loop3A_2849 = arith.constant 16 : i32
      %parallel_loop3A_2850 = vector.broadcast %parallel_loop3A_2849 : i32 to vector<16xi32>
      %parallel_loop3A_2851 = arith.shli %parallel_loop3A_2816, %parallel_loop3A_2850 : vector<16xi32>
      %parallel_loop3A_2852 = vector.bitcast %parallel_loop3A_2851 : vector<16xi32> to vector<16xf32>
      %parallel_loop3A_2853 = arith.constant -65536 : i32
      %parallel_loop3A_2854 = vector.broadcast %parallel_loop3A_2853 : i32 to vector<16xi32>
      %parallel_loop3A_2855 = arith.andi %parallel_loop3A_2816, %parallel_loop3A_2854 : vector<16xi32>
      %parallel_loop3A_2856 = vector.bitcast %parallel_loop3A_2855 : vector<16xi32> to vector<16xf32>
      %parallel_loop3A_2857 = arith.addf %parallel_loop3A_2820, %parallel_loop3A_2828 : vector<16xf32>
      %parallel_loop3A_2858 = arith.addf %parallel_loop3A_2836, %parallel_loop3A_2844 : vector<16xf32>
      %parallel_loop3A_2859 = arith.addf %parallel_loop3A_2857, %parallel_loop3A_2858 : vector<16xf32>
      %parallel_loop3A_2860 = arith.addf %parallel_loop3A_2859, %parallel_loop3A_2852 : vector<16xf32>
      %parallel_loop3A_2861 = arith.addf %parallel_loop3A_2824, %parallel_loop3A_2832 : vector<16xf32>
      %parallel_loop3A_2862 = arith.addf %parallel_loop3A_2840, %parallel_loop3A_2848 : vector<16xf32>
      %parallel_loop3A_2863 = arith.addf %parallel_loop3A_2861, %parallel_loop3A_2862 : vector<16xf32>
      %parallel_loop3A_2864 = arith.addf %parallel_loop3A_2863, %parallel_loop3A_2856 : vector<16xf32>
      %parallel_loop3A_2865 = arith.constant 8960 : i32
      %parallel_loop3A_2866 = arith.addi %parallel_loop3A_2865, %parallel_loop3A_334 : i32
      %parallel_loop3A_2867 = arith.index_cast %parallel_loop3A_2866 : i32 to index
      %parallel_loop3A_2868 = tpu.vector_load %arg7[%parallel_loop3A_2867] {strides = array<i32>} : memref<36864xf32, #tpu.memory_space<vmem>>, vector<16xf32>,
      tpu.vector_store %arg7[%parallel_loop3A_2867], %parallel_loop3A_2860 {strides = array<i32>} : memref<36864xf32, #tpu.memory_space<vmem>>, vector<16xf32>,
      %parallel_loop3A_2869 = arith.constant 25472 : i32
      %parallel_loop3A_2870 = arith.addi %parallel_loop3A_2869, %parallel_loop3A_334 : i32
      %parallel_loop3A_2871 = arith.index_cast %parallel_loop3A_2870 : i32 to index
      %parallel_loop3A_2872 = tpu.vector_load %arg7[%parallel_loop3A_2871] {strides = array<i32>} : memref<36864xf32, #tpu.memory_space<vmem>>, vector<16xf32>,
      tpu.vector_store %arg7[%parallel_loop3A_2871], %parallel_loop3A_2864 {strides = array<i32>} : memref<36864xf32, #tpu.memory_space<vmem>>, vector<16xf32>,
      %parallel_loop3A_2873 = arith.constant 3200 : i32
      %parallel_loop3A_2874 = tpu.memref_slice %arg6[%parallel_loop3A_2873] : memref<5120xi32, #tpu.memory_space<vmem>> -> memref<128xi32, #tpu.memory_space<vmem>>
      %parallel_loop3A_2875 = tpu.vector_load_idx %parallel_loop3A_2874[%parallel_loop3A_338] : memref<128xi32, #tpu.memory_space<vmem>>[vector<16xi32>], vector<16xi32>,
      %parallel_loop3A_2876 = arith.constant 3200 : i32
      %parallel_loop3A_2877 = tpu.memref_slice %arg6[%parallel_loop3A_2876] : memref<5120xi32, #tpu.memory_space<vmem>> -> memref<128xi32, #tpu.memory_space<vmem>>
      %parallel_loop3A_2878 = tpu.vector_load_idx %parallel_loop3A_2877[%parallel_loop3A_342] : memref<128xi32, #tpu.memory_space<vmem>>[vector<16xi32>], vector<16xi32>,
      %parallel_loop3A_2879 = arith.constant 3200 : i32
      %parallel_loop3A_2880 = tpu.memref_slice %arg6[%parallel_loop3A_2879] : memref<5120xi32, #tpu.memory_space<vmem>> -> memref<128xi32, #tpu.memory_space<vmem>>
      %parallel_loop3A_2881 = tpu.vector_load_idx %parallel_loop3A_2880[%parallel_loop3A_346] : memref<128xi32, #tpu.memory_space<vmem>>[vector<16xi32>], vector<16xi32>,
      %parallel_loop3A_2882 = arith.constant 3200 : i32
      %parallel_loop3A_2883 = tpu.memref_slice %arg6[%parallel_loop3A_2882] : memref<5120xi32, #tpu.memory_space<vmem>> -> memref<128xi32, #tpu.memory_space<vmem>>
      %parallel_loop3A_2884 = tpu.vector_load_idx %parallel_loop3A_2883[%parallel_loop3A_350] : memref<128xi32, #tpu.memory_space<vmem>>[vector<16xi32>], vector<16xi32>,
      %parallel_loop3A_2885 = arith.constant 3200 : i32
      %parallel_loop3A_2886 = tpu.memref_slice %arg6[%parallel_loop3A_2885] : memref<5120xi32, #tpu.memory_space<vmem>> -> memref<128xi32, #tpu.memory_space<vmem>>
      %parallel_loop3A_2887 = tpu.vector_load_idx %parallel_loop3A_2886[%parallel_loop3A_354] : memref<128xi32, #tpu.memory_space<vmem>>[vector<16xi32>], vector<16xi32>,
      %parallel_loop3A_2888 = arith.constant 3200 : i32
      %parallel_loop3A_2889 = tpu.memref_slice %arg6[%parallel_loop3A_2888] : memref<5120xi32, #tpu.memory_space<vmem>> -> memref<128xi32, #tpu.memory_space<vmem>>
      %parallel_loop3A_2890 = tpu.vector_load_idx %parallel_loop3A_2889[%parallel_loop3A_358] : memref<128xi32, #tpu.memory_space<vmem>>[vector<16xi32>], vector<16xi32>,
      %parallel_loop3A_2891 = arith.constant 3200 : i32
      %parallel_loop3A_2892 = tpu.memref_slice %arg6[%parallel_loop3A_2891] : memref<5120xi32, #tpu.memory_space<vmem>> -> memref<128xi32, #tpu.memory_space<vmem>>
      %parallel_loop3A_2893 = tpu.vector_load_idx %parallel_loop3A_2892[%parallel_loop3A_362] : memref<128xi32, #tpu.memory_space<vmem>>[vector<16xi32>], vector<16xi32>,
      %parallel_loop3A_2894 = arith.constant 3200 : i32
      %parallel_loop3A_2895 = tpu.memref_slice %arg6[%parallel_loop3A_2894] : memref<5120xi32, #tpu.memory_space<vmem>> -> memref<128xi32, #tpu.memory_space<vmem>>
      %parallel_loop3A_2896 = tpu.vector_load_idx %parallel_loop3A_2895[%parallel_loop3A_366] : memref<128xi32, #tpu.memory_space<vmem>>[vector<16xi32>], vector<16xi32>,
      %parallel_loop3A_2897 = arith.constant 3200 : i32
      %parallel_loop3A_2898 = tpu.memref_slice %arg6[%parallel_loop3A_2897] : memref<5120xi32, #tpu.memory_space<vmem>> -> memref<128xi32, #tpu.memory_space<vmem>>
      %parallel_loop3A_2899 = tpu.vector_load_idx %parallel_loop3A_2898[%parallel_loop3A_370] : memref<128xi32, #tpu.memory_space<vmem>>[vector<16xi32>], vector<16xi32>,
      %parallel_loop3A_2900 = arith.constant 3200 : i32
      %parallel_loop3A_2901 = tpu.memref_slice %arg6[%parallel_loop3A_2900] : memref<5120xi32, #tpu.memory_space<vmem>> -> memref<128xi32, #tpu.memory_space<vmem>>
      %parallel_loop3A_2902 = tpu.vector_load_idx %parallel_loop3A_2901[%parallel_loop3A_374] : memref<128xi32, #tpu.memory_space<vmem>>[vector<16xi32>], vector<16xi32>,
      %parallel_loop3A_2903 = vector.bitcast %parallel_loop3A_2663 : vector<16xi32> to vector<32xbf16>
      %parallel_loop3A_2904 = vector.bitcast %parallel_loop3A_2666 : vector<16xi32> to vector<32xbf16>
      %parallel_loop3A_2905 = arith.addf %parallel_loop3A_2903, %parallel_loop3A_2904 : vector<32xbf16>
      %parallel_loop3A_2906 = vector.bitcast %parallel_loop3A_2905 : vector<32xbf16> to vector<16xi32>
      %parallel_loop3A_2907 = vector.bitcast %parallel_loop3A_2669 : vector<16xi32> to vector<32xbf16>
      %parallel_loop3A_2908 = vector.bitcast %parallel_loop3A_2672 : vector<16xi32> to vector<32xbf16>
      %parallel_loop3A_2909 = arith.addf %parallel_loop3A_2907, %parallel_loop3A_2908 : vector<32xbf16>
      %parallel_loop3A_2910 = vector.bitcast %parallel_loop3A_2909 : vector<32xbf16> to vector<16xi32>
      %parallel_loop3A_2911 = vector.bitcast %parallel_loop3A_2675 : vector<16xi32> to vector<32xbf16>
      %parallel_loop3A_2912 = vector.bitcast %parallel_loop3A_2678 : vector<16xi32> to vector<32xbf16>
      %parallel_loop3A_2913 = arith.addf %parallel_loop3A_2911, %parallel_loop3A_2912 : vector<32xbf16>
      %parallel_loop3A_2914 = vector.bitcast %parallel_loop3A_2913 : vector<32xbf16> to vector<16xi32>
      %parallel_loop3A_2915 = vector.bitcast %parallel_loop3A_2681 : vector<16xi32> to vector<32xbf16>
      %parallel_loop3A_2916 = vector.bitcast %parallel_loop3A_2684 : vector<16xi32> to vector<32xbf16>
      %parallel_loop3A_2917 = arith.addf %parallel_loop3A_2915, %parallel_loop3A_2916 : vector<32xbf16>
      %parallel_loop3A_2918 = vector.bitcast %parallel_loop3A_2917 : vector<32xbf16> to vector<16xi32>
      %parallel_loop3A_2919 = vector.bitcast %parallel_loop3A_2687 : vector<16xi32> to vector<32xbf16>
      %parallel_loop3A_2920 = vector.bitcast %parallel_loop3A_2690 : vector<16xi32> to vector<32xbf16>
      %parallel_loop3A_2921 = arith.addf %parallel_loop3A_2919, %parallel_loop3A_2920 : vector<32xbf16>
      %parallel_loop3A_2922 = vector.bitcast %parallel_loop3A_2921 : vector<32xbf16> to vector<16xi32>
      %parallel_loop3A_2923 = arith.constant 16 : i32
      %parallel_loop3A_2924 = vector.broadcast %parallel_loop3A_2923 : i32 to vector<16xi32>
      %parallel_loop3A_2925 = arith.shli %parallel_loop3A_2906, %parallel_loop3A_2924 : vector<16xi32>
      %parallel_loop3A_2926 = vector.bitcast %parallel_loop3A_2925 : vector<16xi32> to vector<16xf32>
      %parallel_loop3A_2927 = arith.constant -65536 : i32
      %parallel_loop3A_2928 = vector.broadcast %parallel_loop3A_2927 : i32 to vector<16xi32>
      %parallel_loop3A_2929 = arith.andi %parallel_loop3A_2906, %parallel_loop3A_2928 : vector<16xi32>
      %parallel_loop3A_2930 = vector.bitcast %parallel_loop3A_2929 : vector<16xi32> to vector<16xf32>
      %parallel_loop3A_2931 = arith.constant 16 : i32
      %parallel_loop3A_2932 = vector.broadcast %parallel_loop3A_2931 : i32 to vector<16xi32>
      %parallel_loop3A_2933 = arith.shli %parallel_loop3A_2910, %parallel_loop3A_2932 : vector<16xi32>
      %parallel_loop3A_2934 = vector.bitcast %parallel_loop3A_2933 : vector<16xi32> to vector<16xf32>
      %parallel_loop3A_2935 = arith.constant -65536 : i32
      %parallel_loop3A_2936 = vector.broadcast %parallel_loop3A_2935 : i32 to vector<16xi32>
      %parallel_loop3A_2937 = arith.andi %parallel_loop3A_2910, %parallel_loop3A_2936 : vector<16xi32>
      %parallel_loop3A_2938 = vector.bitcast %parallel_loop3A_2937 : vector<16xi32> to vector<16xf32>
      %parallel_loop3A_2939 = arith.constant 16 : i32
      %parallel_loop3A_2940 = vector.broadcast %parallel_loop3A_2939 : i32 to vector<16xi32>
      %parallel_loop3A_2941 = arith.shli %parallel_loop3A_2914, %parallel_loop3A_2940 : vector<16xi32>
      %parallel_loop3A_2942 = vector.bitcast %parallel_loop3A_2941 : vector<16xi32> to vector<16xf32>
      %parallel_loop3A_2943 = arith.constant -65536 : i32
      %parallel_loop3A_2944 = vector.broadcast %parallel_loop3A_2943 : i32 to vector<16xi32>
      %parallel_loop3A_2945 = arith.andi %parallel_loop3A_2914, %parallel_loop3A_2944 : vector<16xi32>
      %parallel_loop3A_2946 = vector.bitcast %parallel_loop3A_2945 : vector<16xi32> to vector<16xf32>
      %parallel_loop3A_2947 = arith.constant 16 : i32
      %parallel_loop3A_2948 = vector.broadcast %parallel_loop3A_2947 : i32 to vector<16xi32>
      %parallel_loop3A_2949 = arith.shli %parallel_loop3A_2918, %parallel_loop3A_2948 : vector<16xi32>
      %parallel_loop3A_2950 = vector.bitcast %parallel_loop3A_2949 : vector<16xi32> to vector<16xf32>
      %parallel_loop3A_2951 = arith.constant -65536 : i32
      %parallel_loop3A_2952 = vector.broadcast %parallel_loop3A_2951 : i32 to vector<16xi32>
      %parallel_loop3A_2953 = arith.andi %parallel_loop3A_2918, %parallel_loop3A_2952 : vector<16xi32>
      %parallel_loop3A_2954 = vector.bitcast %parallel_loop3A_2953 : vector<16xi32> to vector<16xf32>
      %parallel_loop3A_2955 = arith.constant 16 : i32
      %parallel_loop3A_2956 = vector.broadcast %parallel_loop3A_2955 : i32 to vector<16xi32>
      %parallel_loop3A_2957 = arith.shli %parallel_loop3A_2922, %parallel_loop3A_2956 : vector<16xi32>
      %parallel_loop3A_2958 = vector.bitcast %parallel_loop3A_2957 : vector<16xi32> to vector<16xf32>
      %parallel_loop3A_2959 = arith.constant -65536 : i32
      %parallel_loop3A_2960 = vector.broadcast %parallel_loop3A_2959 : i32 to vector<16xi32>
      %parallel_loop3A_2961 = arith.andi %parallel_loop3A_2922, %parallel_loop3A_2960 : vector<16xi32>
      %parallel_loop3A_2962 = vector.bitcast %parallel_loop3A_2961 : vector<16xi32> to vector<16xf32>
      %parallel_loop3A_2963 = arith.addf %parallel_loop3A_2926, %parallel_loop3A_2934 : vector<16xf32>
      %parallel_loop3A_2964 = arith.addf %parallel_loop3A_2942, %parallel_loop3A_2950 : vector<16xf32>
      %parallel_loop3A_2965 = arith.addf %parallel_loop3A_2963, %parallel_loop3A_2964 : vector<16xf32>
      %parallel_loop3A_2966 = arith.addf %parallel_loop3A_2965, %parallel_loop3A_2958 : vector<16xf32>
      %parallel_loop3A_2967 = arith.addf %parallel_loop3A_2930, %parallel_loop3A_2938 : vector<16xf32>
      %parallel_loop3A_2968 = arith.addf %parallel_loop3A_2946, %parallel_loop3A_2954 : vector<16xf32>
      %parallel_loop3A_2969 = arith.addf %parallel_loop3A_2967, %parallel_loop3A_2968 : vector<16xf32>
      %parallel_loop3A_2970 = arith.addf %parallel_loop3A_2969, %parallel_loop3A_2962 : vector<16xf32>
      %parallel_loop3A_2971 = arith.constant 9088 : i32
      %parallel_loop3A_2972 = arith.addi %parallel_loop3A_2971, %parallel_loop3A_334 : i32
      %parallel_loop3A_2973 = arith.index_cast %parallel_loop3A_2972 : i32 to index
      %parallel_loop3A_2974 = tpu.vector_load %arg7[%parallel_loop3A_2973] {strides = array<i32>} : memref<36864xf32, #tpu.memory_space<vmem>>, vector<16xf32>,
      tpu.vector_store %arg7[%parallel_loop3A_2973], %parallel_loop3A_2966 {strides = array<i32>} : memref<36864xf32, #tpu.memory_space<vmem>>, vector<16xf32>,
      %parallel_loop3A_2975 = arith.constant 28672 : i32
      %parallel_loop3A_2976 = arith.addi %parallel_loop3A_2975, %parallel_loop3A_334 : i32
      %parallel_loop3A_2977 = arith.index_cast %parallel_loop3A_2976 : i32 to index
      %parallel_loop3A_2978 = tpu.vector_load %arg7[%parallel_loop3A_2977] {strides = array<i32>} : memref<36864xf32, #tpu.memory_space<vmem>>, vector<16xf32>,
      tpu.vector_store %arg7[%parallel_loop3A_2977], %parallel_loop3A_2970 {strides = array<i32>} : memref<36864xf32, #tpu.memory_space<vmem>>, vector<16xf32>,
      %parallel_loop3A_2979 = arith.constant 3328 : i32
      %parallel_loop3A_2980 = tpu.memref_slice %arg6[%parallel_loop3A_2979] : memref<5120xi32, #tpu.memory_space<vmem>> -> memref<128xi32, #tpu.memory_space<vmem>>
      %parallel_loop3A_2981 = tpu.vector_load_idx %parallel_loop3A_2980[%parallel_loop3A_338] : memref<128xi32, #tpu.memory_space<vmem>>[vector<16xi32>], vector<16xi32>,
      %parallel_loop3A_2982 = arith.constant 3328 : i32
      %parallel_loop3A_2983 = tpu.memref_slice %arg6[%parallel_loop3A_2982] : memref<5120xi32, #tpu.memory_space<vmem>> -> memref<128xi32, #tpu.memory_space<vmem>>
      %parallel_loop3A_2984 = tpu.vector_load_idx %parallel_loop3A_2983[%parallel_loop3A_342] : memref<128xi32, #tpu.memory_space<vmem>>[vector<16xi32>], vector<16xi32>,
      %parallel_loop3A_2985 = arith.constant 3328 : i32
      %parallel_loop3A_2986 = tpu.memref_slice %arg6[%parallel_loop3A_2985] : memref<5120xi32, #tpu.memory_space<vmem>> -> memref<128xi32, #tpu.memory_space<vmem>>
      %parallel_loop3A_2987 = tpu.vector_load_idx %parallel_loop3A_2986[%parallel_loop3A_346] : memref<128xi32, #tpu.memory_space<vmem>>[vector<16xi32>], vector<16xi32>,
      %parallel_loop3A_2988 = arith.constant 3328 : i32
      %parallel_loop3A_2989 = tpu.memref_slice %arg6[%parallel_loop3A_2988] : memref<5120xi32, #tpu.memory_space<vmem>> -> memref<128xi32, #tpu.memory_space<vmem>>
      %parallel_loop3A_2990 = tpu.vector_load_idx %parallel_loop3A_2989[%parallel_loop3A_350] : memref<128xi32, #tpu.memory_space<vmem>>[vector<16xi32>], vector<16xi32>,
      %parallel_loop3A_2991 = arith.constant 3328 : i32
      %parallel_loop3A_2992 = tpu.memref_slice %arg6[%parallel_loop3A_2991] : memref<5120xi32, #tpu.memory_space<vmem>> -> memref<128xi32, #tpu.memory_space<vmem>>
      %parallel_loop3A_2993 = tpu.vector_load_idx %parallel_loop3A_2992[%parallel_loop3A_354] : memref<128xi32, #tpu.memory_space<vmem>>[vector<16xi32>], vector<16xi32>,
      %parallel_loop3A_2994 = arith.constant 3328 : i32
      %parallel_loop3A_2995 = tpu.memref_slice %arg6[%parallel_loop3A_2994] : memref<5120xi32, #tpu.memory_space<vmem>> -> memref<128xi32, #tpu.memory_space<vmem>>
      %parallel_loop3A_2996 = tpu.vector_load_idx %parallel_loop3A_2995[%parallel_loop3A_358] : memref<128xi32, #tpu.memory_space<vmem>>[vector<16xi32>], vector<16xi32>,
      %parallel_loop3A_2997 = arith.constant 3328 : i32
      %parallel_loop3A_2998 = tpu.memref_slice %arg6[%parallel_loop3A_2997] : memref<5120xi32, #tpu.memory_space<vmem>> -> memref<128xi32, #tpu.memory_space<vmem>>
      %parallel_loop3A_2999 = tpu.vector_load_idx %parallel_loop3A_2998[%parallel_loop3A_362] : memref<128xi32, #tpu.memory_space<vmem>>[vector<16xi32>], vector<16xi32>,
      %parallel_loop3A_3000 = arith.constant 3328 : i32
      %parallel_loop3A_3001 = tpu.memref_slice %arg6[%parallel_loop3A_3000] : memref<5120xi32, #tpu.memory_space<vmem>> -> memref<128xi32, #tpu.memory_space<vmem>>
      %parallel_loop3A_3002 = tpu.vector_load_idx %parallel_loop3A_3001[%parallel_loop3A_366] : memref<128xi32, #tpu.memory_space<vmem>>[vector<16xi32>], vector<16xi32>,
      %parallel_loop3A_3003 = arith.constant 3328 : i32
      %parallel_loop3A_3004 = tpu.memref_slice %arg6[%parallel_loop3A_3003] : memref<5120xi32, #tpu.memory_space<vmem>> -> memref<128xi32, #tpu.memory_space<vmem>>
      %parallel_loop3A_3005 = tpu.vector_load_idx %parallel_loop3A_3004[%parallel_loop3A_370] : memref<128xi32, #tpu.memory_space<vmem>>[vector<16xi32>], vector<16xi32>,
      %parallel_loop3A_3006 = arith.constant 3328 : i32
      %parallel_loop3A_3007 = tpu.memref_slice %arg6[%parallel_loop3A_3006] : memref<5120xi32, #tpu.memory_space<vmem>> -> memref<128xi32, #tpu.memory_space<vmem>>
      %parallel_loop3A_3008 = tpu.vector_load_idx %parallel_loop3A_3007[%parallel_loop3A_374] : memref<128xi32, #tpu.memory_space<vmem>>[vector<16xi32>], vector<16xi32>,
      %parallel_loop3A_3009 = vector.bitcast %parallel_loop3A_2769 : vector<16xi32> to vector<32xbf16>
      %parallel_loop3A_3010 = vector.bitcast %parallel_loop3A_2772 : vector<16xi32> to vector<32xbf16>
      %parallel_loop3A_3011 = arith.addf %parallel_loop3A_3009, %parallel_loop3A_3010 : vector<32xbf16>
      %parallel_loop3A_3012 = vector.bitcast %parallel_loop3A_3011 : vector<32xbf16> to vector<16xi32>
      %parallel_loop3A_3013 = vector.bitcast %parallel_loop3A_2775 : vector<16xi32> to vector<32xbf16>
      %parallel_loop3A_3014 = vector.bitcast %parallel_loop3A_2778 : vector<16xi32> to vector<32xbf16>
      %parallel_loop3A_3015 = arith.addf %parallel_loop3A_3013, %parallel_loop3A_3014 : vector<32xbf16>
      %parallel_loop3A_3016 = vector.bitcast %parallel_loop3A_3015 : vector<32xbf16> to vector<16xi32>
      %parallel_loop3A_3017 = vector.bitcast %parallel_loop3A_2781 : vector<16xi32> to vector<32xbf16>
      %parallel_loop3A_3018 = vector.bitcast %parallel_loop3A_2784 : vector<16xi32> to vector<32xbf16>
      %parallel_loop3A_3019 = arith.addf %parallel_loop3A_3017, %parallel_loop3A_3018 : vector<32xbf16>
      %parallel_loop3A_3020 = vector.bitcast %parallel_loop3A_3019 : vector<32xbf16> to vector<16xi32>
      %parallel_loop3A_3021 = vector.bitcast %parallel_loop3A_2787 : vector<16xi32> to vector<32xbf16>
      %parallel_loop3A_3022 = vector.bitcast %parallel_loop3A_2790 : vector<16xi32> to vector<32xbf16>
      %parallel_loop3A_3023 = arith.addf %parallel_loop3A_3021, %parallel_loop3A_3022 : vector<32xbf16>
      %parallel_loop3A_3024 = vector.bitcast %parallel_loop3A_3023 : vector<32xbf16> to vector<16xi32>
      %parallel_loop3A_3025 = vector.bitcast %parallel_loop3A_2793 : vector<16xi32> to vector<32xbf16>
      %parallel_loop3A_3026 = vector.bitcast %parallel_loop3A_2796 : vector<16xi32> to vector<32xbf16>
      %parallel_loop3A_3027 = arith.addf %parallel_loop3A_3025, %parallel_loop3A_3026 : vector<32xbf16>
      %parallel_loop3A_3028 = vector.bitcast %parallel_loop3A_3027 : vector<32xbf16> to vector<16xi32>
      %parallel_loop3A_3029 = arith.constant 16 : i32
      %parallel_loop3A_3030 = vector.broadcast %parallel_loop3A_3029 : i32 to vector<16xi32>
      %parallel_loop3A_3031 = arith.shli %parallel_loop3A_3012, %parallel_loop3A_3030 : vector<16xi32>
      %parallel_loop3A_3032 = vector.bitcast %parallel_loop3A_3031 : vector<16xi32> to vector<16xf32>
      %parallel_loop3A_3033 = arith.constant -65536 : i32
      %parallel_loop3A_3034 = vector.broadcast %parallel_loop3A_3033 : i32 to vector<16xi32>
      %parallel_loop3A_3035 = arith.andi %parallel_loop3A_3012, %parallel_loop3A_3034 : vector<16xi32>
      %parallel_loop3A_3036 = vector.bitcast %parallel_loop3A_3035 : vector<16xi32> to vector<16xf32>
      %parallel_loop3A_3037 = arith.constant 16 : i32
      %parallel_loop3A_3038 = vector.broadcast %parallel_loop3A_3037 : i32 to vector<16xi32>
      %parallel_loop3A_3039 = arith.shli %parallel_loop3A_3016, %parallel_loop3A_3038 : vector<16xi32>
      %parallel_loop3A_3040 = vector.bitcast %parallel_loop3A_3039 : vector<16xi32> to vector<16xf32>
      %parallel_loop3A_3041 = arith.constant -65536 : i32
      %parallel_loop3A_3042 = vector.broadcast %parallel_loop3A_3041 : i32 to vector<16xi32>
      %parallel_loop3A_3043 = arith.andi %parallel_loop3A_3016, %parallel_loop3A_3042 : vector<16xi32>
      %parallel_loop3A_3044 = vector.bitcast %parallel_loop3A_3043 : vector<16xi32> to vector<16xf32>
      %parallel_loop3A_3045 = arith.constant 16 : i32
      %parallel_loop3A_3046 = vector.broadcast %parallel_loop3A_3045 : i32 to vector<16xi32>
      %parallel_loop3A_3047 = arith.shli %parallel_loop3A_3020, %parallel_loop3A_3046 : vector<16xi32>
      %parallel_loop3A_3048 = vector.bitcast %parallel_loop3A_3047 : vector<16xi32> to vector<16xf32>
      %parallel_loop3A_3049 = arith.constant -65536 : i32
      %parallel_loop3A_3050 = vector.broadcast %parallel_loop3A_3049 : i32 to vector<16xi32>
      %parallel_loop3A_3051 = arith.andi %parallel_loop3A_3020, %parallel_loop3A_3050 : vector<16xi32>
      %parallel_loop3A_3052 = vector.bitcast %parallel_loop3A_3051 : vector<16xi32> to vector<16xf32>
      %parallel_loop3A_3053 = arith.constant 16 : i32
      %parallel_loop3A_3054 = vector.broadcast %parallel_loop3A_3053 : i32 to vector<16xi32>
      %parallel_loop3A_3055 = arith.shli %parallel_loop3A_3024, %parallel_loop3A_3054 : vector<16xi32>
      %parallel_loop3A_3056 = vector.bitcast %parallel_loop3A_3055 : vector<16xi32> to vector<16xf32>
      %parallel_loop3A_3057 = arith.constant -65536 : i32
      %parallel_loop3A_3058 = vector.broadcast %parallel_loop3A_3057 : i32 to vector<16xi32>
      %parallel_loop3A_3059 = arith.andi %parallel_loop3A_3024, %parallel_loop3A_3058 : vector<16xi32>
      %parallel_loop3A_3060 = vector.bitcast %parallel_loop3A_3059 : vector<16xi32> to vector<16xf32>
      %parallel_loop3A_3061 = arith.constant 16 : i32
      %parallel_loop3A_3062 = vector.broadcast %parallel_loop3A_3061 : i32 to vector<16xi32>
      %parallel_loop3A_3063 = arith.shli %parallel_loop3A_3028, %parallel_loop3A_3062 : vector<16xi32>
      %parallel_loop3A_3064 = vector.bitcast %parallel_loop3A_3063 : vector<16xi32> to vector<16xf32>
      %parallel_loop3A_3065 = arith.constant -65536 : i32
      %parallel_loop3A_3066 = vector.broadcast %parallel_loop3A_3065 : i32 to vector<16xi32>
      %parallel_loop3A_3067 = arith.andi %parallel_loop3A_3028, %parallel_loop3A_3066 : vector<16xi32>
      %parallel_loop3A_3068 = vector.bitcast %parallel_loop3A_3067 : vector<16xi32> to vector<16xf32>
      %parallel_loop3A_3069 = arith.addf %parallel_loop3A_3032, %parallel_loop3A_3040 : vector<16xf32>
      %parallel_loop3A_3070 = arith.addf %parallel_loop3A_3048, %parallel_loop3A_3056 : vector<16xf32>
      %parallel_loop3A_3071 = arith.addf %parallel_loop3A_3069, %parallel_loop3A_3070 : vector<16xf32>
      %parallel_loop3A_3072 = arith.addf %parallel_loop3A_3071, %parallel_loop3A_3064 : vector<16xf32>
      %parallel_loop3A_3073 = arith.addf %parallel_loop3A_3036, %parallel_loop3A_3044 : vector<16xf32>
      %parallel_loop3A_3074 = arith.addf %parallel_loop3A_3052, %parallel_loop3A_3060 : vector<16xf32>
      %parallel_loop3A_3075 = arith.addf %parallel_loop3A_3073, %parallel_loop3A_3074 : vector<16xf32>
      %parallel_loop3A_3076 = arith.addf %parallel_loop3A_3075, %parallel_loop3A_3068 : vector<16xf32>
      %parallel_loop3A_3077 = arith.constant 12288 : i32
      %parallel_loop3A_3078 = arith.addi %parallel_loop3A_3077, %parallel_loop3A_334 : i32
      %parallel_loop3A_3079 = arith.index_cast %parallel_loop3A_3078 : i32 to index
      %parallel_loop3A_3080 = tpu.vector_load %arg7[%parallel_loop3A_3079] {strides = array<i32>} : memref<36864xf32, #tpu.memory_space<vmem>>, vector<16xf32>,
      tpu.vector_store %arg7[%parallel_loop3A_3079], %parallel_loop3A_3072 {strides = array<i32>} : memref<36864xf32, #tpu.memory_space<vmem>>, vector<16xf32>,
      %parallel_loop3A_3081 = arith.constant 28800 : i32
      %parallel_loop3A_3082 = arith.addi %parallel_loop3A_3081, %parallel_loop3A_334 : i32
      %parallel_loop3A_3083 = arith.index_cast %parallel_loop3A_3082 : i32 to index
      %parallel_loop3A_3084 = tpu.vector_load %arg7[%parallel_loop3A_3083] {strides = array<i32>} : memref<36864xf32, #tpu.memory_space<vmem>>, vector<16xf32>,
      tpu.vector_store %arg7[%parallel_loop3A_3083], %parallel_loop3A_3076 {strides = array<i32>} : memref<36864xf32, #tpu.memory_space<vmem>>, vector<16xf32>,
      %parallel_loop3A_3085 = arith.constant 3456 : i32
      %parallel_loop3A_3086 = tpu.memref_slice %arg6[%parallel_loop3A_3085] : memref<5120xi32, #tpu.memory_space<vmem>> -> memref<128xi32, #tpu.memory_space<vmem>>
      %parallel_loop3A_3087 = tpu.vector_load_idx %parallel_loop3A_3086[%parallel_loop3A_338] : memref<128xi32, #tpu.memory_space<vmem>>[vector<16xi32>], vector<16xi32>,
      %parallel_loop3A_3088 = arith.constant 3456 : i32
      %parallel_loop3A_3089 = tpu.memref_slice %arg6[%parallel_loop3A_3088] : memref<5120xi32, #tpu.memory_space<vmem>> -> memref<128xi32, #tpu.memory_space<vmem>>
      %parallel_loop3A_3090 = tpu.vector_load_idx %parallel_loop3A_3089[%parallel_loop3A_342] : memref<128xi32, #tpu.memory_space<vmem>>[vector<16xi32>], vector<16xi32>,
      %parallel_loop3A_3091 = arith.constant 3456 : i32
      %parallel_loop3A_3092 = tpu.memref_slice %arg6[%parallel_loop3A_3091] : memref<5120xi32, #tpu.memory_space<vmem>> -> memref<128xi32, #tpu.memory_space<vmem>>
      %parallel_loop3A_3093 = tpu.vector_load_idx %parallel_loop3A_3092[%parallel_loop3A_346] : memref<128xi32, #tpu.memory_space<vmem>>[vector<16xi32>], vector<16xi32>,
      %parallel_loop3A_3094 = arith.constant 3456 : i32
      %parallel_loop3A_3095 = tpu.memref_slice %arg6[%parallel_loop3A_3094] : memref<5120xi32, #tpu.memory_space<vmem>> -> memref<128xi32, #tpu.memory_space<vmem>>
      %parallel_loop3A_3096 = tpu.vector_load_idx %parallel_loop3A_3095[%parallel_loop3A_350] : memref<128xi32, #tpu.memory_space<vmem>>[vector<16xi32>], vector<16xi32>,
      %parallel_loop3A_3097 = arith.constant 3456 : i32
      %parallel_loop3A_3098 = tpu.memref_slice %arg6[%parallel_loop3A_3097] : memref<5120xi32, #tpu.memory_space<vmem>> -> memref<128xi32, #tpu.memory_space<vmem>>
      %parallel_loop3A_3099 = tpu.vector_load_idx %parallel_loop3A_3098[%parallel_loop3A_354] : memref<128xi32, #tpu.memory_space<vmem>>[vector<16xi32>], vector<16xi32>,
      %parallel_loop3A_3100 = arith.constant 3456 : i32
      %parallel_loop3A_3101 = tpu.memref_slice %arg6[%parallel_loop3A_3100] : memref<5120xi32, #tpu.memory_space<vmem>> -> memref<128xi32, #tpu.memory_space<vmem>>
      %parallel_loop3A_3102 = tpu.vector_load_idx %parallel_loop3A_3101[%parallel_loop3A_358] : memref<128xi32, #tpu.memory_space<vmem>>[vector<16xi32>], vector<16xi32>,
      %parallel_loop3A_3103 = arith.constant 3456 : i32
      %parallel_loop3A_3104 = tpu.memref_slice %arg6[%parallel_loop3A_3103] : memref<5120xi32, #tpu.memory_space<vmem>> -> memref<128xi32, #tpu.memory_space<vmem>>
      %parallel_loop3A_3105 = tpu.vector_load_idx %parallel_loop3A_3104[%parallel_loop3A_362] : memref<128xi32, #tpu.memory_space<vmem>>[vector<16xi32>], vector<16xi32>,
      %parallel_loop3A_3106 = arith.constant 3456 : i32
      %parallel_loop3A_3107 = tpu.memref_slice %arg6[%parallel_loop3A_3106] : memref<5120xi32, #tpu.memory_space<vmem>> -> memref<128xi32, #tpu.memory_space<vmem>>
      %parallel_loop3A_3108 = tpu.vector_load_idx %parallel_loop3A_3107[%parallel_loop3A_366] : memref<128xi32, #tpu.memory_space<vmem>>[vector<16xi32>], vector<16xi32>,
      %parallel_loop3A_3109 = arith.constant 3456 : i32
      %parallel_loop3A_3110 = tpu.memref_slice %arg6[%parallel_loop3A_3109] : memref<5120xi32, #tpu.memory_space<vmem>> -> memref<128xi32, #tpu.memory_space<vmem>>
      %parallel_loop3A_3111 = tpu.vector_load_idx %parallel_loop3A_3110[%parallel_loop3A_370] : memref<128xi32, #tpu.memory_space<vmem>>[vector<16xi32>], vector<16xi32>,
      %parallel_loop3A_3112 = arith.constant 3456 : i32
      %parallel_loop3A_3113 = tpu.memref_slice %arg6[%parallel_loop3A_3112] : memref<5120xi32, #tpu.memory_space<vmem>> -> memref<128xi32, #tpu.memory_space<vmem>>
      %parallel_loop3A_3114 = tpu.vector_load_idx %parallel_loop3A_3113[%parallel_loop3A_374] : memref<128xi32, #tpu.memory_space<vmem>>[vector<16xi32>], vector<16xi32>,
      %parallel_loop3A_3115 = vector.bitcast %parallel_loop3A_2875 : vector<16xi32> to vector<32xbf16>
      %parallel_loop3A_3116 = vector.bitcast %parallel_loop3A_2878 : vector<16xi32> to vector<32xbf16>
      %parallel_loop3A_3117 = arith.addf %parallel_loop3A_3115, %parallel_loop3A_3116 : vector<32xbf16>
      %parallel_loop3A_3118 = vector.bitcast %parallel_loop3A_3117 : vector<32xbf16> to vector<16xi32>
      %parallel_loop3A_3119 = vector.bitcast %parallel_loop3A_2881 : vector<16xi32> to vector<32xbf16>
      %parallel_loop3A_3120 = vector.bitcast %parallel_loop3A_2884 : vector<16xi32> to vector<32xbf16>
      %parallel_loop3A_3121 = arith.addf %parallel_loop3A_3119, %parallel_loop3A_3120 : vector<32xbf16>
      %parallel_loop3A_3122 = vector.bitcast %parallel_loop3A_3121 : vector<32xbf16> to vector<16xi32>
      %parallel_loop3A_3123 = vector.bitcast %parallel_loop3A_2887 : vector<16xi32> to vector<32xbf16>
      %parallel_loop3A_3124 = vector.bitcast %parallel_loop3A_2890 : vector<16xi32> to vector<32xbf16>
      %parallel_loop3A_3125 = arith.addf %parallel_loop3A_3123, %parallel_loop3A_3124 : vector<32xbf16>
      %parallel_loop3A_3126 = vector.bitcast %parallel_loop3A_3125 : vector<32xbf16> to vector<16xi32>
      %parallel_loop3A_3127 = vector.bitcast %parallel_loop3A_2893 : vector<16xi32> to vector<32xbf16>
      %parallel_loop3A_3128 = vector.bitcast %parallel_loop3A_2896 : vector<16xi32> to vector<32xbf16>
      %parallel_loop3A_3129 = arith.addf %parallel_loop3A_3127, %parallel_loop3A_3128 : vector<32xbf16>
      %parallel_loop3A_3130 = vector.bitcast %parallel_loop3A_3129 : vector<32xbf16> to vector<16xi32>
      %parallel_loop3A_3131 = vector.bitcast %parallel_loop3A_2899 : vector<16xi32> to vector<32xbf16>
      %parallel_loop3A_3132 = vector.bitcast %parallel_loop3A_2902 : vector<16xi32> to vector<32xbf16>
      %parallel_loop3A_3133 = arith.addf %parallel_loop3A_3131, %parallel_loop3A_3132 : vector<32xbf16>
      %parallel_loop3A_3134 = vector.bitcast %parallel_loop3A_3133 : vector<32xbf16> to vector<16xi32>
      %parallel_loop3A_3135 = arith.constant 16 : i32
      %parallel_loop3A_3136 = vector.broadcast %parallel_loop3A_3135 : i32 to vector<16xi32>
      %parallel_loop3A_3137 = arith.shli %parallel_loop3A_3118, %parallel_loop3A_3136 : vector<16xi32>
      %parallel_loop3A_3138 = vector.bitcast %parallel_loop3A_3137 : vector<16xi32> to vector<16xf32>
      %parallel_loop3A_3139 = arith.constant -65536 : i32
      %parallel_loop3A_3140 = vector.broadcast %parallel_loop3A_3139 : i32 to vector<16xi32>
      %parallel_loop3A_3141 = arith.andi %parallel_loop3A_3118, %parallel_loop3A_3140 : vector<16xi32>
      %parallel_loop3A_3142 = vector.bitcast %parallel_loop3A_3141 : vector<16xi32> to vector<16xf32>
      %parallel_loop3A_3143 = arith.constant 16 : i32
      %parallel_loop3A_3144 = vector.broadcast %parallel_loop3A_3143 : i32 to vector<16xi32>
      %parallel_loop3A_3145 = arith.shli %parallel_loop3A_3122, %parallel_loop3A_3144 : vector<16xi32>
      %parallel_loop3A_3146 = vector.bitcast %parallel_loop3A_3145 : vector<16xi32> to vector<16xf32>
      %parallel_loop3A_3147 = arith.constant -65536 : i32
      %parallel_loop3A_3148 = vector.broadcast %parallel_loop3A_3147 : i32 to vector<16xi32>
      %parallel_loop3A_3149 = arith.andi %parallel_loop3A_3122, %parallel_loop3A_3148 : vector<16xi32>
      %parallel_loop3A_3150 = vector.bitcast %parallel_loop3A_3149 : vector<16xi32> to vector<16xf32>
      %parallel_loop3A_3151 = arith.constant 16 : i32
      %parallel_loop3A_3152 = vector.broadcast %parallel_loop3A_3151 : i32 to vector<16xi32>
      %parallel_loop3A_3153 = arith.shli %parallel_loop3A_3126, %parallel_loop3A_3152 : vector<16xi32>
      %parallel_loop3A_3154 = vector.bitcast %parallel_loop3A_3153 : vector<16xi32> to vector<16xf32>
      %parallel_loop3A_3155 = arith.constant -65536 : i32
      %parallel_loop3A_3156 = vector.broadcast %parallel_loop3A_3155 : i32 to vector<16xi32>
      %parallel_loop3A_3157 = arith.andi %parallel_loop3A_3126, %parallel_loop3A_3156 : vector<16xi32>
      %parallel_loop3A_3158 = vector.bitcast %parallel_loop3A_3157 : vector<16xi32> to vector<16xf32>
      %parallel_loop3A_3159 = arith.constant 16 : i32
      %parallel_loop3A_3160 = vector.broadcast %parallel_loop3A_3159 : i32 to vector<16xi32>
      %parallel_loop3A_3161 = arith.shli %parallel_loop3A_3130, %parallel_loop3A_3160 : vector<16xi32>
      %parallel_loop3A_3162 = vector.bitcast %parallel_loop3A_3161 : vector<16xi32> to vector<16xf32>
      %parallel_loop3A_3163 = arith.constant -65536 : i32
      %parallel_loop3A_3164 = vector.broadcast %parallel_loop3A_3163 : i32 to vector<16xi32>
      %parallel_loop3A_3165 = arith.andi %parallel_loop3A_3130, %parallel_loop3A_3164 : vector<16xi32>
      %parallel_loop3A_3166 = vector.bitcast %parallel_loop3A_3165 : vector<16xi32> to vector<16xf32>
      %parallel_loop3A_3167 = arith.constant 16 : i32
      %parallel_loop3A_3168 = vector.broadcast %parallel_loop3A_3167 : i32 to vector<16xi32>
      %parallel_loop3A_3169 = arith.shli %parallel_loop3A_3134, %parallel_loop3A_3168 : vector<16xi32>
      %parallel_loop3A_3170 = vector.bitcast %parallel_loop3A_3169 : vector<16xi32> to vector<16xf32>
      %parallel_loop3A_3171 = arith.constant -65536 : i32
      %parallel_loop3A_3172 = vector.broadcast %parallel_loop3A_3171 : i32 to vector<16xi32>
      %parallel_loop3A_3173 = arith.andi %parallel_loop3A_3134, %parallel_loop3A_3172 : vector<16xi32>
      %parallel_loop3A_3174 = vector.bitcast %parallel_loop3A_3173 : vector<16xi32> to vector<16xf32>
      %parallel_loop3A_3175 = arith.addf %parallel_loop3A_3138, %parallel_loop3A_3146 : vector<16xf32>
      %parallel_loop3A_3176 = arith.addf %parallel_loop3A_3154, %parallel_loop3A_3162 : vector<16xf32>
      %parallel_loop3A_3177 = arith.addf %parallel_loop3A_3175, %parallel_loop3A_3176 : vector<16xf32>
      %parallel_loop3A_3178 = arith.addf %parallel_loop3A_3177, %parallel_loop3A_3170 : vector<16xf32>
      %parallel_loop3A_3179 = arith.addf %parallel_loop3A_3142, %parallel_loop3A_3150 : vector<16xf32>
      %parallel_loop3A_3180 = arith.addf %parallel_loop3A_3158, %parallel_loop3A_3166 : vector<16xf32>
      %parallel_loop3A_3181 = arith.addf %parallel_loop3A_3179, %parallel_loop3A_3180 : vector<16xf32>
      %parallel_loop3A_3182 = arith.addf %parallel_loop3A_3181, %parallel_loop3A_3174 : vector<16xf32>
      %parallel_loop3A_3183 = arith.constant 12416 : i32
      %parallel_loop3A_3184 = arith.addi %parallel_loop3A_3183, %parallel_loop3A_334 : i32
      %parallel_loop3A_3185 = arith.index_cast %parallel_loop3A_3184 : i32 to index
      %parallel_loop3A_3186 = tpu.vector_load %arg7[%parallel_loop3A_3185] {strides = array<i32>} : memref<36864xf32, #tpu.memory_space<vmem>>, vector<16xf32>,
      tpu.vector_store %arg7[%parallel_loop3A_3185], %parallel_loop3A_3178 {strides = array<i32>} : memref<36864xf32, #tpu.memory_space<vmem>>, vector<16xf32>,
      %parallel_loop3A_3187 = arith.constant 28928 : i32
      %parallel_loop3A_3188 = arith.addi %parallel_loop3A_3187, %parallel_loop3A_334 : i32
      %parallel_loop3A_3189 = arith.index_cast %parallel_loop3A_3188 : i32 to index
      %parallel_loop3A_3190 = tpu.vector_load %arg7[%parallel_loop3A_3189] {strides = array<i32>} : memref<36864xf32, #tpu.memory_space<vmem>>, vector<16xf32>,
      tpu.vector_store %arg7[%parallel_loop3A_3189], %parallel_loop3A_3182 {strides = array<i32>} : memref<36864xf32, #tpu.memory_space<vmem>>, vector<16xf32>,
      %parallel_loop3A_3191 = arith.constant 3584 : i32
      %parallel_loop3A_3192 = tpu.memref_slice %arg6[%parallel_loop3A_3191] : memref<5120xi32, #tpu.memory_space<vmem>> -> memref<128xi32, #tpu.memory_space<vmem>>
      %parallel_loop3A_3193 = tpu.vector_load_idx %parallel_loop3A_3192[%parallel_loop3A_338] : memref<128xi32, #tpu.memory_space<vmem>>[vector<16xi32>], vector<16xi32>,
      %parallel_loop3A_3194 = arith.constant 3584 : i32
      %parallel_loop3A_3195 = tpu.memref_slice %arg6[%parallel_loop3A_3194] : memref<5120xi32, #tpu.memory_space<vmem>> -> memref<128xi32, #tpu.memory_space<vmem>>
      %parallel_loop3A_3196 = tpu.vector_load_idx %parallel_loop3A_3195[%parallel_loop3A_342] : memref<128xi32, #tpu.memory_space<vmem>>[vector<16xi32>], vector<16xi32>,
      %parallel_loop3A_3197 = arith.constant 3584 : i32
      %parallel_loop3A_3198 = tpu.memref_slice %arg6[%parallel_loop3A_3197] : memref<5120xi32, #tpu.memory_space<vmem>> -> memref<128xi32, #tpu.memory_space<vmem>>
      %parallel_loop3A_3199 = tpu.vector_load_idx %parallel_loop3A_3198[%parallel_loop3A_346] : memref<128xi32, #tpu.memory_space<vmem>>[vector<16xi32>], vector<16xi32>,
      %parallel_loop3A_3200 = arith.constant 3584 : i32
      %parallel_loop3A_3201 = tpu.memref_slice %arg6[%parallel_loop3A_3200] : memref<5120xi32, #tpu.memory_space<vmem>> -> memref<128xi32, #tpu.memory_space<vmem>>
      %parallel_loop3A_3202 = tpu.vector_load_idx %parallel_loop3A_3201[%parallel_loop3A_350] : memref<128xi32, #tpu.memory_space<vmem>>[vector<16xi32>], vector<16xi32>,
      %parallel_loop3A_3203 = arith.constant 3584 : i32
      %parallel_loop3A_3204 = tpu.memref_slice %arg6[%parallel_loop3A_3203] : memref<5120xi32, #tpu.memory_space<vmem>> -> memref<128xi32, #tpu.memory_space<vmem>>
      %parallel_loop3A_3205 = tpu.vector_load_idx %parallel_loop3A_3204[%parallel_loop3A_354] : memref<128xi32, #tpu.memory_space<vmem>>[vector<16xi32>], vector<16xi32>,
      %parallel_loop3A_3206 = arith.constant 3584 : i32
      %parallel_loop3A_3207 = tpu.memref_slice %arg6[%parallel_loop3A_3206] : memref<5120xi32, #tpu.memory_space<vmem>> -> memref<128xi32, #tpu.memory_space<vmem>>
      %parallel_loop3A_3208 = tpu.vector_load_idx %parallel_loop3A_3207[%parallel_loop3A_358] : memref<128xi32, #tpu.memory_space<vmem>>[vector<16xi32>], vector<16xi32>,
      %parallel_loop3A_3209 = arith.constant 3584 : i32
      %parallel_loop3A_3210 = tpu.memref_slice %arg6[%parallel_loop3A_3209] : memref<5120xi32, #tpu.memory_space<vmem>> -> memref<128xi32, #tpu.memory_space<vmem>>
      %parallel_loop3A_3211 = tpu.vector_load_idx %parallel_loop3A_3210[%parallel_loop3A_362] : memref<128xi32, #tpu.memory_space<vmem>>[vector<16xi32>], vector<16xi32>,
      %parallel_loop3A_3212 = arith.constant 3584 : i32
      %parallel_loop3A_3213 = tpu.memref_slice %arg6[%parallel_loop3A_3212] : memref<5120xi32, #tpu.memory_space<vmem>> -> memref<128xi32, #tpu.memory_space<vmem>>
      %parallel_loop3A_3214 = tpu.vector_load_idx %parallel_loop3A_3213[%parallel_loop3A_366] : memref<128xi32, #tpu.memory_space<vmem>>[vector<16xi32>], vector<16xi32>,
      %parallel_loop3A_3215 = arith.constant 3584 : i32
      %parallel_loop3A_3216 = tpu.memref_slice %arg6[%parallel_loop3A_3215] : memref<5120xi32, #tpu.memory_space<vmem>> -> memref<128xi32, #tpu.memory_space<vmem>>
      %parallel_loop3A_3217 = tpu.vector_load_idx %parallel_loop3A_3216[%parallel_loop3A_370] : memref<128xi32, #tpu.memory_space<vmem>>[vector<16xi32>], vector<16xi32>,
      %parallel_loop3A_3218 = arith.constant 3584 : i32
      %parallel_loop3A_3219 = tpu.memref_slice %arg6[%parallel_loop3A_3218] : memref<5120xi32, #tpu.memory_space<vmem>> -> memref<128xi32, #tpu.memory_space<vmem>>
      %parallel_loop3A_3220 = tpu.vector_load_idx %parallel_loop3A_3219[%parallel_loop3A_374] : memref<128xi32, #tpu.memory_space<vmem>>[vector<16xi32>], vector<16xi32>,
      %parallel_loop3A_3221 = vector.bitcast %parallel_loop3A_2981 : vector<16xi32> to vector<32xbf16>
      %parallel_loop3A_3222 = vector.bitcast %parallel_loop3A_2984 : vector<16xi32> to vector<32xbf16>
      %parallel_loop3A_3223 = arith.addf %parallel_loop3A_3221, %parallel_loop3A_3222 : vector<32xbf16>
      %parallel_loop3A_3224 = vector.bitcast %parallel_loop3A_3223 : vector<32xbf16> to vector<16xi32>
      %parallel_loop3A_3225 = vector.bitcast %parallel_loop3A_2987 : vector<16xi32> to vector<32xbf16>
      %parallel_loop3A_3226 = vector.bitcast %parallel_loop3A_2990 : vector<16xi32> to vector<32xbf16>
      %parallel_loop3A_3227 = arith.addf %parallel_loop3A_3225, %parallel_loop3A_3226 : vector<32xbf16>
      %parallel_loop3A_3228 = vector.bitcast %parallel_loop3A_3227 : vector<32xbf16> to vector<16xi32>
      %parallel_loop3A_3229 = vector.bitcast %parallel_loop3A_2993 : vector<16xi32> to vector<32xbf16>
      %parallel_loop3A_3230 = vector.bitcast %parallel_loop3A_2996 : vector<16xi32> to vector<32xbf16>
      %parallel_loop3A_3231 = arith.addf %parallel_loop3A_3229, %parallel_loop3A_3230 : vector<32xbf16>
      %parallel_loop3A_3232 = vector.bitcast %parallel_loop3A_3231 : vector<32xbf16> to vector<16xi32>
      %parallel_loop3A_3233 = vector.bitcast %parallel_loop3A_2999 : vector<16xi32> to vector<32xbf16>
      %parallel_loop3A_3234 = vector.bitcast %parallel_loop3A_3002 : vector<16xi32> to vector<32xbf16>
      %parallel_loop3A_3235 = arith.addf %parallel_loop3A_3233, %parallel_loop3A_3234 : vector<32xbf16>
      %parallel_loop3A_3236 = vector.bitcast %parallel_loop3A_3235 : vector<32xbf16> to vector<16xi32>
      %parallel_loop3A_3237 = vector.bitcast %parallel_loop3A_3005 : vector<16xi32> to vector<32xbf16>
      %parallel_loop3A_3238 = vector.bitcast %parallel_loop3A_3008 : vector<16xi32> to vector<32xbf16>
      %parallel_loop3A_3239 = arith.addf %parallel_loop3A_3237, %parallel_loop3A_3238 : vector<32xbf16>
      %parallel_loop3A_3240 = vector.bitcast %parallel_loop3A_3239 : vector<32xbf16> to vector<16xi32>
      %parallel_loop3A_3241 = arith.constant 16 : i32
      %parallel_loop3A_3242 = vector.broadcast %parallel_loop3A_3241 : i32 to vector<16xi32>
      %parallel_loop3A_3243 = arith.shli %parallel_loop3A_3224, %parallel_loop3A_3242 : vector<16xi32>
      %parallel_loop3A_3244 = vector.bitcast %parallel_loop3A_3243 : vector<16xi32> to vector<16xf32>
      %parallel_loop3A_3245 = arith.constant -65536 : i32
      %parallel_loop3A_3246 = vector.broadcast %parallel_loop3A_3245 : i32 to vector<16xi32>
      %parallel_loop3A_3247 = arith.andi %parallel_loop3A_3224, %parallel_loop3A_3246 : vector<16xi32>
      %parallel_loop3A_3248 = vector.bitcast %parallel_loop3A_3247 : vector<16xi32> to vector<16xf32>
      %parallel_loop3A_3249 = arith.constant 16 : i32
      %parallel_loop3A_3250 = vector.broadcast %parallel_loop3A_3249 : i32 to vector<16xi32>
      %parallel_loop3A_3251 = arith.shli %parallel_loop3A_3228, %parallel_loop3A_3250 : vector<16xi32>
      %parallel_loop3A_3252 = vector.bitcast %parallel_loop3A_3251 : vector<16xi32> to vector<16xf32>
      %parallel_loop3A_3253 = arith.constant -65536 : i32
      %parallel_loop3A_3254 = vector.broadcast %parallel_loop3A_3253 : i32 to vector<16xi32>
      %parallel_loop3A_3255 = arith.andi %parallel_loop3A_3228, %parallel_loop3A_3254 : vector<16xi32>
      %parallel_loop3A_3256 = vector.bitcast %parallel_loop3A_3255 : vector<16xi32> to vector<16xf32>
      %parallel_loop3A_3257 = arith.constant 16 : i32
      %parallel_loop3A_3258 = vector.broadcast %parallel_loop3A_3257 : i32 to vector<16xi32>
      %parallel_loop3A_3259 = arith.shli %parallel_loop3A_3232, %parallel_loop3A_3258 : vector<16xi32>
      %parallel_loop3A_3260 = vector.bitcast %parallel_loop3A_3259 : vector<16xi32> to vector<16xf32>
      %parallel_loop3A_3261 = arith.constant -65536 : i32
      %parallel_loop3A_3262 = vector.broadcast %parallel_loop3A_3261 : i32 to vector<16xi32>
      %parallel_loop3A_3263 = arith.andi %parallel_loop3A_3232, %parallel_loop3A_3262 : vector<16xi32>
      %parallel_loop3A_3264 = vector.bitcast %parallel_loop3A_3263 : vector<16xi32> to vector<16xf32>
      %parallel_loop3A_3265 = arith.constant 16 : i32
      %parallel_loop3A_3266 = vector.broadcast %parallel_loop3A_3265 : i32 to vector<16xi32>
      %parallel_loop3A_3267 = arith.shli %parallel_loop3A_3236, %parallel_loop3A_3266 : vector<16xi32>
      %parallel_loop3A_3268 = vector.bitcast %parallel_loop3A_3267 : vector<16xi32> to vector<16xf32>
      %parallel_loop3A_3269 = arith.constant -65536 : i32
      %parallel_loop3A_3270 = vector.broadcast %parallel_loop3A_3269 : i32 to vector<16xi32>
      %parallel_loop3A_3271 = arith.andi %parallel_loop3A_3236, %parallel_loop3A_3270 : vector<16xi32>
      %parallel_loop3A_3272 = vector.bitcast %parallel_loop3A_3271 : vector<16xi32> to vector<16xf32>
      %parallel_loop3A_3273 = arith.constant 16 : i32
      %parallel_loop3A_3274 = vector.broadcast %parallel_loop3A_3273 : i32 to vector<16xi32>
      %parallel_loop3A_3275 = arith.shli %parallel_loop3A_3240, %parallel_loop3A_3274 : vector<16xi32>
      %parallel_loop3A_3276 = vector.bitcast %parallel_loop3A_3275 : vector<16xi32> to vector<16xf32>
      %parallel_loop3A_3277 = arith.constant -65536 : i32
      %parallel_loop3A_3278 = vector.broadcast %parallel_loop3A_3277 : i32 to vector<16xi32>
      %parallel_loop3A_3279 = arith.andi %parallel_loop3A_3240, %parallel_loop3A_3278 : vector<16xi32>
      %parallel_loop3A_3280 = vector.bitcast %parallel_loop3A_3279 : vector<16xi32> to vector<16xf32>
      %parallel_loop3A_3281 = arith.addf %parallel_loop3A_3244, %parallel_loop3A_3252 : vector<16xf32>
      %parallel_loop3A_3282 = arith.addf %parallel_loop3A_3260, %parallel_loop3A_3268 : vector<16xf32>
      %parallel_loop3A_3283 = arith.addf %parallel_loop3A_3281, %parallel_loop3A_3282 : vector<16xf32>
      %parallel_loop3A_3284 = arith.addf %parallel_loop3A_3283, %parallel_loop3A_3276 : vector<16xf32>
      %parallel_loop3A_3285 = arith.addf %parallel_loop3A_3248, %parallel_loop3A_3256 : vector<16xf32>
      %parallel_loop3A_3286 = arith.addf %parallel_loop3A_3264, %parallel_loop3A_3272 : vector<16xf32>
      %parallel_loop3A_3287 = arith.addf %parallel_loop3A_3285, %parallel_loop3A_3286 : vector<16xf32>
      %parallel_loop3A_3288 = arith.addf %parallel_loop3A_3287, %parallel_loop3A_3280 : vector<16xf32>
      %parallel_loop3A_3289 = arith.constant 12544 : i32
      %parallel_loop3A_3290 = arith.addi %parallel_loop3A_3289, %parallel_loop3A_334 : i32
      %parallel_loop3A_3291 = arith.index_cast %parallel_loop3A_3290 : i32 to index
      %parallel_loop3A_3292 = tpu.vector_load %arg7[%parallel_loop3A_3291] {strides = array<i32>} : memref<36864xf32, #tpu.memory_space<vmem>>, vector<16xf32>,
      tpu.vector_store %arg7[%parallel_loop3A_3291], %parallel_loop3A_3284 {strides = array<i32>} : memref<36864xf32, #tpu.memory_space<vmem>>, vector<16xf32>,
      %parallel_loop3A_3293 = arith.constant 29056 : i32
      %parallel_loop3A_3294 = arith.addi %parallel_loop3A_3293, %parallel_loop3A_334 : i32
      %parallel_loop3A_3295 = arith.index_cast %parallel_loop3A_3294 : i32 to index
      %parallel_loop3A_3296 = tpu.vector_load %arg7[%parallel_loop3A_3295] {strides = array<i32>} : memref<36864xf32, #tpu.memory_space<vmem>>, vector<16xf32>,
      tpu.vector_store %arg7[%parallel_loop3A_3295], %parallel_loop3A_3288 {strides = array<i32>} : memref<36864xf32, #tpu.memory_space<vmem>>, vector<16xf32>,
      %parallel_loop3A_3297 = arith.constant 3712 : i32
      %parallel_loop3A_3298 = tpu.memref_slice %arg6[%parallel_loop3A_3297] : memref<5120xi32, #tpu.memory_space<vmem>> -> memref<128xi32, #tpu.memory_space<vmem>>
      %parallel_loop3A_3299 = tpu.vector_load_idx %parallel_loop3A_3298[%parallel_loop3A_338] : memref<128xi32, #tpu.memory_space<vmem>>[vector<16xi32>], vector<16xi32>,
      %parallel_loop3A_3300 = arith.constant 3712 : i32
      %parallel_loop3A_3301 = tpu.memref_slice %arg6[%parallel_loop3A_3300] : memref<5120xi32, #tpu.memory_space<vmem>> -> memref<128xi32, #tpu.memory_space<vmem>>
      %parallel_loop3A_3302 = tpu.vector_load_idx %parallel_loop3A_3301[%parallel_loop3A_342] : memref<128xi32, #tpu.memory_space<vmem>>[vector<16xi32>], vector<16xi32>,
      %parallel_loop3A_3303 = arith.constant 3712 : i32
      %parallel_loop3A_3304 = tpu.memref_slice %arg6[%parallel_loop3A_3303] : memref<5120xi32, #tpu.memory_space<vmem>> -> memref<128xi32, #tpu.memory_space<vmem>>
      %parallel_loop3A_3305 = tpu.vector_load_idx %parallel_loop3A_3304[%parallel_loop3A_346] : memref<128xi32, #tpu.memory_space<vmem>>[vector<16xi32>], vector<16xi32>,
      %parallel_loop3A_3306 = arith.constant 3712 : i32
      %parallel_loop3A_3307 = tpu.memref_slice %arg6[%parallel_loop3A_3306] : memref<5120xi32, #tpu.memory_space<vmem>> -> memref<128xi32, #tpu.memory_space<vmem>>
      %parallel_loop3A_3308 = tpu.vector_load_idx %parallel_loop3A_3307[%parallel_loop3A_350] : memref<128xi32, #tpu.memory_space<vmem>>[vector<16xi32>], vector<16xi32>,
      %parallel_loop3A_3309 = arith.constant 3712 : i32
      %parallel_loop3A_3310 = tpu.memref_slice %arg6[%parallel_loop3A_3309] : memref<5120xi32, #tpu.memory_space<vmem>> -> memref<128xi32, #tpu.memory_space<vmem>>
      %parallel_loop3A_3311 = tpu.vector_load_idx %parallel_loop3A_3310[%parallel_loop3A_354] : memref<128xi32, #tpu.memory_space<vmem>>[vector<16xi32>], vector<16xi32>,
      %parallel_loop3A_3312 = arith.constant 3712 : i32
      %parallel_loop3A_3313 = tpu.memref_slice %arg6[%parallel_loop3A_3312] : memref<5120xi32, #tpu.memory_space<vmem>> -> memref<128xi32, #tpu.memory_space<vmem>>
      %parallel_loop3A_3314 = tpu.vector_load_idx %parallel_loop3A_3313[%parallel_loop3A_358] : memref<128xi32, #tpu.memory_space<vmem>>[vector<16xi32>], vector<16xi32>,
      %parallel_loop3A_3315 = arith.constant 3712 : i32
      %parallel_loop3A_3316 = tpu.memref_slice %arg6[%parallel_loop3A_3315] : memref<5120xi32, #tpu.memory_space<vmem>> -> memref<128xi32, #tpu.memory_space<vmem>>
      %parallel_loop3A_3317 = tpu.vector_load_idx %parallel_loop3A_3316[%parallel_loop3A_362] : memref<128xi32, #tpu.memory_space<vmem>>[vector<16xi32>], vector<16xi32>,
      %parallel_loop3A_3318 = arith.constant 3712 : i32
      %parallel_loop3A_3319 = tpu.memref_slice %arg6[%parallel_loop3A_3318] : memref<5120xi32, #tpu.memory_space<vmem>> -> memref<128xi32, #tpu.memory_space<vmem>>
      %parallel_loop3A_3320 = tpu.vector_load_idx %parallel_loop3A_3319[%parallel_loop3A_366] : memref<128xi32, #tpu.memory_space<vmem>>[vector<16xi32>], vector<16xi32>,
      %parallel_loop3A_3321 = arith.constant 3712 : i32
      %parallel_loop3A_3322 = tpu.memref_slice %arg6[%parallel_loop3A_3321] : memref<5120xi32, #tpu.memory_space<vmem>> -> memref<128xi32, #tpu.memory_space<vmem>>
      %parallel_loop3A_3323 = tpu.vector_load_idx %parallel_loop3A_3322[%parallel_loop3A_370] : memref<128xi32, #tpu.memory_space<vmem>>[vector<16xi32>], vector<16xi32>,
      %parallel_loop3A_3324 = arith.constant 3712 : i32
      %parallel_loop3A_3325 = tpu.memref_slice %arg6[%parallel_loop3A_3324] : memref<5120xi32, #tpu.memory_space<vmem>> -> memref<128xi32, #tpu.memory_space<vmem>>
      %parallel_loop3A_3326 = tpu.vector_load_idx %parallel_loop3A_3325[%parallel_loop3A_374] : memref<128xi32, #tpu.memory_space<vmem>>[vector<16xi32>], vector<16xi32>,
      %parallel_loop3A_3327 = vector.bitcast %parallel_loop3A_3087 : vector<16xi32> to vector<32xbf16>
      %parallel_loop3A_3328 = vector.bitcast %parallel_loop3A_3090 : vector<16xi32> to vector<32xbf16>
      %parallel_loop3A_3329 = arith.addf %parallel_loop3A_3327, %parallel_loop3A_3328 : vector<32xbf16>
      %parallel_loop3A_3330 = vector.bitcast %parallel_loop3A_3329 : vector<32xbf16> to vector<16xi32>
      %parallel_loop3A_3331 = vector.bitcast %parallel_loop3A_3093 : vector<16xi32> to vector<32xbf16>
      %parallel_loop3A_3332 = vector.bitcast %parallel_loop3A_3096 : vector<16xi32> to vector<32xbf16>
      %parallel_loop3A_3333 = arith.addf %parallel_loop3A_3331, %parallel_loop3A_3332 : vector<32xbf16>
      %parallel_loop3A_3334 = vector.bitcast %parallel_loop3A_3333 : vector<32xbf16> to vector<16xi32>
      %parallel_loop3A_3335 = vector.bitcast %parallel_loop3A_3099 : vector<16xi32> to vector<32xbf16>
      %parallel_loop3A_3336 = vector.bitcast %parallel_loop3A_3102 : vector<16xi32> to vector<32xbf16>
      %parallel_loop3A_3337 = arith.addf %parallel_loop3A_3335, %parallel_loop3A_3336 : vector<32xbf16>
      %parallel_loop3A_3338 = vector.bitcast %parallel_loop3A_3337 : vector<32xbf16> to vector<16xi32>
      %parallel_loop3A_3339 = vector.bitcast %parallel_loop3A_3105 : vector<16xi32> to vector<32xbf16>
      %parallel_loop3A_3340 = vector.bitcast %parallel_loop3A_3108 : vector<16xi32> to vector<32xbf16>
      %parallel_loop3A_3341 = arith.addf %parallel_loop3A_3339, %parallel_loop3A_3340 : vector<32xbf16>
      %parallel_loop3A_3342 = vector.bitcast %parallel_loop3A_3341 : vector<32xbf16> to vector<16xi32>
      %parallel_loop3A_3343 = vector.bitcast %parallel_loop3A_3111 : vector<16xi32> to vector<32xbf16>
      %parallel_loop3A_3344 = vector.bitcast %parallel_loop3A_3114 : vector<16xi32> to vector<32xbf16>
      %parallel_loop3A_3345 = arith.addf %parallel_loop3A_3343, %parallel_loop3A_3344 : vector<32xbf16>
      %parallel_loop3A_3346 = vector.bitcast %parallel_loop3A_3345 : vector<32xbf16> to vector<16xi32>
      %parallel_loop3A_3347 = arith.constant 16 : i32
      %parallel_loop3A_3348 = vector.broadcast %parallel_loop3A_3347 : i32 to vector<16xi32>
      %parallel_loop3A_3349 = arith.shli %parallel_loop3A_3330, %parallel_loop3A_3348 : vector<16xi32>
      %parallel_loop3A_3350 = vector.bitcast %parallel_loop3A_3349 : vector<16xi32> to vector<16xf32>
      %parallel_loop3A_3351 = arith.constant -65536 : i32
      %parallel_loop3A_3352 = vector.broadcast %parallel_loop3A_3351 : i32 to vector<16xi32>
      %parallel_loop3A_3353 = arith.andi %parallel_loop3A_3330, %parallel_loop3A_3352 : vector<16xi32>
      %parallel_loop3A_3354 = vector.bitcast %parallel_loop3A_3353 : vector<16xi32> to vector<16xf32>
      %parallel_loop3A_3355 = arith.constant 16 : i32
      %parallel_loop3A_3356 = vector.broadcast %parallel_loop3A_3355 : i32 to vector<16xi32>
      %parallel_loop3A_3357 = arith.shli %parallel_loop3A_3334, %parallel_loop3A_3356 : vector<16xi32>
      %parallel_loop3A_3358 = vector.bitcast %parallel_loop3A_3357 : vector<16xi32> to vector<16xf32>
      %parallel_loop3A_3359 = arith.constant -65536 : i32
      %parallel_loop3A_3360 = vector.broadcast %parallel_loop3A_3359 : i32 to vector<16xi32>
      %parallel_loop3A_3361 = arith.andi %parallel_loop3A_3334, %parallel_loop3A_3360 : vector<16xi32>
      %parallel_loop3A_3362 = vector.bitcast %parallel_loop3A_3361 : vector<16xi32> to vector<16xf32>
      %parallel_loop3A_3363 = arith.constant 16 : i32
      %parallel_loop3A_3364 = vector.broadcast %parallel_loop3A_3363 : i32 to vector<16xi32>
      %parallel_loop3A_3365 = arith.shli %parallel_loop3A_3338, %parallel_loop3A_3364 : vector<16xi32>
      %parallel_loop3A_3366 = vector.bitcast %parallel_loop3A_3365 : vector<16xi32> to vector<16xf32>
      %parallel_loop3A_3367 = arith.constant -65536 : i32
      %parallel_loop3A_3368 = vector.broadcast %parallel_loop3A_3367 : i32 to vector<16xi32>
      %parallel_loop3A_3369 = arith.andi %parallel_loop3A_3338, %parallel_loop3A_3368 : vector<16xi32>
      %parallel_loop3A_3370 = vector.bitcast %parallel_loop3A_3369 : vector<16xi32> to vector<16xf32>
      %parallel_loop3A_3371 = arith.constant 16 : i32
      %parallel_loop3A_3372 = vector.broadcast %parallel_loop3A_3371 : i32 to vector<16xi32>
      %parallel_loop3A_3373 = arith.shli %parallel_loop3A_3342, %parallel_loop3A_3372 : vector<16xi32>
      %parallel_loop3A_3374 = vector.bitcast %parallel_loop3A_3373 : vector<16xi32> to vector<16xf32>
      %parallel_loop3A_3375 = arith.constant -65536 : i32
      %parallel_loop3A_3376 = vector.broadcast %parallel_loop3A_3375 : i32 to vector<16xi32>
      %parallel_loop3A_3377 = arith.andi %parallel_loop3A_3342, %parallel_loop3A_3376 : vector<16xi32>
      %parallel_loop3A_3378 = vector.bitcast %parallel_loop3A_3377 : vector<16xi32> to vector<16xf32>
      %parallel_loop3A_3379 = arith.constant 16 : i32
      %parallel_loop3A_3380 = vector.broadcast %parallel_loop3A_3379 : i32 to vector<16xi32>
      %parallel_loop3A_3381 = arith.shli %parallel_loop3A_3346, %parallel_loop3A_3380 : vector<16xi32>
      %parallel_loop3A_3382 = vector.bitcast %parallel_loop3A_3381 : vector<16xi32> to vector<16xf32>
      %parallel_loop3A_3383 = arith.constant -65536 : i32
      %parallel_loop3A_3384 = vector.broadcast %parallel_loop3A_3383 : i32 to vector<16xi32>
      %parallel_loop3A_3385 = arith.andi %parallel_loop3A_3346, %parallel_loop3A_3384 : vector<16xi32>
      %parallel_loop3A_3386 = vector.bitcast %parallel_loop3A_3385 : vector<16xi32> to vector<16xf32>
      %parallel_loop3A_3387 = arith.addf %parallel_loop3A_3350, %parallel_loop3A_3358 : vector<16xf32>
      %parallel_loop3A_3388 = arith.addf %parallel_loop3A_3366, %parallel_loop3A_3374 : vector<16xf32>
      %parallel_loop3A_3389 = arith.addf %parallel_loop3A_3387, %parallel_loop3A_3388 : vector<16xf32>
      %parallel_loop3A_3390 = arith.addf %parallel_loop3A_3389, %parallel_loop3A_3382 : vector<16xf32>
      %parallel_loop3A_3391 = arith.addf %parallel_loop3A_3354, %parallel_loop3A_3362 : vector<16xf32>
      %parallel_loop3A_3392 = arith.addf %parallel_loop3A_3370, %parallel_loop3A_3378 : vector<16xf32>
      %parallel_loop3A_3393 = arith.addf %parallel_loop3A_3391, %parallel_loop3A_3392 : vector<16xf32>
      %parallel_loop3A_3394 = arith.addf %parallel_loop3A_3393, %parallel_loop3A_3386 : vector<16xf32>
      %parallel_loop3A_3395 = arith.constant 12672 : i32
      %parallel_loop3A_3396 = arith.addi %parallel_loop3A_3395, %parallel_loop3A_334 : i32
      %parallel_loop3A_3397 = arith.index_cast %parallel_loop3A_3396 : i32 to index
      %parallel_loop3A_3398 = tpu.vector_load %arg7[%parallel_loop3A_3397] {strides = array<i32>} : memref<36864xf32, #tpu.memory_space<vmem>>, vector<16xf32>,
      tpu.vector_store %arg7[%parallel_loop3A_3397], %parallel_loop3A_3390 {strides = array<i32>} : memref<36864xf32, #tpu.memory_space<vmem>>, vector<16xf32>,
      %parallel_loop3A_3399 = arith.constant 29184 : i32
      %parallel_loop3A_3400 = arith.addi %parallel_loop3A_3399, %parallel_loop3A_334 : i32
      %parallel_loop3A_3401 = arith.index_cast %parallel_loop3A_3400 : i32 to index
      %parallel_loop3A_3402 = tpu.vector_load %arg7[%parallel_loop3A_3401] {strides = array<i32>} : memref<36864xf32, #tpu.memory_space<vmem>>, vector<16xf32>,
      tpu.vector_store %arg7[%parallel_loop3A_3401], %parallel_loop3A_3394 {strides = array<i32>} : memref<36864xf32, #tpu.memory_space<vmem>>, vector<16xf32>,
      %parallel_loop3A_3403 = arith.constant 3840 : i32
      %parallel_loop3A_3404 = tpu.memref_slice %arg6[%parallel_loop3A_3403] : memref<5120xi32, #tpu.memory_space<vmem>> -> memref<128xi32, #tpu.memory_space<vmem>>
      %parallel_loop3A_3405 = tpu.vector_load_idx %parallel_loop3A_3404[%parallel_loop3A_338] : memref<128xi32, #tpu.memory_space<vmem>>[vector<16xi32>], vector<16xi32>,
      %parallel_loop3A_3406 = arith.constant 3840 : i32
      %parallel_loop3A_3407 = tpu.memref_slice %arg6[%parallel_loop3A_3406] : memref<5120xi32, #tpu.memory_space<vmem>> -> memref<128xi32, #tpu.memory_space<vmem>>
      %parallel_loop3A_3408 = tpu.vector_load_idx %parallel_loop3A_3407[%parallel_loop3A_342] : memref<128xi32, #tpu.memory_space<vmem>>[vector<16xi32>], vector<16xi32>,
      %parallel_loop3A_3409 = arith.constant 3840 : i32
      %parallel_loop3A_3410 = tpu.memref_slice %arg6[%parallel_loop3A_3409] : memref<5120xi32, #tpu.memory_space<vmem>> -> memref<128xi32, #tpu.memory_space<vmem>>
      %parallel_loop3A_3411 = tpu.vector_load_idx %parallel_loop3A_3410[%parallel_loop3A_346] : memref<128xi32, #tpu.memory_space<vmem>>[vector<16xi32>], vector<16xi32>,
      %parallel_loop3A_3412 = arith.constant 3840 : i32
      %parallel_loop3A_3413 = tpu.memref_slice %arg6[%parallel_loop3A_3412] : memref<5120xi32, #tpu.memory_space<vmem>> -> memref<128xi32, #tpu.memory_space<vmem>>
      %parallel_loop3A_3414 = tpu.vector_load_idx %parallel_loop3A_3413[%parallel_loop3A_350] : memref<128xi32, #tpu.memory_space<vmem>>[vector<16xi32>], vector<16xi32>,
      %parallel_loop3A_3415 = arith.constant 3840 : i32
      %parallel_loop3A_3416 = tpu.memref_slice %arg6[%parallel_loop3A_3415] : memref<5120xi32, #tpu.memory_space<vmem>> -> memref<128xi32, #tpu.memory_space<vmem>>
      %parallel_loop3A_3417 = tpu.vector_load_idx %parallel_loop3A_3416[%parallel_loop3A_354] : memref<128xi32, #tpu.memory_space<vmem>>[vector<16xi32>], vector<16xi32>,
      %parallel_loop3A_3418 = arith.constant 3840 : i32
      %parallel_loop3A_3419 = tpu.memref_slice %arg6[%parallel_loop3A_3418] : memref<5120xi32, #tpu.memory_space<vmem>> -> memref<128xi32, #tpu.memory_space<vmem>>
      %parallel_loop3A_3420 = tpu.vector_load_idx %parallel_loop3A_3419[%parallel_loop3A_358] : memref<128xi32, #tpu.memory_space<vmem>>[vector<16xi32>], vector<16xi32>,
      %parallel_loop3A_3421 = arith.constant 3840 : i32
      %parallel_loop3A_3422 = tpu.memref_slice %arg6[%parallel_loop3A_3421] : memref<5120xi32, #tpu.memory_space<vmem>> -> memref<128xi32, #tpu.memory_space<vmem>>
      %parallel_loop3A_3423 = tpu.vector_load_idx %parallel_loop3A_3422[%parallel_loop3A_362] : memref<128xi32, #tpu.memory_space<vmem>>[vector<16xi32>], vector<16xi32>,
      %parallel_loop3A_3424 = arith.constant 3840 : i32
      %parallel_loop3A_3425 = tpu.memref_slice %arg6[%parallel_loop3A_3424] : memref<5120xi32, #tpu.memory_space<vmem>> -> memref<128xi32, #tpu.memory_space<vmem>>
      %parallel_loop3A_3426 = tpu.vector_load_idx %parallel_loop3A_3425[%parallel_loop3A_366] : memref<128xi32, #tpu.memory_space<vmem>>[vector<16xi32>], vector<16xi32>,
      %parallel_loop3A_3427 = arith.constant 3840 : i32
      %parallel_loop3A_3428 = tpu.memref_slice %arg6[%parallel_loop3A_3427] : memref<5120xi32, #tpu.memory_space<vmem>> -> memref<128xi32, #tpu.memory_space<vmem>>
      %parallel_loop3A_3429 = tpu.vector_load_idx %parallel_loop3A_3428[%parallel_loop3A_370] : memref<128xi32, #tpu.memory_space<vmem>>[vector<16xi32>], vector<16xi32>,
      %parallel_loop3A_3430 = arith.constant 3840 : i32
      %parallel_loop3A_3431 = tpu.memref_slice %arg6[%parallel_loop3A_3430] : memref<5120xi32, #tpu.memory_space<vmem>> -> memref<128xi32, #tpu.memory_space<vmem>>
      %parallel_loop3A_3432 = tpu.vector_load_idx %parallel_loop3A_3431[%parallel_loop3A_374] : memref<128xi32, #tpu.memory_space<vmem>>[vector<16xi32>], vector<16xi32>,
      %parallel_loop3A_3433 = vector.bitcast %parallel_loop3A_3193 : vector<16xi32> to vector<32xbf16>
      %parallel_loop3A_3434 = vector.bitcast %parallel_loop3A_3196 : vector<16xi32> to vector<32xbf16>
      %parallel_loop3A_3435 = arith.addf %parallel_loop3A_3433, %parallel_loop3A_3434 : vector<32xbf16>
      %parallel_loop3A_3436 = vector.bitcast %parallel_loop3A_3435 : vector<32xbf16> to vector<16xi32>
      %parallel_loop3A_3437 = vector.bitcast %parallel_loop3A_3199 : vector<16xi32> to vector<32xbf16>
      %parallel_loop3A_3438 = vector.bitcast %parallel_loop3A_3202 : vector<16xi32> to vector<32xbf16>
      %parallel_loop3A_3439 = arith.addf %parallel_loop3A_3437, %parallel_loop3A_3438 : vector<32xbf16>
      %parallel_loop3A_3440 = vector.bitcast %parallel_loop3A_3439 : vector<32xbf16> to vector<16xi32>
      %parallel_loop3A_3441 = vector.bitcast %parallel_loop3A_3205 : vector<16xi32> to vector<32xbf16>
      %parallel_loop3A_3442 = vector.bitcast %parallel_loop3A_3208 : vector<16xi32> to vector<32xbf16>
      %parallel_loop3A_3443 = arith.addf %parallel_loop3A_3441, %parallel_loop3A_3442 : vector<32xbf16>
      %parallel_loop3A_3444 = vector.bitcast %parallel_loop3A_3443 : vector<32xbf16> to vector<16xi32>
      %parallel_loop3A_3445 = vector.bitcast %parallel_loop3A_3211 : vector<16xi32> to vector<32xbf16>
      %parallel_loop3A_3446 = vector.bitcast %parallel_loop3A_3214 : vector<16xi32> to vector<32xbf16>
      %parallel_loop3A_3447 = arith.addf %parallel_loop3A_3445, %parallel_loop3A_3446 : vector<32xbf16>
      %parallel_loop3A_3448 = vector.bitcast %parallel_loop3A_3447 : vector<32xbf16> to vector<16xi32>
      %parallel_loop3A_3449 = vector.bitcast %parallel_loop3A_3217 : vector<16xi32> to vector<32xbf16>
      %parallel_loop3A_3450 = vector.bitcast %parallel_loop3A_3220 : vector<16xi32> to vector<32xbf16>
      %parallel_loop3A_3451 = arith.addf %parallel_loop3A_3449, %parallel_loop3A_3450 : vector<32xbf16>
      %parallel_loop3A_3452 = vector.bitcast %parallel_loop3A_3451 : vector<32xbf16> to vector<16xi32>
      %parallel_loop3A_3453 = arith.constant 16 : i32
      %parallel_loop3A_3454 = vector.broadcast %parallel_loop3A_3453 : i32 to vector<16xi32>
      %parallel_loop3A_3455 = arith.shli %parallel_loop3A_3436, %parallel_loop3A_3454 : vector<16xi32>
      %parallel_loop3A_3456 = vector.bitcast %parallel_loop3A_3455 : vector<16xi32> to vector<16xf32>
      %parallel_loop3A_3457 = arith.constant -65536 : i32
      %parallel_loop3A_3458 = vector.broadcast %parallel_loop3A_3457 : i32 to vector<16xi32>
      %parallel_loop3A_3459 = arith.andi %parallel_loop3A_3436, %parallel_loop3A_3458 : vector<16xi32>
      %parallel_loop3A_3460 = vector.bitcast %parallel_loop3A_3459 : vector<16xi32> to vector<16xf32>
      %parallel_loop3A_3461 = arith.constant 16 : i32
      %parallel_loop3A_3462 = vector.broadcast %parallel_loop3A_3461 : i32 to vector<16xi32>
      %parallel_loop3A_3463 = arith.shli %parallel_loop3A_3440, %parallel_loop3A_3462 : vector<16xi32>
      %parallel_loop3A_3464 = vector.bitcast %parallel_loop3A_3463 : vector<16xi32> to vector<16xf32>
      %parallel_loop3A_3465 = arith.constant -65536 : i32
      %parallel_loop3A_3466 = vector.broadcast %parallel_loop3A_3465 : i32 to vector<16xi32>
      %parallel_loop3A_3467 = arith.andi %parallel_loop3A_3440, %parallel_loop3A_3466 : vector<16xi32>
      %parallel_loop3A_3468 = vector.bitcast %parallel_loop3A_3467 : vector<16xi32> to vector<16xf32>
      %parallel_loop3A_3469 = arith.constant 16 : i32
      %parallel_loop3A_3470 = vector.broadcast %parallel_loop3A_3469 : i32 to vector<16xi32>
      %parallel_loop3A_3471 = arith.shli %parallel_loop3A_3444, %parallel_loop3A_3470 : vector<16xi32>
      %parallel_loop3A_3472 = vector.bitcast %parallel_loop3A_3471 : vector<16xi32> to vector<16xf32>
      %parallel_loop3A_3473 = arith.constant -65536 : i32
      %parallel_loop3A_3474 = vector.broadcast %parallel_loop3A_3473 : i32 to vector<16xi32>
      %parallel_loop3A_3475 = arith.andi %parallel_loop3A_3444, %parallel_loop3A_3474 : vector<16xi32>
      %parallel_loop3A_3476 = vector.bitcast %parallel_loop3A_3475 : vector<16xi32> to vector<16xf32>
      %parallel_loop3A_3477 = arith.constant 16 : i32
      %parallel_loop3A_3478 = vector.broadcast %parallel_loop3A_3477 : i32 to vector<16xi32>
      %parallel_loop3A_3479 = arith.shli %parallel_loop3A_3448, %parallel_loop3A_3478 : vector<16xi32>
      %parallel_loop3A_3480 = vector.bitcast %parallel_loop3A_3479 : vector<16xi32> to vector<16xf32>
      %parallel_loop3A_3481 = arith.constant -65536 : i32
      %parallel_loop3A_3482 = vector.broadcast %parallel_loop3A_3481 : i32 to vector<16xi32>
      %parallel_loop3A_3483 = arith.andi %parallel_loop3A_3448, %parallel_loop3A_3482 : vector<16xi32>
      %parallel_loop3A_3484 = vector.bitcast %parallel_loop3A_3483 : vector<16xi32> to vector<16xf32>
      %parallel_loop3A_3485 = arith.constant 16 : i32
      %parallel_loop3A_3486 = vector.broadcast %parallel_loop3A_3485 : i32 to vector<16xi32>
      %parallel_loop3A_3487 = arith.shli %parallel_loop3A_3452, %parallel_loop3A_3486 : vector<16xi32>
      %parallel_loop3A_3488 = vector.bitcast %parallel_loop3A_3487 : vector<16xi32> to vector<16xf32>
      %parallel_loop3A_3489 = arith.constant -65536 : i32
      %parallel_loop3A_3490 = vector.broadcast %parallel_loop3A_3489 : i32 to vector<16xi32>
      %parallel_loop3A_3491 = arith.andi %parallel_loop3A_3452, %parallel_loop3A_3490 : vector<16xi32>
      %parallel_loop3A_3492 = vector.bitcast %parallel_loop3A_3491 : vector<16xi32> to vector<16xf32>
      %parallel_loop3A_3493 = arith.addf %parallel_loop3A_3456, %parallel_loop3A_3464 : vector<16xf32>
      %parallel_loop3A_3494 = arith.addf %parallel_loop3A_3472, %parallel_loop3A_3480 : vector<16xf32>
      %parallel_loop3A_3495 = arith.addf %parallel_loop3A_3493, %parallel_loop3A_3494 : vector<16xf32>
      %parallel_loop3A_3496 = arith.addf %parallel_loop3A_3495, %parallel_loop3A_3488 : vector<16xf32>
      %parallel_loop3A_3497 = arith.addf %parallel_loop3A_3460, %parallel_loop3A_3468 : vector<16xf32>
      %parallel_loop3A_3498 = arith.addf %parallel_loop3A_3476, %parallel_loop3A_3484 : vector<16xf32>
      %parallel_loop3A_3499 = arith.addf %parallel_loop3A_3497, %parallel_loop3A_3498 : vector<16xf32>
      %parallel_loop3A_3500 = arith.addf %parallel_loop3A_3499, %parallel_loop3A_3492 : vector<16xf32>
      %parallel_loop3A_3501 = arith.constant 12800 : i32
      %parallel_loop3A_3502 = arith.addi %parallel_loop3A_3501, %parallel_loop3A_334 : i32
      %parallel_loop3A_3503 = arith.index_cast %parallel_loop3A_3502 : i32 to index
      %parallel_loop3A_3504 = tpu.vector_load %arg7[%parallel_loop3A_3503] {strides = array<i32>} : memref<36864xf32, #tpu.memory_space<vmem>>, vector<16xf32>,
      tpu.vector_store %arg7[%parallel_loop3A_3503], %parallel_loop3A_3496 {strides = array<i32>} : memref<36864xf32, #tpu.memory_space<vmem>>, vector<16xf32>,
      %parallel_loop3A_3505 = arith.constant 29312 : i32
      %parallel_loop3A_3506 = arith.addi %parallel_loop3A_3505, %parallel_loop3A_334 : i32
      %parallel_loop3A_3507 = arith.index_cast %parallel_loop3A_3506 : i32 to index
      %parallel_loop3A_3508 = tpu.vector_load %arg7[%parallel_loop3A_3507] {strides = array<i32>} : memref<36864xf32, #tpu.memory_space<vmem>>, vector<16xf32>,
      tpu.vector_store %arg7[%parallel_loop3A_3507], %parallel_loop3A_3500 {strides = array<i32>} : memref<36864xf32, #tpu.memory_space<vmem>>, vector<16xf32>,
      %parallel_loop3A_3509 = arith.constant 3968 : i32
      %parallel_loop3A_3510 = tpu.memref_slice %arg6[%parallel_loop3A_3509] : memref<5120xi32, #tpu.memory_space<vmem>> -> memref<128xi32, #tpu.memory_space<vmem>>
      %parallel_loop3A_3511 = tpu.vector_load_idx %parallel_loop3A_3510[%parallel_loop3A_338] : memref<128xi32, #tpu.memory_space<vmem>>[vector<16xi32>], vector<16xi32>,
      %parallel_loop3A_3512 = arith.constant 3968 : i32
      %parallel_loop3A_3513 = tpu.memref_slice %arg6[%parallel_loop3A_3512] : memref<5120xi32, #tpu.memory_space<vmem>> -> memref<128xi32, #tpu.memory_space<vmem>>
      %parallel_loop3A_3514 = tpu.vector_load_idx %parallel_loop3A_3513[%parallel_loop3A_342] : memref<128xi32, #tpu.memory_space<vmem>>[vector<16xi32>], vector<16xi32>,
      %parallel_loop3A_3515 = arith.constant 3968 : i32
      %parallel_loop3A_3516 = tpu.memref_slice %arg6[%parallel_loop3A_3515] : memref<5120xi32, #tpu.memory_space<vmem>> -> memref<128xi32, #tpu.memory_space<vmem>>
      %parallel_loop3A_3517 = tpu.vector_load_idx %parallel_loop3A_3516[%parallel_loop3A_346] : memref<128xi32, #tpu.memory_space<vmem>>[vector<16xi32>], vector<16xi32>,
      %parallel_loop3A_3518 = arith.constant 3968 : i32
      %parallel_loop3A_3519 = tpu.memref_slice %arg6[%parallel_loop3A_3518] : memref<5120xi32, #tpu.memory_space<vmem>> -> memref<128xi32, #tpu.memory_space<vmem>>
      %parallel_loop3A_3520 = tpu.vector_load_idx %parallel_loop3A_3519[%parallel_loop3A_350] : memref<128xi32, #tpu.memory_space<vmem>>[vector<16xi32>], vector<16xi32>,
      %parallel_loop3A_3521 = arith.constant 3968 : i32
      %parallel_loop3A_3522 = tpu.memref_slice %arg6[%parallel_loop3A_3521] : memref<5120xi32, #tpu.memory_space<vmem>> -> memref<128xi32, #tpu.memory_space<vmem>>
      %parallel_loop3A_3523 = tpu.vector_load_idx %parallel_loop3A_3522[%parallel_loop3A_354] : memref<128xi32, #tpu.memory_space<vmem>>[vector<16xi32>], vector<16xi32>,
      %parallel_loop3A_3524 = arith.constant 3968 : i32
      %parallel_loop3A_3525 = tpu.memref_slice %arg6[%parallel_loop3A_3524] : memref<5120xi32, #tpu.memory_space<vmem>> -> memref<128xi32, #tpu.memory_space<vmem>>
      %parallel_loop3A_3526 = tpu.vector_load_idx %parallel_loop3A_3525[%parallel_loop3A_358] : memref<128xi32, #tpu.memory_space<vmem>>[vector<16xi32>], vector<16xi32>,
      %parallel_loop3A_3527 = arith.constant 3968 : i32
      %parallel_loop3A_3528 = tpu.memref_slice %arg6[%parallel_loop3A_3527] : memref<5120xi32, #tpu.memory_space<vmem>> -> memref<128xi32, #tpu.memory_space<vmem>>
      %parallel_loop3A_3529 = tpu.vector_load_idx %parallel_loop3A_3528[%parallel_loop3A_362] : memref<128xi32, #tpu.memory_space<vmem>>[vector<16xi32>], vector<16xi32>,
      %parallel_loop3A_3530 = arith.constant 3968 : i32
      %parallel_loop3A_3531 = tpu.memref_slice %arg6[%parallel_loop3A_3530] : memref<5120xi32, #tpu.memory_space<vmem>> -> memref<128xi32, #tpu.memory_space<vmem>>
      %parallel_loop3A_3532 = tpu.vector_load_idx %parallel_loop3A_3531[%parallel_loop3A_366] : memref<128xi32, #tpu.memory_space<vmem>>[vector<16xi32>], vector<16xi32>,
      %parallel_loop3A_3533 = arith.constant 3968 : i32
      %parallel_loop3A_3534 = tpu.memref_slice %arg6[%parallel_loop3A_3533] : memref<5120xi32, #tpu.memory_space<vmem>> -> memref<128xi32, #tpu.memory_space<vmem>>
      %parallel_loop3A_3535 = tpu.vector_load_idx %parallel_loop3A_3534[%parallel_loop3A_370] : memref<128xi32, #tpu.memory_space<vmem>>[vector<16xi32>], vector<16xi32>,
      %parallel_loop3A_3536 = arith.constant 3968 : i32
      %parallel_loop3A_3537 = tpu.memref_slice %arg6[%parallel_loop3A_3536] : memref<5120xi32, #tpu.memory_space<vmem>> -> memref<128xi32, #tpu.memory_space<vmem>>
      %parallel_loop3A_3538 = tpu.vector_load_idx %parallel_loop3A_3537[%parallel_loop3A_374] : memref<128xi32, #tpu.memory_space<vmem>>[vector<16xi32>], vector<16xi32>,
      %parallel_loop3A_3539 = vector.bitcast %parallel_loop3A_3299 : vector<16xi32> to vector<32xbf16>
      %parallel_loop3A_3540 = vector.bitcast %parallel_loop3A_3302 : vector<16xi32> to vector<32xbf16>
      %parallel_loop3A_3541 = arith.addf %parallel_loop3A_3539, %parallel_loop3A_3540 : vector<32xbf16>
      %parallel_loop3A_3542 = vector.bitcast %parallel_loop3A_3541 : vector<32xbf16> to vector<16xi32>
      %parallel_loop3A_3543 = vector.bitcast %parallel_loop3A_3305 : vector<16xi32> to vector<32xbf16>
      %parallel_loop3A_3544 = vector.bitcast %parallel_loop3A_3308 : vector<16xi32> to vector<32xbf16>
      %parallel_loop3A_3545 = arith.addf %parallel_loop3A_3543, %parallel_loop3A_3544 : vector<32xbf16>
      %parallel_loop3A_3546 = vector.bitcast %parallel_loop3A_3545 : vector<32xbf16> to vector<16xi32>
      %parallel_loop3A_3547 = vector.bitcast %parallel_loop3A_3311 : vector<16xi32> to vector<32xbf16>
      %parallel_loop3A_3548 = vector.bitcast %parallel_loop3A_3314 : vector<16xi32> to vector<32xbf16>
      %parallel_loop3A_3549 = arith.addf %parallel_loop3A_3547, %parallel_loop3A_3548 : vector<32xbf16>
      %parallel_loop3A_3550 = vector.bitcast %parallel_loop3A_3549 : vector<32xbf16> to vector<16xi32>
      %parallel_loop3A_3551 = vector.bitcast %parallel_loop3A_3317 : vector<16xi32> to vector<32xbf16>
      %parallel_loop3A_3552 = vector.bitcast %parallel_loop3A_3320 : vector<16xi32> to vector<32xbf16>
      %parallel_loop3A_3553 = arith.addf %parallel_loop3A_3551, %parallel_loop3A_3552 : vector<32xbf16>
      %parallel_loop3A_3554 = vector.bitcast %parallel_loop3A_3553 : vector<32xbf16> to vector<16xi32>
      %parallel_loop3A_3555 = vector.bitcast %parallel_loop3A_3323 : vector<16xi32> to vector<32xbf16>
      %parallel_loop3A_3556 = vector.bitcast %parallel_loop3A_3326 : vector<16xi32> to vector<32xbf16>
      %parallel_loop3A_3557 = arith.addf %parallel_loop3A_3555, %parallel_loop3A_3556 : vector<32xbf16>
      %parallel_loop3A_3558 = vector.bitcast %parallel_loop3A_3557 : vector<32xbf16> to vector<16xi32>
      %parallel_loop3A_3559 = arith.constant 16 : i32
      %parallel_loop3A_3560 = vector.broadcast %parallel_loop3A_3559 : i32 to vector<16xi32>
      %parallel_loop3A_3561 = arith.shli %parallel_loop3A_3542, %parallel_loop3A_3560 : vector<16xi32>
      %parallel_loop3A_3562 = vector.bitcast %parallel_loop3A_3561 : vector<16xi32> to vector<16xf32>
      %parallel_loop3A_3563 = arith.constant -65536 : i32
      %parallel_loop3A_3564 = vector.broadcast %parallel_loop3A_3563 : i32 to vector<16xi32>
      %parallel_loop3A_3565 = arith.andi %parallel_loop3A_3542, %parallel_loop3A_3564 : vector<16xi32>
      %parallel_loop3A_3566 = vector.bitcast %parallel_loop3A_3565 : vector<16xi32> to vector<16xf32>
      %parallel_loop3A_3567 = arith.constant 16 : i32
      %parallel_loop3A_3568 = vector.broadcast %parallel_loop3A_3567 : i32 to vector<16xi32>
      %parallel_loop3A_3569 = arith.shli %parallel_loop3A_3546, %parallel_loop3A_3568 : vector<16xi32>
      %parallel_loop3A_3570 = vector.bitcast %parallel_loop3A_3569 : vector<16xi32> to vector<16xf32>
      %parallel_loop3A_3571 = arith.constant -65536 : i32
      %parallel_loop3A_3572 = vector.broadcast %parallel_loop3A_3571 : i32 to vector<16xi32>
      %parallel_loop3A_3573 = arith.andi %parallel_loop3A_3546, %parallel_loop3A_3572 : vector<16xi32>
      %parallel_loop3A_3574 = vector.bitcast %parallel_loop3A_3573 : vector<16xi32> to vector<16xf32>
      %parallel_loop3A_3575 = arith.constant 16 : i32
      %parallel_loop3A_3576 = vector.broadcast %parallel_loop3A_3575 : i32 to vector<16xi32>
      %parallel_loop3A_3577 = arith.shli %parallel_loop3A_3550, %parallel_loop3A_3576 : vector<16xi32>
      %parallel_loop3A_3578 = vector.bitcast %parallel_loop3A_3577 : vector<16xi32> to vector<16xf32>
      %parallel_loop3A_3579 = arith.constant -65536 : i32
      %parallel_loop3A_3580 = vector.broadcast %parallel_loop3A_3579 : i32 to vector<16xi32>
      %parallel_loop3A_3581 = arith.andi %parallel_loop3A_3550, %parallel_loop3A_3580 : vector<16xi32>
      %parallel_loop3A_3582 = vector.bitcast %parallel_loop3A_3581 : vector<16xi32> to vector<16xf32>
      %parallel_loop3A_3583 = arith.constant 16 : i32
      %parallel_loop3A_3584 = vector.broadcast %parallel_loop3A_3583 : i32 to vector<16xi32>
      %parallel_loop3A_3585 = arith.shli %parallel_loop3A_3554, %parallel_loop3A_3584 : vector<16xi32>
      %parallel_loop3A_3586 = vector.bitcast %parallel_loop3A_3585 : vector<16xi32> to vector<16xf32>
      %parallel_loop3A_3587 = arith.constant -65536 : i32
      %parallel_loop3A_3588 = vector.broadcast %parallel_loop3A_3587 : i32 to vector<16xi32>
      %parallel_loop3A_3589 = arith.andi %parallel_loop3A_3554, %parallel_loop3A_3588 : vector<16xi32>
      %parallel_loop3A_3590 = vector.bitcast %parallel_loop3A_3589 : vector<16xi32> to vector<16xf32>
      %parallel_loop3A_3591 = arith.constant 16 : i32
      %parallel_loop3A_3592 = vector.broadcast %parallel_loop3A_3591 : i32 to vector<16xi32>
      %parallel_loop3A_3593 = arith.shli %parallel_loop3A_3558, %parallel_loop3A_3592 : vector<16xi32>
      %parallel_loop3A_3594 = vector.bitcast %parallel_loop3A_3593 : vector<16xi32> to vector<16xf32>
      %parallel_loop3A_3595 = arith.constant -65536 : i32
      %parallel_loop3A_3596 = vector.broadcast %parallel_loop3A_3595 : i32 to vector<16xi32>
      %parallel_loop3A_3597 = arith.andi %parallel_loop3A_3558, %parallel_loop3A_3596 : vector<16xi32>
      %parallel_loop3A_3598 = vector.bitcast %parallel_loop3A_3597 : vector<16xi32> to vector<16xf32>
      %parallel_loop3A_3599 = arith.addf %parallel_loop3A_3562, %parallel_loop3A_3570 : vector<16xf32>
      %parallel_loop3A_3600 = arith.addf %parallel_loop3A_3578, %parallel_loop3A_3586 : vector<16xf32>
      %parallel_loop3A_3601 = arith.addf %parallel_loop3A_3599, %parallel_loop3A_3600 : vector<16xf32>
      %parallel_loop3A_3602 = arith.addf %parallel_loop3A_3601, %parallel_loop3A_3594 : vector<16xf32>
      %parallel_loop3A_3603 = arith.addf %parallel_loop3A_3566, %parallel_loop3A_3574 : vector<16xf32>
      %parallel_loop3A_3604 = arith.addf %parallel_loop3A_3582, %parallel_loop3A_3590 : vector<16xf32>
      %parallel_loop3A_3605 = arith.addf %parallel_loop3A_3603, %parallel_loop3A_3604 : vector<16xf32>
      %parallel_loop3A_3606 = arith.addf %parallel_loop3A_3605, %parallel_loop3A_3598 : vector<16xf32>
      %parallel_loop3A_3607 = arith.constant 12928 : i32
      %parallel_loop3A_3608 = arith.addi %parallel_loop3A_3607, %parallel_loop3A_334 : i32
      %parallel_loop3A_3609 = arith.index_cast %parallel_loop3A_3608 : i32 to index
      %parallel_loop3A_3610 = tpu.vector_load %arg7[%parallel_loop3A_3609] {strides = array<i32>} : memref<36864xf32, #tpu.memory_space<vmem>>, vector<16xf32>,
      tpu.vector_store %arg7[%parallel_loop3A_3609], %parallel_loop3A_3602 {strides = array<i32>} : memref<36864xf32, #tpu.memory_space<vmem>>, vector<16xf32>,
      %parallel_loop3A_3611 = arith.constant 29440 : i32
      %parallel_loop3A_3612 = arith.addi %parallel_loop3A_3611, %parallel_loop3A_334 : i32
      %parallel_loop3A_3613 = arith.index_cast %parallel_loop3A_3612 : i32 to index
      %parallel_loop3A_3614 = tpu.vector_load %arg7[%parallel_loop3A_3613] {strides = array<i32>} : memref<36864xf32, #tpu.memory_space<vmem>>, vector<16xf32>,
      tpu.vector_store %arg7[%parallel_loop3A_3613], %parallel_loop3A_3606 {strides = array<i32>} : memref<36864xf32, #tpu.memory_space<vmem>>, vector<16xf32>,
      %parallel_loop3A_3615 = arith.constant 4096 : i32
      %parallel_loop3A_3616 = tpu.memref_slice %arg6[%parallel_loop3A_3615] : memref<5120xi32, #tpu.memory_space<vmem>> -> memref<128xi32, #tpu.memory_space<vmem>>
      %parallel_loop3A_3617 = tpu.vector_load_idx %parallel_loop3A_3616[%parallel_loop3A_338] : memref<128xi32, #tpu.memory_space<vmem>>[vector<16xi32>], vector<16xi32>,
      %parallel_loop3A_3618 = arith.constant 4096 : i32
      %parallel_loop3A_3619 = tpu.memref_slice %arg6[%parallel_loop3A_3618] : memref<5120xi32, #tpu.memory_space<vmem>> -> memref<128xi32, #tpu.memory_space<vmem>>
      %parallel_loop3A_3620 = tpu.vector_load_idx %parallel_loop3A_3619[%parallel_loop3A_342] : memref<128xi32, #tpu.memory_space<vmem>>[vector<16xi32>], vector<16xi32>,
      %parallel_loop3A_3621 = arith.constant 4096 : i32
      %parallel_loop3A_3622 = tpu.memref_slice %arg6[%parallel_loop3A_3621] : memref<5120xi32, #tpu.memory_space<vmem>> -> memref<128xi32, #tpu.memory_space<vmem>>
      %parallel_loop3A_3623 = tpu.vector_load_idx %parallel_loop3A_3622[%parallel_loop3A_346] : memref<128xi32, #tpu.memory_space<vmem>>[vector<16xi32>], vector<16xi32>,
      %parallel_loop3A_3624 = arith.constant 4096 : i32
      %parallel_loop3A_3625 = tpu.memref_slice %arg6[%parallel_loop3A_3624] : memref<5120xi32, #tpu.memory_space<vmem>> -> memref<128xi32, #tpu.memory_space<vmem>>
      %parallel_loop3A_3626 = tpu.vector_load_idx %parallel_loop3A_3625[%parallel_loop3A_350] : memref<128xi32, #tpu.memory_space<vmem>>[vector<16xi32>], vector<16xi32>,
      %parallel_loop3A_3627 = arith.constant 4096 : i32
      %parallel_loop3A_3628 = tpu.memref_slice %arg6[%parallel_loop3A_3627] : memref<5120xi32, #tpu.memory_space<vmem>> -> memref<128xi32, #tpu.memory_space<vmem>>
      %parallel_loop3A_3629 = tpu.vector_load_idx %parallel_loop3A_3628[%parallel_loop3A_354] : memref<128xi32, #tpu.memory_space<vmem>>[vector<16xi32>], vector<16xi32>,
      %parallel_loop3A_3630 = arith.constant 4096 : i32
      %parallel_loop3A_3631 = tpu.memref_slice %arg6[%parallel_loop3A_3630] : memref<5120xi32, #tpu.memory_space<vmem>> -> memref<128xi32, #tpu.memory_space<vmem>>
      %parallel_loop3A_3632 = tpu.vector_load_idx %parallel_loop3A_3631[%parallel_loop3A_358] : memref<128xi32, #tpu.memory_space<vmem>>[vector<16xi32>], vector<16xi32>,
      %parallel_loop3A_3633 = arith.constant 4096 : i32
      %parallel_loop3A_3634 = tpu.memref_slice %arg6[%parallel_loop3A_3633] : memref<5120xi32, #tpu.memory_space<vmem>> -> memref<128xi32, #tpu.memory_space<vmem>>
      %parallel_loop3A_3635 = tpu.vector_load_idx %parallel_loop3A_3634[%parallel_loop3A_362] : memref<128xi32, #tpu.memory_space<vmem>>[vector<16xi32>], vector<16xi32>,
      %parallel_loop3A_3636 = arith.constant 4096 : i32
      %parallel_loop3A_3637 = tpu.memref_slice %arg6[%parallel_loop3A_3636] : memref<5120xi32, #tpu.memory_space<vmem>> -> memref<128xi32, #tpu.memory_space<vmem>>
      %parallel_loop3A_3638 = tpu.vector_load_idx %parallel_loop3A_3637[%parallel_loop3A_366] : memref<128xi32, #tpu.memory_space<vmem>>[vector<16xi32>], vector<16xi32>,
      %parallel_loop3A_3639 = arith.constant 4096 : i32
      %parallel_loop3A_3640 = tpu.memref_slice %arg6[%parallel_loop3A_3639] : memref<5120xi32, #tpu.memory_space<vmem>> -> memref<128xi32, #tpu.memory_space<vmem>>
      %parallel_loop3A_3641 = tpu.vector_load_idx %parallel_loop3A_3640[%parallel_loop3A_370] : memref<128xi32, #tpu.memory_space<vmem>>[vector<16xi32>], vector<16xi32>,
      %parallel_loop3A_3642 = arith.constant 4096 : i32
      %parallel_loop3A_3643 = tpu.memref_slice %arg6[%parallel_loop3A_3642] : memref<5120xi32, #tpu.memory_space<vmem>> -> memref<128xi32, #tpu.memory_space<vmem>>
      %parallel_loop3A_3644 = tpu.vector_load_idx %parallel_loop3A_3643[%parallel_loop3A_374] : memref<128xi32, #tpu.memory_space<vmem>>[vector<16xi32>], vector<16xi32>,
      %parallel_loop3A_3645 = vector.bitcast %parallel_loop3A_3405 : vector<16xi32> to vector<32xbf16>
      %parallel_loop3A_3646 = vector.bitcast %parallel_loop3A_3408 : vector<16xi32> to vector<32xbf16>
      %parallel_loop3A_3647 = arith.addf %parallel_loop3A_3645, %parallel_loop3A_3646 : vector<32xbf16>
      %parallel_loop3A_3648 = vector.bitcast %parallel_loop3A_3647 : vector<32xbf16> to vector<16xi32>
      %parallel_loop3A_3649 = vector.bitcast %parallel_loop3A_3411 : vector<16xi32> to vector<32xbf16>
      %parallel_loop3A_3650 = vector.bitcast %parallel_loop3A_3414 : vector<16xi32> to vector<32xbf16>
      %parallel_loop3A_3651 = arith.addf %parallel_loop3A_3649, %parallel_loop3A_3650 : vector<32xbf16>
      %parallel_loop3A_3652 = vector.bitcast %parallel_loop3A_3651 : vector<32xbf16> to vector<16xi32>
      %parallel_loop3A_3653 = vector.bitcast %parallel_loop3A_3417 : vector<16xi32> to vector<32xbf16>
      %parallel_loop3A_3654 = vector.bitcast %parallel_loop3A_3420 : vector<16xi32> to vector<32xbf16>
      %parallel_loop3A_3655 = arith.addf %parallel_loop3A_3653, %parallel_loop3A_3654 : vector<32xbf16>
      %parallel_loop3A_3656 = vector.bitcast %parallel_loop3A_3655 : vector<32xbf16> to vector<16xi32>
      %parallel_loop3A_3657 = vector.bitcast %parallel_loop3A_3423 : vector<16xi32> to vector<32xbf16>
      %parallel_loop3A_3658 = vector.bitcast %parallel_loop3A_3426 : vector<16xi32> to vector<32xbf16>
      %parallel_loop3A_3659 = arith.addf %parallel_loop3A_3657, %parallel_loop3A_3658 : vector<32xbf16>
      %parallel_loop3A_3660 = vector.bitcast %parallel_loop3A_3659 : vector<32xbf16> to vector<16xi32>
      %parallel_loop3A_3661 = vector.bitcast %parallel_loop3A_3429 : vector<16xi32> to vector<32xbf16>
      %parallel_loop3A_3662 = vector.bitcast %parallel_loop3A_3432 : vector<16xi32> to vector<32xbf16>
      %parallel_loop3A_3663 = arith.addf %parallel_loop3A_3661, %parallel_loop3A_3662 : vector<32xbf16>
      %parallel_loop3A_3664 = vector.bitcast %parallel_loop3A_3663 : vector<32xbf16> to vector<16xi32>
      %parallel_loop3A_3665 = arith.constant 16 : i32
      %parallel_loop3A_3666 = vector.broadcast %parallel_loop3A_3665 : i32 to vector<16xi32>
      %parallel_loop3A_3667 = arith.shli %parallel_loop3A_3648, %parallel_loop3A_3666 : vector<16xi32>
      %parallel_loop3A_3668 = vector.bitcast %parallel_loop3A_3667 : vector<16xi32> to vector<16xf32>
      %parallel_loop3A_3669 = arith.constant -65536 : i32
      %parallel_loop3A_3670 = vector.broadcast %parallel_loop3A_3669 : i32 to vector<16xi32>
      %parallel_loop3A_3671 = arith.andi %parallel_loop3A_3648, %parallel_loop3A_3670 : vector<16xi32>
      %parallel_loop3A_3672 = vector.bitcast %parallel_loop3A_3671 : vector<16xi32> to vector<16xf32>
      %parallel_loop3A_3673 = arith.constant 16 : i32
      %parallel_loop3A_3674 = vector.broadcast %parallel_loop3A_3673 : i32 to vector<16xi32>
      %parallel_loop3A_3675 = arith.shli %parallel_loop3A_3652, %parallel_loop3A_3674 : vector<16xi32>
      %parallel_loop3A_3676 = vector.bitcast %parallel_loop3A_3675 : vector<16xi32> to vector<16xf32>
      %parallel_loop3A_3677 = arith.constant -65536 : i32
      %parallel_loop3A_3678 = vector.broadcast %parallel_loop3A_3677 : i32 to vector<16xi32>
      %parallel_loop3A_3679 = arith.andi %parallel_loop3A_3652, %parallel_loop3A_3678 : vector<16xi32>
      %parallel_loop3A_3680 = vector.bitcast %parallel_loop3A_3679 : vector<16xi32> to vector<16xf32>
      %parallel_loop3A_3681 = arith.constant 16 : i32
      %parallel_loop3A_3682 = vector.broadcast %parallel_loop3A_3681 : i32 to vector<16xi32>
      %parallel_loop3A_3683 = arith.shli %parallel_loop3A_3656, %parallel_loop3A_3682 : vector<16xi32>
      %parallel_loop3A_3684 = vector.bitcast %parallel_loop3A_3683 : vector<16xi32> to vector<16xf32>
      %parallel_loop3A_3685 = arith.constant -65536 : i32
      %parallel_loop3A_3686 = vector.broadcast %parallel_loop3A_3685 : i32 to vector<16xi32>
      %parallel_loop3A_3687 = arith.andi %parallel_loop3A_3656, %parallel_loop3A_3686 : vector<16xi32>
      %parallel_loop3A_3688 = vector.bitcast %parallel_loop3A_3687 : vector<16xi32> to vector<16xf32>
      %parallel_loop3A_3689 = arith.constant 16 : i32
      %parallel_loop3A_3690 = vector.broadcast %parallel_loop3A_3689 : i32 to vector<16xi32>
      %parallel_loop3A_3691 = arith.shli %parallel_loop3A_3660, %parallel_loop3A_3690 : vector<16xi32>
      %parallel_loop3A_3692 = vector.bitcast %parallel_loop3A_3691 : vector<16xi32> to vector<16xf32>
      %parallel_loop3A_3693 = arith.constant -65536 : i32
      %parallel_loop3A_3694 = vector.broadcast %parallel_loop3A_3693 : i32 to vector<16xi32>
      %parallel_loop3A_3695 = arith.andi %parallel_loop3A_3660, %parallel_loop3A_3694 : vector<16xi32>
      %parallel_loop3A_3696 = vector.bitcast %parallel_loop3A_3695 : vector<16xi32> to vector<16xf32>
      %parallel_loop3A_3697 = arith.constant 16 : i32
      %parallel_loop3A_3698 = vector.broadcast %parallel_loop3A_3697 : i32 to vector<16xi32>
      %parallel_loop3A_3699 = arith.shli %parallel_loop3A_3664, %parallel_loop3A_3698 : vector<16xi32>
      %parallel_loop3A_3700 = vector.bitcast %parallel_loop3A_3699 : vector<16xi32> to vector<16xf32>
      %parallel_loop3A_3701 = arith.constant -65536 : i32
      %parallel_loop3A_3702 = vector.broadcast %parallel_loop3A_3701 : i32 to vector<16xi32>
      %parallel_loop3A_3703 = arith.andi %parallel_loop3A_3664, %parallel_loop3A_3702 : vector<16xi32>
      %parallel_loop3A_3704 = vector.bitcast %parallel_loop3A_3703 : vector<16xi32> to vector<16xf32>
      %parallel_loop3A_3705 = arith.addf %parallel_loop3A_3668, %parallel_loop3A_3676 : vector<16xf32>
      %parallel_loop3A_3706 = arith.addf %parallel_loop3A_3684, %parallel_loop3A_3692 : vector<16xf32>
      %parallel_loop3A_3707 = arith.addf %parallel_loop3A_3705, %parallel_loop3A_3706 : vector<16xf32>
      %parallel_loop3A_3708 = arith.addf %parallel_loop3A_3707, %parallel_loop3A_3700 : vector<16xf32>
      %parallel_loop3A_3709 = arith.addf %parallel_loop3A_3672, %parallel_loop3A_3680 : vector<16xf32>
      %parallel_loop3A_3710 = arith.addf %parallel_loop3A_3688, %parallel_loop3A_3696 : vector<16xf32>
      %parallel_loop3A_3711 = arith.addf %parallel_loop3A_3709, %parallel_loop3A_3710 : vector<16xf32>
      %parallel_loop3A_3712 = arith.addf %parallel_loop3A_3711, %parallel_loop3A_3704 : vector<16xf32>
      %parallel_loop3A_3713 = arith.constant 13056 : i32
      %parallel_loop3A_3714 = arith.addi %parallel_loop3A_3713, %parallel_loop3A_334 : i32
      %parallel_loop3A_3715 = arith.index_cast %parallel_loop3A_3714 : i32 to index
      %parallel_loop3A_3716 = tpu.vector_load %arg7[%parallel_loop3A_3715] {strides = array<i32>} : memref<36864xf32, #tpu.memory_space<vmem>>, vector<16xf32>,
      tpu.vector_store %arg7[%parallel_loop3A_3715], %parallel_loop3A_3708 {strides = array<i32>} : memref<36864xf32, #tpu.memory_space<vmem>>, vector<16xf32>,
      %parallel_loop3A_3717 = arith.constant 29568 : i32
      %parallel_loop3A_3718 = arith.addi %parallel_loop3A_3717, %parallel_loop3A_334 : i32
      %parallel_loop3A_3719 = arith.index_cast %parallel_loop3A_3718 : i32 to index
      %parallel_loop3A_3720 = tpu.vector_load %arg7[%parallel_loop3A_3719] {strides = array<i32>} : memref<36864xf32, #tpu.memory_space<vmem>>, vector<16xf32>,
      tpu.vector_store %arg7[%parallel_loop3A_3719], %parallel_loop3A_3712 {strides = array<i32>} : memref<36864xf32, #tpu.memory_space<vmem>>, vector<16xf32>,
      %parallel_loop3A_3721 = vector.bitcast %parallel_loop3A_3511 : vector<16xi32> to vector<32xbf16>
      %parallel_loop3A_3722 = vector.bitcast %parallel_loop3A_3514 : vector<16xi32> to vector<32xbf16>
      %parallel_loop3A_3723 = arith.addf %parallel_loop3A_3721, %parallel_loop3A_3722 : vector<32xbf16>
      %parallel_loop3A_3724 = vector.bitcast %parallel_loop3A_3723 : vector<32xbf16> to vector<16xi32>
      %parallel_loop3A_3725 = vector.bitcast %parallel_loop3A_3517 : vector<16xi32> to vector<32xbf16>
      %parallel_loop3A_3726 = vector.bitcast %parallel_loop3A_3520 : vector<16xi32> to vector<32xbf16>
      %parallel_loop3A_3727 = arith.addf %parallel_loop3A_3725, %parallel_loop3A_3726 : vector<32xbf16>
      %parallel_loop3A_3728 = vector.bitcast %parallel_loop3A_3727 : vector<32xbf16> to vector<16xi32>
      %parallel_loop3A_3729 = vector.bitcast %parallel_loop3A_3523 : vector<16xi32> to vector<32xbf16>
      %parallel_loop3A_3730 = vector.bitcast %parallel_loop3A_3526 : vector<16xi32> to vector<32xbf16>
      %parallel_loop3A_3731 = arith.addf %parallel_loop3A_3729, %parallel_loop3A_3730 : vector<32xbf16>
      %parallel_loop3A_3732 = vector.bitcast %parallel_loop3A_3731 : vector<32xbf16> to vector<16xi32>
      %parallel_loop3A_3733 = vector.bitcast %parallel_loop3A_3529 : vector<16xi32> to vector<32xbf16>
      %parallel_loop3A_3734 = vector.bitcast %parallel_loop3A_3532 : vector<16xi32> to vector<32xbf16>
      %parallel_loop3A_3735 = arith.addf %parallel_loop3A_3733, %parallel_loop3A_3734 : vector<32xbf16>
      %parallel_loop3A_3736 = vector.bitcast %parallel_loop3A_3735 : vector<32xbf16> to vector<16xi32>
      %parallel_loop3A_3737 = vector.bitcast %parallel_loop3A_3535 : vector<16xi32> to vector<32xbf16>
      %parallel_loop3A_3738 = vector.bitcast %parallel_loop3A_3538 : vector<16xi32> to vector<32xbf16>
      %parallel_loop3A_3739 = arith.addf %parallel_loop3A_3737, %parallel_loop3A_3738 : vector<32xbf16>
      %parallel_loop3A_3740 = vector.bitcast %parallel_loop3A_3739 : vector<32xbf16> to vector<16xi32>
      %parallel_loop3A_3741 = arith.constant 16 : i32
      %parallel_loop3A_3742 = vector.broadcast %parallel_loop3A_3741 : i32 to vector<16xi32>
      %parallel_loop3A_3743 = arith.shli %parallel_loop3A_3724, %parallel_loop3A_3742 : vector<16xi32>
      %parallel_loop3A_3744 = vector.bitcast %parallel_loop3A_3743 : vector<16xi32> to vector<16xf32>
      %parallel_loop3A_3745 = arith.constant -65536 : i32
      %parallel_loop3A_3746 = vector.broadcast %parallel_loop3A_3745 : i32 to vector<16xi32>
      %parallel_loop3A_3747 = arith.andi %parallel_loop3A_3724, %parallel_loop3A_3746 : vector<16xi32>
      %parallel_loop3A_3748 = vector.bitcast %parallel_loop3A_3747 : vector<16xi32> to vector<16xf32>
      %parallel_loop3A_3749 = arith.constant 16 : i32
      %parallel_loop3A_3750 = vector.broadcast %parallel_loop3A_3749 : i32 to vector<16xi32>
      %parallel_loop3A_3751 = arith.shli %parallel_loop3A_3728, %parallel_loop3A_3750 : vector<16xi32>
      %parallel_loop3A_3752 = vector.bitcast %parallel_loop3A_3751 : vector<16xi32> to vector<16xf32>
      %parallel_loop3A_3753 = arith.constant -65536 : i32
      %parallel_loop3A_3754 = vector.broadcast %parallel_loop3A_3753 : i32 to vector<16xi32>
      %parallel_loop3A_3755 = arith.andi %parallel_loop3A_3728, %parallel_loop3A_3754 : vector<16xi32>
      %parallel_loop3A_3756 = vector.bitcast %parallel_loop3A_3755 : vector<16xi32> to vector<16xf32>
      %parallel_loop3A_3757 = arith.constant 16 : i32
      %parallel_loop3A_3758 = vector.broadcast %parallel_loop3A_3757 : i32 to vector<16xi32>
      %parallel_loop3A_3759 = arith.shli %parallel_loop3A_3732, %parallel_loop3A_3758 : vector<16xi32>
      %parallel_loop3A_3760 = vector.bitcast %parallel_loop3A_3759 : vector<16xi32> to vector<16xf32>
      %parallel_loop3A_3761 = arith.constant -65536 : i32
      %parallel_loop3A_3762 = vector.broadcast %parallel_loop3A_3761 : i32 to vector<16xi32>
      %parallel_loop3A_3763 = arith.andi %parallel_loop3A_3732, %parallel_loop3A_3762 : vector<16xi32>
      %parallel_loop3A_3764 = vector.bitcast %parallel_loop3A_3763 : vector<16xi32> to vector<16xf32>
      %parallel_loop3A_3765 = arith.constant 16 : i32
      %parallel_loop3A_3766 = vector.broadcast %parallel_loop3A_3765 : i32 to vector<16xi32>
      %parallel_loop3A_3767 = arith.shli %parallel_loop3A_3736, %parallel_loop3A_3766 : vector<16xi32>
      %parallel_loop3A_3768 = vector.bitcast %parallel_loop3A_3767 : vector<16xi32> to vector<16xf32>
      %parallel_loop3A_3769 = arith.constant -65536 : i32
      %parallel_loop3A_3770 = vector.broadcast %parallel_loop3A_3769 : i32 to vector<16xi32>
      %parallel_loop3A_3771 = arith.andi %parallel_loop3A_3736, %parallel_loop3A_3770 : vector<16xi32>
      %parallel_loop3A_3772 = vector.bitcast %parallel_loop3A_3771 : vector<16xi32> to vector<16xf32>
      %parallel_loop3A_3773 = arith.constant 16 : i32
      %parallel_loop3A_3774 = vector.broadcast %parallel_loop3A_3773 : i32 to vector<16xi32>
      %parallel_loop3A_3775 = arith.shli %parallel_loop3A_3740, %parallel_loop3A_3774 : vector<16xi32>
      %parallel_loop3A_3776 = vector.bitcast %parallel_loop3A_3775 : vector<16xi32> to vector<16xf32>
      %parallel_loop3A_3777 = arith.constant -65536 : i32
      %parallel_loop3A_3778 = vector.broadcast %parallel_loop3A_3777 : i32 to vector<16xi32>
      %parallel_loop3A_3779 = arith.andi %parallel_loop3A_3740, %parallel_loop3A_3778 : vector<16xi32>
      %parallel_loop3A_3780 = vector.bitcast %parallel_loop3A_3779 : vector<16xi32> to vector<16xf32>
      %parallel_loop3A_3781 = arith.addf %parallel_loop3A_3744, %parallel_loop3A_3752 : vector<16xf32>
      %parallel_loop3A_3782 = arith.addf %parallel_loop3A_3760, %parallel_loop3A_3768 : vector<16xf32>
      %parallel_loop3A_3783 = arith.addf %parallel_loop3A_3781, %parallel_loop3A_3782 : vector<16xf32>
      %parallel_loop3A_3784 = arith.addf %parallel_loop3A_3783, %parallel_loop3A_3776 : vector<16xf32>
      %parallel_loop3A_3785 = arith.addf %parallel_loop3A_3748, %parallel_loop3A_3756 : vector<16xf32>
      %parallel_loop3A_3786 = arith.addf %parallel_loop3A_3764, %parallel_loop3A_3772 : vector<16xf32>
      %parallel_loop3A_3787 = arith.addf %parallel_loop3A_3785, %parallel_loop3A_3786 : vector<16xf32>
      %parallel_loop3A_3788 = arith.addf %parallel_loop3A_3787, %parallel_loop3A_3780 : vector<16xf32>
      %parallel_loop3A_3789 = arith.constant 13184 : i32
      %parallel_loop3A_3790 = arith.addi %parallel_loop3A_3789, %parallel_loop3A_334 : i32
      %parallel_loop3A_3791 = arith.index_cast %parallel_loop3A_3790 : i32 to index
      %parallel_loop3A_3792 = tpu.vector_load %arg7[%parallel_loop3A_3791] {strides = array<i32>} : memref<36864xf32, #tpu.memory_space<vmem>>, vector<16xf32>,
      tpu.vector_store %arg7[%parallel_loop3A_3791], %parallel_loop3A_3784 {strides = array<i32>} : memref<36864xf32, #tpu.memory_space<vmem>>, vector<16xf32>,
      %parallel_loop3A_3793 = arith.constant 32768 : i32
      %parallel_loop3A_3794 = arith.addi %parallel_loop3A_3793, %parallel_loop3A_334 : i32
      %parallel_loop3A_3795 = arith.index_cast %parallel_loop3A_3794 : i32 to index
      %parallel_loop3A_3796 = tpu.vector_load %arg7[%parallel_loop3A_3795] {strides = array<i32>} : memref<36864xf32, #tpu.memory_space<vmem>>, vector<16xf32>,
      tpu.vector_store %arg7[%parallel_loop3A_3795], %parallel_loop3A_3788 {strides = array<i32>} : memref<36864xf32, #tpu.memory_space<vmem>>, vector<16xf32>,
      %parallel_loop3A_3797 = vector.bitcast %parallel_loop3A_3617 : vector<16xi32> to vector<32xbf16>
      %parallel_loop3A_3798 = vector.bitcast %parallel_loop3A_3620 : vector<16xi32> to vector<32xbf16>
      %parallel_loop3A_3799 = arith.addf %parallel_loop3A_3797, %parallel_loop3A_3798 : vector<32xbf16>
      %parallel_loop3A_3800 = vector.bitcast %parallel_loop3A_3799 : vector<32xbf16> to vector<16xi32>
      %parallel_loop3A_3801 = vector.bitcast %parallel_loop3A_3623 : vector<16xi32> to vector<32xbf16>
      %parallel_loop3A_3802 = vector.bitcast %parallel_loop3A_3626 : vector<16xi32> to vector<32xbf16>
      %parallel_loop3A_3803 = arith.addf %parallel_loop3A_3801, %parallel_loop3A_3802 : vector<32xbf16>
      %parallel_loop3A_3804 = vector.bitcast %parallel_loop3A_3803 : vector<32xbf16> to vector<16xi32>
      %parallel_loop3A_3805 = vector.bitcast %parallel_loop3A_3629 : vector<16xi32> to vector<32xbf16>
      %parallel_loop3A_3806 = vector.bitcast %parallel_loop3A_3632 : vector<16xi32> to vector<32xbf16>
      %parallel_loop3A_3807 = arith.addf %parallel_loop3A_3805, %parallel_loop3A_3806 : vector<32xbf16>
      %parallel_loop3A_3808 = vector.bitcast %parallel_loop3A_3807 : vector<32xbf16> to vector<16xi32>
      %parallel_loop3A_3809 = vector.bitcast %parallel_loop3A_3635 : vector<16xi32> to vector<32xbf16>
      %parallel_loop3A_3810 = vector.bitcast %parallel_loop3A_3638 : vector<16xi32> to vector<32xbf16>
      %parallel_loop3A_3811 = arith.addf %parallel_loop3A_3809, %parallel_loop3A_3810 : vector<32xbf16>
      %parallel_loop3A_3812 = vector.bitcast %parallel_loop3A_3811 : vector<32xbf16> to vector<16xi32>
      %parallel_loop3A_3813 = vector.bitcast %parallel_loop3A_3641 : vector<16xi32> to vector<32xbf16>
      %parallel_loop3A_3814 = vector.bitcast %parallel_loop3A_3644 : vector<16xi32> to vector<32xbf16>
      %parallel_loop3A_3815 = arith.addf %parallel_loop3A_3813, %parallel_loop3A_3814 : vector<32xbf16>
      %parallel_loop3A_3816 = vector.bitcast %parallel_loop3A_3815 : vector<32xbf16> to vector<16xi32>
      %parallel_loop3A_3817 = arith.constant 16 : i32
      %parallel_loop3A_3818 = vector.broadcast %parallel_loop3A_3817 : i32 to vector<16xi32>
      %parallel_loop3A_3819 = arith.shli %parallel_loop3A_3800, %parallel_loop3A_3818 : vector<16xi32>
      %parallel_loop3A_3820 = vector.bitcast %parallel_loop3A_3819 : vector<16xi32> to vector<16xf32>
      %parallel_loop3A_3821 = arith.constant -65536 : i32
      %parallel_loop3A_3822 = vector.broadcast %parallel_loop3A_3821 : i32 to vector<16xi32>
      %parallel_loop3A_3823 = arith.andi %parallel_loop3A_3800, %parallel_loop3A_3822 : vector<16xi32>
      %parallel_loop3A_3824 = vector.bitcast %parallel_loop3A_3823 : vector<16xi32> to vector<16xf32>
      %parallel_loop3A_3825 = arith.constant 16 : i32
      %parallel_loop3A_3826 = vector.broadcast %parallel_loop3A_3825 : i32 to vector<16xi32>
      %parallel_loop3A_3827 = arith.shli %parallel_loop3A_3804, %parallel_loop3A_3826 : vector<16xi32>
      %parallel_loop3A_3828 = vector.bitcast %parallel_loop3A_3827 : vector<16xi32> to vector<16xf32>
      %parallel_loop3A_3829 = arith.constant -65536 : i32
      %parallel_loop3A_3830 = vector.broadcast %parallel_loop3A_3829 : i32 to vector<16xi32>
      %parallel_loop3A_3831 = arith.andi %parallel_loop3A_3804, %parallel_loop3A_3830 : vector<16xi32>
      %parallel_loop3A_3832 = vector.bitcast %parallel_loop3A_3831 : vector<16xi32> to vector<16xf32>
      %parallel_loop3A_3833 = arith.constant 16 : i32
      %parallel_loop3A_3834 = vector.broadcast %parallel_loop3A_3833 : i32 to vector<16xi32>
      %parallel_loop3A_3835 = arith.shli %parallel_loop3A_3808, %parallel_loop3A_3834 : vector<16xi32>
      %parallel_loop3A_3836 = vector.bitcast %parallel_loop3A_3835 : vector<16xi32> to vector<16xf32>
      %parallel_loop3A_3837 = arith.constant -65536 : i32
      %parallel_loop3A_3838 = vector.broadcast %parallel_loop3A_3837 : i32 to vector<16xi32>
      %parallel_loop3A_3839 = arith.andi %parallel_loop3A_3808, %parallel_loop3A_3838 : vector<16xi32>
      %parallel_loop3A_3840 = vector.bitcast %parallel_loop3A_3839 : vector<16xi32> to vector<16xf32>
      %parallel_loop3A_3841 = arith.constant 16 : i32
      %parallel_loop3A_3842 = vector.broadcast %parallel_loop3A_3841 : i32 to vector<16xi32>
      %parallel_loop3A_3843 = arith.shli %parallel_loop3A_3812, %parallel_loop3A_3842 : vector<16xi32>
      %parallel_loop3A_3844 = vector.bitcast %parallel_loop3A_3843 : vector<16xi32> to vector<16xf32>
      %parallel_loop3A_3845 = arith.constant -65536 : i32
      %parallel_loop3A_3846 = vector.broadcast %parallel_loop3A_3845 : i32 to vector<16xi32>
      %parallel_loop3A_3847 = arith.andi %parallel_loop3A_3812, %parallel_loop3A_3846 : vector<16xi32>
      %parallel_loop3A_3848 = vector.bitcast %parallel_loop3A_3847 : vector<16xi32> to vector<16xf32>
      %parallel_loop3A_3849 = arith.constant 16 : i32
      %parallel_loop3A_3850 = vector.broadcast %parallel_loop3A_3849 : i32 to vector<16xi32>
      %parallel_loop3A_3851 = arith.shli %parallel_loop3A_3816, %parallel_loop3A_3850 : vector<16xi32>
      %parallel_loop3A_3852 = vector.bitcast %parallel_loop3A_3851 : vector<16xi32> to vector<16xf32>
      %parallel_loop3A_3853 = arith.constant -65536 : i32
      %parallel_loop3A_3854 = vector.broadcast %parallel_loop3A_3853 : i32 to vector<16xi32>
      %parallel_loop3A_3855 = arith.andi %parallel_loop3A_3816, %parallel_loop3A_3854 : vector<16xi32>
      %parallel_loop3A_3856 = vector.bitcast %parallel_loop3A_3855 : vector<16xi32> to vector<16xf32>
      %parallel_loop3A_3857 = arith.addf %parallel_loop3A_3820, %parallel_loop3A_3828 : vector<16xf32>
      %parallel_loop3A_3858 = arith.addf %parallel_loop3A_3836, %parallel_loop3A_3844 : vector<16xf32>
      %parallel_loop3A_3859 = arith.addf %parallel_loop3A_3857, %parallel_loop3A_3858 : vector<16xf32>
      %parallel_loop3A_3860 = arith.addf %parallel_loop3A_3859, %parallel_loop3A_3852 : vector<16xf32>
      %parallel_loop3A_3861 = arith.addf %parallel_loop3A_3824, %parallel_loop3A_3832 : vector<16xf32>
      %parallel_loop3A_3862 = arith.addf %parallel_loop3A_3840, %parallel_loop3A_3848 : vector<16xf32>
      %parallel_loop3A_3863 = arith.addf %parallel_loop3A_3861, %parallel_loop3A_3862 : vector<16xf32>
      %parallel_loop3A_3864 = arith.addf %parallel_loop3A_3863, %parallel_loop3A_3856 : vector<16xf32>
      %parallel_loop3A_3865 = arith.constant 16384 : i32
      %parallel_loop3A_3866 = arith.addi %parallel_loop3A_3865, %parallel_loop3A_334 : i32
      %parallel_loop3A_3867 = arith.index_cast %parallel_loop3A_3866 : i32 to index
      %parallel_loop3A_3868 = tpu.vector_load %arg7[%parallel_loop3A_3867] {strides = array<i32>} : memref<36864xf32, #tpu.memory_space<vmem>>, vector<16xf32>,
      tpu.vector_store %arg7[%parallel_loop3A_3867], %parallel_loop3A_3860 {strides = array<i32>} : memref<36864xf32, #tpu.memory_space<vmem>>, vector<16xf32>,
    } {sc.loop_unroll_factor = 1 : i64, sc.parallel_access}
    %mul3A_143 = arith.constant 8 : i32
    %mul3A_144 = arith.muli %mul3A_2, %mul3A_143 : i32
    %add3A_145 = arith.constant 0 : i32
    %add3A_146 = arith.addi %add3A_145, %mul3A_144 : i32
    %mul3A_147 = arith.constant 8 : i32
    %mul3A_148 = arith.muli %mul3A_2, %mul3A_147 : i32
    %add3A_149 = arith.constant 131072 : i32
    %add3A_150 = arith.addi %add3A_149, %mul3A_148 : i32
    %mul3A_151 = arith.constant 8 : i32
    %mul3A_152 = arith.muli %mul3A_2, %mul3A_151 : i32
    %add3A_153 = arith.constant 262144 : i32
    %add3A_154 = arith.addi %add3A_153, %mul3A_152 : i32
    %mul3A_155 = arith.constant 8 : i32
    %mul3A_156 = arith.muli %mul3A_2, %mul3A_155 : i32
    %add3A_157 = arith.constant 393216 : i32
    %add3A_158 = arith.addi %add3A_157, %mul3A_156 : i32
    %mul3A_159 = arith.constant 8 : i32
    %mul3A_160 = arith.muli %mul3A_2, %mul3A_159 : i32
    %add3A_161 = arith.constant 524288 : i32
    %add3A_162 = arith.addi %add3A_161, %mul3A_160 : i32
    %mul3A_163 = arith.constant 8 : i32
    %mul3A_164 = arith.muli %mul3A_2, %mul3A_163 : i32
    %add3A_165 = arith.constant 655360 : i32
    %add3A_166 = arith.addi %add3A_165, %mul3A_164 : i32
    %mul3A_167 = arith.constant 8 : i32
    %mul3A_168 = arith.muli %mul3A_2, %mul3A_167 : i32
    %add3A_169 = arith.constant 786432 : i32
    %add3A_170 = arith.addi %add3A_169, %mul3A_168 : i32
    %mul3A_171 = arith.constant 8 : i32
    %mul3A_172 = arith.muli %mul3A_2, %mul3A_171 : i32
    %add3A_173 = arith.constant 917504 : i32
    %add3A_174 = arith.addi %add3A_173, %mul3A_172 : i32
    %mul3A_175 = arith.constant 8 : i32
    %mul3A_176 = arith.muli %mul3A_2, %mul3A_175 : i32
    %add3A_177 = arith.constant 1048576 : i32
    %add3A_178 = arith.addi %add3A_177, %mul3A_176 : i32
    %dma_start3A_179 = arith.constant 0 : i32
    %dma_start3A_180 = tpu.memref_slice %arg7[%dma_start3A_179] : memref<36864xf32, #tpu.memory_space<vmem>> -> memref<4096xf32, #tpu.memory_space<vmem>>
    %dma_start3A_181 = tpu.memref_slice %arg4[%add3A_146] : memref<1179648xf32, #tpu.memory_space<hbm>> -> memref<4096xf32, #tpu.memory_space<hbm>>
    %dma_start3A_182 = tpu.memref_slice %arg4[%add3A_146] : memref<1179648xf32, #tpu.memory_space<hbm>> -> memref<4096xf32, #tpu.memory_space<hbm>>
    %dma_start3A_183 = arith.constant 0 : i32
    %dma_start3A_184 = tpu.memref_slice %arg7[%dma_start3A_183] : memref<36864xf32, #tpu.memory_space<vmem>> -> memref<4096xf32, #tpu.memory_space<vmem>>
    tpu.enqueue_dma source(%dma_start3A_184 : memref<4096xf32, #tpu.memory_space<vmem>>) target(%dma_start3A_182 : memref<4096xf32, #tpu.memory_space<hbm>>) target_semaphore(%arg9 : memref<!tpu.dma_semaphore, #tpu.memory_space<semaphore_mem>>)
    %dma_start3A_185 = arith.constant 4096 : i32
    %dma_start3A_186 = tpu.memref_slice %arg7[%dma_start3A_185] : memref<36864xf32, #tpu.memory_space<vmem>> -> memref<4096xf32, #tpu.memory_space<vmem>>
    %dma_start3A_187 = tpu.memref_slice %arg4[%add3A_150] : memref<1179648xf32, #tpu.memory_space<hbm>> -> memref<4096xf32, #tpu.memory_space<hbm>>
    %dma_start3A_188 = tpu.memref_slice %arg4[%add3A_150] : memref<1179648xf32, #tpu.memory_space<hbm>> -> memref<4096xf32, #tpu.memory_space<hbm>>
    %dma_start3A_189 = arith.constant 4096 : i32
    %dma_start3A_190 = tpu.memref_slice %arg7[%dma_start3A_189] : memref<36864xf32, #tpu.memory_space<vmem>> -> memref<4096xf32, #tpu.memory_space<vmem>>
    tpu.enqueue_dma source(%dma_start3A_190 : memref<4096xf32, #tpu.memory_space<vmem>>) target(%dma_start3A_188 : memref<4096xf32, #tpu.memory_space<hbm>>) target_semaphore(%arg9 : memref<!tpu.dma_semaphore, #tpu.memory_space<semaphore_mem>>)
    %dma_start3A_191 = arith.constant 8192 : i32
    %dma_start3A_192 = tpu.memref_slice %arg7[%dma_start3A_191] : memref<36864xf32, #tpu.memory_space<vmem>> -> memref<4096xf32, #tpu.memory_space<vmem>>
    %dma_start3A_193 = tpu.memref_slice %arg4[%add3A_154] : memref<1179648xf32, #tpu.memory_space<hbm>> -> memref<4096xf32, #tpu.memory_space<hbm>>
    %dma_start3A_194 = tpu.memref_slice %arg4[%add3A_154] : memref<1179648xf32, #tpu.memory_space<hbm>> -> memref<4096xf32, #tpu.memory_space<hbm>>
    %dma_start3A_195 = arith.constant 8192 : i32
    %dma_start3A_196 = tpu.memref_slice %arg7[%dma_start3A_195] : memref<36864xf32, #tpu.memory_space<vmem>> -> memref<4096xf32, #tpu.memory_space<vmem>>
    tpu.enqueue_dma source(%dma_start3A_196 : memref<4096xf32, #tpu.memory_space<vmem>>) target(%dma_start3A_194 : memref<4096xf32, #tpu.memory_space<hbm>>) target_semaphore(%arg9 : memref<!tpu.dma_semaphore, #tpu.memory_space<semaphore_mem>>)
    %dma_start3A_197 = arith.constant 12288 : i32
    %dma_start3A_198 = tpu.memref_slice %arg7[%dma_start3A_197] : memref<36864xf32, #tpu.memory_space<vmem>> -> memref<4096xf32, #tpu.memory_space<vmem>>
    %dma_start3A_199 = tpu.memref_slice %arg4[%add3A_158] : memref<1179648xf32, #tpu.memory_space<hbm>> -> memref<4096xf32, #tpu.memory_space<hbm>>
    %dma_start3A_200 = tpu.memref_slice %arg4[%add3A_158] : memref<1179648xf32, #tpu.memory_space<hbm>> -> memref<4096xf32, #tpu.memory_space<hbm>>
    %dma_start3A_201 = arith.constant 12288 : i32
    %dma_start3A_202 = tpu.memref_slice %arg7[%dma_start3A_201] : memref<36864xf32, #tpu.memory_space<vmem>> -> memref<4096xf32, #tpu.memory_space<vmem>>
    tpu.enqueue_dma source(%dma_start3A_202 : memref<4096xf32, #tpu.memory_space<vmem>>) target(%dma_start3A_200 : memref<4096xf32, #tpu.memory_space<hbm>>) target_semaphore(%arg9 : memref<!tpu.dma_semaphore, #tpu.memory_space<semaphore_mem>>)
    %dma_start3A_203 = arith.constant 16384 : i32
    %dma_start3A_204 = tpu.memref_slice %arg7[%dma_start3A_203] : memref<36864xf32, #tpu.memory_space<vmem>> -> memref<4096xf32, #tpu.memory_space<vmem>>
    %dma_start3A_205 = tpu.memref_slice %arg4[%add3A_162] : memref<1179648xf32, #tpu.memory_space<hbm>> -> memref<4096xf32, #tpu.memory_space<hbm>>
    %dma_start3A_206 = tpu.memref_slice %arg4[%add3A_162] : memref<1179648xf32, #tpu.memory_space<hbm>> -> memref<4096xf32, #tpu.memory_space<hbm>>
    %dma_start3A_207 = arith.constant 16384 : i32
    %dma_start3A_208 = tpu.memref_slice %arg7[%dma_start3A_207] : memref<36864xf32, #tpu.memory_space<vmem>> -> memref<4096xf32, #tpu.memory_space<vmem>>
    tpu.enqueue_dma source(%dma_start3A_208 : memref<4096xf32, #tpu.memory_space<vmem>>) target(%dma_start3A_206 : memref<4096xf32, #tpu.memory_space<hbm>>) target_semaphore(%arg9 : memref<!tpu.dma_semaphore, #tpu.memory_space<semaphore_mem>>)
    %dma_start3A_209 = arith.constant 20480 : i32
    %dma_start3A_210 = tpu.memref_slice %arg7[%dma_start3A_209] : memref<36864xf32, #tpu.memory_space<vmem>> -> memref<4096xf32, #tpu.memory_space<vmem>>
    %dma_start3A_211 = tpu.memref_slice %arg4[%add3A_166] : memref<1179648xf32, #tpu.memory_space<hbm>> -> memref<4096xf32, #tpu.memory_space<hbm>>
    %dma_start3A_212 = tpu.memref_slice %arg4[%add3A_166] : memref<1179648xf32, #tpu.memory_space<hbm>> -> memref<4096xf32, #tpu.memory_space<hbm>>
    %dma_start3A_213 = arith.constant 20480 : i32
    %dma_start3A_214 = tpu.memref_slice %arg7[%dma_start3A_213] : memref<36864xf32, #tpu.memory_space<vmem>> -> memref<4096xf32, #tpu.memory_space<vmem>>
    tpu.enqueue_dma source(%dma_start3A_214 : memref<4096xf32, #tpu.memory_space<vmem>>) target(%dma_start3A_212 : memref<4096xf32, #tpu.memory_space<hbm>>) target_semaphore(%arg9 : memref<!tpu.dma_semaphore, #tpu.memory_space<semaphore_mem>>)
    %dma_start3A_215 = arith.constant 24576 : i32
    %dma_start3A_216 = tpu.memref_slice %arg7[%dma_start3A_215] : memref<36864xf32, #tpu.memory_space<vmem>> -> memref<4096xf32, #tpu.memory_space<vmem>>
    %dma_start3A_217 = tpu.memref_slice %arg4[%add3A_170] : memref<1179648xf32, #tpu.memory_space<hbm>> -> memref<4096xf32, #tpu.memory_space<hbm>>
    %dma_start3A_218 = tpu.memref_slice %arg4[%add3A_170] : memref<1179648xf32, #tpu.memory_space<hbm>> -> memref<4096xf32, #tpu.memory_space<hbm>>
    %dma_start3A_219 = arith.constant 24576 : i32
    %dma_start3A_220 = tpu.memref_slice %arg7[%dma_start3A_219] : memref<36864xf32, #tpu.memory_space<vmem>> -> memref<4096xf32, #tpu.memory_space<vmem>>
    tpu.enqueue_dma source(%dma_start3A_220 : memref<4096xf32, #tpu.memory_space<vmem>>) target(%dma_start3A_218 : memref<4096xf32, #tpu.memory_space<hbm>>) target_semaphore(%arg9 : memref<!tpu.dma_semaphore, #tpu.memory_space<semaphore_mem>>)
    %dma_start3A_221 = arith.constant 28672 : i32
    %dma_start3A_222 = tpu.memref_slice %arg7[%dma_start3A_221] : memref<36864xf32, #tpu.memory_space<vmem>> -> memref<4096xf32, #tpu.memory_space<vmem>>
    %dma_start3A_223 = tpu.memref_slice %arg4[%add3A_174] : memref<1179648xf32, #tpu.memory_space<hbm>> -> memref<4096xf32, #tpu.memory_space<hbm>>
    %dma_start3A_224 = tpu.memref_slice %arg4[%add3A_174] : memref<1179648xf32, #tpu.memory_space<hbm>> -> memref<4096xf32, #tpu.memory_space<hbm>>
    %dma_start3A_225 = arith.constant 28672 : i32
    %dma_start3A_226 = tpu.memref_slice %arg7[%dma_start3A_225] : memref<36864xf32, #tpu.memory_space<vmem>> -> memref<4096xf32, #tpu.memory_space<vmem>>
    tpu.enqueue_dma source(%dma_start3A_226 : memref<4096xf32, #tpu.memory_space<vmem>>) target(%dma_start3A_224 : memref<4096xf32, #tpu.memory_space<hbm>>) target_semaphore(%arg9 : memref<!tpu.dma_semaphore, #tpu.memory_space<semaphore_mem>>)
    %dma_start3A_227 = arith.constant 32768 : i32
    %dma_start3A_228 = tpu.memref_slice %arg7[%dma_start3A_227] : memref<36864xf32, #tpu.memory_space<vmem>> -> memref<4096xf32, #tpu.memory_space<vmem>>
    %dma_start3A_229 = tpu.memref_slice %arg4[%add3A_178] : memref<1179648xf32, #tpu.memory_space<hbm>> -> memref<4096xf32, #tpu.memory_space<hbm>>
    %dma_start3A_230 = tpu.memref_slice %arg4[%add3A_178] : memref<1179648xf32, #tpu.memory_space<hbm>> -> memref<4096xf32, #tpu.memory_space<hbm>>
    %dma_start3A_231 = arith.constant 32768 : i32
    %dma_start3A_232 = tpu.memref_slice %arg7[%dma_start3A_231] : memref<36864xf32, #tpu.memory_space<vmem>> -> memref<4096xf32, #tpu.memory_space<vmem>>
    tpu.enqueue_dma source(%dma_start3A_232 : memref<4096xf32, #tpu.memory_space<vmem>>) target(%dma_start3A_230 : memref<4096xf32, #tpu.memory_space<hbm>>) target_semaphore(%arg9 : memref<!tpu.dma_semaphore, #tpu.memory_space<semaphore_mem>>)
    %dma_wait3A_233 = arith.constant 0 : i32
    %dma_wait3A_234 = tpu.memref_slice %arg7[%dma_wait3A_233] : memref<36864xf32, #tpu.memory_space<vmem>> -> memref<4096xf32, #tpu.memory_space<vmem>>
    %dma_wait3A_235 = tpu.memref_slice %arg4[%add3A_146] : memref<1179648xf32, #tpu.memory_space<hbm>> -> memref<4096xf32, #tpu.memory_space<hbm>>
    %dma_wait3A_236 = tpu.memref_slice %arg4[%add3A_146] : memref<1179648xf32, #tpu.memory_space<hbm>> -> memref<4096xf32, #tpu.memory_space<hbm>>
    %dma_wait3A_237 = arith.constant 0 : i32
    %dma_wait3A_238 = tpu.memref_slice %arg7[%dma_wait3A_237] : memref<36864xf32, #tpu.memory_space<vmem>> -> memref<4096xf32, #tpu.memory_space<vmem>>
    tpu.wait_dma2 semaphore(%arg9 : memref<!tpu.dma_semaphore, #tpu.memory_space<semaphore_mem>>) src(%dma_wait3A_238 : memref<4096xf32, #tpu.memory_space<vmem>>) dst(%dma_wait3A_236 : memref<4096xf32, #tpu.memory_space<hbm>>)
    %dma_wait3A_239 = arith.constant 4096 : i32
    %dma_wait3A_240 = tpu.memref_slice %arg7[%dma_wait3A_239] : memref<36864xf32, #tpu.memory_space<vmem>> -> memref<4096xf32, #tpu.memory_space<vmem>>
    %dma_wait3A_241 = tpu.memref_slice %arg4[%add3A_150] : memref<1179648xf32, #tpu.memory_space<hbm>> -> memref<4096xf32, #tpu.memory_space<hbm>>
    %dma_wait3A_242 = tpu.memref_slice %arg4[%add3A_150] : memref<1179648xf32, #tpu.memory_space<hbm>> -> memref<4096xf32, #tpu.memory_space<hbm>>
    %dma_wait3A_243 = arith.constant 4096 : i32
    %dma_wait3A_244 = tpu.memref_slice %arg7[%dma_wait3A_243] : memref<36864xf32, #tpu.memory_space<vmem>> -> memref<4096xf32, #tpu.memory_space<vmem>>
    tpu.wait_dma2 semaphore(%arg9 : memref<!tpu.dma_semaphore, #tpu.memory_space<semaphore_mem>>) src(%dma_wait3A_244 : memref<4096xf32, #tpu.memory_space<vmem>>) dst(%dma_wait3A_242 : memref<4096xf32, #tpu.memory_space<hbm>>)
    %dma_wait3A_245 = arith.constant 8192 : i32
    %dma_wait3A_246 = tpu.memref_slice %arg7[%dma_wait3A_245] : memref<36864xf32, #tpu.memory_space<vmem>> -> memref<4096xf32, #tpu.memory_space<vmem>>
    %dma_wait3A_247 = tpu.memref_slice %arg4[%add3A_154] : memref<1179648xf32, #tpu.memory_space<hbm>> -> memref<4096xf32, #tpu.memory_space<hbm>>
    %dma_wait3A_248 = tpu.memref_slice %arg4[%add3A_154] : memref<1179648xf32, #tpu.memory_space<hbm>> -> memref<4096xf32, #tpu.memory_space<hbm>>
    %dma_wait3A_249 = arith.constant 8192 : i32
    %dma_wait3A_250 = tpu.memref_slice %arg7[%dma_wait3A_249] : memref<36864xf32, #tpu.memory_space<vmem>> -> memref<4096xf32, #tpu.memory_space<vmem>>
    tpu.wait_dma2 semaphore(%arg9 : memref<!tpu.dma_semaphore, #tpu.memory_space<semaphore_mem>>) src(%dma_wait3A_250 : memref<4096xf32, #tpu.memory_space<vmem>>) dst(%dma_wait3A_248 : memref<4096xf32, #tpu.memory_space<hbm>>)
    %dma_wait3A_251 = arith.constant 12288 : i32
    %dma_wait3A_252 = tpu.memref_slice %arg7[%dma_wait3A_251] : memref<36864xf32, #tpu.memory_space<vmem>> -> memref<4096xf32, #tpu.memory_space<vmem>>
    %dma_wait3A_253 = tpu.memref_slice %arg4[%add3A_158] : memref<1179648xf32, #tpu.memory_space<hbm>> -> memref<4096xf32, #tpu.memory_space<hbm>>
    %dma_wait3A_254 = tpu.memref_slice %arg4[%add3A_158] : memref<1179648xf32, #tpu.memory_space<hbm>> -> memref<4096xf32, #tpu.memory_space<hbm>>
    %dma_wait3A_255 = arith.constant 12288 : i32
    %dma_wait3A_256 = tpu.memref_slice %arg7[%dma_wait3A_255] : memref<36864xf32, #tpu.memory_space<vmem>> -> memref<4096xf32, #tpu.memory_space<vmem>>
    tpu.wait_dma2 semaphore(%arg9 : memref<!tpu.dma_semaphore, #tpu.memory_space<semaphore_mem>>) src(%dma_wait3A_256 : memref<4096xf32, #tpu.memory_space<vmem>>) dst(%dma_wait3A_254 : memref<4096xf32, #tpu.memory_space<hbm>>)
    %dma_wait3A_257 = arith.constant 16384 : i32
    %dma_wait3A_258 = tpu.memref_slice %arg7[%dma_wait3A_257] : memref<36864xf32, #tpu.memory_space<vmem>> -> memref<4096xf32, #tpu.memory_space<vmem>>
    %dma_wait3A_259 = tpu.memref_slice %arg4[%add3A_162] : memref<1179648xf32, #tpu.memory_space<hbm>> -> memref<4096xf32, #tpu.memory_space<hbm>>
    %dma_wait3A_260 = tpu.memref_slice %arg4[%add3A_162] : memref<1179648xf32, #tpu.memory_space<hbm>> -> memref<4096xf32, #tpu.memory_space<hbm>>
    %dma_wait3A_261 = arith.constant 16384 : i32
    %dma_wait3A_262 = tpu.memref_slice %arg7[%dma_wait3A_261] : memref<36864xf32, #tpu.memory_space<vmem>> -> memref<4096xf32, #tpu.memory_space<vmem>>
    tpu.wait_dma2 semaphore(%arg9 : memref<!tpu.dma_semaphore, #tpu.memory_space<semaphore_mem>>) src(%dma_wait3A_262 : memref<4096xf32, #tpu.memory_space<vmem>>) dst(%dma_wait3A_260 : memref<4096xf32, #tpu.memory_space<hbm>>)
    %dma_wait3A_263 = arith.constant 20480 : i32
    %dma_wait3A_264 = tpu.memref_slice %arg7[%dma_wait3A_263] : memref<36864xf32, #tpu.memory_space<vmem>> -> memref<4096xf32, #tpu.memory_space<vmem>>
    %dma_wait3A_265 = tpu.memref_slice %arg4[%add3A_166] : memref<1179648xf32, #tpu.memory_space<hbm>> -> memref<4096xf32, #tpu.memory_space<hbm>>
    %dma_wait3A_266 = tpu.memref_slice %arg4[%add3A_166] : memref<1179648xf32, #tpu.memory_space<hbm>> -> memref<4096xf32, #tpu.memory_space<hbm>>
    %dma_wait3A_267 = arith.constant 20480 : i32
    %dma_wait3A_268 = tpu.memref_slice %arg7[%dma_wait3A_267] : memref<36864xf32, #tpu.memory_space<vmem>> -> memref<4096xf32, #tpu.memory_space<vmem>>
    tpu.wait_dma2 semaphore(%arg9 : memref<!tpu.dma_semaphore, #tpu.memory_space<semaphore_mem>>) src(%dma_wait3A_268 : memref<4096xf32, #tpu.memory_space<vmem>>) dst(%dma_wait3A_266 : memref<4096xf32, #tpu.memory_space<hbm>>)
    %dma_wait3A_269 = arith.constant 24576 : i32
    %dma_wait3A_270 = tpu.memref_slice %arg7[%dma_wait3A_269] : memref<36864xf32, #tpu.memory_space<vmem>> -> memref<4096xf32, #tpu.memory_space<vmem>>
    %dma_wait3A_271 = tpu.memref_slice %arg4[%add3A_170] : memref<1179648xf32, #tpu.memory_space<hbm>> -> memref<4096xf32, #tpu.memory_space<hbm>>
    %dma_wait3A_272 = tpu.memref_slice %arg4[%add3A_170] : memref<1179648xf32, #tpu.memory_space<hbm>> -> memref<4096xf32, #tpu.memory_space<hbm>>
    %dma_wait3A_273 = arith.constant 24576 : i32
    %dma_wait3A_274 = tpu.memref_slice %arg7[%dma_wait3A_273] : memref<36864xf32, #tpu.memory_space<vmem>> -> memref<4096xf32, #tpu.memory_space<vmem>>
    tpu.wait_dma2 semaphore(%arg9 : memref<!tpu.dma_semaphore, #tpu.memory_space<semaphore_mem>>) src(%dma_wait3A_274 : memref<4096xf32, #tpu.memory_space<vmem>>) dst(%dma_wait3A_272 : memref<4096xf32, #tpu.memory_space<hbm>>)
    %dma_wait3A_275 = arith.constant 28672 : i32
    %dma_wait3A_276 = tpu.memref_slice %arg7[%dma_wait3A_275] : memref<36864xf32, #tpu.memory_space<vmem>> -> memref<4096xf32, #tpu.memory_space<vmem>>
    %dma_wait3A_277 = tpu.memref_slice %arg4[%add3A_174] : memref<1179648xf32, #tpu.memory_space<hbm>> -> memref<4096xf32, #tpu.memory_space<hbm>>
    %dma_wait3A_278 = tpu.memref_slice %arg4[%add3A_174] : memref<1179648xf32, #tpu.memory_space<hbm>> -> memref<4096xf32, #tpu.memory_space<hbm>>
    %dma_wait3A_279 = arith.constant 28672 : i32
    %dma_wait3A_280 = tpu.memref_slice %arg7[%dma_wait3A_279] : memref<36864xf32, #tpu.memory_space<vmem>> -> memref<4096xf32, #tpu.memory_space<vmem>>
    tpu.wait_dma2 semaphore(%arg9 : memref<!tpu.dma_semaphore, #tpu.memory_space<semaphore_mem>>) src(%dma_wait3A_280 : memref<4096xf32, #tpu.memory_space<vmem>>) dst(%dma_wait3A_278 : memref<4096xf32, #tpu.memory_space<hbm>>)
    %dma_wait3A_281 = arith.constant 32768 : i32
    %dma_wait3A_282 = tpu.memref_slice %arg7[%dma_wait3A_281] : memref<36864xf32, #tpu.memory_space<vmem>> -> memref<4096xf32, #tpu.memory_space<vmem>>
    %dma_wait3A_283 = tpu.memref_slice %arg4[%add3A_178] : memref<1179648xf32, #tpu.memory_space<hbm>> -> memref<4096xf32, #tpu.memory_space<hbm>>
    %dma_wait3A_284 = tpu.memref_slice %arg4[%add3A_178] : memref<1179648xf32, #tpu.memory_space<hbm>> -> memref<4096xf32, #tpu.memory_space<hbm>>
    %dma_wait3A_285 = arith.constant 32768 : i32
    %dma_wait3A_286 = tpu.memref_slice %arg7[%dma_wait3A_285] : memref<36864xf32, #tpu.memory_space<vmem>> -> memref<4096xf32, #tpu.memory_space<vmem>>
    tpu.wait_dma2 semaphore(%arg9 : memref<!tpu.dma_semaphore, #tpu.memory_space<semaphore_mem>>) src(%dma_wait3A_286 : memref<4096xf32, #tpu.memory_space<vmem>>) dst(%dma_wait3A_284 : memref<4096xf32, #tpu.memory_space<hbm>>)
    return
  }
}

module attributes {stable_mosaic.version = 14 : i64} {
  func.func @_fuse_table_body(%arg0: memref<65x128xf32, #tpu.memory_space<vmem>>, %arg1: memref<65x128xf32, #tpu.memory_space<vmem>>, %arg2: memref<65xf32, #tpu.memory_space<vmem>>, %arg3: memref<40x128xi32, #tpu.memory_space<vmem>>) attributes {dimension_semantics = [], scalar_prefetch = 0 : i64, scratch_operands = 0 : i64, tpu.core_type = #tpu.core_type<tc>} {
    %get3A = arith.constant 0 : index
    %get3A_0 = arith.constant 0 : index
    %get3A_1 = vector.load %arg1[%get3A, %get3A_0] : memref<65x128xf32, #tpu.memory_space<vmem>>, vector<65x128xf32>
    %get3A_2 = arith.constant 0 : index
    %get3A_3 = arith.constant 0 : index
    %get3A_4 = vector.load %arg0[%get3A_2, %get3A_3] : memref<65x128xf32, #tpu.memory_space<vmem>>, vector<65x128xf32>
    %dot_general3A = arith.constant dense<0.000000e+00> : vector<65x65xf32>
    %dot_general3A_5 = tpu.matmul %get3A_1, %get3A_4, %dot_general3A {dimension_numbers = #tpu.dot_dimension_numbers<[1], [1], [0], [0], [0, 0, 1, 0], [], []>, transpose_lhs_hint = false} : vector<65x128xf32>, vector<65x128xf32>, vector<65x65xf32> -> vector<65x65xf32>
    %get3A_6 = arith.constant 0 : index
    %get3A_7 = vector.load %arg2[%get3A_6] : memref<65xf32, #tpu.memory_space<vmem>>, vector<65xf32>
    %reshape3A = vector.shape_cast %get3A_7 : vector<65xf32> to vector<65x1xf32>
    %add3A = vector.broadcast %reshape3A : vector<65x1xf32> to vector<65x65xf32>
    %add3A_8 = arith.addf %dot_general3A_5, %add3A : vector<65x65xf32>
    %mul3A = arith.constant 1.000000e-01 : f32
    %mul3A_9 = vector.broadcast %mul3A : f32 to vector<65x65xf32>
    %mul3A_10 = arith.mulf %add3A_8, %mul3A_9 : vector<65x65xf32>
    %jit3A = arith.constant 0 : i32
    %convert_element_type3A = arith.sitofp %jit3A : i32 to f32
    %pad3A = vector.broadcast %convert_element_type3A : f32 to vector<15x65xf32>
    %pad3A_11 = tpu.concatenate %mul3A_10, %pad3A in 0 : vector<65x65xf32>, vector<15x65xf32> -> vector<80x65xf32>
    %pad3A_12 = vector.broadcast %convert_element_type3A : f32 to vector<80x63xf32>
    %pad3A_13 = tpu.concatenate %pad3A_11, %pad3A_12 in 1 : vector<80x65xf32>, vector<80x63xf32> -> vector<80x128xf32>
    %slice3A = vector.extract_strided_slice %pad3A_13 {offsets = [0, 0], sizes = [40, 128], strides = [1, 1]} : vector<80x128xf32> to vector<40x128xf32>
    %convert_element_type3A_14 = arith.truncf %slice3A : vector<40x128xf32> to vector<40x128xbf16>
    %slice3A_15 = vector.extract_strided_slice %pad3A_13 {offsets = [33, 0], sizes = [40, 128], strides = [1, 1]} : vector<80x128xf32> to vector<40x128xf32>
    %convert_element_type3A_16 = arith.truncf %slice3A_15 : vector<40x128xf32> to vector<40x128xbf16>
    %bitcast_convert_type3A = tpu.bitcast %convert_element_type3A_14 : vector<40x128xbf16> -> vector<40x128xi16>
    %convert_element_type3A_17 = arith.extui %bitcast_convert_type3A : vector<40x128xi16> to vector<40x128xi32>
    %bitcast_convert_type3A_18 = tpu.bitcast %convert_element_type3A_16 : vector<40x128xbf16> -> vector<40x128xi16>
    %convert_element_type3A_19 = arith.extui %bitcast_convert_type3A_18 : vector<40x128xi16> to vector<40x128xi32>
    %shift_left3A = arith.constant 16 : i32
    %shift_left3A_20 = vector.broadcast %shift_left3A : i32 to vector<40x128xi32>
    %shift_left3A_21 = arith.shli %convert_element_type3A_19, %shift_left3A_20 : vector<40x128xi32>
    %or3A = arith.ori %convert_element_type3A_17, %shift_left3A_21 : vector<40x128xi32>
    %bitcast_convert_type3A_22 = tpu.bitcast %or3A : vector<40x128xi32> -> vector<40x128xi32>
    %swap3A = arith.constant 0 : index
    %swap3A_23 = arith.constant 0 : index
    %swap3A_24 = vector.load %arg3[%swap3A, %swap3A_23] : memref<40x128xi32, #tpu.memory_space<vmem>>, vector<40x128xi32>
    tpu.vector_store %arg3[%swap3A, %swap3A_23], %bitcast_convert_type3A_22 {strides = array<i32>} : memref<40x128xi32, #tpu.memory_space<vmem>>, vector<40x128xi32>,
    return
  }
}

</mosaic_0001>

<sc_bundles>
// kernel: kernel.4.cloned.1.call-start
scs
__scs_entry_jumppad:
0x0: {  	(pc) =	sbr.rel $0x88, $3  }
0x1: {  	(tag) =	ssettag $0x0;
	lr =	simm.s32 $0x1  }
0x2: {  	[smem:$0x3F9D] =	sst lr;
	_ =	strace $0xD0000000  }
0x3: {  	_ = 	snop  }
0x4: {  	_ = 	snop  }
0x5: {  	_ = 	snop  }
0x6: {  	_ = 	snop  }
0x7: {  	_ = 	snop  }
__scs_overlays_trampoline_lowered:
0x8: {  	[smem:$0x3FAC] =	sst s0  }
0x9: {  	[smem:$0x3FAD] =	sst s1  }
0xa: {  	[smem:$0x3FAE] =	sst s2  }
0xb: {  	[smem:$0x3FAF] =	sst s3  }
0xc: {  	[smem:$0x3FB0] =	sst s4  }
0xd: {  	[smem:$0x3FB1] =	sst s5  }
0xe: {  	[smem:$0x3FB2] =	sst s6  }
0xf: {  	[smem:$0x3FB3] =	sst s7  }
0x10: {  	[smem:$0x3FB4] =	sst s8  }
0x11: {  	[smem:$0x3FB5] =	sst s9;
	s0 =	simm.s32 @!p0 $0x0  }
0x12: {  	s1 =	sld [smem:$0x3F9B];
	s0 =	simm.s32 @p0 $0x1  }
0x13: {  	[smem:$0x3FB6] =	sst s0;
	s0 =	simm.s32 @!p1 $0x0  }
0x14: {  	s2 =	sld [smem:$0x3F9A];
	s0 =	simm.s32 @p1 $0x1  }
0x15: {  	[smem:$0x3FB7] =	sst s0;
	s0 =	simm.s32 @!p2 $0x0  }
0x16: {  	s3 =	sld [smem:$0x3FDB];
	s0 =	simm.s32 @p2 $0x1  }
0x17: {  	s4 =	simm.s32 $0x1BF5;
	[smem:$0x3FB9] =	sst s0  }
0x18: {  	s0 =	sld [smem:$0x3F9C];
	_ =	swait.ge [sflag:s4], $0x0  }
0x19: {  	s7 =	sld [smem:$0x3F9D]  }
0x1a: {  	s8 =	sadd.s32 $0xFFFFE003, lr  }
0x1b: {  	s9 =	sadd.s32 $0xFFFFFEF7, lr;
	s5 =	simm.s32 $0xFFFFFFFF;
	p2 =	slt.u32 s8, $0xFFFFF086  }
0x1c: {  	p1 =	slt.u32 s9, $0xF7A;
	s5 =	simm.s32 @!p2 $0x0  }
0x1d: {  	s5 =	simm.s32 @p1 $0x1;
	p0 =	seq.s32 s7, s2  }
0x1e: {  	s7 =	smul.u32 @!p0 $0xF7A, s2;
	p2 =	seq.s32 @!p0 s5, $0x0  }
0x1f: {  	s9 =	smul.u32 $0xF7A, s1;
	s8 =	simm.s32 @!p0 $0x1BF5;
	p2 =	por !p2, p0  }
0x20: {  	[sflag:s8] =	ssyncset.s32 @!p0 $0xFFFFF086;
	s6 =	sadd.s32 @!p0 s3, s7;
	s7 =	simm.s32 @!p0 $0x108  }
0x21: {  	s3 =	sadd.s32 s3, s9;
	s6 =	sadd.s32 @!p0 $0x88, s6;
	s7 =	simm.s32 @p2 $0x1082  }
0x22: {  	[simem:s7], [sflag:s8] =	dma.local @!p0 [hbm:s6], $0xF7A  }
0x23: {  	s9 =	sor.u32 $0xD0000000, s2;
	s6 =	simm.s32 $0x108;
	_ =	swait.ge @!p0 [sflag:s8], $0x0  }
0x24: {  	s3 =	sadd.s32 $0x88, s3;
	s6 =	simm.s32 @!p1 $0x1082;
	[sflag:s4] =	ssyncset.s32 $0xFFFFF086  }
0x25: {  	[simem:s6], [sflag:s4] =	dma.local [hbm:s3], $0xF7A  }
0x26: {  	[smem:$0x3F9D] =	sst s1;
	(tag) =	ssettag s2;
	_ =	strace s9  }
0x27: {  	s1 =	sld [smem:$0x3FAD]  }
0x28: {  	s2 =	sld [smem:$0x3FAE]  }
0x29: {  	s4 =	sld [smem:$0x3FB0]  }
0x2a: {  	p0 =	seq.s32 s5, $0x0;
	s5 =	sld [smem:$0x3FB1]  }
0x2b: {  	s6 =	sld [smem:$0x3FB2]  }
0x2c: {  	s7 =	sld [smem:$0x3FB3]  }
0x2d: {  	s3 =	simm.s32 $0x108;
	s8 =	sld [smem:$0x3FB4]  }
0x2e: {  	s3 =	simm.s32 @!p0 $0x1082;
	s9 =	sld [smem:$0x3FB5]  }
0x2f: {  	lr =	sadd.s32 s0, s3;
	s0 =	sld [smem:$0x3FAC]  }
0x30: {  	s3 =	sld [smem:$0x3FAF]  }
0x31: {  	[smem:$0x3FB8] =	sst s10  }
0x32: {  	s10 =	sld [smem:$0x3FB6];
	_ =	sdelay $0x3  }
0x33: {  	p0 =	seq.s32 s10, $0x1;
	s10 =	sld [smem:$0x3FB8];
	_ =	sdelay $0x3  }
0x34: {  	[smem:$0x3FB8] =	sst s10  }
0x35: {  	s10 =	sld [smem:$0x3FB7];
	_ =	sdelay $0x3  }
0x36: {  	p1 =	seq.s32 s10, $0x1;
	s10 =	sld [smem:$0x3FB8];
	_ =	sdelay $0x3  }
0x37: {  	[smem:$0x3FB8] =	sst s10  }
0x38: {  	s10 =	sld [smem:$0x3FB9]  }
0x39: {  	_ = 	snop;
	(pc) =	sbr.ind lr, $3  }
0x3a: {  	_ = 	snop  }
0x3b: {  	_ = 	snop  }
0x3c: {  	p2 =	seq.s32 s10, $0x1;
	s10 =	sld [smem:$0x3FB8]  }
0x3d: {  	_ =	shalt  }
0x3e: {  	_ =	shalt  }
0x3f: {  	_ =	shalt  }
0x40: {  	_ =	shalt  }
0x41: {  	_ =	shalt  }
0x42: {  	_ =	shalt  }
0x43: {  	_ =	shalt  }
0x44: {  	_ =	shalt  }
0x45: {  	_ =	shalt  }
0x46: {  	_ =	shalt  }
0x47: {  	_ =	shalt  }
0x48: {  	_ =	shalt  }
0x49: {  	_ =	shalt  }
0x4a: {  	_ =	shalt  }
0x4b: {  	_ =	shalt  }
0x4c: {  	_ =	shalt  }
0x4d: {  	_ =	shalt  }
0x4e: {  	_ =	shalt  }
0x4f: {  	_ =	shalt  }
0x50: {  	_ =	shalt  }
0x51: {  	_ =	shalt  }
0x52: {  	_ =	shalt  }
0x53: {  	_ =	shalt  }
0x54: {  	_ =	shalt  }
0x55: {  	_ =	shalt  }
0x56: {  	_ =	shalt  }
0x57: {  	_ =	shalt  }
0x58: {  	_ =	shalt  }
0x59: {  	_ =	shalt  }
0x5a: {  	_ =	shalt  }
0x5b: {  	_ =	shalt  }
0x5c: {  	_ =	shalt  }
0x5d: {  	_ =	shalt  }
0x5e: {  	_ =	shalt  }
0x5f: {  	_ =	shalt  }
0x60: {  	_ =	shalt  }
0x61: {  	_ =	shalt  }
0x62: {  	_ =	shalt  }
0x63: {  	_ =	shalt  }
0x64: {  	_ =	shalt  }
0x65: {  	_ =	shalt  }
0x66: {  	_ =	shalt  }
0x67: {  	_ =	shalt  }
0x68: {  	_ =	shalt  }
0x69: {  	_ =	shalt  }
0x6a: {  	_ =	shalt  }
0x6b: {  	_ =	shalt  }
0x6c: {  	_ =	shalt  }
0x6d: {  	_ =	shalt  }
0x6e: {  	_ =	shalt  }
0x6f: {  	_ =	shalt  }
0x70: {  	_ =	shalt  }
0x71: {  	_ =	shalt  }
0x72: {  	_ =	shalt  }
0x73: {  	_ =	shalt  }
0x74: {  	_ =	shalt  }
0x75: {  	_ =	shalt  }
0x76: {  	_ =	shalt  }
0x77: {  	_ =	shalt  }
0x78: {  	_ =	shalt  }
0x79: {  	_ =	shalt  }
0x7a: {  	_ =	shalt  }
0x7b: {  	_ =	shalt  }
0x7c: {  	_ =	shalt  }
0x7d: {  	_ =	shalt  }
0x7e: {  	_ =	shalt  }
0x7f: {  	_ =	shalt  }
0x80: {  	_ =	shalt  }
0x81: {  	_ =	shalt  }
0x82: {  	_ =	shalt  }
0x83: {  	_ =	shalt  }
0x84: {  	_ =	shalt  }
0x85: {  	_ =	shalt  }
0x86: {  	_ =	shalt  }
0x87: {  	_ =	shalt  }
.Lfunc_end0:
.L_simem_size_0:
called_computation_lowered:
.L_overlay_start_0:
0x88: {  	s2 =	sld [smem:$0x3FD9]  }
0x89: {  	s3 =	sld [smem:$0x3FFE];
	_ =	sdelay $0x1  }
0x8a: {  	s1 =	srdreg.scid  }
0x8b: {  	s0 =	sand.u32 $0x1, s1  }
0x8c: {  	s17 =	sshll.u32 s0, $0xA;
	s2 =	sadd.s32 s3, s2  }
0x8d: {  	s2 =	sadd.s32 s2, s17  }
0x8e: {  	[smem:$0x3FC4] =	sst s2  }
0x8f: {  	_ = 	snop  }
0x90: {  	s2 =	sld [smem:$0x3FD0];
	(tm) =	ssettm $0x1  }
0x91: {  	s18 =	sld [smem:$0x3FFB];
	_ =	sdelay $0x3  }
0x92: {  	_ =	strace s18  }
0x93: {  	s3 =	sld [smem:$0x3FFC];
	_ =	sdelay $0x3  }
0x94: {  	_ =	strace s3  }
0x95: {  	s3 =	sld [smem:$0x3FFD];
	_ =	sdelay $0x3  }
0x96: {  	_ =	strace s3  }
0x97: {  	_ =	strace $0x8FFFFFFF  }
0x98: {  	s19 =	sld [smem:$0x3FDB];
	_ =	sdelay $0x1  }
0x99: {  	s4 =	simm.s32 $_scs_section_size  }
0x9a: {  	s5 =	simm.s32 $_size__tile_overlayer_lowered;
	s6 =	simm.s32 $_tile_overlayer_lowered  }
0x9b: {  	s22 =	simm.s32 $0x1BFF;
	s21 =	sshll.u32 s6, $0x1;
	s3 =	sadd.s32 s4, s19  }
0x9c: {  	s7 =	simm.s32 $0x0;
	s20 =	sshll.u32 s5, $0x1;
	s5 =	sadd.s32 s21, s3  }
0x9d: {  	[timem:s7], [sflag:s22] =	dma.local [hbm:s5], s20  }
0x9e: {  	_ =	swait.ge [sflag:s22], s20  }
0x9f: {  	s4 =	ssub.s32 $0x0, s20;
	[sflag:s22] =	ssyncset.done $0x0  }
0xa0: {  	[sflag:s22] =	ssyncadd.s32 s4;
	_ =	sdelay $0x1  }
0xa1: {  	s23 =	simm.s32 $0x1B8B  }
0xa2: {  	_ =	swait.ge [sflag:s23], $0x1  }
0xa3: {  	[sflag:s23] =	ssyncset.done $0x0  }
0xa4: {  	s25 =	simm.s32 $0x1B8E;
	s24 =	sld [smem:$0x3FFE];
	[sflag:s23] =	ssyncadd.s32 $0xFFFFFFFF  }
0xa5: {  	s26 =	simm.s32 $execute0_lowered;
	[smem:$0x3FD2] =	sst s25  }
0xa6: {  	s5 =	sshll.u32 s26, $0x1;
	_ =	strace $0x80000046;
	[dreg:$0x1] =	wrdreg $0xFFFFFFFF  }
0xa7: {  	s28 =	simm.s32 $_size_execute0_lowered;
	s3 =	sadd.s32 s3, s5;
	[dreg:$0x0] =	wrdreg $0x0  }
0xa8: {  	s5 =	sshll.u32 s28, $0x1;
	[dreg:$0x2] =	wrdreg s3  }
0xa9: {  	[dreg:$0x3] =	wrdreg s5  }
0xaa: {  	[dreg:$0x4] =	wrdreg $0xC0  }
0xab: {  	_ =	task [dreg:s7], $0x5FFFF  }
0xac: {  	[dreg:$0x1] =	wrdreg $0xFFFFFFFF  }
0xad: {  	[dreg:$0x0] =	wrdreg $0x60  }
0xae: {  	[dreg:$0x2] =	wrdreg s24  }
0xaf: {  	[dreg:$0x3] =	wrdreg s2  }
0xb0: {  	[dreg:$0x4] =	wrdreg $0x9  }
0xb1: {  	_ =	task.clear_ibuf [dreg:s7], $0x5FFFF;
	_ =	strace $0x90000046  }
0xb2: {  	s29 =	simm.s32 $0x9;
	_ =	strace $0x80000048  }
0xb3: {  	_ =	swait.ge [sflag:s29], $0x1  }
0xb4: {  	[sflag:s29] =	ssyncadd.s32 $0xFFFFFFFF  }
0xb5: {  	_ =	strace $0x90000048  }
0xb6: {  	_ =	sfence  }
0xb7: {  	s30 =	sld [smem:$0x0];
	_ =	sdelay $0x2  }
0xb8: {  	s31 =	sshll.u32 s1, $0xD;
	s1 =	sshrl.u32 s1, $0x2  }
0xb9: {  	s3 =	sand.u32 $0x4000, s31;
	s1 =	sadd.s32 s1, s30  }
0xba: {  	s0 =	sor.u32 s3, s0;
	s1 =	sshll.u32 s1, $0x11  }
0xbb: {  	s0 =	sor.u32 s1, s0  }
0xbc: {  	s0 =	sadd.s32 $0x8F2B, s0  }
0xbd: {  	[sflag:s0] =	ssyncadd.remote.s32 $0x1  }
0xbe: {  	_ =	sfence.sel $0xFFFF  }
0xbf: {  	[dreg:$0x0] =	wrdreg $0xFFFFFFFF;
	(pc) =	sbr.abs _section_cstart, $3  }
0xc0: {  	[dreg:$0x1] =	wrdreg $0xFFFFFFFF  }
0xc1: {  	_ =	task.clear_ibuf [dreg:s7], $0x2FFFF;
	_ =	strace $0x9FFFFFFF  }
0xc2: {  	(tm) =	ssettm $0x7FFFFFFF  }
0xc3: {  	_ =	shalt  }
tec
execute0_lowered:
.L_overlay_start_1:
0x0: {  	(tag) =	ssettag $0x1  }
0x1: {  	s2 =	srdreg.scid;
	s3 =	stileid.u32  }
0x2: {  	s0 =	rddreg [dreg:$0x0];
	s2 =	sand.u32 $0x1, s2;
	s3 =	sshll.u32 s3, $0x1  }
0x3: {  	s1 =	rddreg [dreg:$0x1];
	s24 =	simm.s32 $0x0;
	s3 =	sor.u32 s2, s3  }
0x4: {  	[smem:$0x7FF] =	sst s24;
	s4 =	sshll.u32 s3, $0x6  }
0x5: {  	s12 =	sshll.u32 s3, $0x9;
	s4 =	sadd.s32 s4, s0;
	s0 =	sadd.s32 $0x5C00, s0  }
0x6: {  	_ =	strace $0x80000047;
	s1 =	sadd.s32 s1, s12;
	[dreg:$0x3] =	wrdreg s0  }
0x7: {  	s13 =	sadd.s32 $0xC00, s4;
	[dreg:$0xe] =	wrdreg s1  }
0x8: {  	s14 =	sadd.s32 $0x1400, s4;
	[dreg:$0x4] =	wrdreg s13  }
0x9: {  	s15 =	sadd.s32 $0x1C00, s4;
	[dreg:$0x5] =	wrdreg s14  }
0xa: {  	s16 =	sadd.s32 $0x2400, s4;
	[dreg:$0x6] =	wrdreg s15  }
0xb: {  	s17 =	sadd.s32 $0x2C00, s4;
	[dreg:$0x7] =	wrdreg s16  }
0xc: {  	s18 =	sadd.s32 $0x3400, s4;
	[dreg:$0x8] =	wrdreg s17  }
0xd: {  	s19 =	sadd.s32 $0x3C00, s4;
	[dreg:$0x9] =	wrdreg s18  }
0xe: {  	s20 =	sadd.s32 $0x4400, s4;
	[dreg:$0xa] =	wrdreg s19  }
0xf: {  	s2 =	ssub.s32 $0x2, s2;
	s21 =	sadd.s32 $0x4C00, s4;
	[dreg:$0xb] =	wrdreg s20  }
0x10: {  	s5 =	sshrl.u32 s2, $0x1;
	s22 =	sadd.s32 $0x5400, s4;
	[dreg:$0xc] =	wrdreg s21  }
0x11: {  	s11 =	ssub.s32 s2, s5;
	s2 =	sadd.s32 $0x4000, s1;
	[dreg:$0xd] =	wrdreg s22  }
0x12: {  	s6 =	simm.s32 $0x1980;
	s23 =	sadd.s32 $0x8000, s1;
	[dreg:$0xf] =	wrdreg s2  }
0x13: {  	s7 =	simm.s32 $0x1A00;
	s25 =	sadd.s32 $0xC000, s1;
	[dreg:$0x10] =	wrdreg s23  }
0x14: {  	s8 =	simm.s32 $0x1A80;
	s26 =	sadd.s32 $0x10000, s1;
	[dreg:$0x11] =	wrdreg s25  }
0x15: {  	s9 =	simm.s32 $0x1B00;
	s29 =	sadd.s32 $0x14000, s1;
	[dreg:$0x12] =	wrdreg s26  }
0x16: {  	s10 =	simm.s32 $0x1B80;
	s30 =	sadd.s32 $0x18000, s1;
	[dreg:$0x13] =	wrdreg s29  }
0x17: {  	s28 =	simm.s32 $0x2400;
	s31 =	sadd.s32 $0x1C000, s1;
	[dreg:$0x14] =	wrdreg s30  }
0x18: {  	s3 =	simm.s32 $0x0;
	s1 =	sadd.s32 $0x20000, s1;
	[dreg:$0x15] =	wrdreg s31  }
0x19: {  	s5 =	simm.s32 $0x1900;
	s0 =	smax.u32 s11, $0x1;
	[dreg:$0x16] =	wrdreg s1  }
0x1a: {  	s12 =	simm.s32 $0x1C80;
	s11 =	simm.s32 $0x1C00;
	[dreg:$0x17] =	wrdreg s0  }
0x1b: {  	s1 =	simm.s32 $0x1400;
	s13 =	simm.s32 $0x1D00;
	s15 =	simm.s32 $0x1D80  }
0x1c: {  	s16 =	simm.s32 $0x1E00;
	s17 =	simm.s32 $0x1E80;
	s18 =	simm.s32 $0x1F00  }
0x1d: {  	s19 =	simm.s32 $0x1F80;
	s20 =	simm.s32 $0x2000;
	s21 =	simm.s32 $0x2080  }
0x1e: {  	s22 =	simm.s32 $0x2100;
	s23 =	simm.s32 $0x2180;
	s14 =	simm.s32 $0x2200  }
0x1f: {  	s2 =	simm.s32 $0x2280;
	s25 =	simm.s32 $0x2300;
	s26 =	simm.s32 $0x2380  }
.LBB2_1:
0x20: {  	[dreg:$0x18] =	wrdreg s3  }
0x21: {  	s0 =	rddreg [dreg:$0x4]  }
0x22: {  	[tilespmem:s24], [sflag:$0x1] =	stream.linear.gather [hbm4b:s0+s24], $0x200, $0x38;
	[tilespmem:$0xB800] =	vst v63  }
0x23: {  	s4 =	rddreg [dreg:$0x5];
	s29 =	simm.s32 $0x200  }
0x24: {  	[tilespmem:s29], [sflag:$0x1] =	stream.linear.gather [hbm4b:s4+s24], $0x200, $0x38;
	[tilespmem:$0xB800] =	vst v63  }
0x25: {  	s31 =	rddreg [dreg:$0x6];
	s29 =	simm.s32 $0x400  }
0x26: {  	[tilespmem:s29], [sflag:$0x1] =	stream.linear.gather [hbm4b:s31+s24], $0x200, $0x38;
	[tilespmem:$0xB800] =	vst v63  }
0x27: {  	s3 =	rddreg [dreg:$0x7];
	s29 =	simm.s32 $0x600  }
0x28: {  	[tilespmem:s29], [sflag:$0x1] =	stream.linear.gather [hbm4b:s3+s24], $0x200, $0x38;
	[tilespmem:$0xB800] =	vst v63  }
0x29: {  	s4 =	rddreg [dreg:$0x8];
	s29 =	simm.s32 $0x800  }
0x2a: {  	[tilespmem:s29], [sflag:$0x1] =	stream.linear.gather [hbm4b:s4+s24], $0x200, $0x38;
	[tilespmem:$0xB800] =	vst v63  }
0x2b: {  	s31 =	rddreg [dreg:$0x9];
	s29 =	simm.s32 $0xA00  }
0x2c: {  	[tilespmem:s29], [sflag:$0x1] =	stream.linear.gather [hbm4b:s31+s24], $0x200, $0x38;
	[tilespmem:$0xB800] =	vst v63  }
0x2d: {  	s3 =	rddreg [dreg:$0xa];
	s29 =	simm.s32 $0xC00  }
0x2e: {  	[tilespmem:s29], [sflag:$0x1] =	stream.linear.gather [hbm4b:s3+s24], $0x200, $0x38;
	[tilespmem:$0xB800] =	vst v63  }
0x2f: {  	s4 =	rddreg [dreg:$0xb];
	s29 =	simm.s32 $0xE00  }
0x30: {  	[tilespmem:s29], [sflag:$0x1] =	stream.linear.gather [hbm4b:s4+s24], $0x200, $0x38;
	[tilespmem:$0xB800] =	vst v63  }
0x31: {  	s31 =	rddreg [dreg:$0xc];
	s29 =	simm.s32 $0x1000  }
0x32: {  	[tilespmem:s29], [sflag:$0x1] =	stream.linear.gather [hbm4b:s31+s24], $0x200, $0x38;
	[tilespmem:$0xB800] =	vst v63  }
0x33: {  	s3 =	rddreg [dreg:$0xd];
	s29 =	simm.s32 $0x1200  }
0x34: {  	[tilespmem:s29], [sflag:$0x1] =	stream.linear.gather [hbm4b:s3+s24], $0x200, $0x38;
	[tilespmem:$0xB800] =	vst v63  }
0x35: {  	s4 =	rddreg [dreg:$0x3];
	s31 =	simm.s32 $0x1  }
0x36: {  	[tilespmem:s1], [sflag:$0x1] =	stream.linear.gather [hbm4b:s4+s24], $0x1400, $0x38;
	[tilespmem:$0xB800] =	vst v63  }
0x37: {  	_ =	swait.ge [sflag:s31], $0x200  }
0x38: {  	[sflag:s31] =	ssyncset.done $0x0  }
0x39: {  	[sflag:s31] =	ssyncadd.s32 $0xFFFFFE00  }
0x3a: {  	_ =	swait.ge [sflag:s31], $0x200  }
0x3b: {  	[sflag:s31] =	ssyncset.done $0x0  }
0x3c: {  	[sflag:s31] =	ssyncadd.s32 $0xFFFFFE00  }
0x3d: {  	_ =	swait.ge [sflag:s31], $0x200  }
0x3e: {  	[sflag:s31] =	ssyncset.done $0x0  }
0x3f: {  	[sflag:s31] =	ssyncadd.s32 $0xFFFFFE00  }
0x40: {  	_ =	swait.ge [sflag:s31], $0x200  }
0x41: {  	[sflag:s31] =	ssyncset.done $0x0  }
0x42: {  	[sflag:s31] =	ssyncadd.s32 $0xFFFFFE00  }
0x43: {  	_ =	swait.ge [sflag:s31], $0x200  }
0x44: {  	[sflag:s31] =	ssyncset.done $0x0  }
0x45: {  	[sflag:s31] =	ssyncadd.s32 $0xFFFFFE00  }
0x46: {  	_ =	swait.ge [sflag:s31], $0x200  }
0x47: {  	[sflag:s31] =	ssyncset.done $0x0  }
0x48: {  	[sflag:s31] =	ssyncadd.s32 $0xFFFFFE00  }
0x49: {  	_ =	swait.ge [sflag:s31], $0x200  }
0x4a: {  	[sflag:s31] =	ssyncset.done $0x0  }
0x4b: {  	[sflag:s31] =	ssyncadd.s32 $0xFFFFFE00  }
0x4c: {  	_ =	swait.ge [sflag:s31], $0x200  }
0x4d: {  	[sflag:s31] =	ssyncset.done $0x0  }
0x4e: {  	[sflag:s31] =	ssyncadd.s32 $0xFFFFFE00  }
0x4f: {  	_ =	swait.ge [sflag:s31], $0x200  }
0x50: {  	[sflag:s31] =	ssyncset.done $0x0  }
0x51: {  	[sflag:s31] =	ssyncadd.s32 $0xFFFFFE00  }
0x52: {  	_ =	swait.ge [sflag:s31], $0x200  }
0x53: {  	[sflag:s31] =	ssyncset.done $0x0  }
0x54: {  	[sflag:s31] =	ssyncadd.s32 $0xFFFFFE00  }
0x55: {  	s30 =	simm.s32 $0x0;
	s0 =	simm.s32 $0x1500;
	_ =	swait.ge [sflag:s31], $0x1400  }
0x56: {  	s29 =	simm.s32 $0x0;
	s3 =	simm.s32 $0x1480;
	[sflag:s31] =	ssyncset.done $0x0  }
0x57: {  	s24 =	simm.s32 $0x0;
	s1 =	simm.s32 $0x1400;
	[sflag:s31] =	ssyncadd.s32 $0xFFFFEC00  }
.LBB2_2:
0x58: {  	v9 =	vld [tilespmem:s29+$0x0];
	s31 =	sand.u32 $0x1F0, s24  }
0x59: {  	v8 =	vld [tilespmem:s31+$0x200]  }
0x5a: {  	v7 =	vld [tilespmem:s31+$0x400]  }
0x5b: {  	v6 =	vld [tilespmem:s31+$0x600]  }
0x5c: {  	v5 =	vld [tilespmem:s31+$0x800]  }
0x5d: {  	v4 =	vld [tilespmem:s31+$0xA00]  }
0x5e: {  	v3 =	vld [tilespmem:s31+$0xC00]  }
0x5f: {  	v2 =	vld [tilespmem:s31+$0xE00]  }
0x60: {  	v1 =	vld [tilespmem:s31+$0x1000]  }
0x61: {  	v0 =	vld [tilespmem:s31+$0x1200]  }
0x62: {  	v10 =	vld.idx.msk [tilespmem:v9+s1+$0x0], $0xffff  }
0x63: {  	v20 =	vld.idx.msk [tilespmem:v9+s3+$0x0], $0xffff  }
0x64: {  	v11 =	vld.idx.msk [tilespmem:v8+s1+$0x0], $0xffff  }
0x65: {  	v12 =	vld.idx.msk [tilespmem:v7+s1+$0x0], $0xffff  }
0x66: {  	v13 =	vld.idx.msk [tilespmem:v6+s1+$0x0], $0xffff  }
0x67: {  	v14 =	vld.idx.msk [tilespmem:v5+s1+$0x0], $0xffff  }
0x68: {  	v15 =	vld.idx.msk [tilespmem:v4+s1+$0x0], $0xffff  }
0x69: {  	v16 =	vld.idx.msk [tilespmem:v3+s1+$0x0], $0xffff  }
0x6a: {  	v17 =	vld.idx.msk [tilespmem:v2+s1+$0x0], $0xffff  }
0x6b: {  	v18 =	vld.idx.msk [tilespmem:v1+s1+$0x0], $0xffff  }
0x6c: {  	v19 =	vld.idx.msk [tilespmem:v0+s1+$0x0], $0xffff  }
0x6d: {  	v21 =	vld.idx.msk [tilespmem:v8+s3+$0x0], $0xffff  }
0x6e: {  	v22 =	vld.idx.msk [tilespmem:v7+s3+$0x0], $0xffff  }
0x6f: {  	v23 =	vld.idx.msk [tilespmem:v6+s3+$0x0], $0xffff  }
0x70: {  	v24 =	vld.idx.msk [tilespmem:v5+s3+$0x0], $0xffff  }
0x71: {  	v25 =	vld.idx.msk [tilespmem:v4+s3+$0x0], $0xffff  }
0x72: {  	v26 =	vld.idx.msk [tilespmem:v3+s3+$0x0], $0xffff  }
0x73: {  	v27 =	vld.idx.msk [tilespmem:v2+s3+$0x0], $0xffff  }
0x74: {  	v28 =	vld.idx.msk [tilespmem:v1+s3+$0x0], $0xffff;
	v10 =	vadd.bf16 v11, v10  }
0x75: {  	v29 =	vld.idx.msk [tilespmem:v0+s3+$0x0], $0xffff;
	v12 =	vadd.bf16 v13, v12;
	v36 =	vadd.bf16 v15, v14  }
0x76: {  	v30 =	vld.idx.msk [tilespmem:v6+s0+$0x0], $0xffff;
	v37 =	vadd.bf16 v17, v16;
	v38 =	vadd.bf16 v19, v18;
	v39 =	vshll.u32 v10, $0x10  }
0x77: {  	v33 =	vld.idx.msk [tilespmem:v5+s0+$0x0], $0xffff;
	v10 =	vand.u32 $0xFFFF0000, v10;
	v40 =	vshll.u32 v12, $0x10;
	v12 =	vand.u32 $0xFFFF0000, v12  }
0x78: {  	v42 =	vld.idx.msk [tilespmem:v4+s0+$0x0], $0xffff;
	v31 =	vshll.u32 v36, $0x10;
	v13 =	vand.u32 $0xFFFF0000, v36;
	v32 =	vshll.u32 v37, $0x10  }
0x79: {  	v44 =	vld.idx.msk [tilespmem:v3+s0+$0x0], $0xffff;
	v15 =	vand.u32 $0xFFFF0000, v37;
	v17 =	vadd.f32 v40, v39;
	v41 =	vadd.f32 v32, v31  }
0x7a: {  	v46 =	vld.idx.msk [tilespmem:v2+s0+$0x0], $0xffff;
	v10 =	vadd.f32 v12, v10;
	v43 =	vadd.f32 v15, v13  }
0x7b: {  	v11 =	vld.idx.msk [tilespmem:v9+s0+$0x0], $0xffff;
	v45 =	vadd.f32 v41, v17  }
0x7c: {  	v14 =	vld.idx.msk [tilespmem:v8+s0+$0x0], $0xffff;
	v47 =	vshll.u32 v38, $0x10;
	v10 =	vadd.f32 v43, v10  }
0x7d: {  	s4 =	simm.s32 $0x1500;
	s31 =	sand.u32 $0xC00, s30;
	v18 =	vld.idx.msk [tilespmem:v7+s0+$0x0], $0xffff;
	s0 =	sand.u32 $0x70, s24;
	v16 =	vand.u32 $0xFFFF0000, v38;
	v15 =	vadd.f32 v47, v45  }
0x7e: {  	v48 =	vld.idx.msk [tilespmem:v1+s4+$0x0], $0xffff;
	s31 =	sor.u32 s0, s31;
	s0 =	simm.s32 $0x1500;
	v10 =	vadd.f32 v16, v10  }
0x7f: {  	v50 =	vadd.bf16 v21, v20;
	v49 =	vld.idx.msk [tilespmem:v0+s0+$0x0], $0xffff;
	[tilespmem:s31+$0x2800] =	vst v15  }
0x80: {  	s4 =	simm.s32 $0x1580;
	v51 =	vadd.bf16 v23, v22;
	v52 =	vadd.bf16 v25, v24;
	[tilespmem:s31+$0x6880] =	vst v10  }
0x81: {  	v53 =	vadd.bf16 v27, v26;
	v54 =	vadd.bf16 v29, v28;
	v55 =	vshll.u32 v50, $0x10;
	v15 =	vld.idx.msk [tilespmem:v9+s4+$0x0], $0xffff  }
0x82: {  	v56 =	vshll.u32 v51, $0x10;
	v57 =	vshll.u32 v52, $0x10;
	v20 =	vand.u32 $0xFFFF0000, v52;
	v21 =	vld.idx.msk [tilespmem:v8+s4+$0x0], $0xffff  }
0x83: {  	v58 =	vshll.u32 v53, $0x10;
	v22 =	vand.u32 $0xFFFF0000, v53;
	v24 =	vadd.f32 v56, v55;
	v25 =	vld.idx.msk [tilespmem:v7+s4+$0x0], $0xffff  }
0x84: {  	v60 =	vadd.f32 v58, v57;
	v16 =	vand.u32 $0xFFFF0000, v51;
	v10 =	vand.u32 $0xFFFF0000, v50;
	v27 =	vld.idx.msk [tilespmem:v6+s4+$0x0], $0xffff  }
0x85: {  	v62 =	vadd.f32 v22, v20;
	v59 =	vld.idx.msk [tilespmem:v5+s4+$0x0], $0xffff;
	v10 =	vadd.f32 v16, v10  }
0x86: {  	v35 =	vadd.f32 v60, v24;
	v61 =	vld.idx.msk [tilespmem:v4+s4+$0x0], $0xffff  }
0x87: {  	v37 =	vshll.u32 v54, $0x10;
	v63 =	vld.idx.msk [tilespmem:v3+s4+$0x0], $0xffff;
	v10 =	vadd.f32 v62, v10  }
0x88: {  	v23 =	vand.u32 $0xFFFF0000, v54;
	v22 =	vadd.f32 v37, v35;
	v36 =	vld.idx.msk [tilespmem:v2+s4+$0x0], $0xffff  }
0x89: {  	v38 =	vld.idx.msk [tilespmem:v1+s4+$0x0], $0xffff;
	v10 =	vadd.f32 v23, v10  }
0x8a: {  	v42 =	vadd.bf16 v42, v33;
	v39 =	vld.idx.msk [tilespmem:v0+s4+$0x0], $0xffff;
	[tilespmem:s31+$0x2880] =	vst v22  }
0x8b: {  	v40 =	vadd.bf16 v14, v11;
	v41 =	vadd.bf16 v30, v18;
	s4 =	simm.s32 $0x1600;
	[tilespmem:s31+$0x6900] =	vst v10  }
0x8c: {  	v13 =	vadd.bf16 v46, v44;
	v46 =	vshll.u32 v42, $0x10;
	v18 =	vand.u32 $0xFFFF0000, v42;
	v11 =	vld.idx.msk [tilespmem:v9+s4+$0x0], $0xffff  }
0x8d: {  	v12 =	vadd.bf16 v49, v48;
	v43 =	vshll.u32 v40, $0x10;
	v44 =	vshll.u32 v41, $0x10;
	v22 =	vld.idx.msk [tilespmem:v8+s4+$0x0], $0xffff  }
0x8e: {  	v14 =	vand.u32 $0xFFFF0000, v41;
	v47 =	vshll.u32 v13, $0x10;
	v13 =	vand.u32 $0xFFFF0000, v13;
	v19 =	vld.idx.msk [tilespmem:v7+s4+$0x0], $0xffff  }
0x8f: {  	v17 =	vadd.f32 v44, v43;
	v49 =	vadd.f32 v47, v46;
	v10 =	vand.u32 $0xFFFF0000, v40;
	v45 =	vld.idx.msk [tilespmem:v6+s4+$0x0], $0xffff  }
0x90: {  	v13 =	vadd.f32 v13, v18;
	v48 =	vld.idx.msk [tilespmem:v5+s4+$0x0], $0xffff;
	v10 =	vadd.f32 v14, v10  }
0x91: {  	v17 =	vadd.f32 v49, v17;
	v50 =	vld.idx.msk [tilespmem:v4+s4+$0x0], $0xffff  }
0x92: {  	v53 =	vshll.u32 v12, $0x10;
	v51 =	vld.idx.msk [tilespmem:v3+s4+$0x0], $0xffff;
	v10 =	vadd.f32 v13, v10  }
0x93: {  	v12 =	vand.u32 $0xFFFF0000, v12;
	v17 =	vadd.f32 v53, v17;
	v52 =	vld.idx.msk [tilespmem:v2+s4+$0x0], $0xffff  }
0x94: {  	v54 =	vld.idx.msk [tilespmem:v1+s4+$0x0], $0xffff;
	v10 =	vadd.f32 v12, v10  }
0x95: {  	v56 =	vadd.bf16 v21, v15;
	v55 =	vld.idx.msk [tilespmem:v0+s4+$0x0], $0xffff;
	[tilespmem:s31+$0x2900] =	vst v17  }
0x96: {  	v57 =	vadd.bf16 v27, v25;
	v58 =	vadd.bf16 v61, v59;
	s4 =	simm.s32 $0x1680;
	[tilespmem:s31+$0x6980] =	vst v10  }
0x97: {  	v20 =	vadd.bf16 v36, v63;
	v16 =	vadd.bf16 v39, v38;
	v59 =	vshll.u32 v56, $0x10;
	v12 =	vld.idx.msk [tilespmem:v9+s4+$0x0], $0xffff  }
0x98: {  	v60 =	vshll.u32 v57, $0x10;
	v15 =	vand.u32 $0xFFFF0000, v57;
	v28 =	vshll.u32 v58, $0x10;
	v21 =	vld.idx.msk [tilespmem:v8+s4+$0x0], $0xffff  }
0x99: {  	v17 =	vand.u32 $0xFFFF0000, v58;
	v62 =	vshll.u32 v20, $0x10;
	v20 =	vand.u32 $0xFFFF0000, v20;
	v25 =	vld.idx.msk [tilespmem:v7+s4+$0x0], $0xffff  }
0x9a: {  	v24 =	vadd.f32 v60, v59;
	v35 =	vadd.f32 v62, v28;
	v10 =	vand.u32 $0xFFFF0000, v56;
	v61 =	vld.idx.msk [tilespmem:v6+s4+$0x0], $0xffff  }
0x9b: {  	v37 =	vadd.f32 v20, v17;
	v63 =	vld.idx.msk [tilespmem:v5+s4+$0x0], $0xffff;
	v10 =	vadd.f32 v15, v10  }
0x9c: {  	v39 =	vadd.f32 v35, v24;
	v36 =	vld.idx.msk [tilespmem:v4+s4+$0x0], $0xffff  }
0x9d: {  	v41 =	vshll.u32 v16, $0x10;
	v38 =	vld.idx.msk [tilespmem:v3+s4+$0x0], $0xffff;
	v10 =	vadd.f32 v37, v10  }
0x9e: {  	v16 =	vand.u32 $0xFFFF0000, v16;
	v20 =	vadd.f32 v41, v39;
	v40 =	vld.idx.msk [tilespmem:v2+s4+$0x0], $0xffff  }
0x9f: {  	v42 =	vld.idx.msk [tilespmem:v1+s4+$0x0], $0xffff;
	v10 =	vadd.f32 v16, v10  }
0xa0: {  	v44 =	vadd.bf16 v22, v11;
	v43 =	vld.idx.msk [tilespmem:v0+s4+$0x0], $0xffff;
	[tilespmem:s31+$0x2980] =	vst v20  }
0xa1: {  	v45 =	vadd.bf16 v45, v19;
	v46 =	vadd.bf16 v50, v48;
	s4 =	simm.s32 $0x1700;
	[tilespmem:s31+$0x6A00] =	vst v10  }
0xa2: {  	v14 =	vadd.bf16 v52, v51;
	v13 =	vadd.bf16 v55, v54;
	v47 =	vshll.u32 v44, $0x10;
	v11 =	vld.idx.msk [tilespmem:v9+s4+$0x0], $0xffff  }
0xa3: {  	v48 =	vshll.u32 v45, $0x10;
	v30 =	vshll.u32 v46, $0x10;
	v19 =	vand.u32 $0xFFFF0000, v46;
	v20 =	vld.idx.msk [tilespmem:v8+s4+$0x0], $0xffff  }
0xa4: {  	v50 =	vshll.u32 v14, $0x10;
	v14 =	vand.u32 $0xFFFF0000, v14;
	v18 =	vadd.f32 v48, v47;
	v22 =	vld.idx.msk [tilespmem:v7+s4+$0x0], $0xffff  }
0xa5: {  	v52 =	vadd.f32 v50, v30;
	v16 =	vand.u32 $0xFFFF0000, v45;
	v10 =	vand.u32 $0xFFFF0000, v44;
	v49 =	vld.idx.msk [tilespmem:v6+s4+$0x0], $0xffff  }
0xa6: {  	v14 =	vadd.f32 v14, v19;
	v51 =	vld.idx.msk [tilespmem:v5+s4+$0x0], $0xffff;
	v10 =	vadd.f32 v16, v10  }
0xa7: {  	v18 =	vadd.f32 v52, v18;
	v53 =	vld.idx.msk [tilespmem:v4+s4+$0x0], $0xffff  }
0xa8: {  	v56 =	vshll.u32 v13, $0x10;
	v54 =	vld.idx.msk [tilespmem:v3+s4+$0x0], $0xffff;
	v10 =	vadd.f32 v14, v10  }
0xa9: {  	v13 =	vand.u32 $0xFFFF0000, v13;
	v18 =	vadd.f32 v56, v18;
	v55 =	vld.idx.msk [tilespmem:v2+s4+$0x0], $0xffff  }
0xaa: {  	v57 =	vld.idx.msk [tilespmem:v1+s4+$0x0], $0xffff;
	v10 =	vadd.f32 v13, v10  }
0xab: {  	v59 =	vadd.bf16 v21, v12;
	v58 =	vld.idx.msk [tilespmem:v0+s4+$0x0], $0xffff;
	[tilespmem:s31+$0x2A00] =	vst v18  }
0xac: {  	v60 =	vadd.bf16 v61, v25;
	v61 =	vadd.bf16 v36, v63;
	s4 =	simm.s32 $0x1780;
	[tilespmem:s31+$0x6A80] =	vst v10  }
0xad: {  	v17 =	vadd.bf16 v40, v38;
	v15 =	vadd.bf16 v43, v42;
	v62 =	vshll.u32 v59, $0x10;
	v12 =	vld.idx.msk [tilespmem:v9+s4+$0x0], $0xffff  }
0xae: {  	v63 =	vshll.u32 v60, $0x10;
	v28 =	vshll.u32 v61, $0x10;
	v18 =	vand.u32 $0xFFFF0000, v61;
	v21 =	vld.idx.msk [tilespmem:v8+s4+$0x0], $0xffff  }
0xaf: {  	v36 =	vshll.u32 v17, $0x10;
	v17 =	vand.u32 $0xFFFF0000, v17;
	v24 =	vadd.f32 v63, v62;
	v25 =	vld.idx.msk [tilespmem:v7+s4+$0x0], $0xffff  }
0xb0: {  	v38 =	vadd.f32 v36, v28;
	v13 =	vand.u32 $0xFFFF0000, v60;
	v10 =	vand.u32 $0xFFFF0000, v59;
	v27 =	vld.idx.msk [tilespmem:v6+s4+$0x0], $0xffff  }
0xb1: {  	v40 =	vadd.f32 v17, v18;
	v37 =	vld.idx.msk [tilespmem:v5+s4+$0x0], $0xffff;
	v10 =	vadd.f32 v13, v10  }
0xb2: {  	v42 =	vadd.f32 v38, v24;
	v39 =	vld.idx.msk [tilespmem:v4+s4+$0x0], $0xffff  }
0xb3: {  	v44 =	vshll.u32 v15, $0x10;
	v41 =	vld.idx.msk [tilespmem:v3+s4+$0x0], $0xffff;
	v10 =	vadd.f32 v40, v10  }
0xb4: {  	v15 =	vand.u32 $0xFFFF0000, v15;
	v18 =	vadd.f32 v44, v42;
	v43 =	vld.idx.msk [tilespmem:v2+s4+$0x0], $0xffff  }
0xb5: {  	v45 =	vld.idx.msk [tilespmem:v1+s4+$0x0], $0xffff;
	v10 =	vadd.f32 v15, v10  }
0xb6: {  	v47 =	vadd.bf16 v20, v11;
	v46 =	vld.idx.msk [tilespmem:v0+s4+$0x0], $0xffff;
	[tilespmem:s31+$0x2A80] =	vst v18  }
0xb7: {  	v48 =	vadd.bf16 v49, v22;
	v49 =	vadd.bf16 v53, v51;
	s4 =	simm.s32 $0x1800;
	[tilespmem:s31+$0x6B00] =	vst v10  }
0xb8: {  	v16 =	vadd.bf16 v55, v54;
	v14 =	vadd.bf16 v58, v57;
	v50 =	vshll.u32 v47, $0x10;
	v11 =	vld.idx.msk [tilespmem:v9+s4+$0x0], $0xffff  }
0xb9: {  	v51 =	vshll.u32 v48, $0x10;
	v30 =	vshll.u32 v49, $0x10;
	v18 =	vand.u32 $0xFFFF0000, v49;
	v20 =	vld.idx.msk [tilespmem:v8+s4+$0x0], $0xffff  }
0xba: {  	v53 =	vshll.u32 v16, $0x10;
	v16 =	vand.u32 $0xFFFF0000, v16;
	v19 =	vadd.f32 v51, v50;
	v22 =	vld.idx.msk [tilespmem:v7+s4+$0x0], $0xffff  }
0xbb: {  	v55 =	vadd.f32 v53, v30;
	v15 =	vand.u32 $0xFFFF0000, v48;
	v10 =	vand.u32 $0xFFFF0000, v47;
	v52 =	vld.idx.msk [tilespmem:v6+s4+$0x0], $0xffff  }
0xbc: {  	v57 =	vadd.f32 v16, v18;
	v54 =	vld.idx.msk [tilespmem:v5+s4+$0x0], $0xffff;
	v10 =	vadd.f32 v15, v10  }
0xbd: {  	v59 =	vadd.f32 v55, v19;
	v56 =	vld.idx.msk [tilespmem:v4+s4+$0x0], $0xffff  }
0xbe: {  	v61 =	vshll.u32 v14, $0x10;
	v58 =	vld.idx.msk [tilespmem:v3+s4+$0x0], $0xffff;
	v10 =	vadd.f32 v57, v10  }
0xbf: {  	v14 =	vand.u32 $0xFFFF0000, v14;
	v18 =	vadd.f32 v61, v59;
	v60 =	vld.idx.msk [tilespmem:v2+s4+$0x0], $0xffff  }
0xc0: {  	v62 =	vld.idx.msk [tilespmem:v1+s4+$0x0], $0xffff;
	v10 =	vadd.f32 v14, v10  }
0xc1: {  	v35 =	vadd.bf16 v21, v12;
	v63 =	vld.idx.msk [tilespmem:v0+s4+$0x0], $0xffff;
	[tilespmem:s31+$0x2B00] =	vst v18  }
0xc2: {  	v36 =	vadd.bf16 v27, v25;
	v37 =	vadd.bf16 v39, v37;
	s4 =	simm.s32 $0x1880;
	[tilespmem:s31+$0x6B80] =	vst v10  }
0xc3: {  	v17 =	vadd.bf16 v43, v41;
	v13 =	vadd.bf16 v46, v45;
	v38 =	vshll.u32 v35, $0x10;
	v12 =	vld.idx.msk [tilespmem:v9+s4+$0x0], $0xffff  }
0xc4: {  	v39 =	vshll.u32 v36, $0x10;
	v28 =	vshll.u32 v37, $0x10;
	v18 =	vand.u32 $0xFFFF0000, v37;
	v21 =	vld.idx.msk [tilespmem:v8+s4+$0x0], $0xffff  }
0xc5: {  	v40 =	vshll.u32 v17, $0x10;
	v17 =	vand.u32 $0xFFFF0000, v17;
	v24 =	vadd.f32 v39, v38;
	v25 =	vld.idx.msk [tilespmem:v7+s4+$0x0], $0xffff  }
0xc6: {  	v42 =	vadd.f32 v40, v28;
	v14 =	vand.u32 $0xFFFF0000, v36;
	v10 =	vand.u32 $0xFFFF0000, v35;
	v27 =	vld.idx.msk [tilespmem:v6+s4+$0x0], $0xffff  }
0xc7: {  	v44 =	vadd.f32 v17, v18;
	v41 =	vld.idx.msk [tilespmem:v5+s4+$0x0], $0xffff;
	v10 =	vadd.f32 v14, v10  }
0xc8: {  	v46 =	vadd.f32 v42, v24;
	v43 =	vld.idx.msk [tilespmem:v4+s4+$0x0], $0xffff  }
0xc9: {  	v48 =	vshll.u32 v13, $0x10;
	v45 =	vld.idx.msk [tilespmem:v3+s4+$0x0], $0xffff;
	v10 =	vadd.f32 v44, v10  }
0xca: {  	v13 =	vand.u32 $0xFFFF0000, v13;
	v18 =	vadd.f32 v48, v46;
	v47 =	vld.idx.msk [tilespmem:v2+s4+$0x0], $0xffff  }
0xcb: {  	v49 =	vld.idx.msk [tilespmem:v1+s4+$0x0], $0xffff;
	v10 =	vadd.f32 v13, v10  }
0xcc: {  	v51 =	vadd.bf16 v20, v11;
	v50 =	vld.idx.msk [tilespmem:v0+s4+$0x0], $0xffff;
	[tilespmem:s31+$0x2B80] =	vst v18  }
0xcd: {  	v52 =	vadd.bf16 v52, v22;
	v53 =	vadd.bf16 v56, v54;
	[tilespmem:s31+$0x7800] =	vst v10  }
0xce: {  	v16 =	vadd.bf16 v60, v58;
	v15 =	vadd.bf16 v63, v62;
	v54 =	vshll.u32 v51, $0x10;
	v11 =	vld.idx.msk [tilespmem:v9+s5+$0x0], $0xffff  }
0xcf: {  	v55 =	vshll.u32 v52, $0x10;
	v30 =	vshll.u32 v53, $0x10;
	v18 =	vand.u32 $0xFFFF0000, v53;
	v20 =	vld.idx.msk [tilespmem:v8+s5+$0x0], $0xffff  }
0xd0: {  	v56 =	vshll.u32 v16, $0x10;
	v16 =	vand.u32 $0xFFFF0000, v16;
	v19 =	vadd.f32 v55, v54;
	v22 =	vld.idx.msk [tilespmem:v7+s5+$0x0], $0xffff  }
0xd1: {  	v58 =	vadd.f32 v56, v30;
	v13 =	vand.u32 $0xFFFF0000, v52;
	v10 =	vand.u32 $0xFFFF0000, v51;
	v29 =	vld.idx.msk [tilespmem:v6+s5+$0x0], $0xffff  }
0xd2: {  	v60 =	vadd.f32 v16, v18;
	v57 =	vld.idx.msk [tilespmem:v5+s5+$0x0], $0xffff;
	v10 =	vadd.f32 v13, v10  }
0xd3: {  	v62 =	vadd.f32 v58, v19;
	v59 =	vld.idx.msk [tilespmem:v4+s5+$0x0], $0xffff  }
0xd4: {  	v36 =	vshll.u32 v15, $0x10;
	v61 =	vld.idx.msk [tilespmem:v3+s5+$0x0], $0xffff;
	v10 =	vadd.f32 v60, v10  }
0xd5: {  	v15 =	vand.u32 $0xFFFF0000, v15;
	v18 =	vadd.f32 v36, v62;
	v63 =	vld.idx.msk [tilespmem:v2+s5+$0x0], $0xffff  }
0xd6: {  	v37 =	vld.idx.msk [tilespmem:v1+s5+$0x0], $0xffff;
	v10 =	vadd.f32 v15, v10  }
0xd7: {  	v39 =	vadd.bf16 v21, v12;
	v38 =	vld.idx.msk [tilespmem:v0+s5+$0x0], $0xffff;
	[tilespmem:s31+$0x3800] =	vst v18  }
0xd8: {  	v40 =	vadd.bf16 v27, v25;
	v41 =	vadd.bf16 v43, v41;
	[tilespmem:s31+$0x7880] =	vst v10  }
0xd9: {  	v17 =	vadd.bf16 v47, v45;
	v14 =	vadd.bf16 v50, v49;
	v42 =	vshll.u32 v39, $0x10;
	v12 =	vld.idx.msk [tilespmem:v9+s6+$0x0], $0xffff  }
0xda: {  	v43 =	vshll.u32 v40, $0x10;
	v28 =	vshll.u32 v41, $0x10;
	v18 =	vand.u32 $0xFFFF0000, v41;
	v21 =	vld.idx.msk [tilespmem:v8+s6+$0x0], $0xffff  }
0xdb: {  	v44 =	vshll.u32 v17, $0x10;
	v17 =	vand.u32 $0xFFFF0000, v17;
	v24 =	vadd.f32 v43, v42;
	v25 =	vld.idx.msk [tilespmem:v7+s6+$0x0], $0xffff  }
0xdc: {  	v46 =	vadd.f32 v44, v28;
	v15 =	vand.u32 $0xFFFF0000, v40;
	v10 =	vand.u32 $0xFFFF0000, v39;
	v27 =	vld.idx.msk [tilespmem:v6+s6+$0x0], $0xffff  }
0xdd: {  	v48 =	vadd.f32 v17, v18;
	v45 =	vld.idx.msk [tilespmem:v5+s6+$0x0], $0xffff;
	v10 =	vadd.f32 v15, v10  }
0xde: {  	v50 =	vadd.f32 v46, v24;
	v47 =	vld.idx.msk [tilespmem:v4+s6+$0x0], $0xffff  }
0xdf: {  	v52 =	vshll.u32 v14, $0x10;
	v49 =	vld.idx.msk [tilespmem:v3+s6+$0x0], $0xffff;
	v10 =	vadd.f32 v48, v10  }
0xe0: {  	v14 =	vand.u32 $0xFFFF0000, v14;
	v18 =	vadd.f32 v52, v50;
	v51 =	vld.idx.msk [tilespmem:v2+s6+$0x0], $0xffff  }
0xe1: {  	v53 =	vld.idx.msk [tilespmem:v1+s6+$0x0], $0xffff;
	v10 =	vadd.f32 v14, v10  }
0xe2: {  	v55 =	vadd.bf16 v20, v11;
	v54 =	vld.idx.msk [tilespmem:v0+s6+$0x0], $0xffff;
	[tilespmem:s31+$0x3880] =	vst v18  }
0xe3: {  	v56 =	vadd.bf16 v29, v22;
	v57 =	vadd.bf16 v59, v57;
	[tilespmem:s31+$0x7900] =	vst v10  }
0xe4: {  	v16 =	vadd.bf16 v63, v61;
	v13 =	vadd.bf16 v38, v37;
	v58 =	vshll.u32 v55, $0x10;
	v11 =	vld.idx.msk [tilespmem:v9+s7+$0x0], $0xffff  }
0xe5: {  	v59 =	vshll.u32 v56, $0x10;
	v30 =	vshll.u32 v57, $0x10;
	v18 =	vand.u32 $0xFFFF0000, v57;
	v20 =	vld.idx.msk [tilespmem:v8+s7+$0x0], $0xffff  }
0xe6: {  	v60 =	vshll.u32 v16, $0x10;
	v16 =	vand.u32 $0xFFFF0000, v16;
	v19 =	vadd.f32 v59, v58;
	v22 =	vld.idx.msk [tilespmem:v7+s7+$0x0], $0xffff  }
0xe7: {  	v62 =	vadd.f32 v60, v30;
	v14 =	vand.u32 $0xFFFF0000, v56;
	v10 =	vand.u32 $0xFFFF0000, v55;
	v29 =	vld.idx.msk [tilespmem:v6+s7+$0x0], $0xffff  }
0xe8: {  	v36 =	vadd.f32 v16, v18;
	v61 =	vld.idx.msk [tilespmem:v5+s7+$0x0], $0xffff;
	v10 =	vadd.f32 v14, v10  }
0xe9: {  	v38 =	vadd.f32 v62, v19;
	v63 =	vld.idx.msk [tilespmem:v4+s7+$0x0], $0xffff  }
0xea: {  	v40 =	vshll.u32 v13, $0x10;
	v37 =	vld.idx.msk [tilespmem:v3+s7+$0x0], $0xffff;
	v10 =	vadd.f32 v36, v10  }
0xeb: {  	v13 =	vand.u32 $0xFFFF0000, v13;
	v18 =	vadd.f32 v40, v38;
	v39 =	vld.idx.msk [tilespmem:v2+s7+$0x0], $0xffff  }
0xec: {  	v41 =	vld.idx.msk [tilespmem:v1+s7+$0x0], $0xffff;
	v10 =	vadd.f32 v13, v10  }
0xed: {  	v43 =	vadd.bf16 v21, v12;
	v42 =	vld.idx.msk [tilespmem:v0+s7+$0x0], $0xffff;
	[tilespmem:s31+$0x3900] =	vst v18  }
0xee: {  	v44 =	vadd.bf16 v27, v25;
	v45 =	vadd.bf16 v47, v45;
	[tilespmem:s31+$0x7980] =	vst v10  }
0xef: {  	v17 =	vadd.bf16 v51, v49;
	v15 =	vadd.bf16 v54, v53;
	v46 =	vshll.u32 v43, $0x10;
	v12 =	vld.idx.msk [tilespmem:v9+s8+$0x0], $0xffff  }
0xf0: {  	v47 =	vshll.u32 v44, $0x10;
	v28 =	vshll.u32 v45, $0x10;
	v18 =	vand.u32 $0xFFFF0000, v45;
	v21 =	vld.idx.msk [tilespmem:v8+s8+$0x0], $0xffff  }
0xf1: {  	v48 =	vshll.u32 v17, $0x10;
	v17 =	vand.u32 $0xFFFF0000, v17;
	v24 =	vadd.f32 v47, v46;
	v25 =	vld.idx.msk [tilespmem:v7+s8+$0x0], $0xffff  }
0xf2: {  	v50 =	vadd.f32 v48, v28;
	v13 =	vand.u32 $0xFFFF0000, v44;
	v10 =	vand.u32 $0xFFFF0000, v43;
	v27 =	vld.idx.msk [tilespmem:v6+s8+$0x0], $0xffff  }
0xf3: {  	v52 =	vadd.f32 v17, v18;
	v49 =	vld.idx.msk [tilespmem:v5+s8+$0x0], $0xffff;
	v10 =	vadd.f32 v13, v10  }
0xf4: {  	v54 =	vadd.f32 v50, v24;
	v51 =	vld.idx.msk [tilespmem:v4+s8+$0x0], $0xffff  }
0xf5: {  	v56 =	vshll.u32 v15, $0x10;
	v53 =	vld.idx.msk [tilespmem:v3+s8+$0x0], $0xffff;
	v10 =	vadd.f32 v52, v10  }
0xf6: {  	v15 =	vand.u32 $0xFFFF0000, v15;
	v18 =	vadd.f32 v56, v54;
	v55 =	vld.idx.msk [tilespmem:v2+s8+$0x0], $0xffff  }
0xf7: {  	v57 =	vld.idx.msk [tilespmem:v1+s8+$0x0], $0xffff;
	v10 =	vadd.f32 v15, v10  }
0xf8: {  	v59 =	vadd.bf16 v20, v11;
	v58 =	vld.idx.msk [tilespmem:v0+s8+$0x0], $0xffff;
	[tilespmem:s31+$0x3980] =	vst v18  }
0xf9: {  	v60 =	vadd.bf16 v29, v22;
	v61 =	vadd.bf16 v63, v61;
	[tilespmem:s31+$0x7A00] =	vst v10  }
0xfa: {  	v16 =	vadd.bf16 v39, v37;
	v14 =	vadd.bf16 v42, v41;
	v62 =	vshll.u32 v59, $0x10;
	v11 =	vld.idx.msk [tilespmem:v9+s9+$0x0], $0xffff  }
0xfb: {  	v63 =	vshll.u32 v60, $0x10;
	v30 =	vshll.u32 v61, $0x10;
	v18 =	vand.u32 $0xFFFF0000, v61;
	v20 =	vld.idx.msk [tilespmem:v8+s9+$0x0], $0xffff  }
0xfc: {  	v36 =	vshll.u32 v16, $0x10;
	v16 =	vand.u32 $0xFFFF0000, v16;
	v19 =	vadd.f32 v63, v62;
	v22 =	vld.idx.msk [tilespmem:v7+s9+$0x0], $0xffff  }
0xfd: {  	v38 =	vadd.f32 v36, v30;
	v15 =	vand.u32 $0xFFFF0000, v60;
	v10 =	vand.u32 $0xFFFF0000, v59;
	v29 =	vld.idx.msk [tilespmem:v6+s9+$0x0], $0xffff  }
0xfe: {  	v40 =	vadd.f32 v16, v18;
	v37 =	vld.idx.msk [tilespmem:v5+s9+$0x0], $0xffff;
	v10 =	vadd.f32 v15, v10  }
0xff: {  	v42 =	vadd.f32 v38, v19;
	v39 =	vld.idx.msk [tilespmem:v4+s9+$0x0], $0xffff  }
0x100: {  	v44 =	vshll.u32 v14, $0x10;
	v41 =	vld.idx.msk [tilespmem:v3+s9+$0x0], $0xffff;
	v10 =	vadd.f32 v40, v10  }
0x101: {  	v14 =	vand.u32 $0xFFFF0000, v14;
	v18 =	vadd.f32 v44, v42;
	v43 =	vld.idx.msk [tilespmem:v2+s9+$0x0], $0xffff  }
0x102: {  	v45 =	vld.idx.msk [tilespmem:v1+s9+$0x0], $0xffff;
	v10 =	vadd.f32 v14, v10  }
0x103: {  	v47 =	vadd.bf16 v21, v12;
	v46 =	vld.idx.msk [tilespmem:v0+s9+$0x0], $0xffff;
	[tilespmem:s31+$0x3A00] =	vst v18  }
0x104: {  	v48 =	vadd.bf16 v27, v25;
	v49 =	vadd.bf16 v51, v49;
	[tilespmem:s31+$0x7A80] =	vst v10  }
0x105: {  	v17 =	vadd.bf16 v55, v53;
	v13 =	vadd.bf16 v58, v57;
	v50 =	vshll.u32 v47, $0x10;
	v12 =	vld.idx.msk [tilespmem:v9+s10+$0x0], $0xffff  }
0x106: {  	v51 =	vshll.u32 v48, $0x10;
	v28 =	vshll.u32 v49, $0x10;
	v18 =	vand.u32 $0xFFFF0000, v49;
	v21 =	vld.idx.msk [tilespmem:v8+s10+$0x0], $0xffff  }
0x107: {  	v53 =	vshll.u32 v17, $0x10;
	v17 =	vand.u32 $0xFFFF0000, v17;
	v24 =	vadd.f32 v51, v50;
	v25 =	vld.idx.msk [tilespmem:v7+s10+$0x0], $0xffff  }
0x108: {  	v55 =	vadd.f32 v53, v28;
	v14 =	vand.u32 $0xFFFF0000, v48;
	v10 =	vand.u32 $0xFFFF0000, v47;
	v52 =	vld.idx.msk [tilespmem:v6+s10+$0x0], $0xffff  }
0x109: {  	v57 =	vadd.f32 v17, v18;
	v54 =	vld.idx.msk [tilespmem:v5+s10+$0x0], $0xffff;
	v10 =	vadd.f32 v14, v10  }
0x10a: {  	v59 =	vadd.f32 v55, v24;
	v56 =	vld.idx.msk [tilespmem:v4+s10+$0x0], $0xffff  }
0x10b: {  	v61 =	vshll.u32 v13, $0x10;
	v58 =	vld.idx.msk [tilespmem:v3+s10+$0x0], $0xffff;
	v10 =	vadd.f32 v57, v10  }
0x10c: {  	v13 =	vand.u32 $0xFFFF0000, v13;
	v18 =	vadd.f32 v61, v59;
	v60 =	vld.idx.msk [tilespmem:v2+s10+$0x0], $0xffff  }
0x10d: {  	v62 =	vld.idx.msk [tilespmem:v1+s10+$0x0], $0xffff;
	v10 =	vadd.f32 v13, v10  }
0x10e: {  	v35 =	vadd.bf16 v20, v11;
	v63 =	vld.idx.msk [tilespmem:v0+s10+$0x0], $0xffff;
	[tilespmem:s31+$0x3A80] =	vst v18  }
0x10f: {  	v36 =	vadd.bf16 v29, v22;
	v37 =	vadd.bf16 v39, v37;
	[tilespmem:s31+$0x7B00] =	vst v10  }
0x110: {  	v16 =	vadd.bf16 v43, v41;
	v15 =	vadd.bf16 v46, v45;
	v38 =	vshll.u32 v35, $0x10;
	v11 =	vld.idx.msk [tilespmem:v9+s11+$0x0], $0xffff  }
0x111: {  	v39 =	vshll.u32 v36, $0x10;
	v30 =	vshll.u32 v37, $0x10;
	v18 =	vand.u32 $0xFFFF0000, v37;
	v20 =	vld.idx.msk [tilespmem:v8+s11+$0x0], $0xffff  }
0x112: {  	v40 =	vshll.u32 v16, $0x10;
	v16 =	vand.u32 $0xFFFF0000, v16;
	v19 =	vadd.f32 v39, v38;
	v22 =	vld.idx.msk [tilespmem:v7+s11+$0x0], $0xffff  }
0x113: {  	v42 =	vadd.f32 v40, v30;
	v13 =	vand.u32 $0xFFFF0000, v36;
	v10 =	vand.u32 $0xFFFF0000, v35;
	v29 =	vld.idx.msk [tilespmem:v6+s11+$0x0], $0xffff  }
0x114: {  	v44 =	vadd.f32 v16, v18;
	v41 =	vld.idx.msk [tilespmem:v5+s11+$0x0], $0xffff;
	v10 =	vadd.f32 v13, v10  }
0x115: {  	v46 =	vadd.f32 v42, v19;
	v43 =	vld.idx.msk [tilespmem:v4+s11+$0x0], $0xffff  }
0x116: {  	v48 =	vshll.u32 v15, $0x10;
	v45 =	vld.idx.msk [tilespmem:v3+s11+$0x0], $0xffff;
	v10 =	vadd.f32 v44, v10  }
0x117: {  	v15 =	vand.u32 $0xFFFF0000, v15;
	v18 =	vadd.f32 v48, v46;
	v47 =	vld.idx.msk [tilespmem:v2+s11+$0x0], $0xffff  }
0x118: {  	v49 =	vld.idx.msk [tilespmem:v1+s11+$0x0], $0xffff;
	v10 =	vadd.f32 v15, v10  }
0x119: {  	v51 =	vadd.bf16 v21, v12;
	v50 =	vld.idx.msk [tilespmem:v0+s11+$0x0], $0xffff;
	[tilespmem:s31+$0x3B00] =	vst v18  }
0x11a: {  	v52 =	vadd.bf16 v52, v25;
	v53 =	vadd.bf16 v56, v54;
	[tilespmem:s31+$0x7B80] =	vst v10  }
0x11b: {  	v17 =	vadd.bf16 v60, v58;
	v14 =	vadd.bf16 v63, v62;
	v54 =	vshll.u32 v51, $0x10;
	v12 =	vld.idx.msk [tilespmem:v9+s12+$0x0], $0xffff  }
0x11c: {  	v55 =	vshll.u32 v52, $0x10;
	v28 =	vshll.u32 v53, $0x10;
	v18 =	vand.u32 $0xFFFF0000, v53;
	v21 =	vld.idx.msk [tilespmem:v8+s12+$0x0], $0xffff  }
0x11d: {  	v56 =	vshll.u32 v17, $0x10;
	v17 =	vand.u32 $0xFFFF0000, v17;
	v24 =	vadd.f32 v55, v54;
	v25 =	vld.idx.msk [tilespmem:v7+s12+$0x0], $0xffff  }
0x11e: {  	v58 =	vadd.f32 v56, v28;
	v15 =	vand.u32 $0xFFFF0000, v52;
	v10 =	vand.u32 $0xFFFF0000, v51;
	v27 =	vld.idx.msk [tilespmem:v6+s12+$0x0], $0xffff  }
0x11f: {  	v60 =	vadd.f32 v17, v18;
	v57 =	vld.idx.msk [tilespmem:v5+s12+$0x0], $0xffff;
	v10 =	vadd.f32 v15, v10  }
0x120: {  	v62 =	vadd.f32 v58, v24;
	v59 =	vld.idx.msk [tilespmem:v4+s12+$0x0], $0xffff  }
0x121: {  	v36 =	vshll.u32 v14, $0x10;
	v61 =	vld.idx.msk [tilespmem:v3+s12+$0x0], $0xffff;
	v10 =	vadd.f32 v60, v10  }
0x122: {  	v14 =	vand.u32 $0xFFFF0000, v14;
	v18 =	vadd.f32 v36, v62;
	v63 =	vld.idx.msk [tilespmem:v2+s12+$0x0], $0xffff  }
0x123: {  	v37 =	vld.idx.msk [tilespmem:v1+s12+$0x0], $0xffff;
	v10 =	vadd.f32 v14, v10  }
0x124: {  	v39 =	vadd.bf16 v20, v11;
	v38 =	vld.idx.msk [tilespmem:v0+s12+$0x0], $0xffff;
	[tilespmem:s31+$0x3B80] =	vst v18  }
0x125: {  	v40 =	vadd.bf16 v29, v22;
	v41 =	vadd.bf16 v43, v41;
	[tilespmem:s31+$0x8800] =	vst v10  }
0x126: {  	v16 =	vadd.bf16 v47, v45;
	v13 =	vadd.bf16 v50, v49;
	v42 =	vshll.u32 v39, $0x10;
	v11 =	vld.idx.msk [tilespmem:v9+s13+$0x0], $0xffff  }
0x127: {  	v43 =	vshll.u32 v40, $0x10;
	v30 =	vshll.u32 v41, $0x10;
	v18 =	vand.u32 $0xFFFF0000, v41;
	v20 =	vld.idx.msk [tilespmem:v8+s13+$0x0], $0xffff  }
0x128: {  	v44 =	vshll.u32 v16, $0x10;
	v16 =	vand.u32 $0xFFFF0000, v16;
	v19 =	vadd.f32 v43, v42;
	v22 =	vld.idx.msk [tilespmem:v7+s13+$0x0], $0xffff  }
0x129: {  	v46 =	vadd.f32 v44, v30;
	v14 =	vand.u32 $0xFFFF0000, v40;
	v10 =	vand.u32 $0xFFFF0000, v39;
	v29 =	vld.idx.msk [tilespmem:v6+s13+$0x0], $0xffff  }
0x12a: {  	v48 =	vadd.f32 v16, v18;
	v45 =	vld.idx.msk [tilespmem:v5+s13+$0x0], $0xffff;
	v10 =	vadd.f32 v14, v10  }
0x12b: {  	v50 =	vadd.f32 v46, v19;
	v47 =	vld.idx.msk [tilespmem:v4+s13+$0x0], $0xffff  }
0x12c: {  	v52 =	vshll.u32 v13, $0x10;
	v49 =	vld.idx.msk [tilespmem:v3+s13+$0x0], $0xffff;
	v10 =	vadd.f32 v48, v10  }
0x12d: {  	v13 =	vand.u32 $0xFFFF0000, v13;
	v18 =	vadd.f32 v52, v50;
	v51 =	vld.idx.msk [tilespmem:v2+s13+$0x0], $0xffff  }
0x12e: {  	v53 =	vld.idx.msk [tilespmem:v1+s13+$0x0], $0xffff;
	v10 =	vadd.f32 v13, v10  }
0x12f: {  	v55 =	vadd.bf16 v21, v12;
	v54 =	vld.idx.msk [tilespmem:v0+s13+$0x0], $0xffff;
	[tilespmem:s31+$0x4800] =	vst v18  }
0x130: {  	v56 =	vadd.bf16 v27, v25;
	v57 =	vadd.bf16 v59, v57;
	[tilespmem:s31+$0x8880] =	vst v10  }
0x131: {  	v17 =	vadd.bf16 v63, v61;
	v15 =	vadd.bf16 v38, v37;
	v58 =	vshll.u32 v55, $0x10;
	v12 =	vld.idx.msk [tilespmem:v9+s15+$0x0], $0xffff  }
0x132: {  	v59 =	vshll.u32 v56, $0x10;
	v28 =	vshll.u32 v57, $0x10;
	v18 =	vand.u32 $0xFFFF0000, v57;
	v21 =	vld.idx.msk [tilespmem:v8+s15+$0x0], $0xffff  }
0x133: {  	v60 =	vshll.u32 v17, $0x10;
	v17 =	vand.u32 $0xFFFF0000, v17;
	v24 =	vadd.f32 v59, v58;
	v25 =	vld.idx.msk [tilespmem:v7+s15+$0x0], $0xffff  }
0x134: {  	v62 =	vadd.f32 v60, v28;
	v13 =	vand.u32 $0xFFFF0000, v56;
	v10 =	vand.u32 $0xFFFF0000, v55;
	v27 =	vld.idx.msk [tilespmem:v6+s15+$0x0], $0xffff  }
0x135: {  	v36 =	vadd.f32 v17, v18;
	v61 =	vld.idx.msk [tilespmem:v5+s15+$0x0], $0xffff;
	v10 =	vadd.f32 v13, v10  }
0x136: {  	v38 =	vadd.f32 v62, v24;
	v63 =	vld.idx.msk [tilespmem:v4+s15+$0x0], $0xffff  }
0x137: {  	v40 =	vshll.u32 v15, $0x10;
	v37 =	vld.idx.msk [tilespmem:v3+s15+$0x0], $0xffff;
	v10 =	vadd.f32 v36, v10  }
0x138: {  	v15 =	vand.u32 $0xFFFF0000, v15;
	v18 =	vadd.f32 v40, v38;
	v39 =	vld.idx.msk [tilespmem:v2+s15+$0x0], $0xffff  }
0x139: {  	v41 =	vld.idx.msk [tilespmem:v1+s15+$0x0], $0xffff;
	v10 =	vadd.f32 v15, v10  }
0x13a: {  	v43 =	vadd.bf16 v20, v11;
	v42 =	vld.idx.msk [tilespmem:v0+s15+$0x0], $0xffff;
	[tilespmem:s31+$0x4880] =	vst v18  }
0x13b: {  	v44 =	vadd.bf16 v29, v22;
	v45 =	vadd.bf16 v47, v45;
	[tilespmem:s31+$0x8900] =	vst v10  }
0x13c: {  	v16 =	vadd.bf16 v51, v49;
	v14 =	vadd.bf16 v54, v53;
	v46 =	vshll.u32 v43, $0x10;
	v11 =	vld.idx.msk [tilespmem:v9+s16+$0x0], $0xffff  }
0x13d: {  	v47 =	vshll.u32 v44, $0x10;
	v30 =	vshll.u32 v45, $0x10;
	v18 =	vand.u32 $0xFFFF0000, v45;
	v20 =	vld.idx.msk [tilespmem:v8+s16+$0x0], $0xffff  }
0x13e: {  	v48 =	vshll.u32 v16, $0x10;
	v16 =	vand.u32 $0xFFFF0000, v16;
	v19 =	vadd.f32 v47, v46;
	v22 =	vld.idx.msk [tilespmem:v7+s16+$0x0], $0xffff  }
0x13f: {  	v50 =	vadd.f32 v48, v30;
	v15 =	vand.u32 $0xFFFF0000, v44;
	v10 =	vand.u32 $0xFFFF0000, v43;
	v29 =	vld.idx.msk [tilespmem:v6+s16+$0x0], $0xffff  }
0x140: {  	v52 =	vadd.f32 v16, v18;
	v49 =	vld.idx.msk [tilespmem:v5+s16+$0x0], $0xffff;
	v10 =	vadd.f32 v15, v10  }
0x141: {  	v54 =	vadd.f32 v50, v19;
	v51 =	vld.idx.msk [tilespmem:v4+s16+$0x0], $0xffff  }
0x142: {  	v56 =	vshll.u32 v14, $0x10;
	v53 =	vld.idx.msk [tilespmem:v3+s16+$0x0], $0xffff;
	v10 =	vadd.f32 v52, v10  }
0x143: {  	v14 =	vand.u32 $0xFFFF0000, v14;
	v18 =	vadd.f32 v56, v54;
	v55 =	vld.idx.msk [tilespmem:v2+s16+$0x0], $0xffff  }
0x144: {  	v57 =	vld.idx.msk [tilespmem:v1+s16+$0x0], $0xffff;
	v10 =	vadd.f32 v14, v10  }
0x145: {  	v59 =	vadd.bf16 v21, v12;
	v58 =	vld.idx.msk [tilespmem:v0+s16+$0x0], $0xffff;
	[tilespmem:s31+$0x4900] =	vst v18  }
0x146: {  	v60 =	vadd.bf16 v27, v25;
	v61 =	vadd.bf16 v63, v61;
	[tilespmem:s31+$0x8980] =	vst v10  }
0x147: {  	v17 =	vadd.bf16 v39, v37;
	v13 =	vadd.bf16 v42, v41;
	v62 =	vshll.u32 v59, $0x10;
	v12 =	vld.idx.msk [tilespmem:v9+s17+$0x0], $0xffff  }
0x148: {  	v63 =	vshll.u32 v60, $0x10;
	v28 =	vshll.u32 v61, $0x10;
	v18 =	vand.u32 $0xFFFF0000, v61;
	v21 =	vld.idx.msk [tilespmem:v8+s17+$0x0], $0xffff  }
0x149: {  	v36 =	vshll.u32 v17, $0x10;
	v17 =	vand.u32 $0xFFFF0000, v17;
	v24 =	vadd.f32 v63, v62;
	v25 =	vld.idx.msk [tilespmem:v7+s17+$0x0], $0xffff  }
0x14a: {  	v38 =	vadd.f32 v36, v28;
	v14 =	vand.u32 $0xFFFF0000, v60;
	v10 =	vand.u32 $0xFFFF0000, v59;
	v27 =	vld.idx.msk [tilespmem:v6+s17+$0x0], $0xffff  }
0x14b: {  	v40 =	vadd.f32 v17, v18;
	v37 =	vld.idx.msk [tilespmem:v5+s17+$0x0], $0xffff;
	v10 =	vadd.f32 v14, v10  }
0x14c: {  	v42 =	vadd.f32 v38, v24;
	v39 =	vld.idx.msk [tilespmem:v4+s17+$0x0], $0xffff  }
0x14d: {  	v44 =	vshll.u32 v13, $0x10;
	v41 =	vld.idx.msk [tilespmem:v3+s17+$0x0], $0xffff;
	v10 =	vadd.f32 v40, v10  }
0x14e: {  	v13 =	vand.u32 $0xFFFF0000, v13;
	v18 =	vadd.f32 v44, v42;
	v43 =	vld.idx.msk [tilespmem:v2+s17+$0x0], $0xffff  }
0x14f: {  	v45 =	vld.idx.msk [tilespmem:v1+s17+$0x0], $0xffff;
	v10 =	vadd.f32 v13, v10  }
0x150: {  	v47 =	vadd.bf16 v20, v11;
	v46 =	vld.idx.msk [tilespmem:v0+s17+$0x0], $0xffff;
	[tilespmem:s31+$0x4980] =	vst v18  }
0x151: {  	v48 =	vadd.bf16 v29, v22;
	v49 =	vadd.bf16 v51, v49;
	[tilespmem:s31+$0x8A00] =	vst v10  }
0x152: {  	v16 =	vadd.bf16 v55, v53;
	v15 =	vadd.bf16 v58, v57;
	v50 =	vshll.u32 v47, $0x10;
	v11 =	vld.idx.msk [tilespmem:v9+s18+$0x0], $0xffff  }
0x153: {  	v51 =	vshll.u32 v48, $0x10;
	v30 =	vshll.u32 v49, $0x10;
	v18 =	vand.u32 $0xFFFF0000, v49;
	v20 =	vld.idx.msk [tilespmem:v8+s18+$0x0], $0xffff  }
0x154: {  	v53 =	vshll.u32 v16, $0x10;
	v16 =	vand.u32 $0xFFFF0000, v16;
	v19 =	vadd.f32 v51, v50;
	v22 =	vld.idx.msk [tilespmem:v7+s18+$0x0], $0xffff  }
0x155: {  	v55 =	vadd.f32 v53, v30;
	v13 =	vand.u32 $0xFFFF0000, v48;
	v10 =	vand.u32 $0xFFFF0000, v47;
	v52 =	vld.idx.msk [tilespmem:v6+s18+$0x0], $0xffff  }
0x156: {  	v57 =	vadd.f32 v16, v18;
	v54 =	vld.idx.msk [tilespmem:v5+s18+$0x0], $0xffff;
	v10 =	vadd.f32 v13, v10  }
0x157: {  	v59 =	vadd.f32 v55, v19;
	v56 =	vld.idx.msk [tilespmem:v4+s18+$0x0], $0xffff  }
0x158: {  	v61 =	vshll.u32 v15, $0x10;
	v58 =	vld.idx.msk [tilespmem:v3+s18+$0x0], $0xffff;
	v10 =	vadd.f32 v57, v10  }
0x159: {  	v15 =	vand.u32 $0xFFFF0000, v15;
	v18 =	vadd.f32 v61, v59;
	v60 =	vld.idx.msk [tilespmem:v2+s18+$0x0], $0xffff  }
0x15a: {  	v62 =	vld.idx.msk [tilespmem:v1+s18+$0x0], $0xffff;
	v10 =	vadd.f32 v15, v10  }
0x15b: {  	v35 =	vadd.bf16 v21, v12;
	v63 =	vld.idx.msk [tilespmem:v0+s18+$0x0], $0xffff;
	[tilespmem:s31+$0x4A00] =	vst v18  }
0x15c: {  	v36 =	vadd.bf16 v27, v25;
	v37 =	vadd.bf16 v39, v37;
	[tilespmem:s31+$0x8A80] =	vst v10  }
0x15d: {  	v17 =	vadd.bf16 v43, v41;
	v14 =	vadd.bf16 v46, v45;
	v38 =	vshll.u32 v35, $0x10;
	v12 =	vld.idx.msk [tilespmem:v9+s19+$0x0], $0xffff  }
0x15e: {  	v39 =	vshll.u32 v36, $0x10;
	v28 =	vshll.u32 v37, $0x10;
	v18 =	vand.u32 $0xFFFF0000, v37;
	v21 =	vld.idx.msk [tilespmem:v8+s19+$0x0], $0xffff  }
0x15f: {  	v40 =	vshll.u32 v17, $0x10;
	v17 =	vand.u32 $0xFFFF0000, v17;
	v24 =	vadd.f32 v39, v38;
	v25 =	vld.idx.msk [tilespmem:v7+s19+$0x0], $0xffff  }
0x160: {  	v42 =	vadd.f32 v40, v28;
	v15 =	vand.u32 $0xFFFF0000, v36;
	v10 =	vand.u32 $0xFFFF0000, v35;
	v27 =	vld.idx.msk [tilespmem:v6+s19+$0x0], $0xffff  }
0x161: {  	v44 =	vadd.f32 v17, v18;
	v41 =	vld.idx.msk [tilespmem:v5+s19+$0x0], $0xffff;
	v10 =	vadd.f32 v15, v10  }
0x162: {  	v46 =	vadd.f32 v42, v24;
	v43 =	vld.idx.msk [tilespmem:v4+s19+$0x0], $0xffff  }
0x163: {  	v48 =	vshll.u32 v14, $0x10;
	v45 =	vld.idx.msk [tilespmem:v3+s19+$0x0], $0xffff;
	v10 =	vadd.f32 v44, v10  }
0x164: {  	v14 =	vand.u32 $0xFFFF0000, v14;
	v18 =	vadd.f32 v48, v46;
	v47 =	vld.idx.msk [tilespmem:v2+s19+$0x0], $0xffff  }
0x165: {  	v49 =	vld.idx.msk [tilespmem:v1+s19+$0x0], $0xffff;
	v10 =	vadd.f32 v14, v10  }
0x166: {  	v51 =	vadd.bf16 v20, v11;
	v50 =	vld.idx.msk [tilespmem:v0+s19+$0x0], $0xffff;
	[tilespmem:s31+$0x4A80] =	vst v18  }
0x167: {  	v52 =	vadd.bf16 v52, v22;
	v53 =	vadd.bf16 v56, v54;
	[tilespmem:s31+$0x8B00] =	vst v10  }
0x168: {  	v16 =	vadd.bf16 v60, v58;
	v13 =	vadd.bf16 v63, v62;
	v54 =	vshll.u32 v51, $0x10;
	v11 =	vld.idx.msk [tilespmem:v9+s20+$0x0], $0xffff  }
0x169: {  	v55 =	vshll.u32 v52, $0x10;
	v30 =	vshll.u32 v53, $0x10;
	v18 =	vand.u32 $0xFFFF0000, v53;
	v20 =	vld.idx.msk [tilespmem:v8+s20+$0x0], $0xffff  }
0x16a: {  	v56 =	vshll.u32 v16, $0x10;
	v16 =	vand.u32 $0xFFFF0000, v16;
	v19 =	vadd.f32 v55, v54;
	v22 =	vld.idx.msk [tilespmem:v7+s20+$0x0], $0xffff  }
0x16b: {  	v58 =	vadd.f32 v56, v30;
	v14 =	vand.u32 $0xFFFF0000, v52;
	v10 =	vand.u32 $0xFFFF0000, v51;
	v29 =	vld.idx.msk [tilespmem:v6+s20+$0x0], $0xffff  }
0x16c: {  	v60 =	vadd.f32 v16, v18;
	v57 =	vld.idx.msk [tilespmem:v5+s20+$0x0], $0xffff;
	v10 =	vadd.f32 v14, v10  }
0x16d: {  	v62 =	vadd.f32 v58, v19;
	v59 =	vld.idx.msk [tilespmem:v4+s20+$0x0], $0xffff  }
0x16e: {  	v36 =	vshll.u32 v13, $0x10;
	v61 =	vld.idx.msk [tilespmem:v3+s20+$0x0], $0xffff;
	v10 =	vadd.f32 v60, v10  }
0x16f: {  	v13 =	vand.u32 $0xFFFF0000, v13;
	v18 =	vadd.f32 v36, v62;
	v63 =	vld.idx.msk [tilespmem:v2+s20+$0x0], $0xffff  }
0x170: {  	v37 =	vld.idx.msk [tilespmem:v1+s20+$0x0], $0xffff;
	v10 =	vadd.f32 v13, v10  }
0x171: {  	v39 =	vadd.bf16 v21, v12;
	v38 =	vld.idx.msk [tilespmem:v0+s20+$0x0], $0xffff;
	[tilespmem:s31+$0x4B00] =	vst v18  }
0x172: {  	v40 =	vadd.bf16 v27, v25;
	v41 =	vadd.bf16 v43, v41;
	[tilespmem:s31+$0x8B80] =	vst v10  }
0x173: {  	v17 =	vadd.bf16 v47, v45;
	v15 =	vadd.bf16 v50, v49;
	v42 =	vshll.u32 v39, $0x10;
	v12 =	vld.idx.msk [tilespmem:v9+s21+$0x0], $0xffff  }
0x174: {  	v43 =	vshll.u32 v40, $0x10;
	v28 =	vshll.u32 v41, $0x10;
	v18 =	vand.u32 $0xFFFF0000, v41;
	v21 =	vld.idx.msk [tilespmem:v8+s21+$0x0], $0xffff  }
0x175: {  	v44 =	vshll.u32 v17, $0x10;
	v17 =	vand.u32 $0xFFFF0000, v17;
	v24 =	vadd.f32 v43, v42;
	v25 =	vld.idx.msk [tilespmem:v7+s21+$0x0], $0xffff  }
0x176: {  	v46 =	vadd.f32 v44, v28;
	v13 =	vand.u32 $0xFFFF0000, v40;
	v10 =	vand.u32 $0xFFFF0000, v39;
	v27 =	vld.idx.msk [tilespmem:v6+s21+$0x0], $0xffff  }
0x177: {  	v48 =	vadd.f32 v17, v18;
	v45 =	vld.idx.msk [tilespmem:v5+s21+$0x0], $0xffff;
	v10 =	vadd.f32 v13, v10  }
0x178: {  	v50 =	vadd.f32 v46, v24;
	v47 =	vld.idx.msk [tilespmem:v4+s21+$0x0], $0xffff  }
0x179: {  	v52 =	vshll.u32 v15, $0x10;
	v49 =	vld.idx.msk [tilespmem:v3+s21+$0x0], $0xffff;
	v10 =	vadd.f32 v48, v10  }
0x17a: {  	v15 =	vand.u32 $0xFFFF0000, v15;
	v18 =	vadd.f32 v52, v50;
	v51 =	vld.idx.msk [tilespmem:v2+s21+$0x0], $0xffff  }
0x17b: {  	v53 =	vld.idx.msk [tilespmem:v1+s21+$0x0], $0xffff;
	v10 =	vadd.f32 v15, v10  }
0x17c: {  	v55 =	vadd.bf16 v20, v11;
	v54 =	vld.idx.msk [tilespmem:v0+s21+$0x0], $0xffff;
	[tilespmem:s31+$0x4B80] =	vst v18  }
0x17d: {  	v56 =	vadd.bf16 v29, v22;
	v57 =	vadd.bf16 v59, v57;
	[tilespmem:s31+$0x9800] =	vst v10  }
0x17e: {  	v16 =	vadd.bf16 v63, v61;
	v14 =	vadd.bf16 v38, v37;
	v58 =	vshll.u32 v55, $0x10;
	v11 =	vld.idx.msk [tilespmem:v9+s22+$0x0], $0xffff  }
0x17f: {  	v59 =	vshll.u32 v56, $0x10;
	v30 =	vshll.u32 v57, $0x10;
	v18 =	vand.u32 $0xFFFF0000, v57;
	v20 =	vld.idx.msk [tilespmem:v8+s22+$0x0], $0xffff  }
0x180: {  	v60 =	vshll.u32 v16, $0x10;
	v16 =	vand.u32 $0xFFFF0000, v16;
	v19 =	vadd.f32 v59, v58;
	v22 =	vld.idx.msk [tilespmem:v7+s22+$0x0], $0xffff  }
0x181: {  	v62 =	vadd.f32 v60, v30;
	v15 =	vand.u32 $0xFFFF0000, v56;
	v10 =	vand.u32 $0xFFFF0000, v55;
	v29 =	vld.idx.msk [tilespmem:v6+s22+$0x0], $0xffff  }
0x182: {  	v36 =	vadd.f32 v16, v18;
	v61 =	vld.idx.msk [tilespmem:v5+s22+$0x0], $0xffff;
	v10 =	vadd.f32 v15, v10  }
0x183: {  	v38 =	vadd.f32 v62, v19;
	v63 =	vld.idx.msk [tilespmem:v4+s22+$0x0], $0xffff  }
0x184: {  	v40 =	vshll.u32 v14, $0x10;
	v37 =	vld.idx.msk [tilespmem:v3+s22+$0x0], $0xffff;
	v10 =	vadd.f32 v36, v10  }
0x185: {  	v14 =	vand.u32 $0xFFFF0000, v14;
	v18 =	vadd.f32 v40, v38;
	v39 =	vld.idx.msk [tilespmem:v2+s22+$0x0], $0xffff  }
0x186: {  	v41 =	vld.idx.msk [tilespmem:v1+s22+$0x0], $0xffff;
	v10 =	vadd.f32 v14, v10  }
0x187: {  	v43 =	vadd.bf16 v21, v12;
	v42 =	vld.idx.msk [tilespmem:v0+s22+$0x0], $0xffff;
	[tilespmem:s31+$0x5800] =	vst v18  }
0x188: {  	v44 =	vadd.bf16 v27, v25;
	v45 =	vadd.bf16 v47, v45;
	[tilespmem:s31+$0x9880] =	vst v10  }
0x189: {  	v17 =	vadd.bf16 v51, v49;
	v13 =	vadd.bf16 v54, v53;
	v46 =	vshll.u32 v43, $0x10;
	v12 =	vld.idx.msk [tilespmem:v9+s23+$0x0], $0xffff  }
0x18a: {  	v47 =	vshll.u32 v44, $0x10;
	v28 =	vshll.u32 v45, $0x10;
	v18 =	vand.u32 $0xFFFF0000, v45;
	v21 =	vld.idx.msk [tilespmem:v8+s23+$0x0], $0xffff  }
0x18b: {  	v48 =	vshll.u32 v17, $0x10;
	v17 =	vand.u32 $0xFFFF0000, v17;
	v24 =	vadd.f32 v47, v46;
	v25 =	vld.idx.msk [tilespmem:v7+s23+$0x0], $0xffff  }
0x18c: {  	v50 =	vadd.f32 v48, v28;
	v14 =	vand.u32 $0xFFFF0000, v44;
	v10 =	vand.u32 $0xFFFF0000, v43;
	v27 =	vld.idx.msk [tilespmem:v6+s23+$0x0], $0xffff  }
0x18d: {  	v52 =	vadd.f32 v17, v18;
	v49 =	vld.idx.msk [tilespmem:v5+s23+$0x0], $0xffff;
	v10 =	vadd.f32 v14, v10  }
0x18e: {  	v54 =	vadd.f32 v50, v24;
	v51 =	vld.idx.msk [tilespmem:v4+s23+$0x0], $0xffff  }
0x18f: {  	v56 =	vshll.u32 v13, $0x10;
	v53 =	vld.idx.msk [tilespmem:v3+s23+$0x0], $0xffff;
	v10 =	vadd.f32 v52, v10  }
0x190: {  	v13 =	vand.u32 $0xFFFF0000, v13;
	v18 =	vadd.f32 v56, v54;
	v55 =	vld.idx.msk [tilespmem:v2+s23+$0x0], $0xffff  }
0x191: {  	v57 =	vld.idx.msk [tilespmem:v1+s23+$0x0], $0xffff;
	v10 =	vadd.f32 v13, v10  }
0x192: {  	v59 =	vadd.bf16 v20, v11;
	v58 =	vld.idx.msk [tilespmem:v0+s23+$0x0], $0xffff;
	[tilespmem:s31+$0x5880] =	vst v18  }
0x193: {  	v60 =	vadd.bf16 v29, v22;
	v61 =	vadd.bf16 v63, v61;
	[tilespmem:s31+$0x9900] =	vst v10  }
0x194: {  	v16 =	vadd.bf16 v39, v37;
	v15 =	vadd.bf16 v42, v41;
	v62 =	vshll.u32 v59, $0x10;
	v11 =	vld.idx.msk [tilespmem:v9+s14+$0x0], $0xffff  }
0x195: {  	v63 =	vshll.u32 v60, $0x10;
	v30 =	vshll.u32 v61, $0x10;
	v18 =	vand.u32 $0xFFFF0000, v61;
	v20 =	vld.idx.msk [tilespmem:v8+s14+$0x0], $0xffff  }
0x196: {  	v36 =	vshll.u32 v16, $0x10;
	v16 =	vand.u32 $0xFFFF0000, v16;
	v19 =	vadd.f32 v63, v62;
	v22 =	vld.idx.msk [tilespmem:v7+s14+$0x0], $0xffff  }
0x197: {  	v38 =	vadd.f32 v36, v30;
	v13 =	vand.u32 $0xFFFF0000, v60;
	v10 =	vand.u32 $0xFFFF0000, v59;
	v29 =	vld.idx.msk [tilespmem:v6+s14+$0x0], $0xffff  }
0x198: {  	v40 =	vadd.f32 v16, v18;
	v37 =	vld.idx.msk [tilespmem:v5+s14+$0x0], $0xffff;
	v10 =	vadd.f32 v13, v10  }
0x199: {  	v42 =	vadd.f32 v38, v19;
	v39 =	vld.idx.msk [tilespmem:v4+s14+$0x0], $0xffff  }
0x19a: {  	v44 =	vshll.u32 v15, $0x10;
	v41 =	vld.idx.msk [tilespmem:v3+s14+$0x0], $0xffff;
	v10 =	vadd.f32 v40, v10  }
0x19b: {  	v15 =	vand.u32 $0xFFFF0000, v15;
	v18 =	vadd.f32 v44, v42;
	v43 =	vld.idx.msk [tilespmem:v2+s14+$0x0], $0xffff  }
0x19c: {  	v45 =	vld.idx.msk [tilespmem:v1+s14+$0x0], $0xffff;
	v10 =	vadd.f32 v15, v10  }
0x19d: {  	v47 =	vadd.bf16 v21, v12;
	v46 =	vld.idx.msk [tilespmem:v0+s14+$0x0], $0xffff;
	[tilespmem:s31+$0x5900] =	vst v18  }
0x19e: {  	v48 =	vadd.bf16 v27, v25;
	v49 =	vadd.bf16 v51, v49;
	[tilespmem:s31+$0x9980] =	vst v10  }
0x19f: {  	v17 =	vadd.bf16 v55, v53;
	v14 =	vadd.bf16 v58, v57;
	v50 =	vshll.u32 v47, $0x10;
	v12 =	vld.idx.msk [tilespmem:v9+s2+$0x0], $0xffff  }
0x1a0: {  	v52 =	vshll.u32 v48, $0x10;
	v28 =	vshll.u32 v49, $0x10;
	v18 =	vand.u32 $0xFFFF0000, v49;
	v21 =	vld.idx.msk [tilespmem:v8+s2+$0x0], $0xffff  }
0x1a1: {  	v54 =	vshll.u32 v17, $0x10;
	v17 =	vand.u32 $0xFFFF0000, v17;
	v24 =	vadd.f32 v52, v50;
	v51 =	vld.idx.msk [tilespmem:v7+s2+$0x0], $0xffff  }
0x1a2: {  	v56 =	vadd.f32 v54, v28;
	v15 =	vand.u32 $0xFFFF0000, v48;
	v10 =	vand.u32 $0xFFFF0000, v47;
	v53 =	vld.idx.msk [tilespmem:v6+s2+$0x0], $0xffff  }
0x1a3: {  	v58 =	vadd.f32 v17, v18;
	v55 =	vld.idx.msk [tilespmem:v5+s2+$0x0], $0xffff;
	v10 =	vadd.f32 v15, v10  }
0x1a4: {  	v60 =	vadd.f32 v56, v24;
	v57 =	vld.idx.msk [tilespmem:v4+s2+$0x0], $0xffff  }
0x1a5: {  	v62 =	vshll.u32 v14, $0x10;
	v59 =	vld.idx.msk [tilespmem:v3+s2+$0x0], $0xffff;
	v10 =	vadd.f32 v58, v10  }
0x1a6: {  	v14 =	vand.u32 $0xFFFF0000, v14;
	v18 =	vadd.f32 v62, v60;
	v61 =	vld.idx.msk [tilespmem:v2+s2+$0x0], $0xffff  }
0x1a7: {  	v15 =	vld.idx.msk [tilespmem:v1+s2+$0x0], $0xffff;
	v10 =	vadd.f32 v14, v10  }
0x1a8: {  	v31 =	vadd.bf16 v20, v11;
	v63 =	vld.idx.msk [tilespmem:v0+s2+$0x0], $0xffff;
	[tilespmem:s31+$0x5980] =	vst v18  }
0x1a9: {  	v34 =	vadd.bf16 v29, v22;
	v35 =	vadd.bf16 v39, v37;
	[tilespmem:s31+$0x9A00] =	vst v10  }
0x1aa: {  	v16 =	vadd.bf16 v43, v41;
	v13 =	vadd.bf16 v46, v45;
	v36 =	vshll.u32 v31, $0x10;
	v11 =	vld.idx.msk [tilespmem:v9+s25+$0x0], $0xffff  }
0x1ab: {  	v38 =	vshll.u32 v34, $0x10;
	v30 =	vshll.u32 v35, $0x10;
	v18 =	vand.u32 $0xFFFF0000, v35;
	v20 =	vld.idx.msk [tilespmem:v8+s25+$0x0], $0xffff  }
0x1ac: {  	v40 =	vshll.u32 v16, $0x10;
	v16 =	vand.u32 $0xFFFF0000, v16;
	v19 =	vadd.f32 v38, v36;
	v37 =	vld.idx.msk [tilespmem:v7+s25+$0x0], $0xffff  }
0x1ad: {  	v42 =	vadd.f32 v40, v30;
	v14 =	vand.u32 $0xFFFF0000, v34;
	v10 =	vand.u32 $0xFFFF0000, v31;
	v39 =	vld.idx.msk [tilespmem:v6+s25+$0x0], $0xffff  }
0x1ae: {  	v44 =	vadd.f32 v16, v18;
	v41 =	vld.idx.msk [tilespmem:v5+s25+$0x0], $0xffff;
	v10 =	vadd.f32 v14, v10  }
0x1af: {  	v46 =	vadd.f32 v42, v19;
	v43 =	vld.idx.msk [tilespmem:v4+s25+$0x0], $0xffff  }
0x1b0: {  	v48 =	vshll.u32 v13, $0x10;
	v45 =	vld.idx.msk [tilespmem:v3+s25+$0x0], $0xffff;
	v10 =	vadd.f32 v44, v10  }
0x1b1: {  	v13 =	vand.u32 $0xFFFF0000, v13;
	v18 =	vadd.f32 v48, v46;
	v12 =	vadd.bf16 v21, v12;
	v47 =	vld.idx.msk [tilespmem:v2+s25+$0x0], $0xffff  }
0x1b2: {  	v51 =	vadd.bf16 v53, v51;
	v49 =	vld.idx.msk [tilespmem:v1+s25+$0x0], $0xffff;
	v10 =	vadd.f32 v13, v10  }
0x1b3: {  	v52 =	vadd.bf16 v57, v55;
	v17 =	vadd.bf16 v61, v59;
	v50 =	vld.idx.msk [tilespmem:v0+s25+$0x0], $0xffff;
	[tilespmem:s31+$0x5A00] =	vst v18  }
0x1b4: {  	v53 =	vshll.u32 v12, $0x10;
	[tilespmem:s31+$0x9A80] =	vst v10  }
0x1b5: {  	v55 =	vshll.u32 v51, $0x10;
	v57 =	vshll.u32 v52, $0x10;
	v58 =	vshll.u32 v17, $0x10;
	v54 =	vld.idx.msk [tilespmem:v9+s26+$0x0], $0xffff  }
0x1b6: {  	v18 =	vadd.f32 v55, v53;
	v60 =	vadd.f32 v58, v57;
	v56 =	vld.idx.msk [tilespmem:v8+s26+$0x0], $0xffff  }
0x1b7: {  	v15 =	vadd.bf16 v63, v15;
	v12 =	vand.u32 $0xFFFF0000, v12;
	v17 =	vand.u32 $0xFFFF0000, v17;
	v59 =	vld.idx.msk [tilespmem:v7+s26+$0x0], $0xffff  }
0x1b8: {  	v18 =	vadd.f32 v60, v18;
	v13 =	vand.u32 $0xFFFF0000, v51;
	v10 =	vand.u32 $0xFFFF0000, v52;
	v61 =	vld.idx.msk [tilespmem:v6+s26+$0x0], $0xffff  }
0x1b9: {  	v34 =	vshll.u32 v15, $0x10;
	v12 =	vadd.f32 v13, v12;
	v10 =	vadd.f32 v17, v10;
	v62 =	vld.idx.msk [tilespmem:v5+s26+$0x0], $0xffff  }
0x1ba: {  	v18 =	vadd.f32 v34, v18;
	v63 =	vld.idx.msk [tilespmem:v4+s26+$0x0], $0xffff  }
0x1bb: {  	v11 =	vadd.bf16 v20, v11;
	v32 =	vld.idx.msk [tilespmem:v3+s26+$0x0], $0xffff;
	v10 =	vadd.f32 v10, v12  }
0x1bc: {  	v15 =	vand.u32 $0xFFFF0000, v15;
	v37 =	vadd.bf16 v39, v37;
	v16 =	vadd.bf16 v47, v45;
	v35 =	vld.idx.msk [tilespmem:v2+s26+$0x0], $0xffff  }
0x1bd: {  	v39 =	vadd.bf16 v43, v41;
	v36 =	vld.idx.msk [tilespmem:v1+s26+$0x0], $0xffff;
	v10 =	vadd.f32 v15, v10  }
0x1be: {  	v38 =	vld.idx.msk [tilespmem:v0+s26+$0x0], $0xffff;
	[tilespmem:s31+$0x5A80] =	vst v18;
	v40 =	vshll.u32 v11, $0x10;
	v43 =	vshll.u32 v16, $0x10;
	v11 =	vand.u32 $0xFFFF0000, v11  }
0x1bf: {  	v45 =	vand.u32 $0xFFFF0000, v37;
	v46 =	vand.u32 $0xFFFF0000, v39;
	v16 =	vand.u32 $0xFFFF0000, v16;
	[tilespmem:s31+$0x9B00] =	vst v10  }
0x1c0: {  	v11 =	vadd.f32 v45, v11;
	v16 =	vadd.f32 v16, v46;
	v9 =	vld.idx.msk [tilespmem:v9+s28+$0x0], $0xffff  }
0x1c1: {  	v14 =	vadd.bf16 v50, v49;
	v42 =	vshll.u32 v39, $0x10;
	v8 =	vld.idx.msk [tilespmem:v8+s28+$0x0], $0xffff  }
0x1c2: {  	v44 =	vadd.f32 v43, v42;
	v11 =	vadd.f32 v16, v11;
	v7 =	vld.idx.msk [tilespmem:v7+s28+$0x0], $0xffff  }
0x1c3: {  	v49 =	vshll.u32 v14, $0x10;
	v47 =	vadd.bf16 v56, v54;
	v48 =	vadd.bf16 v61, v59;
	v6 =	vld.idx.msk [tilespmem:v6+s28+$0x0], $0xffff  }
0x1c4: {  	v14 =	vand.u32 $0xFFFF0000, v14;
	v13 =	vadd.bf16 v63, v62;
	v12 =	vadd.bf16 v35, v32;
	v5 =	vld.idx.msk [tilespmem:v5+s28+$0x0], $0xffff  }
0x1c5: {  	v41 =	vshll.u32 v37, $0x10;
	v11 =	vadd.f32 v14, v11;
	v55 =	vadd.bf16 v38, v36;
	v4 =	vld.idx.msk [tilespmem:v4+s28+$0x0], $0xffff  }
0x1c6: {  	v10 =	vadd.f32 v41, v40;
	v3 =	vld.idx.msk [tilespmem:v3+s28+$0x0], $0xffff;
	v50 =	vshll.u32 v47, $0x10;
	v51 =	vshll.u32 v48, $0x10  }
0x1c7: {  	v2 =	vld.idx.msk [tilespmem:v2+s28+$0x0], $0xffff;
	v52 =	vshll.u32 v13, $0x10;
	v53 =	vshll.u32 v12, $0x10;
	v56 =	vand.u32 $0xFFFF0000, v47  }
0x1c8: {  	v57 =	vand.u32 $0xFFFF0000, v48;
	v13 =	vand.u32 $0xFFFF0000, v13;
	v10 =	vadd.f32 v44, v10  }
0x1c9: {  	v58 =	vand.u32 $0xFFFF0000, v12;
	v16 =	vadd.f32 v51, v50;
	v54 =	vadd.f32 v53, v52  }
0x1ca: {  	v1 =	vld.idx.msk [tilespmem:v1+s28+$0x0], $0xffff;
	v59 =	vadd.f32 v57, v56;
	v60 =	vadd.f32 v58, v13  }
0x1cb: {  	v0 =	vld.idx.msk [tilespmem:v0+s28+$0x0], $0xffff;
	v8 =	vadd.bf16 v8, v9;
	v6 =	vadd.bf16 v6, v7  }
0x1cc: {  	v4 =	vadd.bf16 v4, v5;
	v2 =	vadd.bf16 v2, v3  }
0x1cd: {  	v10 =	vadd.f32 v49, v10;
	v3 =	vadd.f32 v60, v59;
	v61 =	vshll.u32 v8, $0x10  }
0x1ce: {  	v6 =	vshll.u32 v6, $0x10;
	v4 =	vshll.u32 v4, $0x10;
	v2 =	vshll.u32 v2, $0x10  }
0x1cf: {  	v6 =	vadd.f32 v6, v61;
	v2 =	vadd.f32 v2, v4  }
0x1d0: {  	p0 =	sne.s32 s30, $0xF80;
	v63 =	vand.u32 $0xFFFF0000, v55;
	v16 =	vadd.f32 v54, v16;
	v0 =	vadd.bf16 v0, v1  }
.Ltmp0:
0x1d1: {  	v62 =	vshll.u32 v55, $0x10;
	[tilespmem:s31+$0x9B80] =	vst v11;
	v1 =	vadd.f32 v63, v3;
	v2 =	vadd.f32 v2, v6;
	(pc) =	sbr.rel @p0 .LBB2_2-.Ltmp0, $4  }
0x1d2: {  	[tilespmem:s31+$0x5B00] =	vst v10;
	v0 =	vshll.u32 v0, $0x10;
	v4 =	vadd.f32 v62, v16  }
0x1d3: {  	[tilespmem:s31+$0xA800] =	vst v1;
	v0 =	vadd.f32 v0, v2  }
0x1d4: {  	[tilespmem:s31+$0x5B80] =	vst v4  }
0x1d5: {  	s29 =	sadd.s32 $0x10, s29;
	s30 =	sadd.s32 $0x80, s30;
	s24 =	sadd.s32 $0x10, s24;
	[tilespmem:s31+$0x6800] =	vst v0  }
0x1d6: {  	s24 =	simm.s32 $0x0;
	s0 =	rddreg [dreg:$0xe];
	s1 =	simm.s32 $0x2800  }
0x1d7: {  	[hbm4b:s0+s24] =	stream.linear.scatter [tilespmem:s1], [sflag:$0x2], $0x1000, $0x38;
	[tilespmem:$0xB800] =	vst v63  }
0x1d8: {  	s3 =	simm.s32 $0x3800;
	s1 =	rddreg [dreg:$0xf]  }
0x1d9: {  	[hbm4b:s1+s24] =	stream.linear.scatter [tilespmem:s3], [sflag:$0x2], $0x1000, $0x38;
	[tilespmem:$0xB800] =	vst v63  }
0x1da: {  	s4 =	rddreg [dreg:$0x10];
	s29 =	simm.s32 $0x4800  }
0x1db: {  	[hbm4b:s4+s24] =	stream.linear.scatter [tilespmem:s29], [sflag:$0x2], $0x1000, $0x38;
	[tilespmem:$0xB800] =	vst v63  }
0x1dc: {  	s30 =	rddreg [dreg:$0x11];
	s31 =	simm.s32 $0x5800  }
0x1dd: {  	[hbm4b:s30+s24] =	stream.linear.scatter [tilespmem:s31], [sflag:$0x2], $0x1000, $0x38;
	[tilespmem:$0xB800] =	vst v63  }
0x1de: {  	s1 =	rddreg [dreg:$0x12];
	s3 =	simm.s32 $0x6800  }
0x1df: {  	[hbm4b:s1+s24] =	stream.linear.scatter [tilespmem:s3], [sflag:$0x2], $0x1000, $0x38;
	[tilespmem:$0xB800] =	vst v63  }
0x1e0: {  	s4 =	rddreg [dreg:$0x13];
	s29 =	simm.s32 $0x7800  }
0x1e1: {  	[hbm4b:s4+s24] =	stream.linear.scatter [tilespmem:s29], [sflag:$0x2], $0x1000, $0x38;
	[tilespmem:$0xB800] =	vst v63  }
0x1e2: {  	s30 =	rddreg [dreg:$0x14];
	s31 =	simm.s32 $0x8800  }
0x1e3: {  	[hbm4b:s30+s24] =	stream.linear.scatter [tilespmem:s31], [sflag:$0x2], $0x1000, $0x38;
	[tilespmem:$0xB800] =	vst v63  }
0x1e4: {  	s1 =	rddreg [dreg:$0x15];
	s3 =	simm.s32 $0x9800  }
0x1e5: {  	[hbm4b:s1+s24] =	stream.linear.scatter [tilespmem:s3], [sflag:$0x2], $0x1000, $0x38;
	[tilespmem:$0xB800] =	vst v63  }
0x1e6: {  	s4 =	rddreg [dreg:$0x16];
	s29 =	simm.s32 $0xA800;
	s30 =	simm.s32 $0x2  }
0x1e7: {  	[hbm4b:s4+s24] =	stream.linear.scatter [tilespmem:s29], [sflag:$0x2], $0x1000, $0x38;
	[tilespmem:$0xB800] =	vst v63  }
0x1e8: {  	_ =	swait.ge [sflag:s30], $0x1000  }
0x1e9: {  	[sflag:s30] =	ssyncset.done $0x0  }
0x1ea: {  	[sflag:s30] =	ssyncadd.s32 $0xFFFFF000  }
0x1eb: {  	_ =	swait.ge [sflag:s30], $0x1000  }
0x1ec: {  	[sflag:s30] =	ssyncset.done $0x0  }
0x1ed: {  	[sflag:s30] =	ssyncadd.s32 $0xFFFFF000  }
0x1ee: {  	_ =	swait.ge [sflag:s30], $0x1000  }
0x1ef: {  	[sflag:s30] =	ssyncset.done $0x0  }
0x1f0: {  	[sflag:s30] =	ssyncadd.s32 $0xFFFFF000  }
0x1f1: {  	_ =	swait.ge [sflag:s30], $0x1000  }
0x1f2: {  	[sflag:s30] =	ssyncset.done $0x0  }
0x1f3: {  	[sflag:s30] =	ssyncadd.s32 $0xFFFFF000  }
0x1f4: {  	_ =	swait.ge [sflag:s30], $0x1000  }
0x1f5: {  	[sflag:s30] =	ssyncset.done $0x0  }
0x1f6: {  	[sflag:s30] =	ssyncadd.s32 $0xFFFFF000  }
0x1f7: {  	_ =	swait.ge [sflag:s30], $0x1000  }
0x1f8: {  	[sflag:s30] =	ssyncset.done $0x0  }
0x1f9: {  	[sflag:s30] =	ssyncadd.s32 $0xFFFFF000  }
0x1fa: {  	_ =	swait.ge [sflag:s30], $0x1000  }
0x1fb: {  	[sflag:s30] =	ssyncset.done $0x0  }
0x1fc: {  	[sflag:s30] =	ssyncadd.s32 $0xFFFFF000  }
0x1fd: {  	_ =	swait.ge [sflag:s30], $0x1000  }
0x1fe: {  	[sflag:s30] =	ssyncset.done $0x0  }
0x1ff: {  	[sflag:s30] =	ssyncadd.s32 $0xFFFFF000  }
0x200: {  	_ =	swait.ge [sflag:s30], $0x1000  }
0x201: {  	s3 =	rddreg [dreg:$0x18]  }
0x202: {  	s31 =	rddreg [dreg:$0x17];
	s3 =	sadd.s32 $0x1, s3  }
0x203: {  	p0 =	sne.s32 s3, s31  }
.Ltmp1:
0x204: {  	_ = 	snop;
	(pc) =	sbr.rel @p0 .LBB2_1-.Ltmp1, $3  }
0x205: {  	_ =	sdelay $0x1  }
0x206: {  	[sflag:s30] =	ssyncset.done $0x0  }
0x207: {  	s1 =	simm.s32 $0x1400;
	[sflag:s30] =	ssyncadd.s32 $0xFFFFF000  }
0x208: {  	_ =	sfence.sel $0x180000  }
0x209: {  	[bflag:$0x0] =	sbarrier.arrive $0xFFFF  }
0x20a: {  	_ =	strace $0x90000047  }
0x20b: {  	s0 =	stileid.u32;
	[bflag:$0x2] =	sbarrier.arrive $0xFFFF  }
0x20c: {  	p0 =	sne.s32 s0, $0x0;
	s0 =	rddreg [dreg:$0x2]  }
0x20d: {  	s0 =	sadd.s32 @!p0 $0x100000, s0  }
0x20e: {  	[sflag:s0] =	ssyncadd.tile.s32 @!p0 $0x1;
	_ =	shalt  }
.Lfunc_end2:
_tile_overlayer_lowered:
.L_overlay_start_2:
0x20f: {  	(tag) =	ssettag $0x2  }
0x210: {  	s0 =	rddreg [dreg:$0x0];
	s2 =	stileid.u32  }
0x211: {  	s1 =	rddreg [dreg:$0x1];
	p0 =	sne.s32 s2, $0x0  }
0x212: {  	s3 =	rddreg [dreg:$0x2];
	[bflag:$0x3] =	sbarrier.arrive $0xFFFF;
	s2 =	simm.s32 @!p0 $0x1C03  }
0x213: {  	[timem:s3], [sflag:s2] =	dma.local @!p0 [hbm:s0], s1  }
0x214: {  	s0 =	simm.s32 @!p0 $0x3  }
0x215: {  	_ =	swait.ge @!p0 [sflag:s0], s1  }
0x216: {  	s1 =	ssub.s32 @!p0 $0x0, s1;
	[sflag:s0] =	ssyncset.done @!p0 $0x0  }
0x217: {  	[sflag:s0] =	ssyncadd.s32 @!p0 s1  }
0x218: {  	[bflag:$0x3] =	sbarrier.arrive $0xFFFF  }
0x219: {  	_ =	shalt  }

</sc_bundles>
